<compile_context>
chip_gen: v7x
topology: tpu7x:2x2x1
jax: 0.10.2.dev20260603
libtpu: 0.0.44.dev20260713+nightly
codegen_flags: <defaults>
</compile_context>

<pallas_src>
import dataclasses
import functools

import jax
import jax.numpy as jnp
from jax import lax
from jax.experimental import pallas as pl
from jax.experimental.pallas import tpu as pltpu
from jax.experimental.pallas import tpu_sc as plsc

_NC = 2
_NS = 16
_NW = _NC * _NS
_LANES = 16
_CHUNK = 64
_NBUF = 4
_PREF = 2
_EPS = 1e-12


def _sc_embed_layernorm(word_table, pos_table, type_table, wids, pids, tids,
                        ln_weight, ln_bias):
    n = wids.shape[0]
    hidden = word_table.shape[1]
    maxpos, types = pos_table.shape[0], type_table.shape[0]
    rows_per_tile = maxpos // _NS
    per_w = n // _NW
    n_chunks = per_w // _CHUNK
    mesh = plsc.VectorSubcoreMesh(core_axis_name="c", subcore_axis_name="s")
    cp = pltpu.CompilerParams()
    if "needs_layout_passes" in pltpu.CompilerParams.__dataclass_fields__:
        cp = dataclasses.replace(cp, needs_layout_passes=False)

    @functools.partial(
        pl.kernel,
        out_type=jax.ShapeDtypeStruct((n, hidden), jnp.float32),
        mesh=mesh,
        compiler_params=cp,
        scratch_types=(
            [
                pltpu.VMEM((per_w,), jnp.int32),
                pltpu.VMEM((per_w,), jnp.int32),
                pltpu.VMEM((per_w,), jnp.int32),
                pltpu.VMEM((hidden,), jnp.float32),
                pltpu.VMEM((hidden,), jnp.float32),
                pltpu.VMEM((maxpos // _NS, hidden), jnp.float32),
                pltpu.VMEM((types * (maxpos // _NS), hidden),
                           jnp.float32),
                pltpu.VMEM((types, hidden), jnp.float32),
                pltpu.VMEM_SHARED((types * maxpos, hidden),
                                  jnp.float32),
            ]
            + [pltpu.VMEM((_CHUNK, hidden), jnp.float32)
               for _ in range(3 * _NBUF)]
            + [pltpu.SemaphoreType.DMA for _ in range(3 * _NBUF)]
        ),
    )
    def k(word_hbm, pos_hbm, type_hbm, wid_hbm, pid_hbm, tid_hbm, lnw_hbm,
          lnb_hbm, out_hbm, wid_v, cid_v, tid_v, lnw_v, lnb_v, pstage_v,
          cstage_v, type_v, comb_sh, *rest):
        ws = rest[:_NBUF]
        cs = rest[_NBUF:2 * _NBUF]
        os_ = rest[2 * _NBUF:3 * _NBUF]
        sws = rest[3 * _NBUF:4 * _NBUF]
        scs = rest[4 * _NBUF:5 * _NBUF]
        sos = rest[5 * _NBUF:6 * _NBUF]
        w = lax.axis_index("s") * _NC + lax.axis_index("c")
        base = w * per_w

        pltpu.sync_copy(wid_hbm.at[pl.ds(base, per_w)], wid_v)
        pltpu.sync_copy(pid_hbm.at[pl.ds(base, per_w)], cid_v)
        pltpu.sync_copy(tid_hbm.at[pl.ds(base, per_w)], tid_v)
        pltpu.sync_copy(lnw_hbm, lnw_v)
        pltpu.sync_copy(lnb_hbm, lnb_v)
        pltpu.sync_copy(type_hbm, type_v)

        @pl.loop(0, per_w, step=_LANES)
        def _(i):
            s = pl.ds(i, _LANES)
            cid_v[s] = cid_v[s] + tid_v[s] * maxpos

        sid = lax.axis_index("s")
        pbase = sid * rows_per_tile
        pltpu.sync_copy(pos_hbm.at[pl.ds(pbase, rows_per_tile)], pstage_v)

        @pl.loop(0, rows_per_tile)
        def _(r):
            for t in range(types):
                for h in range(hidden // _LANES):
                    s = pl.ds(h * _LANES, _LANES)
                    cstage_v[t * rows_per_tile + r, s] = (
                        pstage_v[r, s] + type_v[t, s])

        for t in range(types):
            pltpu.sync_copy(
                cstage_v.at[pl.ds(t * rows_per_tile, rows_per_tile)],
                comb_sh.at[pl.ds(t * maxpos + pbase, rows_per_tile)])
        plsc.subcore_barrier()

        def gather_copies(chunk, b):
            off = pl.multiple_of(chunk * _CHUNK, _CHUNK)
            return (
                pltpu.make_async_copy(
                    word_hbm.at[wid_v.at[pl.ds(off, _CHUNK)]], ws[b], sws[b]),
                pltpu.make_async_copy(
                    comb_sh.at[cid_v.at[pl.ds(off, _CHUNK)]], cs[b], scs[b]),
            )

        def out_copy(chunk, b):
            off = pl.multiple_of(chunk * _CHUNK, _CHUNK)
            return pltpu.make_async_copy(
                os_[b], out_hbm.at[pl.ds(base + off, _CHUNK)], sos[b])

        nh = hidden // _LANES
        lnw_r = [lnw_v[pl.ds(h * _LANES, _LANES)] for h in range(nh)]
        lnb_r = [lnb_v[pl.ds(h * _LANES, _LANES)] for h in range(nh)]
        inv_h = jnp.float32(1.0 / hidden)

        def ln_token(b, t):
            e = []
            for h in range(nh):
                slc = (t, pl.ds(h * _LANES, _LANES))
                e.append(ws[b][*slc] + cs[b][*slc])
            acc_s = e[0]
            acc_q = e[0] * e[0]
            for h in range(1, nh):
                acc_s = acc_s + e[h]
                acc_q = acc_q + e[h] * e[h]
            mean = jnp.sum(acc_s) * inv_h
            var = jnp.sum(acc_q) * inv_h - mean * mean
            x = jnp.full((_LANES,), var + _EPS, dtype=jnp.float32)
            i = lax.bitcast_convert_type(x, jnp.int32)
            i = jnp.int32(0x5F3759DF) - lax.shift_right_logical(i, 1)
            y = lax.bitcast_convert_type(i, jnp.float32)
            for _ in range(3):
                y = y * (1.5 - 0.5 * x * y * y)
            m = jnp.full((_LANES,), mean, dtype=jnp.float32)
            for h in range(nh):
                slc = (t, pl.ds(h * _LANES, _LANES))
                os_[b][*slc] = (e[h] - m) * (y * lnw_r[h]) + lnb_r[h]

        for p in range(_PREF):
            for cp_ in gather_copies(p, p):
                cp_.start()

        @pl.loop(0, n_chunks, step=_NBUF)
        def _(g):
            for b in range(_NBUF):
                kk = g + b
                pb = (b + _PREF) % _NBUF

                @pl.when(kk + _PREF < n_chunks)
                def _():
                    @pl.when(kk >= _NBUF - _PREF)
                    def _():
                        out_copy(kk - (_NBUF - _PREF), pb).wait()
                    for cp_ in gather_copies(kk + _PREF, pb):
                        cp_.start()

                for cp_ in gather_copies(kk, b):
                    cp_.wait()

                @pl.loop(0, _CHUNK, step=2)
                def _(t):
                    ln_token(b, t)
                    ln_token(b, t + 1)

                out_copy(kk, b).start()

        for i in range(_NBUF):
            ch = n_chunks - _NBUF + i
            out_copy(ch, ch % _NBUF).wait()

    return k(word_table, pos_table, type_table, wids, pids, tids,
             ln_weight, ln_bias)


def kernel(input_ids, position_ids, token_type_ids, word_table, pos_table,
           type_table, ln_weight, ln_bias):
    b, l = input_ids.shape
    hidden = word_table.shape[1]
    n = b * l
    wids = input_ids.reshape(n).astype(jnp.int32)
    pids = position_ids.reshape(n).astype(jnp.int32)
    tids = token_type_ids.reshape(n).astype(jnp.int32)

    out = _sc_embed_layernorm(word_table, pos_table, type_table, wids, pids,
                              tids, ln_weight, ln_bias)
    return out.reshape(b, l, hidden)

# --- scband reference (transcript-rebuilt; emitter-appended) ---
"""Pipeline reference for scband-bert-embeddings-62036507623838 (READ-ONLY COPY).

The authoritative reference and input builder live on the scoring server;
editing this copy changes nothing except your own understanding.
"""

import jax, jax.numpy as jnp
import numpy as np

VOCAB = 100000
HIDDEN = 128
MAXPOS = 512
TYPES = 2
B = 128
L = 512
EPS = 1e-12


def setup_inputs(seed: int = 0) -> dict:
    key = jax.random.key(seed)
    k1, k2, k3, k4, k5, k6 = jax.random.split(key, 6)
    input_ids = jax.random.randint(k1, (B, L), 0, VOCAB, dtype=jnp.int64 if jax.config.jax_enable_x64 else jnp.int32)
    position_ids = jax.random.randint(k2, (B, L), 0, MAXPOS, dtype=jnp.int64 if jax.config.jax_enable_x64 else jnp.int32)
    token_type_ids = jax.random.randint(k3, (B, L), 0, TYPES, dtype=jnp.int64 if jax.config.jax_enable_x64 else jnp.int32)
    word_table = jax.random.normal(k4, (VOCAB, HIDDEN), dtype=jnp.float32) * 0.02
    pos_table = jax.random.normal(k5, (MAXPOS, HIDDEN), dtype=jnp.float32) * 0.02
    type_table = jax.random.normal(k6, (TYPES, HIDDEN), dtype=jnp.float32) * 0.02
    ln_weight = jnp.ones((HIDDEN,), dtype=jnp.float32)
    ln_bias = jnp.zeros((HIDDEN,), dtype=jnp.float32)
    return {
        "input_ids": input_ids,
        "position_ids": position_ids,
        "token_type_ids": token_type_ids,
        "word_table": word_table,
        "pos_table": pos_table,
        "type_table": type_table,
        "ln_weight": ln_weight,
        "ln_bias": ln_bias,
    }


def reference(input_ids, position_ids, token_type_ids, word_table, pos_table, type_table, ln_weight, ln_bias):
    inputs_embeddings = jnp.take(word_table, input_ids, axis=0)
    position_embeddings = jnp.take(pos_table, position_ids, axis=0)
    token_type_embeddings = jnp.take(type_table, token_type_ids, axis=0)
    embeddings = inputs_embeddings + token_type_embeddings + position_embeddings
    mean = jnp.mean(embeddings, axis=-1, keepdims=True)
    var = jnp.mean(jnp.square(embeddings - mean), axis=-1, keepdims=True)
    normed = (embeddings - mean) * jax.lax.rsqrt(var + EPS)
    out = normed * ln_weight + ln_bias
    # dropout p=0.0 -> identity
    return out

if __name__ == "__main__":
    import jax
    _d = setup_inputs()
    print(jax.jit(kernel)(*tuple(_d.values())))

</pallas_src>

<mosaic_0001>
#map = affine_map<(d0, d1) -> (0, 0)>
#map1 = affine_map<(d0, d1) -> (0)>
module attributes {stable_mosaic.version = 14 : i64} {
  func.func @k(%arg0: i32, %arg1: i32, %arg2: memref<100000x128xf32, #tpu.memory_space<hbm>>, %arg3: memref<512x128xf32, #tpu.memory_space<hbm>>, %arg4: memref<2x128xf32, #tpu.memory_space<hbm>>, %arg5: memref<65536xi32, #tpu.memory_space<hbm>>, %arg6: memref<65536xi32, #tpu.memory_space<hbm>>, %arg7: memref<65536xi32, #tpu.memory_space<hbm>>, %arg8: memref<128xf32, #tpu.memory_space<hbm>>, %arg9: memref<128xf32, #tpu.memory_space<hbm>>, %arg10: memref<65536x128xf32, #tpu.memory_space<hbm>>, %arg11: memref<2048xi32, #tpu.memory_space<vmem>>, %arg12: memref<2048xi32, #tpu.memory_space<vmem>>, %arg13: memref<2048xi32, #tpu.memory_space<vmem>>, %arg14: memref<128xf32, #tpu.memory_space<vmem>>, %arg15: memref<128xf32, #tpu.memory_space<vmem>>, %arg16: memref<32x128xf32, #tpu.memory_space<vmem>>, %arg17: memref<64x128xf32, #tpu.memory_space<vmem>>, %arg18: memref<2x128xf32, #tpu.memory_space<vmem>>, %arg19: memref<1024x128xf32, #tpu.memory_space<vmem_shared>>, %arg20: memref<64x128xf32, #tpu.memory_space<vmem>>, %arg21: memref<64x128xf32, #tpu.memory_space<vmem>>, %arg22: memref<64x128xf32, #tpu.memory_space<vmem>>, %arg23: memref<64x128xf32, #tpu.memory_space<vmem>>, %arg24: memref<64x128xf32, #tpu.memory_space<vmem>>, %arg25: memref<64x128xf32, #tpu.memory_space<vmem>>, %arg26: memref<64x128xf32, #tpu.memory_space<vmem>>, %arg27: memref<64x128xf32, #tpu.memory_space<vmem>>, %arg28: memref<64x128xf32, #tpu.memory_space<vmem>>, %arg29: memref<64x128xf32, #tpu.memory_space<vmem>>, %arg30: memref<64x128xf32, #tpu.memory_space<vmem>>, %arg31: memref<64x128xf32, #tpu.memory_space<vmem>>, %arg32: memref<!tpu.dma_semaphore, #tpu.memory_space<semaphore_mem>>, %arg33: memref<!tpu.dma_semaphore, #tpu.memory_space<semaphore_mem>>, %arg34: memref<!tpu.dma_semaphore, #tpu.memory_space<semaphore_mem>>, %arg35: memref<!tpu.dma_semaphore, #tpu.memory_space<semaphore_mem>>, %arg36: memref<!tpu.dma_semaphore, #tpu.memory_space<semaphore_mem>>, %arg37: memref<!tpu.dma_semaphore, #tpu.memory_space<semaphore_mem>>, %arg38: memref<!tpu.dma_semaphore, #tpu.memory_space<semaphore_mem>>, %arg39: memref<!tpu.dma_semaphore, #tpu.memory_space<semaphore_mem>>, %arg40: memref<!tpu.dma_semaphore, #tpu.memory_space<semaphore_mem>>, %arg41: memref<!tpu.dma_semaphore, #tpu.memory_space<semaphore_mem>>, %arg42: memref<!tpu.dma_semaphore, #tpu.memory_space<semaphore_mem>>, %arg43: memref<!tpu.dma_semaphore, #tpu.memory_space<semaphore_mem>>) attributes {dimension_semantics = [#tpu.dimension_semantics<core_parallel>, #tpu.dimension_semantics<subcore_parallel>], iteration_bounds = array<i64: 2, 16>, scalar_prefetch = 0 : i64, scratch_operands = 33 : i64, tpu.core_type = #tpu.core_type<sc_vector_subcore>, window_params = [{transform_indices = #map}, {transform_indices = #map}, {transform_indices = #map}, {transform_indices = #map1}, {transform_indices = #map1}, {transform_indices = #map1}, {transform_indices = #map1}, {transform_indices = #map1}, {transform_indices = #map}]} {
    %mul3A = arith.constant 2 : i32
    %mul3A_0 = arith.muli %arg1, %mul3A : i32
    %add3A = arith.addi %mul3A_0, %arg0 : i32
    %mul3A_1 = arith.constant 2048 : i32
    %mul3A_2 = arith.muli %add3A, %mul3A_1 : i32
    "tpu.region"() ({
      %run_scoped3A = tpu.sem_alloc : memref<!tpu.dma_semaphore, #tpu.memory_space<semaphore_mem>>
      %dma_start3A_100 = tpu.memref_slice %arg5[%mul3A_2] : memref<65536xi32, #tpu.memory_space<hbm>> -> memref<2048xi32, #tpu.memory_space<hbm>>
      %dma_start3A_101 = tpu.memref_slice %arg5[%mul3A_2] : memref<65536xi32, #tpu.memory_space<hbm>> -> memref<2048xi32, #tpu.memory_space<hbm>>
      tpu.enqueue_dma source(%dma_start3A_101 : memref<2048xi32, #tpu.memory_space<hbm>>) target(%arg11 : memref<2048xi32, #tpu.memory_space<vmem>>) target_semaphore(%run_scoped3A : memref<!tpu.dma_semaphore, #tpu.memory_space<semaphore_mem>>)
      %dma_wait3A_102 = tpu.memref_slice %arg5[%mul3A_2] : memref<65536xi32, #tpu.memory_space<hbm>> -> memref<2048xi32, #tpu.memory_space<hbm>>
      %dma_wait3A_103 = tpu.memref_slice %arg5[%mul3A_2] : memref<65536xi32, #tpu.memory_space<hbm>> -> memref<2048xi32, #tpu.memory_space<hbm>>
      tpu.wait_dma2 semaphore(%run_scoped3A : memref<!tpu.dma_semaphore, #tpu.memory_space<semaphore_mem>>) src(%dma_wait3A_103 : memref<2048xi32, #tpu.memory_space<hbm>>) dst(%arg11 : memref<2048xi32, #tpu.memory_space<vmem>>)
      tpu.yield
    }) : () -> ()
    "tpu.region"() ({
      %run_scoped3A = tpu.sem_alloc : memref<!tpu.dma_semaphore, #tpu.memory_space<semaphore_mem>>
      %dma_start3A_100 = tpu.memref_slice %arg6[%mul3A_2] : memref<65536xi32, #tpu.memory_space<hbm>> -> memref<2048xi32, #tpu.memory_space<hbm>>
      %dma_start3A_101 = tpu.memref_slice %arg6[%mul3A_2] : memref<65536xi32, #tpu.memory_space<hbm>> -> memref<2048xi32, #tpu.memory_space<hbm>>
      tpu.enqueue_dma source(%dma_start3A_101 : memref<2048xi32, #tpu.memory_space<hbm>>) target(%arg12 : memref<2048xi32, #tpu.memory_space<vmem>>) target_semaphore(%run_scoped3A : memref<!tpu.dma_semaphore, #tpu.memory_space<semaphore_mem>>)
      %dma_wait3A_102 = tpu.memref_slice %arg6[%mul3A_2] : memref<65536xi32, #tpu.memory_space<hbm>> -> memref<2048xi32, #tpu.memory_space<hbm>>
      %dma_wait3A_103 = tpu.memref_slice %arg6[%mul3A_2] : memref<65536xi32, #tpu.memory_space<hbm>> -> memref<2048xi32, #tpu.memory_space<hbm>>
      tpu.wait_dma2 semaphore(%run_scoped3A : memref<!tpu.dma_semaphore, #tpu.memory_space<semaphore_mem>>) src(%dma_wait3A_103 : memref<2048xi32, #tpu.memory_space<hbm>>) dst(%arg12 : memref<2048xi32, #tpu.memory_space<vmem>>)
      tpu.yield
    }) : () -> ()
    "tpu.region"() ({
      %run_scoped3A = tpu.sem_alloc : memref<!tpu.dma_semaphore, #tpu.memory_space<semaphore_mem>>
      %dma_start3A_100 = tpu.memref_slice %arg7[%mul3A_2] : memref<65536xi32, #tpu.memory_space<hbm>> -> memref<2048xi32, #tpu.memory_space<hbm>>
      %dma_start3A_101 = tpu.memref_slice %arg7[%mul3A_2] : memref<65536xi32, #tpu.memory_space<hbm>> -> memref<2048xi32, #tpu.memory_space<hbm>>
      tpu.enqueue_dma source(%dma_start3A_101 : memref<2048xi32, #tpu.memory_space<hbm>>) target(%arg13 : memref<2048xi32, #tpu.memory_space<vmem>>) target_semaphore(%run_scoped3A : memref<!tpu.dma_semaphore, #tpu.memory_space<semaphore_mem>>)
      %dma_wait3A_102 = tpu.memref_slice %arg7[%mul3A_2] : memref<65536xi32, #tpu.memory_space<hbm>> -> memref<2048xi32, #tpu.memory_space<hbm>>
      %dma_wait3A_103 = tpu.memref_slice %arg7[%mul3A_2] : memref<65536xi32, #tpu.memory_space<hbm>> -> memref<2048xi32, #tpu.memory_space<hbm>>
      tpu.wait_dma2 semaphore(%run_scoped3A : memref<!tpu.dma_semaphore, #tpu.memory_space<semaphore_mem>>) src(%dma_wait3A_103 : memref<2048xi32, #tpu.memory_space<hbm>>) dst(%arg13 : memref<2048xi32, #tpu.memory_space<vmem>>)
      tpu.yield
    }) : () -> ()
    "tpu.region"() ({
      %run_scoped3A = tpu.sem_alloc : memref<!tpu.dma_semaphore, #tpu.memory_space<semaphore_mem>>
      tpu.enqueue_dma source(%arg8 : memref<128xf32, #tpu.memory_space<hbm>>) target(%arg14 : memref<128xf32, #tpu.memory_space<vmem>>) target_semaphore(%run_scoped3A : memref<!tpu.dma_semaphore, #tpu.memory_space<semaphore_mem>>)
      tpu.wait_dma2 semaphore(%run_scoped3A : memref<!tpu.dma_semaphore, #tpu.memory_space<semaphore_mem>>) src(%arg8 : memref<128xf32, #tpu.memory_space<hbm>>) dst(%arg14 : memref<128xf32, #tpu.memory_space<vmem>>)
      tpu.yield
    }) : () -> ()
    "tpu.region"() ({
      %run_scoped3A = tpu.sem_alloc : memref<!tpu.dma_semaphore, #tpu.memory_space<semaphore_mem>>
      tpu.enqueue_dma source(%arg9 : memref<128xf32, #tpu.memory_space<hbm>>) target(%arg15 : memref<128xf32, #tpu.memory_space<vmem>>) target_semaphore(%run_scoped3A : memref<!tpu.dma_semaphore, #tpu.memory_space<semaphore_mem>>)
      tpu.wait_dma2 semaphore(%run_scoped3A : memref<!tpu.dma_semaphore, #tpu.memory_space<semaphore_mem>>) src(%arg9 : memref<128xf32, #tpu.memory_space<hbm>>) dst(%arg15 : memref<128xf32, #tpu.memory_space<vmem>>)
      tpu.yield
    }) : () -> ()
    "tpu.region"() ({
      %run_scoped3A = tpu.sem_alloc : memref<!tpu.dma_semaphore, #tpu.memory_space<semaphore_mem>>
      tpu.enqueue_dma source(%arg4 : memref<2x128xf32, #tpu.memory_space<hbm>>) target(%arg18 : memref<2x128xf32, #tpu.memory_space<vmem>>) target_semaphore(%run_scoped3A : memref<!tpu.dma_semaphore, #tpu.memory_space<semaphore_mem>>)
      tpu.wait_dma2 semaphore(%run_scoped3A : memref<!tpu.dma_semaphore, #tpu.memory_space<semaphore_mem>>) src(%arg4 : memref<2x128xf32, #tpu.memory_space<hbm>>) dst(%arg18 : memref<2x128xf32, #tpu.memory_space<vmem>>)
      tpu.yield
    }) : () -> ()
    %scan3A = arith.constant 0 : i32
    %scan3A_3 = arith.constant 128 : i32
    %scan3A_4 = arith.addi %scan3A, %scan3A_3 : i32
    %scan3A_5 = arith.constant 1 : i32
    scf.for %scan3A_100 = %scan3A to %scan3A_4 step %scan3A_5  : i32 {
      %mul3A_101 = arith.constant 16 : i32
      %mul3A_102 = arith.muli %scan3A_100, %mul3A_101 : i32
      %add3A_103 = arith.constant 0 : i32
      %add3A_104 = arith.addi %add3A_103, %mul3A_102 : i32
      %get3A_105 = arith.index_cast %add3A_104 : i32 to index
      %get3A_106 = tpu.vector_load %arg12[%get3A_105] {strides = array<i32>} : memref<2048xi32, #tpu.memory_space<vmem>>, vector<16xi32>,
      %get3A_107 = arith.index_cast %add3A_104 : i32 to index
      %get3A_108 = tpu.vector_load %arg13[%get3A_107] {strides = array<i32>} : memref<2048xi32, #tpu.memory_space<vmem>>, vector<16xi32>,
      %mul3A_109 = arith.constant 512 : i32
      %mul3A_110 = vector.broadcast %mul3A_109 : i32 to vector<16xi32>
      %mul3A_111 = arith.muli %get3A_108, %mul3A_110 : vector<16xi32>
      %add3A_112 = arith.addi %get3A_106, %mul3A_111 : vector<16xi32>
      %swap3A = arith.index_cast %add3A_104 : i32 to index
      %swap3A_113 = tpu.vector_load %arg12[%swap3A] {strides = array<i32>} : memref<2048xi32, #tpu.memory_space<vmem>>, vector<16xi32>,
      tpu.vector_store %arg12[%swap3A], %add3A_112 {strides = array<i32>} : memref<2048xi32, #tpu.memory_space<vmem>>, vector<16xi32>,
    }
    %scan3A_6 = arith.constant 128 : i32
    %mul3A_7 = arith.constant 32 : i32
    %mul3A_8 = arith.muli %arg1, %mul3A_7 : i32
    "tpu.region"() ({
      %run_scoped3A = tpu.sem_alloc : memref<!tpu.dma_semaphore, #tpu.memory_space<semaphore_mem>>
      %dma_start3A_100 = arith.constant 0 : i32
      %dma_start3A_101 = tpu.memref_slice %arg3[%mul3A_8, %dma_start3A_100] : memref<512x128xf32, #tpu.memory_space<hbm>> -> memref<32x128xf32, #tpu.memory_space<hbm>>
      %dma_start3A_102 = arith.constant 0 : i32
      %dma_start3A_103 = tpu.memref_slice %arg3[%mul3A_8, %dma_start3A_102] : memref<512x128xf32, #tpu.memory_space<hbm>> -> memref<32x128xf32, #tpu.memory_space<hbm>>
      tpu.enqueue_dma source(%dma_start3A_103 : memref<32x128xf32, #tpu.memory_space<hbm>>) target(%arg16 : memref<32x128xf32, #tpu.memory_space<vmem>>) target_semaphore(%run_scoped3A : memref<!tpu.dma_semaphore, #tpu.memory_space<semaphore_mem>>)
      %dma_wait3A_104 = arith.constant 0 : i32
      %dma_wait3A_105 = tpu.memref_slice %arg3[%mul3A_8, %dma_wait3A_104] : memref<512x128xf32, #tpu.memory_space<hbm>> -> memref<32x128xf32, #tpu.memory_space<hbm>>
      %dma_wait3A_106 = arith.constant 0 : i32
      %dma_wait3A_107 = tpu.memref_slice %arg3[%mul3A_8, %dma_wait3A_106] : memref<512x128xf32, #tpu.memory_space<hbm>> -> memref<32x128xf32, #tpu.memory_space<hbm>>
      tpu.wait_dma2 semaphore(%run_scoped3A : memref<!tpu.dma_semaphore, #tpu.memory_space<semaphore_mem>>) src(%dma_wait3A_107 : memref<32x128xf32, #tpu.memory_space<hbm>>) dst(%arg16 : memref<32x128xf32, #tpu.memory_space<vmem>>)
      tpu.yield
    }) : () -> ()
    %scan3A_9 = arith.constant 0 : i32
    %scan3A_10 = arith.constant 32 : i32
    %scan3A_11 = arith.addi %scan3A_9, %scan3A_10 : i32
    %scan3A_12 = arith.constant 1 : i32
    scf.for %scan3A_100 = %scan3A_9 to %scan3A_11 step %scan3A_12  : i32 {
      %mul3A_101 = arith.constant 1 : i32
      %mul3A_102 = arith.muli %scan3A_100, %mul3A_101 : i32
      %add3A_103 = arith.constant 0 : i32
      %add3A_104 = arith.addi %add3A_103, %mul3A_102 : i32
      %get3A_105 = arith.index_cast %add3A_104 : i32 to index
      %get3A_106 = arith.constant 0 : index
      %get3A_107 = tpu.vector_load %arg16[%get3A_105, %get3A_106] {strides = array<i32>} : memref<32x128xf32, #tpu.memory_space<vmem>>, vector<16xf32>,
      %get3A_108 = arith.constant 0 : i32
      %get3A_109 = arith.index_cast %get3A_108 : i32 to index
      %get3A_110 = arith.constant 0 : index
      %get3A_111 = tpu.vector_load %arg18[%get3A_109, %get3A_110] {strides = array<i32>} : memref<2x128xf32, #tpu.memory_space<vmem>>, vector<16xf32>,
      %add3A_112 = arith.addf %get3A_107, %get3A_111 : vector<16xf32>
      %add3A_113 = arith.constant 0 : i32
      %add3A_114 = arith.addi %add3A_113, %add3A_104 : i32
      %swap3A = arith.index_cast %add3A_114 : i32 to index
      %swap3A_115 = arith.constant 0 : index
      %swap3A_116 = tpu.vector_load %arg17[%swap3A, %swap3A_115] {strides = array<i32>} : memref<64x128xf32, #tpu.memory_space<vmem>>, vector<16xf32>,
      tpu.vector_store %arg17[%swap3A, %swap3A_115], %add3A_112 {strides = array<i32>} : memref<64x128xf32, #tpu.memory_space<vmem>>, vector<16xf32>,
      %get3A_117 = arith.index_cast %add3A_104 : i32 to index
      %get3A_118 = arith.constant 16 : index
      %get3A_119 = tpu.vector_load %arg16[%get3A_117, %get3A_118] {strides = array<i32>} : memref<32x128xf32, #tpu.memory_space<vmem>>, vector<16xf32>,
      %get3A_120 = arith.constant 0 : i32
      %get3A_121 = arith.index_cast %get3A_120 : i32 to index
      %get3A_122 = arith.constant 16 : index
      %get3A_123 = tpu.vector_load %arg18[%get3A_121, %get3A_122] {strides = array<i32>} : memref<2x128xf32, #tpu.memory_space<vmem>>, vector<16xf32>,
      %add3A_124 = arith.addf %get3A_119, %get3A_123 : vector<16xf32>
      %add3A_125 = arith.constant 0 : i32
      %add3A_126 = arith.addi %add3A_125, %add3A_104 : i32
      %swap3A_127 = arith.index_cast %add3A_126 : i32 to index
      %swap3A_128 = arith.constant 16 : index
      %swap3A_129 = tpu.vector_load %arg17[%swap3A_127, %swap3A_128] {strides = array<i32>} : memref<64x128xf32, #tpu.memory_space<vmem>>, vector<16xf32>,
      tpu.vector_store %arg17[%swap3A_127, %swap3A_128], %add3A_124 {strides = array<i32>} : memref<64x128xf32, #tpu.memory_space<vmem>>, vector<16xf32>,
      %get3A_130 = arith.index_cast %add3A_104 : i32 to index
      %get3A_131 = arith.constant 32 : index
      %get3A_132 = tpu.vector_load %arg16[%get3A_130, %get3A_131] {strides = array<i32>} : memref<32x128xf32, #tpu.memory_space<vmem>>, vector<16xf32>,
      %get3A_133 = arith.constant 0 : i32
      %get3A_134 = arith.index_cast %get3A_133 : i32 to index
      %get3A_135 = arith.constant 32 : index
      %get3A_136 = tpu.vector_load %arg18[%get3A_134, %get3A_135] {strides = array<i32>} : memref<2x128xf32, #tpu.memory_space<vmem>>, vector<16xf32>,
      %add3A_137 = arith.addf %get3A_132, %get3A_136 : vector<16xf32>
      %add3A_138 = arith.constant 0 : i32
      %add3A_139 = arith.addi %add3A_138, %add3A_104 : i32
      %swap3A_140 = arith.index_cast %add3A_139 : i32 to index
      %swap3A_141 = arith.constant 32 : index
      %swap3A_142 = tpu.vector_load %arg17[%swap3A_140, %swap3A_141] {strides = array<i32>} : memref<64x128xf32, #tpu.memory_space<vmem>>, vector<16xf32>,
      tpu.vector_store %arg17[%swap3A_140, %swap3A_141], %add3A_137 {strides = array<i32>} : memref<64x128xf32, #tpu.memory_space<vmem>>, vector<16xf32>,
      %get3A_143 = arith.index_cast %add3A_104 : i32 to index
      %get3A_144 = arith.constant 48 : index
      %get3A_145 = tpu.vector_load %arg16[%get3A_143, %get3A_144] {strides = array<i32>} : memref<32x128xf32, #tpu.memory_space<vmem>>, vector<16xf32>,
      %get3A_146 = arith.constant 0 : i32
      %get3A_147 = arith.index_cast %get3A_146 : i32 to index
      %get3A_148 = arith.constant 48 : index
      %get3A_149 = tpu.vector_load %arg18[%get3A_147, %get3A_148] {strides = array<i32>} : memref<2x128xf32, #tpu.memory_space<vmem>>, vector<16xf32>,
      %add3A_150 = arith.addf %get3A_145, %get3A_149 : vector<16xf32>
      %add3A_151 = arith.constant 0 : i32
      %add3A_152 = arith.addi %add3A_151, %add3A_104 : i32
      %swap3A_153 = arith.index_cast %add3A_152 : i32 to index
      %swap3A_154 = arith.constant 48 : index
      %swap3A_155 = tpu.vector_load %arg17[%swap3A_153, %swap3A_154] {strides = array<i32>} : memref<64x128xf32, #tpu.memory_space<vmem>>, vector<16xf32>,
      tpu.vector_store %arg17[%swap3A_153, %swap3A_154], %add3A_150 {strides = array<i32>} : memref<64x128xf32, #tpu.memory_space<vmem>>, vector<16xf32>,
      %get3A_156 = arith.index_cast %add3A_104 : i32 to index
      %get3A_157 = arith.constant 64 : index
      %get3A_158 = tpu.vector_load %arg16[%get3A_156, %get3A_157] {strides = array<i32>} : memref<32x128xf32, #tpu.memory_space<vmem>>, vector<16xf32>,
      %get3A_159 = arith.constant 0 : i32
      %get3A_160 = arith.index_cast %get3A_159 : i32 to index
      %get3A_161 = arith.constant 64 : index
      %get3A_162 = tpu.vector_load %arg18[%get3A_160, %get3A_161] {strides = array<i32>} : memref<2x128xf32, #tpu.memory_space<vmem>>, vector<16xf32>,
      %add3A_163 = arith.addf %get3A_158, %get3A_162 : vector<16xf32>
      %add3A_164 = arith.constant 0 : i32
      %add3A_165 = arith.addi %add3A_164, %add3A_104 : i32
      %swap3A_166 = arith.index_cast %add3A_165 : i32 to index
      %swap3A_167 = arith.constant 64 : index
      %swap3A_168 = tpu.vector_load %arg17[%swap3A_166, %swap3A_167] {strides = array<i32>} : memref<64x128xf32, #tpu.memory_space<vmem>>, vector<16xf32>,
      tpu.vector_store %arg17[%swap3A_166, %swap3A_167], %add3A_163 {strides = array<i32>} : memref<64x128xf32, #tpu.memory_space<vmem>>, vector<16xf32>,
      %get3A_169 = arith.index_cast %add3A_104 : i32 to index
      %get3A_170 = arith.constant 80 : index
      %get3A_171 = tpu.vector_load %arg16[%get3A_169, %get3A_170] {strides = array<i32>} : memref<32x128xf32, #tpu.memory_space<vmem>>, vector<16xf32>,
      %get3A_172 = arith.constant 0 : i32
      %get3A_173 = arith.index_cast %get3A_172 : i32 to index
      %get3A_174 = arith.constant 80 : index
      %get3A_175 = tpu.vector_load %arg18[%get3A_173, %get3A_174] {strides = array<i32>} : memref<2x128xf32, #tpu.memory_space<vmem>>, vector<16xf32>,
      %add3A_176 = arith.addf %get3A_171, %get3A_175 : vector<16xf32>
      %add3A_177 = arith.constant 0 : i32
      %add3A_178 = arith.addi %add3A_177, %add3A_104 : i32
      %swap3A_179 = arith.index_cast %add3A_178 : i32 to index
      %swap3A_180 = arith.constant 80 : index
      %swap3A_181 = tpu.vector_load %arg17[%swap3A_179, %swap3A_180] {strides = array<i32>} : memref<64x128xf32, #tpu.memory_space<vmem>>, vector<16xf32>,
      tpu.vector_store %arg17[%swap3A_179, %swap3A_180], %add3A_176 {strides = array<i32>} : memref<64x128xf32, #tpu.memory_space<vmem>>, vector<16xf32>,
      %get3A_182 = arith.index_cast %add3A_104 : i32 to index
      %get3A_183 = arith.constant 96 : index
      %get3A_184 = tpu.vector_load %arg16[%get3A_182, %get3A_183] {strides = array<i32>} : memref<32x128xf32, #tpu.memory_space<vmem>>, vector<16xf32>,
      %get3A_185 = arith.constant 0 : i32
      %get3A_186 = arith.index_cast %get3A_185 : i32 to index
      %get3A_187 = arith.constant 96 : index
      %get3A_188 = tpu.vector_load %arg18[%get3A_186, %get3A_187] {strides = array<i32>} : memref<2x128xf32, #tpu.memory_space<vmem>>, vector<16xf32>,
      %add3A_189 = arith.addf %get3A_184, %get3A_188 : vector<16xf32>
      %add3A_190 = arith.constant 0 : i32
      %add3A_191 = arith.addi %add3A_190, %add3A_104 : i32
      %swap3A_192 = arith.index_cast %add3A_191 : i32 to index
      %swap3A_193 = arith.constant 96 : index
      %swap3A_194 = tpu.vector_load %arg17[%swap3A_192, %swap3A_193] {strides = array<i32>} : memref<64x128xf32, #tpu.memory_space<vmem>>, vector<16xf32>,
      tpu.vector_store %arg17[%swap3A_192, %swap3A_193], %add3A_189 {strides = array<i32>} : memref<64x128xf32, #tpu.memory_space<vmem>>, vector<16xf32>,
      %get3A_195 = arith.index_cast %add3A_104 : i32 to index
      %get3A_196 = arith.constant 112 : index
      %get3A_197 = tpu.vector_load %arg16[%get3A_195, %get3A_196] {strides = array<i32>} : memref<32x128xf32, #tpu.memory_space<vmem>>, vector<16xf32>,
      %get3A_198 = arith.constant 0 : i32
      %get3A_199 = arith.index_cast %get3A_198 : i32 to index
      %get3A_200 = arith.constant 112 : index
      %get3A_201 = tpu.vector_load %arg18[%get3A_199, %get3A_200] {strides = array<i32>} : memref<2x128xf32, #tpu.memory_space<vmem>>, vector<16xf32>,
      %add3A_202 = arith.addf %get3A_197, %get3A_201 : vector<16xf32>
      %add3A_203 = arith.constant 0 : i32
      %add3A_204 = arith.addi %add3A_203, %add3A_104 : i32
      %swap3A_205 = arith.index_cast %add3A_204 : i32 to index
      %swap3A_206 = arith.constant 112 : index
      %swap3A_207 = tpu.vector_load %arg17[%swap3A_205, %swap3A_206] {strides = array<i32>} : memref<64x128xf32, #tpu.memory_space<vmem>>, vector<16xf32>,
      tpu.vector_store %arg17[%swap3A_205, %swap3A_206], %add3A_202 {strides = array<i32>} : memref<64x128xf32, #tpu.memory_space<vmem>>, vector<16xf32>,
      %get3A_208 = arith.index_cast %add3A_104 : i32 to index
      %get3A_209 = arith.constant 0 : index
      %get3A_210 = tpu.vector_load %arg16[%get3A_208, %get3A_209] {strides = array<i32>} : memref<32x128xf32, #tpu.memory_space<vmem>>, vector<16xf32>,
      %get3A_211 = arith.constant 1 : i32
      %get3A_212 = arith.index_cast %get3A_211 : i32 to index
      %get3A_213 = arith.constant 0 : index
      %get3A_214 = tpu.vector_load %arg18[%get3A_212, %get3A_213] {strides = array<i32>} : memref<2x128xf32, #tpu.memory_space<vmem>>, vector<16xf32>,
      %add3A_215 = arith.addf %get3A_210, %get3A_214 : vector<16xf32>
      %add3A_216 = arith.constant 32 : i32
      %add3A_217 = arith.addi %add3A_216, %add3A_104 : i32
      %swap3A_218 = arith.index_cast %add3A_217 : i32 to index
      %swap3A_219 = arith.constant 0 : index
      %swap3A_220 = tpu.vector_load %arg17[%swap3A_218, %swap3A_219] {strides = array<i32>} : memref<64x128xf32, #tpu.memory_space<vmem>>, vector<16xf32>,
      tpu.vector_store %arg17[%swap3A_218, %swap3A_219], %add3A_215 {strides = array<i32>} : memref<64x128xf32, #tpu.memory_space<vmem>>, vector<16xf32>,
      %get3A_221 = arith.index_cast %add3A_104 : i32 to index
      %get3A_222 = arith.constant 16 : index
      %get3A_223 = tpu.vector_load %arg16[%get3A_221, %get3A_222] {strides = array<i32>} : memref<32x128xf32, #tpu.memory_space<vmem>>, vector<16xf32>,
      %get3A_224 = arith.constant 1 : i32
      %get3A_225 = arith.index_cast %get3A_224 : i32 to index
      %get3A_226 = arith.constant 16 : index
      %get3A_227 = tpu.vector_load %arg18[%get3A_225, %get3A_226] {strides = array<i32>} : memref<2x128xf32, #tpu.memory_space<vmem>>, vector<16xf32>,
      %add3A_228 = arith.addf %get3A_223, %get3A_227 : vector<16xf32>
      %add3A_229 = arith.constant 32 : i32
      %add3A_230 = arith.addi %add3A_229, %add3A_104 : i32
      %swap3A_231 = arith.index_cast %add3A_230 : i32 to index
      %swap3A_232 = arith.constant 16 : index
      %swap3A_233 = tpu.vector_load %arg17[%swap3A_231, %swap3A_232] {strides = array<i32>} : memref<64x128xf32, #tpu.memory_space<vmem>>, vector<16xf32>,
      tpu.vector_store %arg17[%swap3A_231, %swap3A_232], %add3A_228 {strides = array<i32>} : memref<64x128xf32, #tpu.memory_space<vmem>>, vector<16xf32>,
      %get3A_234 = arith.index_cast %add3A_104 : i32 to index
      %get3A_235 = arith.constant 32 : index
      %get3A_236 = tpu.vector_load %arg16[%get3A_234, %get3A_235] {strides = array<i32>} : memref<32x128xf32, #tpu.memory_space<vmem>>, vector<16xf32>,
      %get3A_237 = arith.constant 1 : i32
      %get3A_238 = arith.index_cast %get3A_237 : i32 to index
      %get3A_239 = arith.constant 32 : index
      %get3A_240 = tpu.vector_load %arg18[%get3A_238, %get3A_239] {strides = array<i32>} : memref<2x128xf32, #tpu.memory_space<vmem>>, vector<16xf32>,
      %add3A_241 = arith.addf %get3A_236, %get3A_240 : vector<16xf32>
      %add3A_242 = arith.constant 32 : i32
      %add3A_243 = arith.addi %add3A_242, %add3A_104 : i32
      %swap3A_244 = arith.index_cast %add3A_243 : i32 to index
      %swap3A_245 = arith.constant 32 : index
      %swap3A_246 = tpu.vector_load %arg17[%swap3A_244, %swap3A_245] {strides = array<i32>} : memref<64x128xf32, #tpu.memory_space<vmem>>, vector<16xf32>,
      tpu.vector_store %arg17[%swap3A_244, %swap3A_245], %add3A_241 {strides = array<i32>} : memref<64x128xf32, #tpu.memory_space<vmem>>, vector<16xf32>,
      %get3A_247 = arith.index_cast %add3A_104 : i32 to index
      %get3A_248 = arith.constant 48 : index
      %get3A_249 = tpu.vector_load %arg16[%get3A_247, %get3A_248] {strides = array<i32>} : memref<32x128xf32, #tpu.memory_space<vmem>>, vector<16xf32>,
      %get3A_250 = arith.constant 1 : i32
      %get3A_251 = arith.index_cast %get3A_250 : i32 to index
      %get3A_252 = arith.constant 48 : index
      %get3A_253 = tpu.vector_load %arg18[%get3A_251, %get3A_252] {strides = array<i32>} : memref<2x128xf32, #tpu.memory_space<vmem>>, vector<16xf32>,
      %add3A_254 = arith.addf %get3A_249, %get3A_253 : vector<16xf32>
      %add3A_255 = arith.constant 32 : i32
      %add3A_256 = arith.addi %add3A_255, %add3A_104 : i32
      %swap3A_257 = arith.index_cast %add3A_256 : i32 to index
      %swap3A_258 = arith.constant 48 : index
      %swap3A_259 = tpu.vector_load %arg17[%swap3A_257, %swap3A_258] {strides = array<i32>} : memref<64x128xf32, #tpu.memory_space<vmem>>, vector<16xf32>,
      tpu.vector_store %arg17[%swap3A_257, %swap3A_258], %add3A_254 {strides = array<i32>} : memref<64x128xf32, #tpu.memory_space<vmem>>, vector<16xf32>,
      %get3A_260 = arith.index_cast %add3A_104 : i32 to index
      %get3A_261 = arith.constant 64 : index
      %get3A_262 = tpu.vector_load %arg16[%get3A_260, %get3A_261] {strides = array<i32>} : memref<32x128xf32, #tpu.memory_space<vmem>>, vector<16xf32>,
      %get3A_263 = arith.constant 1 : i32
      %get3A_264 = arith.index_cast %get3A_263 : i32 to index
      %get3A_265 = arith.constant 64 : index
      %get3A_266 = tpu.vector_load %arg18[%get3A_264, %get3A_265] {strides = array<i32>} : memref<2x128xf32, #tpu.memory_space<vmem>>, vector<16xf32>,
      %add3A_267 = arith.addf %get3A_262, %get3A_266 : vector<16xf32>
      %add3A_268 = arith.constant 32 : i32
      %add3A_269 = arith.addi %add3A_268, %add3A_104 : i32
      %swap3A_270 = arith.index_cast %add3A_269 : i32 to index
      %swap3A_271 = arith.constant 64 : index
      %swap3A_272 = tpu.vector_load %arg17[%swap3A_270, %swap3A_271] {strides = array<i32>} : memref<64x128xf32, #tpu.memory_space<vmem>>, vector<16xf32>,
      tpu.vector_store %arg17[%swap3A_270, %swap3A_271], %add3A_267 {strides = array<i32>} : memref<64x128xf32, #tpu.memory_space<vmem>>, vector<16xf32>,
      %get3A_273 = arith.index_cast %add3A_104 : i32 to index
      %get3A_274 = arith.constant 80 : index
      %get3A_275 = tpu.vector_load %arg16[%get3A_273, %get3A_274] {strides = array<i32>} : memref<32x128xf32, #tpu.memory_space<vmem>>, vector<16xf32>,
      %get3A_276 = arith.constant 1 : i32
      %get3A_277 = arith.index_cast %get3A_276 : i32 to index
      %get3A_278 = arith.constant 80 : index
      %get3A_279 = tpu.vector_load %arg18[%get3A_277, %get3A_278] {strides = array<i32>} : memref<2x128xf32, #tpu.memory_space<vmem>>, vector<16xf32>,
      %add3A_280 = arith.addf %get3A_275, %get3A_279 : vector<16xf32>
      %add3A_281 = arith.constant 32 : i32
      %add3A_282 = arith.addi %add3A_281, %add3A_104 : i32
      %swap3A_283 = arith.index_cast %add3A_282 : i32 to index
      %swap3A_284 = arith.constant 80 : index
      %swap3A_285 = tpu.vector_load %arg17[%swap3A_283, %swap3A_284] {strides = array<i32>} : memref<64x128xf32, #tpu.memory_space<vmem>>, vector<16xf32>,
      tpu.vector_store %arg17[%swap3A_283, %swap3A_284], %add3A_280 {strides = array<i32>} : memref<64x128xf32, #tpu.memory_space<vmem>>, vector<16xf32>,
      %get3A_286 = arith.index_cast %add3A_104 : i32 to index
      %get3A_287 = arith.constant 96 : index
      %get3A_288 = tpu.vector_load %arg16[%get3A_286, %get3A_287] {strides = array<i32>} : memref<32x128xf32, #tpu.memory_space<vmem>>, vector<16xf32>,
      %get3A_289 = arith.constant 1 : i32
      %get3A_290 = arith.index_cast %get3A_289 : i32 to index
      %get3A_291 = arith.constant 96 : index
      %get3A_292 = tpu.vector_load %arg18[%get3A_290, %get3A_291] {strides = array<i32>} : memref<2x128xf32, #tpu.memory_space<vmem>>, vector<16xf32>,
      %add3A_293 = arith.addf %get3A_288, %get3A_292 : vector<16xf32>
      %add3A_294 = arith.constant 32 : i32
      %add3A_295 = arith.addi %add3A_294, %add3A_104 : i32
      %swap3A_296 = arith.index_cast %add3A_295 : i32 to index
      %swap3A_297 = arith.constant 96 : index
      %swap3A_298 = tpu.vector_load %arg17[%swap3A_296, %swap3A_297] {strides = array<i32>} : memref<64x128xf32, #tpu.memory_space<vmem>>, vector<16xf32>,
      tpu.vector_store %arg17[%swap3A_296, %swap3A_297], %add3A_293 {strides = array<i32>} : memref<64x128xf32, #tpu.memory_space<vmem>>, vector<16xf32>,
      %get3A_299 = arith.index_cast %add3A_104 : i32 to index
      %get3A_300 = arith.constant 112 : index
      %get3A_301 = tpu.vector_load %arg16[%get3A_299, %get3A_300] {strides = array<i32>} : memref<32x128xf32, #tpu.memory_space<vmem>>, vector<16xf32>,
      %get3A_302 = arith.constant 1 : i32
      %get3A_303 = arith.index_cast %get3A_302 : i32 to index
      %get3A_304 = arith.constant 112 : index
      %get3A_305 = tpu.vector_load %arg18[%get3A_303, %get3A_304] {strides = array<i32>} : memref<2x128xf32, #tpu.memory_space<vmem>>, vector<16xf32>,
      %add3A_306 = arith.addf %get3A_301, %get3A_305 : vector<16xf32>
      %add3A_307 = arith.constant 32 : i32
      %add3A_308 = arith.addi %add3A_307, %add3A_104 : i32
      %swap3A_309 = arith.index_cast %add3A_308 : i32 to index
      %swap3A_310 = arith.constant 112 : index
      %swap3A_311 = tpu.vector_load %arg17[%swap3A_309, %swap3A_310] {strides = array<i32>} : memref<64x128xf32, #tpu.memory_space<vmem>>, vector<16xf32>,
      tpu.vector_store %arg17[%swap3A_309, %swap3A_310], %add3A_306 {strides = array<i32>} : memref<64x128xf32, #tpu.memory_space<vmem>>, vector<16xf32>,
    }
    %scan3A_13 = arith.constant 32 : i32
    %add3A_14 = arith.constant 0 : i32
    %add3A_15 = arith.addi %add3A_14, %mul3A_8 : i32
    "tpu.region"() ({
      %run_scoped3A = tpu.sem_alloc : memref<!tpu.dma_semaphore, #tpu.memory_space<semaphore_mem>>
      %dma_start3A_100 = arith.constant 0 : i32
      %dma_start3A_101 = arith.constant 0 : i32
      %dma_start3A_102 = tpu.memref_slice %arg17[%dma_start3A_100, %dma_start3A_101] : memref<64x128xf32, #tpu.memory_space<vmem>> -> memref<32x128xf32, #tpu.memory_space<vmem>>
      %dma_start3A_103 = arith.constant 0 : i32
      %dma_start3A_104 = tpu.memref_slice %arg19[%add3A_15, %dma_start3A_103] : memref<1024x128xf32, #tpu.memory_space<vmem_shared>> -> memref<32x128xf32, #tpu.memory_space<vmem_shared>>
      %dma_start3A_105 = arith.constant 0 : i32
      %dma_start3A_106 = tpu.memref_slice %arg19[%add3A_15, %dma_start3A_105] : memref<1024x128xf32, #tpu.memory_space<vmem_shared>> -> memref<32x128xf32, #tpu.memory_space<vmem_shared>>
      %dma_start3A_107 = arith.constant 0 : i32
      %dma_start3A_108 = arith.constant 0 : i32
      %dma_start3A_109 = tpu.memref_slice %arg17[%dma_start3A_107, %dma_start3A_108] : memref<64x128xf32, #tpu.memory_space<vmem>> -> memref<32x128xf32, #tpu.memory_space<vmem>>
      tpu.enqueue_dma source(%dma_start3A_109 : memref<32x128xf32, #tpu.memory_space<vmem>>) target(%dma_start3A_106 : memref<32x128xf32, #tpu.memory_space<vmem_shared>>) target_semaphore(%run_scoped3A : memref<!tpu.dma_semaphore, #tpu.memory_space<semaphore_mem>>)
      %dma_wait3A_110 = arith.constant 0 : i32
      %dma_wait3A_111 = arith.constant 0 : i32
      %dma_wait3A_112 = tpu.memref_slice %arg17[%dma_wait3A_110, %dma_wait3A_111] : memref<64x128xf32, #tpu.memory_space<vmem>> -> memref<32x128xf32, #tpu.memory_space<vmem>>
      %dma_wait3A_113 = arith.constant 0 : i32
      %dma_wait3A_114 = tpu.memref_slice %arg19[%add3A_15, %dma_wait3A_113] : memref<1024x128xf32, #tpu.memory_space<vmem_shared>> -> memref<32x128xf32, #tpu.memory_space<vmem_shared>>
      %dma_wait3A_115 = arith.constant 0 : i32
      %dma_wait3A_116 = tpu.memref_slice %arg19[%add3A_15, %dma_wait3A_115] : memref<1024x128xf32, #tpu.memory_space<vmem_shared>> -> memref<32x128xf32, #tpu.memory_space<vmem_shared>>
      %dma_wait3A_117 = arith.constant 0 : i32
      %dma_wait3A_118 = arith.constant 0 : i32
      %dma_wait3A_119 = tpu.memref_slice %arg17[%dma_wait3A_117, %dma_wait3A_118] : memref<64x128xf32, #tpu.memory_space<vmem>> -> memref<32x128xf32, #tpu.memory_space<vmem>>
      tpu.wait_dma2 semaphore(%run_scoped3A : memref<!tpu.dma_semaphore, #tpu.memory_space<semaphore_mem>>) src(%dma_wait3A_119 : memref<32x128xf32, #tpu.memory_space<vmem>>) dst(%dma_wait3A_116 : memref<32x128xf32, #tpu.memory_space<vmem_shared>>)
      tpu.yield
    }) : () -> ()
    %add3A_16 = arith.constant 512 : i32
    %add3A_17 = arith.addi %add3A_16, %mul3A_8 : i32
    "tpu.region"() ({
      %run_scoped3A = tpu.sem_alloc : memref<!tpu.dma_semaphore, #tpu.memory_space<semaphore_mem>>
      %dma_start3A_100 = arith.constant 32 : i32
      %dma_start3A_101 = arith.constant 0 : i32
      %dma_start3A_102 = tpu.memref_slice %arg17[%dma_start3A_100, %dma_start3A_101] : memref<64x128xf32, #tpu.memory_space<vmem>> -> memref<32x128xf32, #tpu.memory_space<vmem>>
      %dma_start3A_103 = arith.constant 0 : i32
      %dma_start3A_104 = tpu.memref_slice %arg19[%add3A_17, %dma_start3A_103] : memref<1024x128xf32, #tpu.memory_space<vmem_shared>> -> memref<32x128xf32, #tpu.memory_space<vmem_shared>>
      %dma_start3A_105 = arith.constant 0 : i32
      %dma_start3A_106 = tpu.memref_slice %arg19[%add3A_17, %dma_start3A_105] : memref<1024x128xf32, #tpu.memory_space<vmem_shared>> -> memref<32x128xf32, #tpu.memory_space<vmem_shared>>
      %dma_start3A_107 = arith.constant 32 : i32
      %dma_start3A_108 = arith.constant 0 : i32
      %dma_start3A_109 = tpu.memref_slice %arg17[%dma_start3A_107, %dma_start3A_108] : memref<64x128xf32, #tpu.memory_space<vmem>> -> memref<32x128xf32, #tpu.memory_space<vmem>>
      tpu.enqueue_dma source(%dma_start3A_109 : memref<32x128xf32, #tpu.memory_space<vmem>>) target(%dma_start3A_106 : memref<32x128xf32, #tpu.memory_space<vmem_shared>>) target_semaphore(%run_scoped3A : memref<!tpu.dma_semaphore, #tpu.memory_space<semaphore_mem>>)
      %dma_wait3A_110 = arith.constant 32 : i32
      %dma_wait3A_111 = arith.constant 0 : i32
      %dma_wait3A_112 = tpu.memref_slice %arg17[%dma_wait3A_110, %dma_wait3A_111] : memref<64x128xf32, #tpu.memory_space<vmem>> -> memref<32x128xf32, #tpu.memory_space<vmem>>
      %dma_wait3A_113 = arith.constant 0 : i32
      %dma_wait3A_114 = tpu.memref_slice %arg19[%add3A_17, %dma_wait3A_113] : memref<1024x128xf32, #tpu.memory_space<vmem_shared>> -> memref<32x128xf32, #tpu.memory_space<vmem_shared>>
      %dma_wait3A_115 = arith.constant 0 : i32
      %dma_wait3A_116 = tpu.memref_slice %arg19[%add3A_17, %dma_wait3A_115] : memref<1024x128xf32, #tpu.memory_space<vmem_shared>> -> memref<32x128xf32, #tpu.memory_space<vmem_shared>>
      %dma_wait3A_117 = arith.constant 32 : i32
      %dma_wait3A_118 = arith.constant 0 : i32
      %dma_wait3A_119 = tpu.memref_slice %arg17[%dma_wait3A_117, %dma_wait3A_118] : memref<64x128xf32, #tpu.memory_space<vmem>> -> memref<32x128xf32, #tpu.memory_space<vmem>>
      tpu.wait_dma2 semaphore(%run_scoped3A : memref<!tpu.dma_semaphore, #tpu.memory_space<semaphore_mem>>) src(%dma_wait3A_119 : memref<32x128xf32, #tpu.memory_space<vmem>>) dst(%dma_wait3A_116 : memref<32x128xf32, #tpu.memory_space<vmem_shared>>)
      tpu.yield
    }) : () -> ()
    %barrier3A = arith.constant 0 : index
    tpu.barrier barrier_id(%barrier3A)
    %get3A = arith.constant 0 : index
    %get3A_18 = tpu.vector_load %arg14[%get3A] {strides = array<i32>} : memref<128xf32, #tpu.memory_space<vmem>>, vector<16xf32>,
    %get3A_19 = arith.constant 16 : index
    %get3A_20 = tpu.vector_load %arg14[%get3A_19] {strides = array<i32>} : memref<128xf32, #tpu.memory_space<vmem>>, vector<16xf32>,
    %get3A_21 = arith.constant 32 : index
    %get3A_22 = tpu.vector_load %arg14[%get3A_21] {strides = array<i32>} : memref<128xf32, #tpu.memory_space<vmem>>, vector<16xf32>,
    %get3A_23 = arith.constant 48 : index
    %get3A_24 = tpu.vector_load %arg14[%get3A_23] {strides = array<i32>} : memref<128xf32, #tpu.memory_space<vmem>>, vector<16xf32>,
    %get3A_25 = arith.constant 64 : index
    %get3A_26 = tpu.vector_load %arg14[%get3A_25] {strides = array<i32>} : memref<128xf32, #tpu.memory_space<vmem>>, vector<16xf32>,
    %get3A_27 = arith.constant 80 : index
    %get3A_28 = tpu.vector_load %arg14[%get3A_27] {strides = array<i32>} : memref<128xf32, #tpu.memory_space<vmem>>, vector<16xf32>,
    %get3A_29 = arith.constant 96 : index
    %get3A_30 = tpu.vector_load %arg14[%get3A_29] {strides = array<i32>} : memref<128xf32, #tpu.memory_space<vmem>>, vector<16xf32>,
    %get3A_31 = arith.constant 112 : index
    %get3A_32 = tpu.vector_load %arg14[%get3A_31] {strides = array<i32>} : memref<128xf32, #tpu.memory_space<vmem>>, vector<16xf32>,
    %get3A_33 = arith.constant 0 : index
    %get3A_34 = tpu.vector_load %arg15[%get3A_33] {strides = array<i32>} : memref<128xf32, #tpu.memory_space<vmem>>, vector<16xf32>,
    %get3A_35 = arith.constant 16 : index
    %get3A_36 = tpu.vector_load %arg15[%get3A_35] {strides = array<i32>} : memref<128xf32, #tpu.memory_space<vmem>>, vector<16xf32>,
    %get3A_37 = arith.constant 32 : index
    %get3A_38 = tpu.vector_load %arg15[%get3A_37] {strides = array<i32>} : memref<128xf32, #tpu.memory_space<vmem>>, vector<16xf32>,
    %get3A_39 = arith.constant 48 : index
    %get3A_40 = tpu.vector_load %arg15[%get3A_39] {strides = array<i32>} : memref<128xf32, #tpu.memory_space<vmem>>, vector<16xf32>,
    %get3A_41 = arith.constant 64 : index
    %get3A_42 = tpu.vector_load %arg15[%get3A_41] {strides = array<i32>} : memref<128xf32, #tpu.memory_space<vmem>>, vector<16xf32>,
    %get3A_43 = arith.constant 80 : index
    %get3A_44 = tpu.vector_load %arg15[%get3A_43] {strides = array<i32>} : memref<128xf32, #tpu.memory_space<vmem>>, vector<16xf32>,
    %get3A_45 = arith.constant 96 : index
    %get3A_46 = tpu.vector_load %arg15[%get3A_45] {strides = array<i32>} : memref<128xf32, #tpu.memory_space<vmem>>, vector<16xf32>,
    %get3A_47 = arith.constant 112 : index
    %get3A_48 = tpu.vector_load %arg15[%get3A_47] {strides = array<i32>} : memref<128xf32, #tpu.memory_space<vmem>>, vector<16xf32>,
    %multiple_of3A = arith.constant 0 : i32
    %multiple_of3A_49 = tpu.assume_multiple %multiple_of3A, 64 : i32
    %dma_start3A = tpu.memref_slice %arg11[%multiple_of3A_49] : memref<2048xi32, #tpu.memory_space<vmem>> -> memref<64xi32, #tpu.memory_space<vmem>>
    %dma_start3A_50 = arith.constant 0 : i32
    %dma_start3A_51 = arith.constant 0 : i32
    %dma_start3A_52 = tpu.memref_slice %arg2[%dma_start3A_50, %dma_start3A_51] : memref<100000x128xf32, #tpu.memory_space<hbm>> -> memref<100000x128xf32, #tpu.memory_space<hbm>>
    tpu.enqueue_indirect_dma source(%dma_start3A_52 : memref<100000x128xf32, #tpu.memory_space<hbm>>) target(%arg20 : memref<64x128xf32, #tpu.memory_space<vmem>>) offsets(%dma_start3A : memref<64xi32, #tpu.memory_space<vmem>>) semaphore(%arg32 : memref<!tpu.dma_semaphore, #tpu.memory_space<semaphore_mem>>)
    %dma_start3A_53 = tpu.memref_slice %arg12[%multiple_of3A_49] : memref<2048xi32, #tpu.memory_space<vmem>> -> memref<64xi32, #tpu.memory_space<vmem>>
    %dma_start3A_54 = arith.constant 0 : i32
    %dma_start3A_55 = arith.constant 0 : i32
    %dma_start3A_56 = tpu.memref_slice %arg19[%dma_start3A_54, %dma_start3A_55] : memref<1024x128xf32, #tpu.memory_space<vmem_shared>> -> memref<1024x128xf32, #tpu.memory_space<vmem_shared>>
    tpu.enqueue_indirect_dma source(%dma_start3A_56 : memref<1024x128xf32, #tpu.memory_space<vmem_shared>>) target(%arg24 : memref<64x128xf32, #tpu.memory_space<vmem>>) offsets(%dma_start3A_53 : memref<64xi32, #tpu.memory_space<vmem>>) semaphore(%arg36 : memref<!tpu.dma_semaphore, #tpu.memory_space<semaphore_mem>>)
    %multiple_of3A_57 = arith.constant 64 : i32
    %multiple_of3A_58 = tpu.assume_multiple %multiple_of3A_57, 64 : i32
    %dma_start3A_59 = tpu.memref_slice %arg11[%multiple_of3A_58] : memref<2048xi32, #tpu.memory_space<vmem>> -> memref<64xi32, #tpu.memory_space<vmem>>
    %dma_start3A_60 = arith.constant 0 : i32
    %dma_start3A_61 = arith.constant 0 : i32
    %dma_start3A_62 = tpu.memref_slice %arg2[%dma_start3A_60, %dma_start3A_61] : memref<100000x128xf32, #tpu.memory_space<hbm>> -> memref<100000x128xf32, #tpu.memory_space<hbm>>
    tpu.enqueue_indirect_dma source(%dma_start3A_62 : memref<100000x128xf32, #tpu.memory_space<hbm>>) target(%arg21 : memref<64x128xf32, #tpu.memory_space<vmem>>) offsets(%dma_start3A_59 : memref<64xi32, #tpu.memory_space<vmem>>) semaphore(%arg33 : memref<!tpu.dma_semaphore, #tpu.memory_space<semaphore_mem>>)
    %dma_start3A_63 = tpu.memref_slice %arg12[%multiple_of3A_58] : memref<2048xi32, #tpu.memory_space<vmem>> -> memref<64xi32, #tpu.memory_space<vmem>>
    %dma_start3A_64 = arith.constant 0 : i32
    %dma_start3A_65 = arith.constant 0 : i32
    %dma_start3A_66 = tpu.memref_slice %arg19[%dma_start3A_64, %dma_start3A_65] : memref<1024x128xf32, #tpu.memory_space<vmem_shared>> -> memref<1024x128xf32, #tpu.memory_space<vmem_shared>>
    tpu.enqueue_indirect_dma source(%dma_start3A_66 : memref<1024x128xf32, #tpu.memory_space<vmem_shared>>) target(%arg25 : memref<64x128xf32, #tpu.memory_space<vmem>>) offsets(%dma_start3A_63 : memref<64xi32, #tpu.memory_space<vmem>>) semaphore(%arg37 : memref<!tpu.dma_semaphore, #tpu.memory_space<semaphore_mem>>)
    %scan3A_67 = arith.constant 7.812500e-03 : f32
    %scan3A_68 = arith.constant 0 : i32
    %scan3A_69 = arith.constant 8 : i32
    %scan3A_70 = arith.addi %scan3A_68, %scan3A_69 : i32
    %scan3A_71 = arith.constant 1 : i32
    scf.for %scan3A_100 = %scan3A_68 to %scan3A_70 step %scan3A_71  : i32 {
      %mul3A_101 = arith.constant 4 : i32
      %mul3A_102 = arith.muli %scan3A_100, %mul3A_101 : i32
      %add3A_103 = arith.constant 0 : i32
      %add3A_104 = arith.addi %add3A_103, %mul3A_102 : i32
      %add3A_105 = arith.constant 0 : i32
      %add3A_106 = arith.addi %add3A_104, %add3A_105 : i32
      %add3A_107 = arith.constant 2 : i32
      %add3A_108 = arith.addi %add3A_106, %add3A_107 : i32
      %lt3A = arith.constant 32 : i32
      %lt3A_109 = arith.cmpi slt, %add3A_108, %lt3A : i32
      %convert_element_type3A = arith.extui %lt3A_109 : i1 to i32
      %cond3A = arith.constant 0 : i32
      %cond3A_110 = arith.cmpi ne, %convert_element_type3A, %cond3A : i32
      scf.if %cond3A_110 {
        %ge3A = arith.constant 2 : i32
        %ge3A_234 = arith.cmpi sge, %add3A_106, %ge3A : i32
        %convert_element_type3A_235 = arith.extui %ge3A_234 : i1 to i32
        %cond3A_236 = arith.constant 0 : i32
        %cond3A_237 = arith.cmpi ne, %convert_element_type3A_235, %cond3A_236 : i32
        scf.if %cond3A_237 {
          %sub3A = arith.constant 2 : i32
          %sub3A_251 = arith.subi %add3A_106, %sub3A : i32
          %mul3A_252 = arith.constant 64 : i32
          %mul3A_253 = arith.muli %sub3A_251, %mul3A_252 : i32
          %multiple_of3A_254 = tpu.assume_multiple %mul3A_253, 64 : i32
          %add3A_255 = arith.addi %mul3A_2, %multiple_of3A_254 : i32
          %dma_wait3A_256 = arith.constant 0 : i32
          %dma_wait3A_257 = tpu.memref_slice %arg10[%add3A_255, %dma_wait3A_256] : memref<65536x128xf32, #tpu.memory_space<hbm>> -> memref<64x128xf32, #tpu.memory_space<hbm>>
          %dma_wait3A_258 = arith.constant 0 : i32
          %dma_wait3A_259 = tpu.memref_slice %arg10[%add3A_255, %dma_wait3A_258] : memref<65536x128xf32, #tpu.memory_space<hbm>> -> memref<64x128xf32, #tpu.memory_space<hbm>>
          tpu.wait_dma2 semaphore(%arg42 : memref<!tpu.dma_semaphore, #tpu.memory_space<semaphore_mem>>) src(%arg30 : memref<64x128xf32, #tpu.memory_space<vmem>>) dst(%dma_wait3A_259 : memref<64x128xf32, #tpu.memory_space<hbm>>)
        } else {
        }
        %add3A_238 = arith.constant 2 : i32
        %add3A_239 = arith.addi %add3A_106, %add3A_238 : i32
        %mul3A_240 = arith.constant 64 : i32
        %mul3A_241 = arith.muli %add3A_239, %mul3A_240 : i32
        %multiple_of3A_242 = tpu.assume_multiple %mul3A_241, 64 : i32
        %dma_start3A_243 = tpu.memref_slice %arg11[%multiple_of3A_242] : memref<2048xi32, #tpu.memory_space<vmem>> -> memref<64xi32, #tpu.memory_space<vmem>>
        %dma_start3A_244 = arith.constant 0 : i32
        %dma_start3A_245 = arith.constant 0 : i32
        %dma_start3A_246 = tpu.memref_slice %arg2[%dma_start3A_244, %dma_start3A_245] : memref<100000x128xf32, #tpu.memory_space<hbm>> -> memref<100000x128xf32, #tpu.memory_space<hbm>>
        tpu.enqueue_indirect_dma source(%dma_start3A_246 : memref<100000x128xf32, #tpu.memory_space<hbm>>) target(%arg22 : memref<64x128xf32, #tpu.memory_space<vmem>>) offsets(%dma_start3A_243 : memref<64xi32, #tpu.memory_space<vmem>>) semaphore(%arg34 : memref<!tpu.dma_semaphore, #tpu.memory_space<semaphore_mem>>)
        %dma_start3A_247 = tpu.memref_slice %arg12[%multiple_of3A_242] : memref<2048xi32, #tpu.memory_space<vmem>> -> memref<64xi32, #tpu.memory_space<vmem>>
        %dma_start3A_248 = arith.constant 0 : i32
        %dma_start3A_249 = arith.constant 0 : i32
        %dma_start3A_250 = tpu.memref_slice %arg19[%dma_start3A_248, %dma_start3A_249] : memref<1024x128xf32, #tpu.memory_space<vmem_shared>> -> memref<1024x128xf32, #tpu.memory_space<vmem_shared>>
        tpu.enqueue_indirect_dma source(%dma_start3A_250 : memref<1024x128xf32, #tpu.memory_space<vmem_shared>>) target(%arg26 : memref<64x128xf32, #tpu.memory_space<vmem>>) offsets(%dma_start3A_247 : memref<64xi32, #tpu.memory_space<vmem>>) semaphore(%arg38 : memref<!tpu.dma_semaphore, #tpu.memory_space<semaphore_mem>>)
      } else {
      }
      %mul3A_111 = arith.constant 64 : i32
      %mul3A_112 = arith.muli %add3A_106, %mul3A_111 : i32
      %multiple_of3A_113 = tpu.assume_multiple %mul3A_112, 64 : i32
      %dma_wait3A_114 = tpu.memref_slice %arg11[%multiple_of3A_113] : memref<2048xi32, #tpu.memory_space<vmem>> -> memref<64xi32, #tpu.memory_space<vmem>>
      %dma_wait3A_115 = arith.constant 0 : i32
      %dma_wait3A_116 = arith.constant 0 : i32
      %dma_wait3A_117 = tpu.memref_slice %arg2[%dma_wait3A_115, %dma_wait3A_116] : memref<100000x128xf32, #tpu.memory_space<hbm>> -> memref<100000x128xf32, #tpu.memory_space<hbm>>
      tpu.wait_indirect_dma semaphore(%arg32 : memref<!tpu.dma_semaphore, #tpu.memory_space<semaphore_mem>>) src(%dma_wait3A_117 : memref<100000x128xf32, #tpu.memory_space<hbm>>) dst(%arg20 : memref<64x128xf32, #tpu.memory_space<vmem>>)
      %dma_wait3A_118 = tpu.memref_slice %arg12[%multiple_of3A_113] : memref<2048xi32, #tpu.memory_space<vmem>> -> memref<64xi32, #tpu.memory_space<vmem>>
      %dma_wait3A_119 = arith.constant 0 : i32
      %dma_wait3A_120 = arith.constant 0 : i32
      %dma_wait3A_121 = tpu.memref_slice %arg19[%dma_wait3A_119, %dma_wait3A_120] : memref<1024x128xf32, #tpu.memory_space<vmem_shared>> -> memref<1024x128xf32, #tpu.memory_space<vmem_shared>>
      tpu.wait_indirect_dma semaphore(%arg36 : memref<!tpu.dma_semaphore, #tpu.memory_space<semaphore_mem>>) src(%dma_wait3A_121 : memref<1024x128xf32, #tpu.memory_space<vmem_shared>>) dst(%arg24 : memref<64x128xf32, #tpu.memory_space<vmem>>)
      %scan3A_122 = arith.constant 0 : i32
      %scan3A_123 = arith.constant 32 : i32
      %scan3A_124 = arith.addi %scan3A_122, %scan3A_123 : i32
      %scan3A_125 = arith.constant 1 : i32
      scf.for %scan3A_234 = %scan3A_122 to %scan3A_124 step %scan3A_125  : i32 {
        %mul3A_235 = arith.constant 2 : i32
        %mul3A_236 = arith.muli %scan3A_234, %mul3A_235 : i32
        %add3A_237 = arith.constant 0 : i32
        %add3A_238 = arith.addi %add3A_237, %mul3A_236 : i32
        %get3A_239 = arith.index_cast %add3A_238 : i32 to index
        %get3A_240 = arith.constant 0 : index
        %get3A_241 = tpu.vector_load %arg20[%get3A_239, %get3A_240] {strides = array<i32>} : memref<64x128xf32, #tpu.memory_space<vmem>>, vector<16xf32>,
        %get3A_242 = arith.index_cast %add3A_238 : i32 to index
        %get3A_243 = arith.constant 0 : index
        %get3A_244 = tpu.vector_load %arg24[%get3A_242, %get3A_243] {strides = array<i32>} : memref<64x128xf32, #tpu.memory_space<vmem>>, vector<16xf32>,
        %add3A_245 = arith.addf %get3A_241, %get3A_244 : vector<16xf32>
        %get3A_246 = arith.index_cast %add3A_238 : i32 to index
        %get3A_247 = arith.constant 16 : index
        %get3A_248 = tpu.vector_load %arg20[%get3A_246, %get3A_247] {strides = array<i32>} : memref<64x128xf32, #tpu.memory_space<vmem>>, vector<16xf32>,
        %get3A_249 = arith.index_cast %add3A_238 : i32 to index
        %get3A_250 = arith.constant 16 : index
        %get3A_251 = tpu.vector_load %arg24[%get3A_249, %get3A_250] {strides = array<i32>} : memref<64x128xf32, #tpu.memory_space<vmem>>, vector<16xf32>,
        %add3A_252 = arith.addf %get3A_248, %get3A_251 : vector<16xf32>
        %get3A_253 = arith.index_cast %add3A_238 : i32 to index
        %get3A_254 = arith.constant 32 : index
        %get3A_255 = tpu.vector_load %arg20[%get3A_253, %get3A_254] {strides = array<i32>} : memref<64x128xf32, #tpu.memory_space<vmem>>, vector<16xf32>,
        %get3A_256 = arith.index_cast %add3A_238 : i32 to index
        %get3A_257 = arith.constant 32 : index
        %get3A_258 = tpu.vector_load %arg24[%get3A_256, %get3A_257] {strides = array<i32>} : memref<64x128xf32, #tpu.memory_space<vmem>>, vector<16xf32>,
        %add3A_259 = arith.addf %get3A_255, %get3A_258 : vector<16xf32>
        %get3A_260 = arith.index_cast %add3A_238 : i32 to index
        %get3A_261 = arith.constant 48 : index
        %get3A_262 = tpu.vector_load %arg20[%get3A_260, %get3A_261] {strides = array<i32>} : memref<64x128xf32, #tpu.memory_space<vmem>>, vector<16xf32>,
        %get3A_263 = arith.index_cast %add3A_238 : i32 to index
        %get3A_264 = arith.constant 48 : index
        %get3A_265 = tpu.vector_load %arg24[%get3A_263, %get3A_264] {strides = array<i32>} : memref<64x128xf32, #tpu.memory_space<vmem>>, vector<16xf32>,
        %add3A_266 = arith.addf %get3A_262, %get3A_265 : vector<16xf32>
        %get3A_267 = arith.index_cast %add3A_238 : i32 to index
        %get3A_268 = arith.constant 64 : index
        %get3A_269 = tpu.vector_load %arg20[%get3A_267, %get3A_268] {strides = array<i32>} : memref<64x128xf32, #tpu.memory_space<vmem>>, vector<16xf32>,
        %get3A_270 = arith.index_cast %add3A_238 : i32 to index
        %get3A_271 = arith.constant 64 : index
        %get3A_272 = tpu.vector_load %arg24[%get3A_270, %get3A_271] {strides = array<i32>} : memref<64x128xf32, #tpu.memory_space<vmem>>, vector<16xf32>,
        %add3A_273 = arith.addf %get3A_269, %get3A_272 : vector<16xf32>
        %get3A_274 = arith.index_cast %add3A_238 : i32 to index
        %get3A_275 = arith.constant 80 : index
        %get3A_276 = tpu.vector_load %arg20[%get3A_274, %get3A_275] {strides = array<i32>} : memref<64x128xf32, #tpu.memory_space<vmem>>, vector<16xf32>,
        %get3A_277 = arith.index_cast %add3A_238 : i32 to index
        %get3A_278 = arith.constant 80 : index
        %get3A_279 = tpu.vector_load %arg24[%get3A_277, %get3A_278] {strides = array<i32>} : memref<64x128xf32, #tpu.memory_space<vmem>>, vector<16xf32>,
        %add3A_280 = arith.addf %get3A_276, %get3A_279 : vector<16xf32>
        %get3A_281 = arith.index_cast %add3A_238 : i32 to index
        %get3A_282 = arith.constant 96 : index
        %get3A_283 = tpu.vector_load %arg20[%get3A_281, %get3A_282] {strides = array<i32>} : memref<64x128xf32, #tpu.memory_space<vmem>>, vector<16xf32>,
        %get3A_284 = arith.index_cast %add3A_238 : i32 to index
        %get3A_285 = arith.constant 96 : index
        %get3A_286 = tpu.vector_load %arg24[%get3A_284, %get3A_285] {strides = array<i32>} : memref<64x128xf32, #tpu.memory_space<vmem>>, vector<16xf32>,
        %add3A_287 = arith.addf %get3A_283, %get3A_286 : vector<16xf32>
        %get3A_288 = arith.index_cast %add3A_238 : i32 to index
        %get3A_289 = arith.constant 112 : index
        %get3A_290 = tpu.vector_load %arg20[%get3A_288, %get3A_289] {strides = array<i32>} : memref<64x128xf32, #tpu.memory_space<vmem>>, vector<16xf32>,
        %get3A_291 = arith.index_cast %add3A_238 : i32 to index
        %get3A_292 = arith.constant 112 : index
        %get3A_293 = tpu.vector_load %arg24[%get3A_291, %get3A_292] {strides = array<i32>} : memref<64x128xf32, #tpu.memory_space<vmem>>, vector<16xf32>,
        %add3A_294 = arith.addf %get3A_290, %get3A_293 : vector<16xf32>
        %mul3A_295 = arith.mulf %add3A_245, %add3A_245 : vector<16xf32>
        %add3A_296 = arith.addf %add3A_245, %add3A_252 : vector<16xf32>
        %mul3A_297 = arith.mulf %add3A_252, %add3A_252 : vector<16xf32>
        %add3A_298 = arith.addf %mul3A_295, %mul3A_297 : vector<16xf32>
        %add3A_299 = arith.addf %add3A_296, %add3A_259 : vector<16xf32>
        %mul3A_300 = arith.mulf %add3A_259, %add3A_259 : vector<16xf32>
        %add3A_301 = arith.addf %add3A_298, %mul3A_300 : vector<16xf32>
        %add3A_302 = arith.addf %add3A_299, %add3A_266 : vector<16xf32>
        %mul3A_303 = arith.mulf %add3A_266, %add3A_266 : vector<16xf32>
        %add3A_304 = arith.addf %add3A_301, %mul3A_303 : vector<16xf32>
        %add3A_305 = arith.addf %add3A_302, %add3A_273 : vector<16xf32>
        %mul3A_306 = arith.mulf %add3A_273, %add3A_273 : vector<16xf32>
        %add3A_307 = arith.addf %add3A_304, %mul3A_306 : vector<16xf32>
        %add3A_308 = arith.addf %add3A_305, %add3A_280 : vector<16xf32>
        %mul3A_309 = arith.mulf %add3A_280, %add3A_280 : vector<16xf32>
        %add3A_310 = arith.addf %add3A_307, %mul3A_309 : vector<16xf32>
        %add3A_311 = arith.addf %add3A_308, %add3A_287 : vector<16xf32>
        %mul3A_312 = arith.mulf %add3A_287, %add3A_287 : vector<16xf32>
        %add3A_313 = arith.addf %add3A_310, %mul3A_312 : vector<16xf32>
        %add3A_314 = arith.addf %add3A_311, %add3A_294 : vector<16xf32>
        %mul3A_315 = arith.mulf %add3A_294, %add3A_294 : vector<16xf32>
        %add3A_316 = arith.addf %add3A_313, %mul3A_315 : vector<16xf32>
        %reduce_sum3A = arith.constant true
        %reduce_sum3A_317 = vector.broadcast %reduce_sum3A : i1 to vector<16xi1>
        %reduce_sum3A_318 = tpu.scan <sum>, %add3A_314 masked %reduce_sum3A_317 : vector<16xf32>, vector<16xi1> -> vector<16xf32>
        %reduce_sum3A_319 = vector.extract %reduce_sum3A_318[15] : f32 from vector<16xf32>
        %mul3A_320 = arith.mulf %reduce_sum3A_319, %scan3A_67 : f32
        %reduce_sum3A_321 = arith.constant true
        %reduce_sum3A_322 = vector.broadcast %reduce_sum3A_321 : i1 to vector<16xi1>
        %reduce_sum3A_323 = tpu.scan <sum>, %add3A_316 masked %reduce_sum3A_322 : vector<16xf32>, vector<16xi1> -> vector<16xf32>
        %reduce_sum3A_324 = vector.extract %reduce_sum3A_323[15] : f32 from vector<16xf32>
        %mul3A_325 = arith.mulf %reduce_sum3A_324, %scan3A_67 : f32
        %mul3A_326 = arith.mulf %mul3A_320, %mul3A_320 : f32
        %sub3A = arith.subf %mul3A_325, %mul3A_326 : f32
        %add3A_327 = arith.constant 9.99999996E-13 : f32
        %add3A_328 = arith.addf %sub3A, %add3A_327 : f32
        %broadcast_in_dim3A = vector.broadcast %add3A_328 : f32 to vector<16xf32>
        %bitcast_convert_type3A = tpu.bitcast %broadcast_in_dim3A : vector<16xf32> -> vector<16xi32>
        %shift_right_logical3A = arith.constant 1 : i32
        %shift_right_logical3A_329 = vector.broadcast %shift_right_logical3A : i32 to vector<16xi32>
        %shift_right_logical3A_330 = arith.shrui %bitcast_convert_type3A, %shift_right_logical3A_329 : vector<16xi32>
        %sub3A_331 = arith.constant 1597463007 : i32
        %sub3A_332 = vector.broadcast %sub3A_331 : i32 to vector<16xi32>
        %sub3A_333 = arith.subi %sub3A_332, %shift_right_logical3A_330 : vector<16xi32>
        %bitcast_convert_type3A_334 = tpu.bitcast %sub3A_333 : vector<16xi32> -> vector<16xf32>
        %mul3A_335 = arith.constant 5.000000e-01 : f32
        %mul3A_336 = vector.broadcast %mul3A_335 : f32 to vector<16xf32>
        %mul3A_337 = arith.mulf %mul3A_336, %broadcast_in_dim3A : vector<16xf32>
        %mul3A_338 = arith.mulf %mul3A_337, %bitcast_convert_type3A_334 : vector<16xf32>
        %mul3A_339 = arith.mulf %mul3A_338, %bitcast_convert_type3A_334 : vector<16xf32>
        %sub3A_340 = arith.constant 1.500000e+00 : f32
        %sub3A_341 = vector.broadcast %sub3A_340 : f32 to vector<16xf32>
        %sub3A_342 = arith.subf %sub3A_341, %mul3A_339 : vector<16xf32>
        %mul3A_343 = arith.mulf %bitcast_convert_type3A_334, %sub3A_342 : vector<16xf32>
        %mul3A_344 = arith.constant 5.000000e-01 : f32
        %mul3A_345 = vector.broadcast %mul3A_344 : f32 to vector<16xf32>
        %mul3A_346 = arith.mulf %mul3A_345, %broadcast_in_dim3A : vector<16xf32>
        %mul3A_347 = arith.mulf %mul3A_346, %mul3A_343 : vector<16xf32>
        %mul3A_348 = arith.mulf %mul3A_347, %mul3A_343 : vector<16xf32>
        %sub3A_349 = arith.constant 1.500000e+00 : f32
        %sub3A_350 = vector.broadcast %sub3A_349 : f32 to vector<16xf32>
        %sub3A_351 = arith.subf %sub3A_350, %mul3A_348 : vector<16xf32>
        %mul3A_352 = arith.mulf %mul3A_343, %sub3A_351 : vector<16xf32>
        %mul3A_353 = arith.constant 5.000000e-01 : f32
        %mul3A_354 = vector.broadcast %mul3A_353 : f32 to vector<16xf32>
        %mul3A_355 = arith.mulf %mul3A_354, %broadcast_in_dim3A : vector<16xf32>
        %mul3A_356 = arith.mulf %mul3A_355, %mul3A_352 : vector<16xf32>
        %mul3A_357 = arith.mulf %mul3A_356, %mul3A_352 : vector<16xf32>
        %sub3A_358 = arith.constant 1.500000e+00 : f32
        %sub3A_359 = vector.broadcast %sub3A_358 : f32 to vector<16xf32>
        %sub3A_360 = arith.subf %sub3A_359, %mul3A_357 : vector<16xf32>
        %mul3A_361 = arith.mulf %mul3A_352, %sub3A_360 : vector<16xf32>
        %broadcast_in_dim3A_362 = vector.broadcast %mul3A_320 : f32 to vector<16xf32>
        %sub3A_363 = arith.subf %add3A_245, %broadcast_in_dim3A_362 : vector<16xf32>
        %mul3A_364 = arith.mulf %mul3A_361, %get3A_18 : vector<16xf32>
        %mul3A_365 = arith.mulf %sub3A_363, %mul3A_364 : vector<16xf32>
        %add3A_366 = arith.addf %mul3A_365, %get3A_34 : vector<16xf32>
        %swap3A = arith.index_cast %add3A_238 : i32 to index
        %swap3A_367 = arith.constant 0 : index
        %swap3A_368 = tpu.vector_load %arg28[%swap3A, %swap3A_367] {strides = array<i32>} : memref<64x128xf32, #tpu.memory_space<vmem>>, vector<16xf32>,
        tpu.vector_store %arg28[%swap3A, %swap3A_367], %add3A_366 {strides = array<i32>} : memref<64x128xf32, #tpu.memory_space<vmem>>, vector<16xf32>,
        %sub3A_369 = arith.subf %add3A_252, %broadcast_in_dim3A_362 : vector<16xf32>
        %mul3A_370 = arith.mulf %mul3A_361, %get3A_20 : vector<16xf32>
        %mul3A_371 = arith.mulf %sub3A_369, %mul3A_370 : vector<16xf32>
        %add3A_372 = arith.addf %mul3A_371, %get3A_36 : vector<16xf32>
        %swap3A_373 = arith.index_cast %add3A_238 : i32 to index
        %swap3A_374 = arith.constant 16 : index
        %swap3A_375 = tpu.vector_load %arg28[%swap3A_373, %swap3A_374] {strides = array<i32>} : memref<64x128xf32, #tpu.memory_space<vmem>>, vector<16xf32>,
        tpu.vector_store %arg28[%swap3A_373, %swap3A_374], %add3A_372 {strides = array<i32>} : memref<64x128xf32, #tpu.memory_space<vmem>>, vector<16xf32>,
        %sub3A_376 = arith.subf %add3A_259, %broadcast_in_dim3A_362 : vector<16xf32>
        %mul3A_377 = arith.mulf %mul3A_361, %get3A_22 : vector<16xf32>
        %mul3A_378 = arith.mulf %sub3A_376, %mul3A_377 : vector<16xf32>
        %add3A_379 = arith.addf %mul3A_378, %get3A_38 : vector<16xf32>
        %swap3A_380 = arith.index_cast %add3A_238 : i32 to index
        %swap3A_381 = arith.constant 32 : index
        %swap3A_382 = tpu.vector_load %arg28[%swap3A_380, %swap3A_381] {strides = array<i32>} : memref<64x128xf32, #tpu.memory_space<vmem>>, vector<16xf32>,
        tpu.vector_store %arg28[%swap3A_380, %swap3A_381], %add3A_379 {strides = array<i32>} : memref<64x128xf32, #tpu.memory_space<vmem>>, vector<16xf32>,
        %sub3A_383 = arith.subf %add3A_266, %broadcast_in_dim3A_362 : vector<16xf32>
        %mul3A_384 = arith.mulf %mul3A_361, %get3A_24 : vector<16xf32>
        %mul3A_385 = arith.mulf %sub3A_383, %mul3A_384 : vector<16xf32>
        %add3A_386 = arith.addf %mul3A_385, %get3A_40 : vector<16xf32>
        %swap3A_387 = arith.index_cast %add3A_238 : i32 to index
        %swap3A_388 = arith.constant 48 : index
        %swap3A_389 = tpu.vector_load %arg28[%swap3A_387, %swap3A_388] {strides = array<i32>} : memref<64x128xf32, #tpu.memory_space<vmem>>, vector<16xf32>,
        tpu.vector_store %arg28[%swap3A_387, %swap3A_388], %add3A_386 {strides = array<i32>} : memref<64x128xf32, #tpu.memory_space<vmem>>, vector<16xf32>,
        %sub3A_390 = arith.subf %add3A_273, %broadcast_in_dim3A_362 : vector<16xf32>
        %mul3A_391 = arith.mulf %mul3A_361, %get3A_26 : vector<16xf32>
        %mul3A_392 = arith.mulf %sub3A_390, %mul3A_391 : vector<16xf32>
        %add3A_393 = arith.addf %mul3A_392, %get3A_42 : vector<16xf32>
        %swap3A_394 = arith.index_cast %add3A_238 : i32 to index
        %swap3A_395 = arith.constant 64 : index
        %swap3A_396 = tpu.vector_load %arg28[%swap3A_394, %swap3A_395] {strides = array<i32>} : memref<64x128xf32, #tpu.memory_space<vmem>>, vector<16xf32>,
        tpu.vector_store %arg28[%swap3A_394, %swap3A_395], %add3A_393 {strides = array<i32>} : memref<64x128xf32, #tpu.memory_space<vmem>>, vector<16xf32>,
        %sub3A_397 = arith.subf %add3A_280, %broadcast_in_dim3A_362 : vector<16xf32>
        %mul3A_398 = arith.mulf %mul3A_361, %get3A_28 : vector<16xf32>
        %mul3A_399 = arith.mulf %sub3A_397, %mul3A_398 : vector<16xf32>
        %add3A_400 = arith.addf %mul3A_399, %get3A_44 : vector<16xf32>
        %swap3A_401 = arith.index_cast %add3A_238 : i32 to index
        %swap3A_402 = arith.constant 80 : index
        %swap3A_403 = tpu.vector_load %arg28[%swap3A_401, %swap3A_402] {strides = array<i32>} : memref<64x128xf32, #tpu.memory_space<vmem>>, vector<16xf32>,
        tpu.vector_store %arg28[%swap3A_401, %swap3A_402], %add3A_400 {strides = array<i32>} : memref<64x128xf32, #tpu.memory_space<vmem>>, vector<16xf32>,
        %sub3A_404 = arith.subf %add3A_287, %broadcast_in_dim3A_362 : vector<16xf32>
        %mul3A_405 = arith.mulf %mul3A_361, %get3A_30 : vector<16xf32>
        %mul3A_406 = arith.mulf %sub3A_404, %mul3A_405 : vector<16xf32>
        %add3A_407 = arith.addf %mul3A_406, %get3A_46 : vector<16xf32>
        %swap3A_408 = arith.index_cast %add3A_238 : i32 to index
        %swap3A_409 = arith.constant 96 : index
        %swap3A_410 = tpu.vector_load %arg28[%swap3A_408, %swap3A_409] {strides = array<i32>} : memref<64x128xf32, #tpu.memory_space<vmem>>, vector<16xf32>,
        tpu.vector_store %arg28[%swap3A_408, %swap3A_409], %add3A_407 {strides = array<i32>} : memref<64x128xf32, #tpu.memory_space<vmem>>, vector<16xf32>,
        %sub3A_411 = arith.subf %add3A_294, %broadcast_in_dim3A_362 : vector<16xf32>
        %mul3A_412 = arith.mulf %mul3A_361, %get3A_32 : vector<16xf32>
        %mul3A_413 = arith.mulf %sub3A_411, %mul3A_412 : vector<16xf32>
        %add3A_414 = arith.addf %mul3A_413, %get3A_48 : vector<16xf32>
        %swap3A_415 = arith.index_cast %add3A_238 : i32 to index
        %swap3A_416 = arith.constant 112 : index
        %swap3A_417 = tpu.vector_load %arg28[%swap3A_415, %swap3A_416] {strides = array<i32>} : memref<64x128xf32, #tpu.memory_space<vmem>>, vector<16xf32>,
        tpu.vector_store %arg28[%swap3A_415, %swap3A_416], %add3A_414 {strides = array<i32>} : memref<64x128xf32, #tpu.memory_space<vmem>>, vector<16xf32>,
        %add3A_418 = arith.constant 1 : i32
        %add3A_419 = arith.addi %add3A_238, %add3A_418 : i32
        %get3A_420 = arith.index_cast %add3A_419 : i32 to index
        %get3A_421 = arith.constant 0 : index
        %get3A_422 = tpu.vector_load %arg20[%get3A_420, %get3A_421] {strides = array<i32>} : memref<64x128xf32, #tpu.memory_space<vmem>>, vector<16xf32>,
        %get3A_423 = arith.index_cast %add3A_419 : i32 to index
        %get3A_424 = arith.constant 0 : index
        %get3A_425 = tpu.vector_load %arg24[%get3A_423, %get3A_424] {strides = array<i32>} : memref<64x128xf32, #tpu.memory_space<vmem>>, vector<16xf32>,
        %add3A_426 = arith.addf %get3A_422, %get3A_425 : vector<16xf32>
        %get3A_427 = arith.index_cast %add3A_419 : i32 to index
        %get3A_428 = arith.constant 16 : index
        %get3A_429 = tpu.vector_load %arg20[%get3A_427, %get3A_428] {strides = array<i32>} : memref<64x128xf32, #tpu.memory_space<vmem>>, vector<16xf32>,
        %get3A_430 = arith.index_cast %add3A_419 : i32 to index
        %get3A_431 = arith.constant 16 : index
        %get3A_432 = tpu.vector_load %arg24[%get3A_430, %get3A_431] {strides = array<i32>} : memref<64x128xf32, #tpu.memory_space<vmem>>, vector<16xf32>,
        %add3A_433 = arith.addf %get3A_429, %get3A_432 : vector<16xf32>
        %get3A_434 = arith.index_cast %add3A_419 : i32 to index
        %get3A_435 = arith.constant 32 : index
        %get3A_436 = tpu.vector_load %arg20[%get3A_434, %get3A_435] {strides = array<i32>} : memref<64x128xf32, #tpu.memory_space<vmem>>, vector<16xf32>,
        %get3A_437 = arith.index_cast %add3A_419 : i32 to index
        %get3A_438 = arith.constant 32 : index
        %get3A_439 = tpu.vector_load %arg24[%get3A_437, %get3A_438] {strides = array<i32>} : memref<64x128xf32, #tpu.memory_space<vmem>>, vector<16xf32>,
        %add3A_440 = arith.addf %get3A_436, %get3A_439 : vector<16xf32>
        %get3A_441 = arith.index_cast %add3A_419 : i32 to index
        %get3A_442 = arith.constant 48 : index
        %get3A_443 = tpu.vector_load %arg20[%get3A_441, %get3A_442] {strides = array<i32>} : memref<64x128xf32, #tpu.memory_space<vmem>>, vector<16xf32>,
        %get3A_444 = arith.index_cast %add3A_419 : i32 to index
        %get3A_445 = arith.constant 48 : index
        %get3A_446 = tpu.vector_load %arg24[%get3A_444, %get3A_445] {strides = array<i32>} : memref<64x128xf32, #tpu.memory_space<vmem>>, vector<16xf32>,
        %add3A_447 = arith.addf %get3A_443, %get3A_446 : vector<16xf32>
        %get3A_448 = arith.index_cast %add3A_419 : i32 to index
        %get3A_449 = arith.constant 64 : index
        %get3A_450 = tpu.vector_load %arg20[%get3A_448, %get3A_449] {strides = array<i32>} : memref<64x128xf32, #tpu.memory_space<vmem>>, vector<16xf32>,
        %get3A_451 = arith.index_cast %add3A_419 : i32 to index
        %get3A_452 = arith.constant 64 : index
        %get3A_453 = tpu.vector_load %arg24[%get3A_451, %get3A_452] {strides = array<i32>} : memref<64x128xf32, #tpu.memory_space<vmem>>, vector<16xf32>,
        %add3A_454 = arith.addf %get3A_450, %get3A_453 : vector<16xf32>
        %get3A_455 = arith.index_cast %add3A_419 : i32 to index
        %get3A_456 = arith.constant 80 : index
        %get3A_457 = tpu.vector_load %arg20[%get3A_455, %get3A_456] {strides = array<i32>} : memref<64x128xf32, #tpu.memory_space<vmem>>, vector<16xf32>,
        %get3A_458 = arith.index_cast %add3A_419 : i32 to index
        %get3A_459 = arith.constant 80 : index
        %get3A_460 = tpu.vector_load %arg24[%get3A_458, %get3A_459] {strides = array<i32>} : memref<64x128xf32, #tpu.memory_space<vmem>>, vector<16xf32>,
        %add3A_461 = arith.addf %get3A_457, %get3A_460 : vector<16xf32>
        %get3A_462 = arith.index_cast %add3A_419 : i32 to index
        %get3A_463 = arith.constant 96 : index
        %get3A_464 = tpu.vector_load %arg20[%get3A_462, %get3A_463] {strides = array<i32>} : memref<64x128xf32, #tpu.memory_space<vmem>>, vector<16xf32>,
        %get3A_465 = arith.index_cast %add3A_419 : i32 to index
        %get3A_466 = arith.constant 96 : index
        %get3A_467 = tpu.vector_load %arg24[%get3A_465, %get3A_466] {strides = array<i32>} : memref<64x128xf32, #tpu.memory_space<vmem>>, vector<16xf32>,
        %add3A_468 = arith.addf %get3A_464, %get3A_467 : vector<16xf32>
        %get3A_469 = arith.index_cast %add3A_419 : i32 to index
        %get3A_470 = arith.constant 112 : index
        %get3A_471 = tpu.vector_load %arg20[%get3A_469, %get3A_470] {strides = array<i32>} : memref<64x128xf32, #tpu.memory_space<vmem>>, vector<16xf32>,
        %get3A_472 = arith.index_cast %add3A_419 : i32 to index
        %get3A_473 = arith.constant 112 : index
        %get3A_474 = tpu.vector_load %arg24[%get3A_472, %get3A_473] {strides = array<i32>} : memref<64x128xf32, #tpu.memory_space<vmem>>, vector<16xf32>,
        %add3A_475 = arith.addf %get3A_471, %get3A_474 : vector<16xf32>
        %mul3A_476 = arith.mulf %add3A_426, %add3A_426 : vector<16xf32>
        %add3A_477 = arith.addf %add3A_426, %add3A_433 : vector<16xf32>
        %mul3A_478 = arith.mulf %add3A_433, %add3A_433 : vector<16xf32>
        %add3A_479 = arith.addf %mul3A_476, %mul3A_478 : vector<16xf32>
        %add3A_480 = arith.addf %add3A_477, %add3A_440 : vector<16xf32>
        %mul3A_481 = arith.mulf %add3A_440, %add3A_440 : vector<16xf32>
        %add3A_482 = arith.addf %add3A_479, %mul3A_481 : vector<16xf32>
        %add3A_483 = arith.addf %add3A_480, %add3A_447 : vector<16xf32>
        %mul3A_484 = arith.mulf %add3A_447, %add3A_447 : vector<16xf32>
        %add3A_485 = arith.addf %add3A_482, %mul3A_484 : vector<16xf32>
        %add3A_486 = arith.addf %add3A_483, %add3A_454 : vector<16xf32>
        %mul3A_487 = arith.mulf %add3A_454, %add3A_454 : vector<16xf32>
        %add3A_488 = arith.addf %add3A_485, %mul3A_487 : vector<16xf32>
        %add3A_489 = arith.addf %add3A_486, %add3A_461 : vector<16xf32>
        %mul3A_490 = arith.mulf %add3A_461, %add3A_461 : vector<16xf32>
        %add3A_491 = arith.addf %add3A_488, %mul3A_490 : vector<16xf32>
        %add3A_492 = arith.addf %add3A_489, %add3A_468 : vector<16xf32>
        %mul3A_493 = arith.mulf %add3A_468, %add3A_468 : vector<16xf32>
        %add3A_494 = arith.addf %add3A_491, %mul3A_493 : vector<16xf32>
        %add3A_495 = arith.addf %add3A_492, %add3A_475 : vector<16xf32>
        %mul3A_496 = arith.mulf %add3A_475, %add3A_475 : vector<16xf32>
        %add3A_497 = arith.addf %add3A_494, %mul3A_496 : vector<16xf32>
        %reduce_sum3A_498 = arith.constant true
        %reduce_sum3A_499 = vector.broadcast %reduce_sum3A_498 : i1 to vector<16xi1>
        %reduce_sum3A_500 = tpu.scan <sum>, %add3A_495 masked %reduce_sum3A_499 : vector<16xf32>, vector<16xi1> -> vector<16xf32>
        %reduce_sum3A_501 = vector.extract %reduce_sum3A_500[15] : f32 from vector<16xf32>
        %mul3A_502 = arith.mulf %reduce_sum3A_501, %scan3A_67 : f32
        %reduce_sum3A_503 = arith.constant true
        %reduce_sum3A_504 = vector.broadcast %reduce_sum3A_503 : i1 to vector<16xi1>
        %reduce_sum3A_505 = tpu.scan <sum>, %add3A_497 masked %reduce_sum3A_504 : vector<16xf32>, vector<16xi1> -> vector<16xf32>
        %reduce_sum3A_506 = vector.extract %reduce_sum3A_505[15] : f32 from vector<16xf32>
        %mul3A_507 = arith.mulf %reduce_sum3A_506, %scan3A_67 : f32
        %mul3A_508 = arith.mulf %mul3A_502, %mul3A_502 : f32
        %sub3A_509 = arith.subf %mul3A_507, %mul3A_508 : f32
        %add3A_510 = arith.constant 9.99999996E-13 : f32
        %add3A_511 = arith.addf %sub3A_509, %add3A_510 : f32
        %broadcast_in_dim3A_512 = vector.broadcast %add3A_511 : f32 to vector<16xf32>
        %bitcast_convert_type3A_513 = tpu.bitcast %broadcast_in_dim3A_512 : vector<16xf32> -> vector<16xi32>
        %shift_right_logical3A_514 = arith.constant 1 : i32
        %shift_right_logical3A_515 = vector.broadcast %shift_right_logical3A_514 : i32 to vector<16xi32>
        %shift_right_logical3A_516 = arith.shrui %bitcast_convert_type3A_513, %shift_right_logical3A_515 : vector<16xi32>
        %sub3A_517 = arith.constant 1597463007 : i32
        %sub3A_518 = vector.broadcast %sub3A_517 : i32 to vector<16xi32>
        %sub3A_519 = arith.subi %sub3A_518, %shift_right_logical3A_516 : vector<16xi32>
        %bitcast_convert_type3A_520 = tpu.bitcast %sub3A_519 : vector<16xi32> -> vector<16xf32>
        %mul3A_521 = arith.constant 5.000000e-01 : f32
        %mul3A_522 = vector.broadcast %mul3A_521 : f32 to vector<16xf32>
        %mul3A_523 = arith.mulf %mul3A_522, %broadcast_in_dim3A_512 : vector<16xf32>
        %mul3A_524 = arith.mulf %mul3A_523, %bitcast_convert_type3A_520 : vector<16xf32>
        %mul3A_525 = arith.mulf %mul3A_524, %bitcast_convert_type3A_520 : vector<16xf32>
        %sub3A_526 = arith.constant 1.500000e+00 : f32
        %sub3A_527 = vector.broadcast %sub3A_526 : f32 to vector<16xf32>
        %sub3A_528 = arith.subf %sub3A_527, %mul3A_525 : vector<16xf32>
        %mul3A_529 = arith.mulf %bitcast_convert_type3A_520, %sub3A_528 : vector<16xf32>
        %mul3A_530 = arith.constant 5.000000e-01 : f32
        %mul3A_531 = vector.broadcast %mul3A_530 : f32 to vector<16xf32>
        %mul3A_532 = arith.mulf %mul3A_531, %broadcast_in_dim3A_512 : vector<16xf32>
        %mul3A_533 = arith.mulf %mul3A_532, %mul3A_529 : vector<16xf32>
        %mul3A_534 = arith.mulf %mul3A_533, %mul3A_529 : vector<16xf32>
        %sub3A_535 = arith.constant 1.500000e+00 : f32
        %sub3A_536 = vector.broadcast %sub3A_535 : f32 to vector<16xf32>
        %sub3A_537 = arith.subf %sub3A_536, %mul3A_534 : vector<16xf32>
        %mul3A_538 = arith.mulf %mul3A_529, %sub3A_537 : vector<16xf32>
        %mul3A_539 = arith.constant 5.000000e-01 : f32
        %mul3A_540 = vector.broadcast %mul3A_539 : f32 to vector<16xf32>
        %mul3A_541 = arith.mulf %mul3A_540, %broadcast_in_dim3A_512 : vector<16xf32>
        %mul3A_542 = arith.mulf %mul3A_541, %mul3A_538 : vector<16xf32>
        %mul3A_543 = arith.mulf %mul3A_542, %mul3A_538 : vector<16xf32>
        %sub3A_544 = arith.constant 1.500000e+00 : f32
        %sub3A_545 = vector.broadcast %sub3A_544 : f32 to vector<16xf32>
        %sub3A_546 = arith.subf %sub3A_545, %mul3A_543 : vector<16xf32>
        %mul3A_547 = arith.mulf %mul3A_538, %sub3A_546 : vector<16xf32>
        %broadcast_in_dim3A_548 = vector.broadcast %mul3A_502 : f32 to vector<16xf32>
        %sub3A_549 = arith.subf %add3A_426, %broadcast_in_dim3A_548 : vector<16xf32>
        %mul3A_550 = arith.mulf %mul3A_547, %get3A_18 : vector<16xf32>
        %mul3A_551 = arith.mulf %sub3A_549, %mul3A_550 : vector<16xf32>
        %add3A_552 = arith.addf %mul3A_551, %get3A_34 : vector<16xf32>
        %swap3A_553 = arith.index_cast %add3A_419 : i32 to index
        %swap3A_554 = arith.constant 0 : index
        %swap3A_555 = tpu.vector_load %arg28[%swap3A_553, %swap3A_554] {strides = array<i32>} : memref<64x128xf32, #tpu.memory_space<vmem>>, vector<16xf32>,
        tpu.vector_store %arg28[%swap3A_553, %swap3A_554], %add3A_552 {strides = array<i32>} : memref<64x128xf32, #tpu.memory_space<vmem>>, vector<16xf32>,
        %sub3A_556 = arith.subf %add3A_433, %broadcast_in_dim3A_548 : vector<16xf32>
        %mul3A_557 = arith.mulf %mul3A_547, %get3A_20 : vector<16xf32>
        %mul3A_558 = arith.mulf %sub3A_556, %mul3A_557 : vector<16xf32>
        %add3A_559 = arith.addf %mul3A_558, %get3A_36 : vector<16xf32>
        %swap3A_560 = arith.index_cast %add3A_419 : i32 to index
        %swap3A_561 = arith.constant 16 : index
        %swap3A_562 = tpu.vector_load %arg28[%swap3A_560, %swap3A_561] {strides = array<i32>} : memref<64x128xf32, #tpu.memory_space<vmem>>, vector<16xf32>,
        tpu.vector_store %arg28[%swap3A_560, %swap3A_561], %add3A_559 {strides = array<i32>} : memref<64x128xf32, #tpu.memory_space<vmem>>, vector<16xf32>,
        %sub3A_563 = arith.subf %add3A_440, %broadcast_in_dim3A_548 : vector<16xf32>
        %mul3A_564 = arith.mulf %mul3A_547, %get3A_22 : vector<16xf32>
        %mul3A_565 = arith.mulf %sub3A_563, %mul3A_564 : vector<16xf32>
        %add3A_566 = arith.addf %mul3A_565, %get3A_38 : vector<16xf32>
        %swap3A_567 = arith.index_cast %add3A_419 : i32 to index
        %swap3A_568 = arith.constant 32 : index
        %swap3A_569 = tpu.vector_load %arg28[%swap3A_567, %swap3A_568] {strides = array<i32>} : memref<64x128xf32, #tpu.memory_space<vmem>>, vector<16xf32>,
        tpu.vector_store %arg28[%swap3A_567, %swap3A_568], %add3A_566 {strides = array<i32>} : memref<64x128xf32, #tpu.memory_space<vmem>>, vector<16xf32>,
        %sub3A_570 = arith.subf %add3A_447, %broadcast_in_dim3A_548 : vector<16xf32>
        %mul3A_571 = arith.mulf %mul3A_547, %get3A_24 : vector<16xf32>
        %mul3A_572 = arith.mulf %sub3A_570, %mul3A_571 : vector<16xf32>
        %add3A_573 = arith.addf %mul3A_572, %get3A_40 : vector<16xf32>
        %swap3A_574 = arith.index_cast %add3A_419 : i32 to index
        %swap3A_575 = arith.constant 48 : index
        %swap3A_576 = tpu.vector_load %arg28[%swap3A_574, %swap3A_575] {strides = array<i32>} : memref<64x128xf32, #tpu.memory_space<vmem>>, vector<16xf32>,
        tpu.vector_store %arg28[%swap3A_574, %swap3A_575], %add3A_573 {strides = array<i32>} : memref<64x128xf32, #tpu.memory_space<vmem>>, vector<16xf32>,
        %sub3A_577 = arith.subf %add3A_454, %broadcast_in_dim3A_548 : vector<16xf32>
        %mul3A_578 = arith.mulf %mul3A_547, %get3A_26 : vector<16xf32>
        %mul3A_579 = arith.mulf %sub3A_577, %mul3A_578 : vector<16xf32>
        %add3A_580 = arith.addf %mul3A_579, %get3A_42 : vector<16xf32>
        %swap3A_581 = arith.index_cast %add3A_419 : i32 to index
        %swap3A_582 = arith.constant 64 : index
        %swap3A_583 = tpu.vector_load %arg28[%swap3A_581, %swap3A_582] {strides = array<i32>} : memref<64x128xf32, #tpu.memory_space<vmem>>, vector<16xf32>,
        tpu.vector_store %arg28[%swap3A_581, %swap3A_582], %add3A_580 {strides = array<i32>} : memref<64x128xf32, #tpu.memory_space<vmem>>, vector<16xf32>,
        %sub3A_584 = arith.subf %add3A_461, %broadcast_in_dim3A_548 : vector<16xf32>
        %mul3A_585 = arith.mulf %mul3A_547, %get3A_28 : vector<16xf32>
        %mul3A_586 = arith.mulf %sub3A_584, %mul3A_585 : vector<16xf32>
        %add3A_587 = arith.addf %mul3A_586, %get3A_44 : vector<16xf32>
        %swap3A_588 = arith.index_cast %add3A_419 : i32 to index
        %swap3A_589 = arith.constant 80 : index
        %swap3A_590 = tpu.vector_load %arg28[%swap3A_588, %swap3A_589] {strides = array<i32>} : memref<64x128xf32, #tpu.memory_space<vmem>>, vector<16xf32>,
        tpu.vector_store %arg28[%swap3A_588, %swap3A_589], %add3A_587 {strides = array<i32>} : memref<64x128xf32, #tpu.memory_space<vmem>>, vector<16xf32>,
        %sub3A_591 = arith.subf %add3A_468, %broadcast_in_dim3A_548 : vector<16xf32>
        %mul3A_592 = arith.mulf %mul3A_547, %get3A_30 : vector<16xf32>
        %mul3A_593 = arith.mulf %sub3A_591, %mul3A_592 : vector<16xf32>
        %add3A_594 = arith.addf %mul3A_593, %get3A_46 : vector<16xf32>
        %swap3A_595 = arith.index_cast %add3A_419 : i32 to index
        %swap3A_596 = arith.constant 96 : index
        %swap3A_597 = tpu.vector_load %arg28[%swap3A_595, %swap3A_596] {strides = array<i32>} : memref<64x128xf32, #tpu.memory_space<vmem>>, vector<16xf32>,
        tpu.vector_store %arg28[%swap3A_595, %swap3A_596], %add3A_594 {strides = array<i32>} : memref<64x128xf32, #tpu.memory_space<vmem>>, vector<16xf32>,
        %sub3A_598 = arith.subf %add3A_475, %broadcast_in_dim3A_548 : vector<16xf32>
        %mul3A_599 = arith.mulf %mul3A_547, %get3A_32 : vector<16xf32>
        %mul3A_600 = arith.mulf %sub3A_598, %mul3A_599 : vector<16xf32>
        %add3A_601 = arith.addf %mul3A_600, %get3A_48 : vector<16xf32>
        %swap3A_602 = arith.index_cast %add3A_419 : i32 to index
        %swap3A_603 = arith.constant 112 : index
        %swap3A_604 = tpu.vector_load %arg28[%swap3A_602, %swap3A_603] {strides = array<i32>} : memref<64x128xf32, #tpu.memory_space<vmem>>, vector<16xf32>,
        tpu.vector_store %arg28[%swap3A_602, %swap3A_603], %add3A_601 {strides = array<i32>} : memref<64x128xf32, #tpu.memory_space<vmem>>, vector<16xf32>,
      }
      %scan3A_126 = arith.constant 32 : i32
      %mul3A_127 = arith.constant 64 : i32
      %mul3A_128 = arith.muli %add3A_106, %mul3A_127 : i32
      %multiple_of3A_129 = tpu.assume_multiple %mul3A_128, 64 : i32
      %add3A_130 = arith.addi %mul3A_2, %multiple_of3A_129 : i32
      %dma_start3A_131 = arith.constant 0 : i32
      %dma_start3A_132 = tpu.memref_slice %arg10[%add3A_130, %dma_start3A_131] : memref<65536x128xf32, #tpu.memory_space<hbm>> -> memref<64x128xf32, #tpu.memory_space<hbm>>
      %dma_start3A_133 = arith.constant 0 : i32
      %dma_start3A_134 = tpu.memref_slice %arg10[%add3A_130, %dma_start3A_133] : memref<65536x128xf32, #tpu.memory_space<hbm>> -> memref<64x128xf32, #tpu.memory_space<hbm>>
      tpu.enqueue_dma source(%arg28 : memref<64x128xf32, #tpu.memory_space<vmem>>) target(%dma_start3A_134 : memref<64x128xf32, #tpu.memory_space<hbm>>) target_semaphore(%arg40 : memref<!tpu.dma_semaphore, #tpu.memory_space<semaphore_mem>>)
      %add3A_135 = arith.constant 1 : i32
      %add3A_136 = arith.addi %add3A_104, %add3A_135 : i32
      %add3A_137 = arith.constant 2 : i32
      %add3A_138 = arith.addi %add3A_136, %add3A_137 : i32
      %lt3A_139 = arith.constant 32 : i32
      %lt3A_140 = arith.cmpi slt, %add3A_138, %lt3A_139 : i32
      %convert_element_type3A_141 = arith.extui %lt3A_140 : i1 to i32
      %cond3A_142 = arith.constant 0 : i32
      %cond3A_143 = arith.cmpi ne, %convert_element_type3A_141, %cond3A_142 : i32
      scf.if %cond3A_143 {
        %ge3A = arith.constant 2 : i32
        %ge3A_234 = arith.cmpi sge, %add3A_136, %ge3A : i32
        %convert_element_type3A_235 = arith.extui %ge3A_234 : i1 to i32
        %cond3A_236 = arith.constant 0 : i32
        %cond3A_237 = arith.cmpi ne, %convert_element_type3A_235, %cond3A_236 : i32
        scf.if %cond3A_237 {
          %sub3A = arith.constant 2 : i32
          %sub3A_251 = arith.subi %add3A_136, %sub3A : i32
          %mul3A_252 = arith.constant 64 : i32
          %mul3A_253 = arith.muli %sub3A_251, %mul3A_252 : i32
          %multiple_of3A_254 = tpu.assume_multiple %mul3A_253, 64 : i32
          %add3A_255 = arith.addi %mul3A_2, %multiple_of3A_254 : i32
          %dma_wait3A_256 = arith.constant 0 : i32
          %dma_wait3A_257 = tpu.memref_slice %arg10[%add3A_255, %dma_wait3A_256] : memref<65536x128xf32, #tpu.memory_space<hbm>> -> memref<64x128xf32, #tpu.memory_space<hbm>>
          %dma_wait3A_258 = arith.constant 0 : i32
          %dma_wait3A_259 = tpu.memref_slice %arg10[%add3A_255, %dma_wait3A_258] : memref<65536x128xf32, #tpu.memory_space<hbm>> -> memref<64x128xf32, #tpu.memory_space<hbm>>
          tpu.wait_dma2 semaphore(%arg43 : memref<!tpu.dma_semaphore, #tpu.memory_space<semaphore_mem>>) src(%arg31 : memref<64x128xf32, #tpu.memory_space<vmem>>) dst(%dma_wait3A_259 : memref<64x128xf32, #tpu.memory_space<hbm>>)
        } else {
        }
        %add3A_238 = arith.constant 2 : i32
        %add3A_239 = arith.addi %add3A_136, %add3A_238 : i32
        %mul3A_240 = arith.constant 64 : i32
        %mul3A_241 = arith.muli %add3A_239, %mul3A_240 : i32
        %multiple_of3A_242 = tpu.assume_multiple %mul3A_241, 64 : i32
        %dma_start3A_243 = tpu.memref_slice %arg11[%multiple_of3A_242] : memref<2048xi32, #tpu.memory_space<vmem>> -> memref<64xi32, #tpu.memory_space<vmem>>
        %dma_start3A_244 = arith.constant 0 : i32
        %dma_start3A_245 = arith.constant 0 : i32
        %dma_start3A_246 = tpu.memref_slice %arg2[%dma_start3A_244, %dma_start3A_245] : memref<100000x128xf32, #tpu.memory_space<hbm>> -> memref<100000x128xf32, #tpu.memory_space<hbm>>
        tpu.enqueue_indirect_dma source(%dma_start3A_246 : memref<100000x128xf32, #tpu.memory_space<hbm>>) target(%arg23 : memref<64x128xf32, #tpu.memory_space<vmem>>) offsets(%dma_start3A_243 : memref<64xi32, #tpu.memory_space<vmem>>) semaphore(%arg35 : memref<!tpu.dma_semaphore, #tpu.memory_space<semaphore_mem>>)
        %dma_start3A_247 = tpu.memref_slice %arg12[%multiple_of3A_242] : memref<2048xi32, #tpu.memory_space<vmem>> -> memref<64xi32, #tpu.memory_space<vmem>>
        %dma_start3A_248 = arith.constant 0 : i32
        %dma_start3A_249 = arith.constant 0 : i32
        %dma_start3A_250 = tpu.memref_slice %arg19[%dma_start3A_248, %dma_start3A_249] : memref<1024x128xf32, #tpu.memory_space<vmem_shared>> -> memref<1024x128xf32, #tpu.memory_space<vmem_shared>>
        tpu.enqueue_indirect_dma source(%dma_start3A_250 : memref<1024x128xf32, #tpu.memory_space<vmem_shared>>) target(%arg27 : memref<64x128xf32, #tpu.memory_space<vmem>>) offsets(%dma_start3A_247 : memref<64xi32, #tpu.memory_space<vmem>>) semaphore(%arg39 : memref<!tpu.dma_semaphore, #tpu.memory_space<semaphore_mem>>)
      } else {
      }
      %mul3A_144 = arith.constant 64 : i32
      %mul3A_145 = arith.muli %add3A_136, %mul3A_144 : i32
      %multiple_of3A_146 = tpu.assume_multiple %mul3A_145, 64 : i32
      %dma_wait3A_147 = tpu.memref_slice %arg11[%multiple_of3A_146] : memref<2048xi32, #tpu.memory_space<vmem>> -> memref<64xi32, #tpu.memory_space<vmem>>
      %dma_wait3A_148 = arith.constant 0 : i32
      %dma_wait3A_149 = arith.constant 0 : i32
      %dma_wait3A_150 = tpu.memref_slice %arg2[%dma_wait3A_148, %dma_wait3A_149] : memref<100000x128xf32, #tpu.memory_space<hbm>> -> memref<100000x128xf32, #tpu.memory_space<hbm>>
      tpu.wait_indirect_dma semaphore(%arg33 : memref<!tpu.dma_semaphore, #tpu.memory_space<semaphore_mem>>) src(%dma_wait3A_150 : memref<100000x128xf32, #tpu.memory_space<hbm>>) dst(%arg21 : memref<64x128xf32, #tpu.memory_space<vmem>>)
      %dma_wait3A_151 = tpu.memref_slice %arg12[%multiple_of3A_146] : memref<2048xi32, #tpu.memory_space<vmem>> -> memref<64xi32, #tpu.memory_space<vmem>>
      %dma_wait3A_152 = arith.constant 0 : i32
      %dma_wait3A_153 = arith.constant 0 : i32
      %dma_wait3A_154 = tpu.memref_slice %arg19[%dma_wait3A_152, %dma_wait3A_153] : memref<1024x128xf32, #tpu.memory_space<vmem_shared>> -> memref<1024x128xf32, #tpu.memory_space<vmem_shared>>
      tpu.wait_indirect_dma semaphore(%arg37 : memref<!tpu.dma_semaphore, #tpu.memory_space<semaphore_mem>>) src(%dma_wait3A_154 : memref<1024x128xf32, #tpu.memory_space<vmem_shared>>) dst(%arg25 : memref<64x128xf32, #tpu.memory_space<vmem>>)
      %scan3A_155 = arith.constant 0 : i32
      %scan3A_156 = arith.constant 32 : i32
      %scan3A_157 = arith.addi %scan3A_155, %scan3A_156 : i32
      %scan3A_158 = arith.constant 1 : i32
      scf.for %scan3A_234 = %scan3A_155 to %scan3A_157 step %scan3A_158  : i32 {
        %mul3A_235 = arith.constant 2 : i32
        %mul3A_236 = arith.muli %scan3A_234, %mul3A_235 : i32
        %add3A_237 = arith.constant 0 : i32
        %add3A_238 = arith.addi %add3A_237, %mul3A_236 : i32
        %get3A_239 = arith.index_cast %add3A_238 : i32 to index
        %get3A_240 = arith.constant 0 : index
        %get3A_241 = tpu.vector_load %arg21[%get3A_239, %get3A_240] {strides = array<i32>} : memref<64x128xf32, #tpu.memory_space<vmem>>, vector<16xf32>,
        %get3A_242 = arith.index_cast %add3A_238 : i32 to index
        %get3A_243 = arith.constant 0 : index
        %get3A_244 = tpu.vector_load %arg25[%get3A_242, %get3A_243] {strides = array<i32>} : memref<64x128xf32, #tpu.memory_space<vmem>>, vector<16xf32>,
        %add3A_245 = arith.addf %get3A_241, %get3A_244 : vector<16xf32>
        %get3A_246 = arith.index_cast %add3A_238 : i32 to index
        %get3A_247 = arith.constant 16 : index
        %get3A_248 = tpu.vector_load %arg21[%get3A_246, %get3A_247] {strides = array<i32>} : memref<64x128xf32, #tpu.memory_space<vmem>>, vector<16xf32>,
        %get3A_249 = arith.index_cast %add3A_238 : i32 to index
        %get3A_250 = arith.constant 16 : index
        %get3A_251 = tpu.vector_load %arg25[%get3A_249, %get3A_250] {strides = array<i32>} : memref<64x128xf32, #tpu.memory_space<vmem>>, vector<16xf32>,
        %add3A_252 = arith.addf %get3A_248, %get3A_251 : vector<16xf32>
        %get3A_253 = arith.index_cast %add3A_238 : i32 to index
        %get3A_254 = arith.constant 32 : index
        %get3A_255 = tpu.vector_load %arg21[%get3A_253, %get3A_254] {strides = array<i32>} : memref<64x128xf32, #tpu.memory_space<vmem>>, vector<16xf32>,
        %get3A_256 = arith.index_cast %add3A_238 : i32 to index
        %get3A_257 = arith.constant 32 : index
        %get3A_258 = tpu.vector_load %arg25[%get3A_256, %get3A_257] {strides = array<i32>} : memref<64x128xf32, #tpu.memory_space<vmem>>, vector<16xf32>,
        %add3A_259 = arith.addf %get3A_255, %get3A_258 : vector<16xf32>
        %get3A_260 = arith.index_cast %add3A_238 : i32 to index
        %get3A_261 = arith.constant 48 : index
        %get3A_262 = tpu.vector_load %arg21[%get3A_260, %get3A_261] {strides = array<i32>} : memref<64x128xf32, #tpu.memory_space<vmem>>, vector<16xf32>,
        %get3A_263 = arith.index_cast %add3A_238 : i32 to index
        %get3A_264 = arith.constant 48 : index
        %get3A_265 = tpu.vector_load %arg25[%get3A_263, %get3A_264] {strides = array<i32>} : memref<64x128xf32, #tpu.memory_space<vmem>>, vector<16xf32>,
        %add3A_266 = arith.addf %get3A_262, %get3A_265 : vector<16xf32>
        %get3A_267 = arith.index_cast %add3A_238 : i32 to index
        %get3A_268 = arith.constant 64 : index
        %get3A_269 = tpu.vector_load %arg21[%get3A_267, %get3A_268] {strides = array<i32>} : memref<64x128xf32, #tpu.memory_space<vmem>>, vector<16xf32>,
        %get3A_270 = arith.index_cast %add3A_238 : i32 to index
        %get3A_271 = arith.constant 64 : index
        %get3A_272 = tpu.vector_load %arg25[%get3A_270, %get3A_271] {strides = array<i32>} : memref<64x128xf32, #tpu.memory_space<vmem>>, vector<16xf32>,
        %add3A_273 = arith.addf %get3A_269, %get3A_272 : vector<16xf32>
        %get3A_274 = arith.index_cast %add3A_238 : i32 to index
        %get3A_275 = arith.constant 80 : index
        %get3A_276 = tpu.vector_load %arg21[%get3A_274, %get3A_275] {strides = array<i32>} : memref<64x128xf32, #tpu.memory_space<vmem>>, vector<16xf32>,
        %get3A_277 = arith.index_cast %add3A_238 : i32 to index
        %get3A_278 = arith.constant 80 : index
        %get3A_279 = tpu.vector_load %arg25[%get3A_277, %get3A_278] {strides = array<i32>} : memref<64x128xf32, #tpu.memory_space<vmem>>, vector<16xf32>,
        %add3A_280 = arith.addf %get3A_276, %get3A_279 : vector<16xf32>
        %get3A_281 = arith.index_cast %add3A_238 : i32 to index
        %get3A_282 = arith.constant 96 : index
        %get3A_283 = tpu.vector_load %arg21[%get3A_281, %get3A_282] {strides = array<i32>} : memref<64x128xf32, #tpu.memory_space<vmem>>, vector<16xf32>,
        %get3A_284 = arith.index_cast %add3A_238 : i32 to index
        %get3A_285 = arith.constant 96 : index
        %get3A_286 = tpu.vector_load %arg25[%get3A_284, %get3A_285] {strides = array<i32>} : memref<64x128xf32, #tpu.memory_space<vmem>>, vector<16xf32>,
        %add3A_287 = arith.addf %get3A_283, %get3A_286 : vector<16xf32>
        %get3A_288 = arith.index_cast %add3A_238 : i32 to index
        %get3A_289 = arith.constant 112 : index
        %get3A_290 = tpu.vector_load %arg21[%get3A_288, %get3A_289] {strides = array<i32>} : memref<64x128xf32, #tpu.memory_space<vmem>>, vector<16xf32>,
        %get3A_291 = arith.index_cast %add3A_238 : i32 to index
        %get3A_292 = arith.constant 112 : index
        %get3A_293 = tpu.vector_load %arg25[%get3A_291, %get3A_292] {strides = array<i32>} : memref<64x128xf32, #tpu.memory_space<vmem>>, vector<16xf32>,
        %add3A_294 = arith.addf %get3A_290, %get3A_293 : vector<16xf32>
        %mul3A_295 = arith.mulf %add3A_245, %add3A_245 : vector<16xf32>
        %add3A_296 = arith.addf %add3A_245, %add3A_252 : vector<16xf32>
        %mul3A_297 = arith.mulf %add3A_252, %add3A_252 : vector<16xf32>
        %add3A_298 = arith.addf %mul3A_295, %mul3A_297 : vector<16xf32>
        %add3A_299 = arith.addf %add3A_296, %add3A_259 : vector<16xf32>
        %mul3A_300 = arith.mulf %add3A_259, %add3A_259 : vector<16xf32>
        %add3A_301 = arith.addf %add3A_298, %mul3A_300 : vector<16xf32>
        %add3A_302 = arith.addf %add3A_299, %add3A_266 : vector<16xf32>
        %mul3A_303 = arith.mulf %add3A_266, %add3A_266 : vector<16xf32>
        %add3A_304 = arith.addf %add3A_301, %mul3A_303 : vector<16xf32>
        %add3A_305 = arith.addf %add3A_302, %add3A_273 : vector<16xf32>
        %mul3A_306 = arith.mulf %add3A_273, %add3A_273 : vector<16xf32>
        %add3A_307 = arith.addf %add3A_304, %mul3A_306 : vector<16xf32>
        %add3A_308 = arith.addf %add3A_305, %add3A_280 : vector<16xf32>
        %mul3A_309 = arith.mulf %add3A_280, %add3A_280 : vector<16xf32>
        %add3A_310 = arith.addf %add3A_307, %mul3A_309 : vector<16xf32>
        %add3A_311 = arith.addf %add3A_308, %add3A_287 : vector<16xf32>
        %mul3A_312 = arith.mulf %add3A_287, %add3A_287 : vector<16xf32>
        %add3A_313 = arith.addf %add3A_310, %mul3A_312 : vector<16xf32>
        %add3A_314 = arith.addf %add3A_311, %add3A_294 : vector<16xf32>
        %mul3A_315 = arith.mulf %add3A_294, %add3A_294 : vector<16xf32>
        %add3A_316 = arith.addf %add3A_313, %mul3A_315 : vector<16xf32>
        %reduce_sum3A = arith.constant true
        %reduce_sum3A_317 = vector.broadcast %reduce_sum3A : i1 to vector<16xi1>
        %reduce_sum3A_318 = tpu.scan <sum>, %add3A_314 masked %reduce_sum3A_317 : vector<16xf32>, vector<16xi1> -> vector<16xf32>
        %reduce_sum3A_319 = vector.extract %reduce_sum3A_318[15] : f32 from vector<16xf32>
        %mul3A_320 = arith.mulf %reduce_sum3A_319, %scan3A_67 : f32
        %reduce_sum3A_321 = arith.constant true
        %reduce_sum3A_322 = vector.broadcast %reduce_sum3A_321 : i1 to vector<16xi1>
        %reduce_sum3A_323 = tpu.scan <sum>, %add3A_316 masked %reduce_sum3A_322 : vector<16xf32>, vector<16xi1> -> vector<16xf32>
        %reduce_sum3A_324 = vector.extract %reduce_sum3A_323[15] : f32 from vector<16xf32>
        %mul3A_325 = arith.mulf %reduce_sum3A_324, %scan3A_67 : f32
        %mul3A_326 = arith.mulf %mul3A_320, %mul3A_320 : f32
        %sub3A = arith.subf %mul3A_325, %mul3A_326 : f32
        %add3A_327 = arith.constant 9.99999996E-13 : f32
        %add3A_328 = arith.addf %sub3A, %add3A_327 : f32
        %broadcast_in_dim3A = vector.broadcast %add3A_328 : f32 to vector<16xf32>
        %bitcast_convert_type3A = tpu.bitcast %broadcast_in_dim3A : vector<16xf32> -> vector<16xi32>
        %shift_right_logical3A = arith.constant 1 : i32
        %shift_right_logical3A_329 = vector.broadcast %shift_right_logical3A : i32 to vector<16xi32>
        %shift_right_logical3A_330 = arith.shrui %bitcast_convert_type3A, %shift_right_logical3A_329 : vector<16xi32>
        %sub3A_331 = arith.constant 1597463007 : i32
        %sub3A_332 = vector.broadcast %sub3A_331 : i32 to vector<16xi32>
        %sub3A_333 = arith.subi %sub3A_332, %shift_right_logical3A_330 : vector<16xi32>
        %bitcast_convert_type3A_334 = tpu.bitcast %sub3A_333 : vector<16xi32> -> vector<16xf32>
        %mul3A_335 = arith.constant 5.000000e-01 : f32
        %mul3A_336 = vector.broadcast %mul3A_335 : f32 to vector<16xf32>
        %mul3A_337 = arith.mulf %mul3A_336, %broadcast_in_dim3A : vector<16xf32>
        %mul3A_338 = arith.mulf %mul3A_337, %bitcast_convert_type3A_334 : vector<16xf32>
        %mul3A_339 = arith.mulf %mul3A_338, %bitcast_convert_type3A_334 : vector<16xf32>
        %sub3A_340 = arith.constant 1.500000e+00 : f32
        %sub3A_341 = vector.broadcast %sub3A_340 : f32 to vector<16xf32>
        %sub3A_342 = arith.subf %sub3A_341, %mul3A_339 : vector<16xf32>
        %mul3A_343 = arith.mulf %bitcast_convert_type3A_334, %sub3A_342 : vector<16xf32>
        %mul3A_344 = arith.constant 5.000000e-01 : f32
        %mul3A_345 = vector.broadcast %mul3A_344 : f32 to vector<16xf32>
        %mul3A_346 = arith.mulf %mul3A_345, %broadcast_in_dim3A : vector<16xf32>
        %mul3A_347 = arith.mulf %mul3A_346, %mul3A_343 : vector<16xf32>
        %mul3A_348 = arith.mulf %mul3A_347, %mul3A_343 : vector<16xf32>
        %sub3A_349 = arith.constant 1.500000e+00 : f32
        %sub3A_350 = vector.broadcast %sub3A_349 : f32 to vector<16xf32>
        %sub3A_351 = arith.subf %sub3A_350, %mul3A_348 : vector<16xf32>
        %mul3A_352 = arith.mulf %mul3A_343, %sub3A_351 : vector<16xf32>
        %mul3A_353 = arith.constant 5.000000e-01 : f32
        %mul3A_354 = vector.broadcast %mul3A_353 : f32 to vector<16xf32>
        %mul3A_355 = arith.mulf %mul3A_354, %broadcast_in_dim3A : vector<16xf32>
        %mul3A_356 = arith.mulf %mul3A_355, %mul3A_352 : vector<16xf32>
        %mul3A_357 = arith.mulf %mul3A_356, %mul3A_352 : vector<16xf32>
        %sub3A_358 = arith.constant 1.500000e+00 : f32
        %sub3A_359 = vector.broadcast %sub3A_358 : f32 to vector<16xf32>
        %sub3A_360 = arith.subf %sub3A_359, %mul3A_357 : vector<16xf32>
        %mul3A_361 = arith.mulf %mul3A_352, %sub3A_360 : vector<16xf32>
        %broadcast_in_dim3A_362 = vector.broadcast %mul3A_320 : f32 to vector<16xf32>
        %sub3A_363 = arith.subf %add3A_245, %broadcast_in_dim3A_362 : vector<16xf32>
        %mul3A_364 = arith.mulf %mul3A_361, %get3A_18 : vector<16xf32>
        %mul3A_365 = arith.mulf %sub3A_363, %mul3A_364 : vector<16xf32>
        %add3A_366 = arith.addf %mul3A_365, %get3A_34 : vector<16xf32>
        %swap3A = arith.index_cast %add3A_238 : i32 to index
        %swap3A_367 = arith.constant 0 : index
        %swap3A_368 = tpu.vector_load %arg29[%swap3A, %swap3A_367] {strides = array<i32>} : memref<64x128xf32, #tpu.memory_space<vmem>>, vector<16xf32>,
        tpu.vector_store %arg29[%swap3A, %swap3A_367], %add3A_366 {strides = array<i32>} : memref<64x128xf32, #tpu.memory_space<vmem>>, vector<16xf32>,
        %sub3A_369 = arith.subf %add3A_252, %broadcast_in_dim3A_362 : vector<16xf32>
        %mul3A_370 = arith.mulf %mul3A_361, %get3A_20 : vector<16xf32>
        %mul3A_371 = arith.mulf %sub3A_369, %mul3A_370 : vector<16xf32>
        %add3A_372 = arith.addf %mul3A_371, %get3A_36 : vector<16xf32>
        %swap3A_373 = arith.index_cast %add3A_238 : i32 to index
        %swap3A_374 = arith.constant 16 : index
        %swap3A_375 = tpu.vector_load %arg29[%swap3A_373, %swap3A_374] {strides = array<i32>} : memref<64x128xf32, #tpu.memory_space<vmem>>, vector<16xf32>,
        tpu.vector_store %arg29[%swap3A_373, %swap3A_374], %add3A_372 {strides = array<i32>} : memref<64x128xf32, #tpu.memory_space<vmem>>, vector<16xf32>,
        %sub3A_376 = arith.subf %add3A_259, %broadcast_in_dim3A_362 : vector<16xf32>
        %mul3A_377 = arith.mulf %mul3A_361, %get3A_22 : vector<16xf32>
        %mul3A_378 = arith.mulf %sub3A_376, %mul3A_377 : vector<16xf32>
        %add3A_379 = arith.addf %mul3A_378, %get3A_38 : vector<16xf32>
        %swap3A_380 = arith.index_cast %add3A_238 : i32 to index
        %swap3A_381 = arith.constant 32 : index
        %swap3A_382 = tpu.vector_load %arg29[%swap3A_380, %swap3A_381] {strides = array<i32>} : memref<64x128xf32, #tpu.memory_space<vmem>>, vector<16xf32>,
        tpu.vector_store %arg29[%swap3A_380, %swap3A_381], %add3A_379 {strides = array<i32>} : memref<64x128xf32, #tpu.memory_space<vmem>>, vector<16xf32>,
        %sub3A_383 = arith.subf %add3A_266, %broadcast_in_dim3A_362 : vector<16xf32>
        %mul3A_384 = arith.mulf %mul3A_361, %get3A_24 : vector<16xf32>
        %mul3A_385 = arith.mulf %sub3A_383, %mul3A_384 : vector<16xf32>
        %add3A_386 = arith.addf %mul3A_385, %get3A_40 : vector<16xf32>
        %swap3A_387 = arith.index_cast %add3A_238 : i32 to index
        %swap3A_388 = arith.constant 48 : index
        %swap3A_389 = tpu.vector_load %arg29[%swap3A_387, %swap3A_388] {strides = array<i32>} : memref<64x128xf32, #tpu.memory_space<vmem>>, vector<16xf32>,
        tpu.vector_store %arg29[%swap3A_387, %swap3A_388], %add3A_386 {strides = array<i32>} : memref<64x128xf32, #tpu.memory_space<vmem>>, vector<16xf32>,
        %sub3A_390 = arith.subf %add3A_273, %broadcast_in_dim3A_362 : vector<16xf32>
        %mul3A_391 = arith.mulf %mul3A_361, %get3A_26 : vector<16xf32>
        %mul3A_392 = arith.mulf %sub3A_390, %mul3A_391 : vector<16xf32>
        %add3A_393 = arith.addf %mul3A_392, %get3A_42 : vector<16xf32>
        %swap3A_394 = arith.index_cast %add3A_238 : i32 to index
        %swap3A_395 = arith.constant 64 : index
        %swap3A_396 = tpu.vector_load %arg29[%swap3A_394, %swap3A_395] {strides = array<i32>} : memref<64x128xf32, #tpu.memory_space<vmem>>, vector<16xf32>,
        tpu.vector_store %arg29[%swap3A_394, %swap3A_395], %add3A_393 {strides = array<i32>} : memref<64x128xf32, #tpu.memory_space<vmem>>, vector<16xf32>,
        %sub3A_397 = arith.subf %add3A_280, %broadcast_in_dim3A_362 : vector<16xf32>
        %mul3A_398 = arith.mulf %mul3A_361, %get3A_28 : vector<16xf32>
        %mul3A_399 = arith.mulf %sub3A_397, %mul3A_398 : vector<16xf32>
        %add3A_400 = arith.addf %mul3A_399, %get3A_44 : vector<16xf32>
        %swap3A_401 = arith.index_cast %add3A_238 : i32 to index
        %swap3A_402 = arith.constant 80 : index
        %swap3A_403 = tpu.vector_load %arg29[%swap3A_401, %swap3A_402] {strides = array<i32>} : memref<64x128xf32, #tpu.memory_space<vmem>>, vector<16xf32>,
        tpu.vector_store %arg29[%swap3A_401, %swap3A_402], %add3A_400 {strides = array<i32>} : memref<64x128xf32, #tpu.memory_space<vmem>>, vector<16xf32>,
        %sub3A_404 = arith.subf %add3A_287, %broadcast_in_dim3A_362 : vector<16xf32>
        %mul3A_405 = arith.mulf %mul3A_361, %get3A_30 : vector<16xf32>
        %mul3A_406 = arith.mulf %sub3A_404, %mul3A_405 : vector<16xf32>
        %add3A_407 = arith.addf %mul3A_406, %get3A_46 : vector<16xf32>
        %swap3A_408 = arith.index_cast %add3A_238 : i32 to index
        %swap3A_409 = arith.constant 96 : index
        %swap3A_410 = tpu.vector_load %arg29[%swap3A_408, %swap3A_409] {strides = array<i32>} : memref<64x128xf32, #tpu.memory_space<vmem>>, vector<16xf32>,
        tpu.vector_store %arg29[%swap3A_408, %swap3A_409], %add3A_407 {strides = array<i32>} : memref<64x128xf32, #tpu.memory_space<vmem>>, vector<16xf32>,
        %sub3A_411 = arith.subf %add3A_294, %broadcast_in_dim3A_362 : vector<16xf32>
        %mul3A_412 = arith.mulf %mul3A_361, %get3A_32 : vector<16xf32>
        %mul3A_413 = arith.mulf %sub3A_411, %mul3A_412 : vector<16xf32>
        %add3A_414 = arith.addf %mul3A_413, %get3A_48 : vector<16xf32>
        %swap3A_415 = arith.index_cast %add3A_238 : i32 to index
        %swap3A_416 = arith.constant 112 : index
        %swap3A_417 = tpu.vector_load %arg29[%swap3A_415, %swap3A_416] {strides = array<i32>} : memref<64x128xf32, #tpu.memory_space<vmem>>, vector<16xf32>,
        tpu.vector_store %arg29[%swap3A_415, %swap3A_416], %add3A_414 {strides = array<i32>} : memref<64x128xf32, #tpu.memory_space<vmem>>, vector<16xf32>,
        %add3A_418 = arith.constant 1 : i32
        %add3A_419 = arith.addi %add3A_238, %add3A_418 : i32
        %get3A_420 = arith.index_cast %add3A_419 : i32 to index
        %get3A_421 = arith.constant 0 : index
        %get3A_422 = tpu.vector_load %arg21[%get3A_420, %get3A_421] {strides = array<i32>} : memref<64x128xf32, #tpu.memory_space<vmem>>, vector<16xf32>,
        %get3A_423 = arith.index_cast %add3A_419 : i32 to index
        %get3A_424 = arith.constant 0 : index
        %get3A_425 = tpu.vector_load %arg25[%get3A_423, %get3A_424] {strides = array<i32>} : memref<64x128xf32, #tpu.memory_space<vmem>>, vector<16xf32>,
        %add3A_426 = arith.addf %get3A_422, %get3A_425 : vector<16xf32>
        %get3A_427 = arith.index_cast %add3A_419 : i32 to index
        %get3A_428 = arith.constant 16 : index
        %get3A_429 = tpu.vector_load %arg21[%get3A_427, %get3A_428] {strides = array<i32>} : memref<64x128xf32, #tpu.memory_space<vmem>>, vector<16xf32>,
        %get3A_430 = arith.index_cast %add3A_419 : i32 to index
        %get3A_431 = arith.constant 16 : index
        %get3A_432 = tpu.vector_load %arg25[%get3A_430, %get3A_431] {strides = array<i32>} : memref<64x128xf32, #tpu.memory_space<vmem>>, vector<16xf32>,
        %add3A_433 = arith.addf %get3A_429, %get3A_432 : vector<16xf32>
        %get3A_434 = arith.index_cast %add3A_419 : i32 to index
        %get3A_435 = arith.constant 32 : index
        %get3A_436 = tpu.vector_load %arg21[%get3A_434, %get3A_435] {strides = array<i32>} : memref<64x128xf32, #tpu.memory_space<vmem>>, vector<16xf32>,
        %get3A_437 = arith.index_cast %add3A_419 : i32 to index
        %get3A_438 = arith.constant 32 : index
        %get3A_439 = tpu.vector_load %arg25[%get3A_437, %get3A_438] {strides = array<i32>} : memref<64x128xf32, #tpu.memory_space<vmem>>, vector<16xf32>,
        %add3A_440 = arith.addf %get3A_436, %get3A_439 : vector<16xf32>
        %get3A_441 = arith.index_cast %add3A_419 : i32 to index
        %get3A_442 = arith.constant 48 : index
        %get3A_443 = tpu.vector_load %arg21[%get3A_441, %get3A_442] {strides = array<i32>} : memref<64x128xf32, #tpu.memory_space<vmem>>, vector<16xf32>,
        %get3A_444 = arith.index_cast %add3A_419 : i32 to index
        %get3A_445 = arith.constant 48 : index
        %get3A_446 = tpu.vector_load %arg25[%get3A_444, %get3A_445] {strides = array<i32>} : memref<64x128xf32, #tpu.memory_space<vmem>>, vector<16xf32>,
        %add3A_447 = arith.addf %get3A_443, %get3A_446 : vector<16xf32>
        %get3A_448 = arith.index_cast %add3A_419 : i32 to index
        %get3A_449 = arith.constant 64 : index
        %get3A_450 = tpu.vector_load %arg21[%get3A_448, %get3A_449] {strides = array<i32>} : memref<64x128xf32, #tpu.memory_space<vmem>>, vector<16xf32>,
        %get3A_451 = arith.index_cast %add3A_419 : i32 to index
        %get3A_452 = arith.constant 64 : index
        %get3A_453 = tpu.vector_load %arg25[%get3A_451, %get3A_452] {strides = array<i32>} : memref<64x128xf32, #tpu.memory_space<vmem>>, vector<16xf32>,
        %add3A_454 = arith.addf %get3A_450, %get3A_453 : vector<16xf32>
        %get3A_455 = arith.index_cast %add3A_419 : i32 to index
        %get3A_456 = arith.constant 80 : index
        %get3A_457 = tpu.vector_load %arg21[%get3A_455, %get3A_456] {strides = array<i32>} : memref<64x128xf32, #tpu.memory_space<vmem>>, vector<16xf32>,
        %get3A_458 = arith.index_cast %add3A_419 : i32 to index
        %get3A_459 = arith.constant 80 : index
        %get3A_460 = tpu.vector_load %arg25[%get3A_458, %get3A_459] {strides = array<i32>} : memref<64x128xf32, #tpu.memory_space<vmem>>, vector<16xf32>,
        %add3A_461 = arith.addf %get3A_457, %get3A_460 : vector<16xf32>
        %get3A_462 = arith.index_cast %add3A_419 : i32 to index
        %get3A_463 = arith.constant 96 : index
        %get3A_464 = tpu.vector_load %arg21[%get3A_462, %get3A_463] {strides = array<i32>} : memref<64x128xf32, #tpu.memory_space<vmem>>, vector<16xf32>,
        %get3A_465 = arith.index_cast %add3A_419 : i32 to index
        %get3A_466 = arith.constant 96 : index
        %get3A_467 = tpu.vector_load %arg25[%get3A_465, %get3A_466] {strides = array<i32>} : memref<64x128xf32, #tpu.memory_space<vmem>>, vector<16xf32>,
        %add3A_468 = arith.addf %get3A_464, %get3A_467 : vector<16xf32>
        %get3A_469 = arith.index_cast %add3A_419 : i32 to index
        %get3A_470 = arith.constant 112 : index
        %get3A_471 = tpu.vector_load %arg21[%get3A_469, %get3A_470] {strides = array<i32>} : memref<64x128xf32, #tpu.memory_space<vmem>>, vector<16xf32>,
        %get3A_472 = arith.index_cast %add3A_419 : i32 to index
        %get3A_473 = arith.constant 112 : index
        %get3A_474 = tpu.vector_load %arg25[%get3A_472, %get3A_473] {strides = array<i32>} : memref<64x128xf32, #tpu.memory_space<vmem>>, vector<16xf32>,
        %add3A_475 = arith.addf %get3A_471, %get3A_474 : vector<16xf32>
        %mul3A_476 = arith.mulf %add3A_426, %add3A_426 : vector<16xf32>
        %add3A_477 = arith.addf %add3A_426, %add3A_433 : vector<16xf32>
        %mul3A_478 = arith.mulf %add3A_433, %add3A_433 : vector<16xf32>
        %add3A_479 = arith.addf %mul3A_476, %mul3A_478 : vector<16xf32>
        %add3A_480 = arith.addf %add3A_477, %add3A_440 : vector<16xf32>
        %mul3A_481 = arith.mulf %add3A_440, %add3A_440 : vector<16xf32>
        %add3A_482 = arith.addf %add3A_479, %mul3A_481 : vector<16xf32>
        %add3A_483 = arith.addf %add3A_480, %add3A_447 : vector<16xf32>
        %mul3A_484 = arith.mulf %add3A_447, %add3A_447 : vector<16xf32>
        %add3A_485 = arith.addf %add3A_482, %mul3A_484 : vector<16xf32>
        %add3A_486 = arith.addf %add3A_483, %add3A_454 : vector<16xf32>
        %mul3A_487 = arith.mulf %add3A_454, %add3A_454 : vector<16xf32>
        %add3A_488 = arith.addf %add3A_485, %mul3A_487 : vector<16xf32>
        %add3A_489 = arith.addf %add3A_486, %add3A_461 : vector<16xf32>
        %mul3A_490 = arith.mulf %add3A_461, %add3A_461 : vector<16xf32>
        %add3A_491 = arith.addf %add3A_488, %mul3A_490 : vector<16xf32>
        %add3A_492 = arith.addf %add3A_489, %add3A_468 : vector<16xf32>
        %mul3A_493 = arith.mulf %add3A_468, %add3A_468 : vector<16xf32>
        %add3A_494 = arith.addf %add3A_491, %mul3A_493 : vector<16xf32>
        %add3A_495 = arith.addf %add3A_492, %add3A_475 : vector<16xf32>
        %mul3A_496 = arith.mulf %add3A_475, %add3A_475 : vector<16xf32>
        %add3A_497 = arith.addf %add3A_494, %mul3A_496 : vector<16xf32>
        %reduce_sum3A_498 = arith.constant true
        %reduce_sum3A_499 = vector.broadcast %reduce_sum3A_498 : i1 to vector<16xi1>
        %reduce_sum3A_500 = tpu.scan <sum>, %add3A_495 masked %reduce_sum3A_499 : vector<16xf32>, vector<16xi1> -> vector<16xf32>
        %reduce_sum3A_501 = vector.extract %reduce_sum3A_500[15] : f32 from vector<16xf32>
        %mul3A_502 = arith.mulf %reduce_sum3A_501, %scan3A_67 : f32
        %reduce_sum3A_503 = arith.constant true
        %reduce_sum3A_504 = vector.broadcast %reduce_sum3A_503 : i1 to vector<16xi1>
        %reduce_sum3A_505 = tpu.scan <sum>, %add3A_497 masked %reduce_sum3A_504 : vector<16xf32>, vector<16xi1> -> vector<16xf32>
        %reduce_sum3A_506 = vector.extract %reduce_sum3A_505[15] : f32 from vector<16xf32>
        %mul3A_507 = arith.mulf %reduce_sum3A_506, %scan3A_67 : f32
        %mul3A_508 = arith.mulf %mul3A_502, %mul3A_502 : f32
        %sub3A_509 = arith.subf %mul3A_507, %mul3A_508 : f32
        %add3A_510 = arith.constant 9.99999996E-13 : f32
        %add3A_511 = arith.addf %sub3A_509, %add3A_510 : f32
        %broadcast_in_dim3A_512 = vector.broadcast %add3A_511 : f32 to vector<16xf32>
        %bitcast_convert_type3A_513 = tpu.bitcast %broadcast_in_dim3A_512 : vector<16xf32> -> vector<16xi32>
        %shift_right_logical3A_514 = arith.constant 1 : i32
        %shift_right_logical3A_515 = vector.broadcast %shift_right_logical3A_514 : i32 to vector<16xi32>
        %shift_right_logical3A_516 = arith.shrui %bitcast_convert_type3A_513, %shift_right_logical3A_515 : vector<16xi32>
        %sub3A_517 = arith.constant 1597463007 : i32
        %sub3A_518 = vector.broadcast %sub3A_517 : i32 to vector<16xi32>
        %sub3A_519 = arith.subi %sub3A_518, %shift_right_logical3A_516 : vector<16xi32>
        %bitcast_convert_type3A_520 = tpu.bitcast %sub3A_519 : vector<16xi32> -> vector<16xf32>
        %mul3A_521 = arith.constant 5.000000e-01 : f32
        %mul3A_522 = vector.broadcast %mul3A_521 : f32 to vector<16xf32>
        %mul3A_523 = arith.mulf %mul3A_522, %broadcast_in_dim3A_512 : vector<16xf32>
        %mul3A_524 = arith.mulf %mul3A_523, %bitcast_convert_type3A_520 : vector<16xf32>
        %mul3A_525 = arith.mulf %mul3A_524, %bitcast_convert_type3A_520 : vector<16xf32>
        %sub3A_526 = arith.constant 1.500000e+00 : f32
        %sub3A_527 = vector.broadcast %sub3A_526 : f32 to vector<16xf32>
        %sub3A_528 = arith.subf %sub3A_527, %mul3A_525 : vector<16xf32>
        %mul3A_529 = arith.mulf %bitcast_convert_type3A_520, %sub3A_528 : vector<16xf32>
        %mul3A_530 = arith.constant 5.000000e-01 : f32
        %mul3A_531 = vector.broadcast %mul3A_530 : f32 to vector<16xf32>
        %mul3A_532 = arith.mulf %mul3A_531, %broadcast_in_dim3A_512 : vector<16xf32>
        %mul3A_533 = arith.mulf %mul3A_532, %mul3A_529 : vector<16xf32>
        %mul3A_534 = arith.mulf %mul3A_533, %mul3A_529 : vector<16xf32>
        %sub3A_535 = arith.constant 1.500000e+00 : f32
        %sub3A_536 = vector.broadcast %sub3A_535 : f32 to vector<16xf32>
        %sub3A_537 = arith.subf %sub3A_536, %mul3A_534 : vector<16xf32>
        %mul3A_538 = arith.mulf %mul3A_529, %sub3A_537 : vector<16xf32>
        %mul3A_539 = arith.constant 5.000000e-01 : f32
        %mul3A_540 = vector.broadcast %mul3A_539 : f32 to vector<16xf32>
        %mul3A_541 = arith.mulf %mul3A_540, %broadcast_in_dim3A_512 : vector<16xf32>
        %mul3A_542 = arith.mulf %mul3A_541, %mul3A_538 : vector<16xf32>
        %mul3A_543 = arith.mulf %mul3A_542, %mul3A_538 : vector<16xf32>
        %sub3A_544 = arith.constant 1.500000e+00 : f32
        %sub3A_545 = vector.broadcast %sub3A_544 : f32 to vector<16xf32>
        %sub3A_546 = arith.subf %sub3A_545, %mul3A_543 : vector<16xf32>
        %mul3A_547 = arith.mulf %mul3A_538, %sub3A_546 : vector<16xf32>
        %broadcast_in_dim3A_548 = vector.broadcast %mul3A_502 : f32 to vector<16xf32>
        %sub3A_549 = arith.subf %add3A_426, %broadcast_in_dim3A_548 : vector<16xf32>
        %mul3A_550 = arith.mulf %mul3A_547, %get3A_18 : vector<16xf32>
        %mul3A_551 = arith.mulf %sub3A_549, %mul3A_550 : vector<16xf32>
        %add3A_552 = arith.addf %mul3A_551, %get3A_34 : vector<16xf32>
        %swap3A_553 = arith.index_cast %add3A_419 : i32 to index
        %swap3A_554 = arith.constant 0 : index
        %swap3A_555 = tpu.vector_load %arg29[%swap3A_553, %swap3A_554] {strides = array<i32>} : memref<64x128xf32, #tpu.memory_space<vmem>>, vector<16xf32>,
        tpu.vector_store %arg29[%swap3A_553, %swap3A_554], %add3A_552 {strides = array<i32>} : memref<64x128xf32, #tpu.memory_space<vmem>>, vector<16xf32>,
        %sub3A_556 = arith.subf %add3A_433, %broadcast_in_dim3A_548 : vector<16xf32>
        %mul3A_557 = arith.mulf %mul3A_547, %get3A_20 : vector<16xf32>
        %mul3A_558 = arith.mulf %sub3A_556, %mul3A_557 : vector<16xf32>
        %add3A_559 = arith.addf %mul3A_558, %get3A_36 : vector<16xf32>
        %swap3A_560 = arith.index_cast %add3A_419 : i32 to index
        %swap3A_561 = arith.constant 16 : index
        %swap3A_562 = tpu.vector_load %arg29[%swap3A_560, %swap3A_561] {strides = array<i32>} : memref<64x128xf32, #tpu.memory_space<vmem>>, vector<16xf32>,
        tpu.vector_store %arg29[%swap3A_560, %swap3A_561], %add3A_559 {strides = array<i32>} : memref<64x128xf32, #tpu.memory_space<vmem>>, vector<16xf32>,
        %sub3A_563 = arith.subf %add3A_440, %broadcast_in_dim3A_548 : vector<16xf32>
        %mul3A_564 = arith.mulf %mul3A_547, %get3A_22 : vector<16xf32>
        %mul3A_565 = arith.mulf %sub3A_563, %mul3A_564 : vector<16xf32>
        %add3A_566 = arith.addf %mul3A_565, %get3A_38 : vector<16xf32>
        %swap3A_567 = arith.index_cast %add3A_419 : i32 to index
        %swap3A_568 = arith.constant 32 : index
        %swap3A_569 = tpu.vector_load %arg29[%swap3A_567, %swap3A_568] {strides = array<i32>} : memref<64x128xf32, #tpu.memory_space<vmem>>, vector<16xf32>,
        tpu.vector_store %arg29[%swap3A_567, %swap3A_568], %add3A_566 {strides = array<i32>} : memref<64x128xf32, #tpu.memory_space<vmem>>, vector<16xf32>,
        %sub3A_570 = arith.subf %add3A_447, %broadcast_in_dim3A_548 : vector<16xf32>
        %mul3A_571 = arith.mulf %mul3A_547, %get3A_24 : vector<16xf32>
        %mul3A_572 = arith.mulf %sub3A_570, %mul3A_571 : vector<16xf32>
        %add3A_573 = arith.addf %mul3A_572, %get3A_40 : vector<16xf32>
        %swap3A_574 = arith.index_cast %add3A_419 : i32 to index
        %swap3A_575 = arith.constant 48 : index
        %swap3A_576 = tpu.vector_load %arg29[%swap3A_574, %swap3A_575] {strides = array<i32>} : memref<64x128xf32, #tpu.memory_space<vmem>>, vector<16xf32>,
        tpu.vector_store %arg29[%swap3A_574, %swap3A_575], %add3A_573 {strides = array<i32>} : memref<64x128xf32, #tpu.memory_space<vmem>>, vector<16xf32>,
        %sub3A_577 = arith.subf %add3A_454, %broadcast_in_dim3A_548 : vector<16xf32>
        %mul3A_578 = arith.mulf %mul3A_547, %get3A_26 : vector<16xf32>
        %mul3A_579 = arith.mulf %sub3A_577, %mul3A_578 : vector<16xf32>
        %add3A_580 = arith.addf %mul3A_579, %get3A_42 : vector<16xf32>
        %swap3A_581 = arith.index_cast %add3A_419 : i32 to index
        %swap3A_582 = arith.constant 64 : index
        %swap3A_583 = tpu.vector_load %arg29[%swap3A_581, %swap3A_582] {strides = array<i32>} : memref<64x128xf32, #tpu.memory_space<vmem>>, vector<16xf32>,
        tpu.vector_store %arg29[%swap3A_581, %swap3A_582], %add3A_580 {strides = array<i32>} : memref<64x128xf32, #tpu.memory_space<vmem>>, vector<16xf32>,
        %sub3A_584 = arith.subf %add3A_461, %broadcast_in_dim3A_548 : vector<16xf32>
        %mul3A_585 = arith.mulf %mul3A_547, %get3A_28 : vector<16xf32>
        %mul3A_586 = arith.mulf %sub3A_584, %mul3A_585 : vector<16xf32>
        %add3A_587 = arith.addf %mul3A_586, %get3A_44 : vector<16xf32>
        %swap3A_588 = arith.index_cast %add3A_419 : i32 to index
        %swap3A_589 = arith.constant 80 : index
        %swap3A_590 = tpu.vector_load %arg29[%swap3A_588, %swap3A_589] {strides = array<i32>} : memref<64x128xf32, #tpu.memory_space<vmem>>, vector<16xf32>,
        tpu.vector_store %arg29[%swap3A_588, %swap3A_589], %add3A_587 {strides = array<i32>} : memref<64x128xf32, #tpu.memory_space<vmem>>, vector<16xf32>,
        %sub3A_591 = arith.subf %add3A_468, %broadcast_in_dim3A_548 : vector<16xf32>
        %mul3A_592 = arith.mulf %mul3A_547, %get3A_30 : vector<16xf32>
        %mul3A_593 = arith.mulf %sub3A_591, %mul3A_592 : vector<16xf32>
        %add3A_594 = arith.addf %mul3A_593, %get3A_46 : vector<16xf32>
        %swap3A_595 = arith.index_cast %add3A_419 : i32 to index
        %swap3A_596 = arith.constant 96 : index
        %swap3A_597 = tpu.vector_load %arg29[%swap3A_595, %swap3A_596] {strides = array<i32>} : memref<64x128xf32, #tpu.memory_space<vmem>>, vector<16xf32>,
        tpu.vector_store %arg29[%swap3A_595, %swap3A_596], %add3A_594 {strides = array<i32>} : memref<64x128xf32, #tpu.memory_space<vmem>>, vector<16xf32>,
        %sub3A_598 = arith.subf %add3A_475, %broadcast_in_dim3A_548 : vector<16xf32>
        %mul3A_599 = arith.mulf %mul3A_547, %get3A_32 : vector<16xf32>
        %mul3A_600 = arith.mulf %sub3A_598, %mul3A_599 : vector<16xf32>
        %add3A_601 = arith.addf %mul3A_600, %get3A_48 : vector<16xf32>
        %swap3A_602 = arith.index_cast %add3A_419 : i32 to index
        %swap3A_603 = arith.constant 112 : index
        %swap3A_604 = tpu.vector_load %arg29[%swap3A_602, %swap3A_603] {strides = array<i32>} : memref<64x128xf32, #tpu.memory_space<vmem>>, vector<16xf32>,
        tpu.vector_store %arg29[%swap3A_602, %swap3A_603], %add3A_601 {strides = array<i32>} : memref<64x128xf32, #tpu.memory_space<vmem>>, vector<16xf32>,
      }
      %scan3A_159 = arith.constant 32 : i32
      %mul3A_160 = arith.constant 64 : i32
      %mul3A_161 = arith.muli %add3A_136, %mul3A_160 : i32
      %multiple_of3A_162 = tpu.assume_multiple %mul3A_161, 64 : i32
      %add3A_163 = arith.addi %mul3A_2, %multiple_of3A_162 : i32
      %dma_start3A_164 = arith.constant 0 : i32
      %dma_start3A_165 = tpu.memref_slice %arg10[%add3A_163, %dma_start3A_164] : memref<65536x128xf32, #tpu.memory_space<hbm>> -> memref<64x128xf32, #tpu.memory_space<hbm>>
      %dma_start3A_166 = arith.constant 0 : i32
      %dma_start3A_167 = tpu.memref_slice %arg10[%add3A_163, %dma_start3A_166] : memref<65536x128xf32, #tpu.memory_space<hbm>> -> memref<64x128xf32, #tpu.memory_space<hbm>>
      tpu.enqueue_dma source(%arg29 : memref<64x128xf32, #tpu.memory_space<vmem>>) target(%dma_start3A_167 : memref<64x128xf32, #tpu.memory_space<hbm>>) target_semaphore(%arg41 : memref<!tpu.dma_semaphore, #tpu.memory_space<semaphore_mem>>)
      %add3A_168 = arith.constant 2 : i32
      %add3A_169 = arith.addi %add3A_104, %add3A_168 : i32
      %add3A_170 = arith.constant 2 : i32
      %add3A_171 = arith.addi %add3A_169, %add3A_170 : i32
      %lt3A_172 = arith.constant 32 : i32
      %lt3A_173 = arith.cmpi slt, %add3A_171, %lt3A_172 : i32
      %convert_element_type3A_174 = arith.extui %lt3A_173 : i1 to i32
      %cond3A_175 = arith.constant 0 : i32
      %cond3A_176 = arith.cmpi ne, %convert_element_type3A_174, %cond3A_175 : i32
      scf.if %cond3A_176 {
        %ge3A = arith.constant 2 : i32
        %ge3A_234 = arith.cmpi sge, %add3A_169, %ge3A : i32
        %convert_element_type3A_235 = arith.extui %ge3A_234 : i1 to i32
        %cond3A_236 = arith.constant 0 : i32
        %cond3A_237 = arith.cmpi ne, %convert_element_type3A_235, %cond3A_236 : i32
        scf.if %cond3A_237 {
          %sub3A = arith.constant 2 : i32
          %sub3A_251 = arith.subi %add3A_169, %sub3A : i32
          %mul3A_252 = arith.constant 64 : i32
          %mul3A_253 = arith.muli %sub3A_251, %mul3A_252 : i32
          %multiple_of3A_254 = tpu.assume_multiple %mul3A_253, 64 : i32
          %add3A_255 = arith.addi %mul3A_2, %multiple_of3A_254 : i32
          %dma_wait3A_256 = arith.constant 0 : i32
          %dma_wait3A_257 = tpu.memref_slice %arg10[%add3A_255, %dma_wait3A_256] : memref<65536x128xf32, #tpu.memory_space<hbm>> -> memref<64x128xf32, #tpu.memory_space<hbm>>
          %dma_wait3A_258 = arith.constant 0 : i32
          %dma_wait3A_259 = tpu.memref_slice %arg10[%add3A_255, %dma_wait3A_258] : memref<65536x128xf32, #tpu.memory_space<hbm>> -> memref<64x128xf32, #tpu.memory_space<hbm>>
          tpu.wait_dma2 semaphore(%arg40 : memref<!tpu.dma_semaphore, #tpu.memory_space<semaphore_mem>>) src(%arg28 : memref<64x128xf32, #tpu.memory_space<vmem>>) dst(%dma_wait3A_259 : memref<64x128xf32, #tpu.memory_space<hbm>>)
        } else {
        }
        %add3A_238 = arith.constant 2 : i32
        %add3A_239 = arith.addi %add3A_169, %add3A_238 : i32
        %mul3A_240 = arith.constant 64 : i32
        %mul3A_241 = arith.muli %add3A_239, %mul3A_240 : i32
        %multiple_of3A_242 = tpu.assume_multiple %mul3A_241, 64 : i32
        %dma_start3A_243 = tpu.memref_slice %arg11[%multiple_of3A_242] : memref<2048xi32, #tpu.memory_space<vmem>> -> memref<64xi32, #tpu.memory_space<vmem>>
        %dma_start3A_244 = arith.constant 0 : i32
        %dma_start3A_245 = arith.constant 0 : i32
        %dma_start3A_246 = tpu.memref_slice %arg2[%dma_start3A_244, %dma_start3A_245] : memref<100000x128xf32, #tpu.memory_space<hbm>> -> memref<100000x128xf32, #tpu.memory_space<hbm>>
        tpu.enqueue_indirect_dma source(%dma_start3A_246 : memref<100000x128xf32, #tpu.memory_space<hbm>>) target(%arg20 : memref<64x128xf32, #tpu.memory_space<vmem>>) offsets(%dma_start3A_243 : memref<64xi32, #tpu.memory_space<vmem>>) semaphore(%arg32 : memref<!tpu.dma_semaphore, #tpu.memory_space<semaphore_mem>>)
        %dma_start3A_247 = tpu.memref_slice %arg12[%multiple_of3A_242] : memref<2048xi32, #tpu.memory_space<vmem>> -> memref<64xi32, #tpu.memory_space<vmem>>
        %dma_start3A_248 = arith.constant 0 : i32
        %dma_start3A_249 = arith.constant 0 : i32
        %dma_start3A_250 = tpu.memref_slice %arg19[%dma_start3A_248, %dma_start3A_249] : memref<1024x128xf32, #tpu.memory_space<vmem_shared>> -> memref<1024x128xf32, #tpu.memory_space<vmem_shared>>
        tpu.enqueue_indirect_dma source(%dma_start3A_250 : memref<1024x128xf32, #tpu.memory_space<vmem_shared>>) target(%arg24 : memref<64x128xf32, #tpu.memory_space<vmem>>) offsets(%dma_start3A_247 : memref<64xi32, #tpu.memory_space<vmem>>) semaphore(%arg36 : memref<!tpu.dma_semaphore, #tpu.memory_space<semaphore_mem>>)
      } else {
      }
      %mul3A_177 = arith.constant 64 : i32
      %mul3A_178 = arith.muli %add3A_169, %mul3A_177 : i32
      %multiple_of3A_179 = tpu.assume_multiple %mul3A_178, 64 : i32
      %dma_wait3A_180 = tpu.memref_slice %arg11[%multiple_of3A_179] : memref<2048xi32, #tpu.memory_space<vmem>> -> memref<64xi32, #tpu.memory_space<vmem>>
      %dma_wait3A_181 = arith.constant 0 : i32
      %dma_wait3A_182 = arith.constant 0 : i32
      %dma_wait3A_183 = tpu.memref_slice %arg2[%dma_wait3A_181, %dma_wait3A_182] : memref<100000x128xf32, #tpu.memory_space<hbm>> -> memref<100000x128xf32, #tpu.memory_space<hbm>>
      tpu.wait_indirect_dma semaphore(%arg34 : memref<!tpu.dma_semaphore, #tpu.memory_space<semaphore_mem>>) src(%dma_wait3A_183 : memref<100000x128xf32, #tpu.memory_space<hbm>>) dst(%arg22 : memref<64x128xf32, #tpu.memory_space<vmem>>)
      %dma_wait3A_184 = tpu.memref_slice %arg12[%multiple_of3A_179] : memref<2048xi32, #tpu.memory_space<vmem>> -> memref<64xi32, #tpu.memory_space<vmem>>
      %dma_wait3A_185 = arith.constant 0 : i32
      %dma_wait3A_186 = arith.constant 0 : i32
      %dma_wait3A_187 = tpu.memref_slice %arg19[%dma_wait3A_185, %dma_wait3A_186] : memref<1024x128xf32, #tpu.memory_space<vmem_shared>> -> memref<1024x128xf32, #tpu.memory_space<vmem_shared>>
      tpu.wait_indirect_dma semaphore(%arg38 : memref<!tpu.dma_semaphore, #tpu.memory_space<semaphore_mem>>) src(%dma_wait3A_187 : memref<1024x128xf32, #tpu.memory_space<vmem_shared>>) dst(%arg26 : memref<64x128xf32, #tpu.memory_space<vmem>>)
      %scan3A_188 = arith.constant 0 : i32
      %scan3A_189 = arith.constant 32 : i32
      %scan3A_190 = arith.addi %scan3A_188, %scan3A_189 : i32
      %scan3A_191 = arith.constant 1 : i32
      scf.for %scan3A_234 = %scan3A_188 to %scan3A_190 step %scan3A_191  : i32 {
        %mul3A_235 = arith.constant 2 : i32
        %mul3A_236 = arith.muli %scan3A_234, %mul3A_235 : i32
        %add3A_237 = arith.constant 0 : i32
        %add3A_238 = arith.addi %add3A_237, %mul3A_236 : i32
        %get3A_239 = arith.index_cast %add3A_238 : i32 to index
        %get3A_240 = arith.constant 0 : index
        %get3A_241 = tpu.vector_load %arg22[%get3A_239, %get3A_240] {strides = array<i32>} : memref<64x128xf32, #tpu.memory_space<vmem>>, vector<16xf32>,
        %get3A_242 = arith.index_cast %add3A_238 : i32 to index
        %get3A_243 = arith.constant 0 : index
        %get3A_244 = tpu.vector_load %arg26[%get3A_242, %get3A_243] {strides = array<i32>} : memref<64x128xf32, #tpu.memory_space<vmem>>, vector<16xf32>,
        %add3A_245 = arith.addf %get3A_241, %get3A_244 : vector<16xf32>
        %get3A_246 = arith.index_cast %add3A_238 : i32 to index
        %get3A_247 = arith.constant 16 : index
        %get3A_248 = tpu.vector_load %arg22[%get3A_246, %get3A_247] {strides = array<i32>} : memref<64x128xf32, #tpu.memory_space<vmem>>, vector<16xf32>,
        %get3A_249 = arith.index_cast %add3A_238 : i32 to index
        %get3A_250 = arith.constant 16 : index
        %get3A_251 = tpu.vector_load %arg26[%get3A_249, %get3A_250] {strides = array<i32>} : memref<64x128xf32, #tpu.memory_space<vmem>>, vector<16xf32>,
        %add3A_252 = arith.addf %get3A_248, %get3A_251 : vector<16xf32>
        %get3A_253 = arith.index_cast %add3A_238 : i32 to index
        %get3A_254 = arith.constant 32 : index
        %get3A_255 = tpu.vector_load %arg22[%get3A_253, %get3A_254] {strides = array<i32>} : memref<64x128xf32, #tpu.memory_space<vmem>>, vector<16xf32>,
        %get3A_256 = arith.index_cast %add3A_238 : i32 to index
        %get3A_257 = arith.constant 32 : index
        %get3A_258 = tpu.vector_load %arg26[%get3A_256, %get3A_257] {strides = array<i32>} : memref<64x128xf32, #tpu.memory_space<vmem>>, vector<16xf32>,
        %add3A_259 = arith.addf %get3A_255, %get3A_258 : vector<16xf32>
        %get3A_260 = arith.index_cast %add3A_238 : i32 to index
        %get3A_261 = arith.constant 48 : index
        %get3A_262 = tpu.vector_load %arg22[%get3A_260, %get3A_261] {strides = array<i32>} : memref<64x128xf32, #tpu.memory_space<vmem>>, vector<16xf32>,
        %get3A_263 = arith.index_cast %add3A_238 : i32 to index
        %get3A_264 = arith.constant 48 : index
        %get3A_265 = tpu.vector_load %arg26[%get3A_263, %get3A_264] {strides = array<i32>} : memref<64x128xf32, #tpu.memory_space<vmem>>, vector<16xf32>,
        %add3A_266 = arith.addf %get3A_262, %get3A_265 : vector<16xf32>
        %get3A_267 = arith.index_cast %add3A_238 : i32 to index
        %get3A_268 = arith.constant 64 : index
        %get3A_269 = tpu.vector_load %arg22[%get3A_267, %get3A_268] {strides = array<i32>} : memref<64x128xf32, #tpu.memory_space<vmem>>, vector<16xf32>,
        %get3A_270 = arith.index_cast %add3A_238 : i32 to index
        %get3A_271 = arith.constant 64 : index
        %get3A_272 = tpu.vector_load %arg26[%get3A_270, %get3A_271] {strides = array<i32>} : memref<64x128xf32, #tpu.memory_space<vmem>>, vector<16xf32>,
        %add3A_273 = arith.addf %get3A_269, %get3A_272 : vector<16xf32>
        %get3A_274 = arith.index_cast %add3A_238 : i32 to index
        %get3A_275 = arith.constant 80 : index
        %get3A_276 = tpu.vector_load %arg22[%get3A_274, %get3A_275] {strides = array<i32>} : memref<64x128xf32, #tpu.memory_space<vmem>>, vector<16xf32>,
        %get3A_277 = arith.index_cast %add3A_238 : i32 to index
        %get3A_278 = arith.constant 80 : index
        %get3A_279 = tpu.vector_load %arg26[%get3A_277, %get3A_278] {strides = array<i32>} : memref<64x128xf32, #tpu.memory_space<vmem>>, vector<16xf32>,
        %add3A_280 = arith.addf %get3A_276, %get3A_279 : vector<16xf32>
        %get3A_281 = arith.index_cast %add3A_238 : i32 to index
        %get3A_282 = arith.constant 96 : index
        %get3A_283 = tpu.vector_load %arg22[%get3A_281, %get3A_282] {strides = array<i32>} : memref<64x128xf32, #tpu.memory_space<vmem>>, vector<16xf32>,
        %get3A_284 = arith.index_cast %add3A_238 : i32 to index
        %get3A_285 = arith.constant 96 : index
        %get3A_286 = tpu.vector_load %arg26[%get3A_284, %get3A_285] {strides = array<i32>} : memref<64x128xf32, #tpu.memory_space<vmem>>, vector<16xf32>,
        %add3A_287 = arith.addf %get3A_283, %get3A_286 : vector<16xf32>
        %get3A_288 = arith.index_cast %add3A_238 : i32 to index
        %get3A_289 = arith.constant 112 : index
        %get3A_290 = tpu.vector_load %arg22[%get3A_288, %get3A_289] {strides = array<i32>} : memref<64x128xf32, #tpu.memory_space<vmem>>, vector<16xf32>,
        %get3A_291 = arith.index_cast %add3A_238 : i32 to index
        %get3A_292 = arith.constant 112 : index
        %get3A_293 = tpu.vector_load %arg26[%get3A_291, %get3A_292] {strides = array<i32>} : memref<64x128xf32, #tpu.memory_space<vmem>>, vector<16xf32>,
        %add3A_294 = arith.addf %get3A_290, %get3A_293 : vector<16xf32>
        %mul3A_295 = arith.mulf %add3A_245, %add3A_245 : vector<16xf32>
        %add3A_296 = arith.addf %add3A_245, %add3A_252 : vector<16xf32>
        %mul3A_297 = arith.mulf %add3A_252, %add3A_252 : vector<16xf32>
        %add3A_298 = arith.addf %mul3A_295, %mul3A_297 : vector<16xf32>
        %add3A_299 = arith.addf %add3A_296, %add3A_259 : vector<16xf32>
        %mul3A_300 = arith.mulf %add3A_259, %add3A_259 : vector<16xf32>
        %add3A_301 = arith.addf %add3A_298, %mul3A_300 : vector<16xf32>
        %add3A_302 = arith.addf %add3A_299, %add3A_266 : vector<16xf32>
        %mul3A_303 = arith.mulf %add3A_266, %add3A_266 : vector<16xf32>
        %add3A_304 = arith.addf %add3A_301, %mul3A_303 : vector<16xf32>
        %add3A_305 = arith.addf %add3A_302, %add3A_273 : vector<16xf32>
        %mul3A_306 = arith.mulf %add3A_273, %add3A_273 : vector<16xf32>
        %add3A_307 = arith.addf %add3A_304, %mul3A_306 : vector<16xf32>
        %add3A_308 = arith.addf %add3A_305, %add3A_280 : vector<16xf32>
        %mul3A_309 = arith.mulf %add3A_280, %add3A_280 : vector<16xf32>
        %add3A_310 = arith.addf %add3A_307, %mul3A_309 : vector<16xf32>
        %add3A_311 = arith.addf %add3A_308, %add3A_287 : vector<16xf32>
        %mul3A_312 = arith.mulf %add3A_287, %add3A_287 : vector<16xf32>
        %add3A_313 = arith.addf %add3A_310, %mul3A_312 : vector<16xf32>
        %add3A_314 = arith.addf %add3A_311, %add3A_294 : vector<16xf32>
        %mul3A_315 = arith.mulf %add3A_294, %add3A_294 : vector<16xf32>
        %add3A_316 = arith.addf %add3A_313, %mul3A_315 : vector<16xf32>
        %reduce_sum3A = arith.constant true
        %reduce_sum3A_317 = vector.broadcast %reduce_sum3A : i1 to vector<16xi1>
        %reduce_sum3A_318 = tpu.scan <sum>, %add3A_314 masked %reduce_sum3A_317 : vector<16xf32>, vector<16xi1> -> vector<16xf32>
        %reduce_sum3A_319 = vector.extract %reduce_sum3A_318[15] : f32 from vector<16xf32>
        %mul3A_320 = arith.mulf %reduce_sum3A_319, %scan3A_67 : f32
        %reduce_sum3A_321 = arith.constant true
        %reduce_sum3A_322 = vector.broadcast %reduce_sum3A_321 : i1 to vector<16xi1>
        %reduce_sum3A_323 = tpu.scan <sum>, %add3A_316 masked %reduce_sum3A_322 : vector<16xf32>, vector<16xi1> -> vector<16xf32>
        %reduce_sum3A_324 = vector.extract %reduce_sum3A_323[15] : f32 from vector<16xf32>
        %mul3A_325 = arith.mulf %reduce_sum3A_324, %scan3A_67 : f32
        %mul3A_326 = arith.mulf %mul3A_320, %mul3A_320 : f32
        %sub3A = arith.subf %mul3A_325, %mul3A_326 : f32
        %add3A_327 = arith.constant 9.99999996E-13 : f32
        %add3A_328 = arith.addf %sub3A, %add3A_327 : f32
        %broadcast_in_dim3A = vector.broadcast %add3A_328 : f32 to vector<16xf32>
        %bitcast_convert_type3A = tpu.bitcast %broadcast_in_dim3A : vector<16xf32> -> vector<16xi32>
        %shift_right_logical3A = arith.constant 1 : i32
        %shift_right_logical3A_329 = vector.broadcast %shift_right_logical3A : i32 to vector<16xi32>
        %shift_right_logical3A_330 = arith.shrui %bitcast_convert_type3A, %shift_right_logical3A_329 : vector<16xi32>
        %sub3A_331 = arith.constant 1597463007 : i32
        %sub3A_332 = vector.broadcast %sub3A_331 : i32 to vector<16xi32>
        %sub3A_333 = arith.subi %sub3A_332, %shift_right_logical3A_330 : vector<16xi32>
        %bitcast_convert_type3A_334 = tpu.bitcast %sub3A_333 : vector<16xi32> -> vector<16xf32>
        %mul3A_335 = arith.constant 5.000000e-01 : f32
        %mul3A_336 = vector.broadcast %mul3A_335 : f32 to vector<16xf32>
        %mul3A_337 = arith.mulf %mul3A_336, %broadcast_in_dim3A : vector<16xf32>
        %mul3A_338 = arith.mulf %mul3A_337, %bitcast_convert_type3A_334 : vector<16xf32>
        %mul3A_339 = arith.mulf %mul3A_338, %bitcast_convert_type3A_334 : vector<16xf32>
        %sub3A_340 = arith.constant 1.500000e+00 : f32
        %sub3A_341 = vector.broadcast %sub3A_340 : f32 to vector<16xf32>
        %sub3A_342 = arith.subf %sub3A_341, %mul3A_339 : vector<16xf32>
        %mul3A_343 = arith.mulf %bitcast_convert_type3A_334, %sub3A_342 : vector<16xf32>
        %mul3A_344 = arith.constant 5.000000e-01 : f32
        %mul3A_345 = vector.broadcast %mul3A_344 : f32 to vector<16xf32>
        %mul3A_346 = arith.mulf %mul3A_345, %broadcast_in_dim3A : vector<16xf32>
        %mul3A_347 = arith.mulf %mul3A_346, %mul3A_343 : vector<16xf32>
        %mul3A_348 = arith.mulf %mul3A_347, %mul3A_343 : vector<16xf32>
        %sub3A_349 = arith.constant 1.500000e+00 : f32
        %sub3A_350 = vector.broadcast %sub3A_349 : f32 to vector<16xf32>
        %sub3A_351 = arith.subf %sub3A_350, %mul3A_348 : vector<16xf32>
        %mul3A_352 = arith.mulf %mul3A_343, %sub3A_351 : vector<16xf32>
        %mul3A_353 = arith.constant 5.000000e-01 : f32
        %mul3A_354 = vector.broadcast %mul3A_353 : f32 to vector<16xf32>
        %mul3A_355 = arith.mulf %mul3A_354, %broadcast_in_dim3A : vector<16xf32>
        %mul3A_356 = arith.mulf %mul3A_355, %mul3A_352 : vector<16xf32>
        %mul3A_357 = arith.mulf %mul3A_356, %mul3A_352 : vector<16xf32>
        %sub3A_358 = arith.constant 1.500000e+00 : f32
        %sub3A_359 = vector.broadcast %sub3A_358 : f32 to vector<16xf32>
        %sub3A_360 = arith.subf %sub3A_359, %mul3A_357 : vector<16xf32>
        %mul3A_361 = arith.mulf %mul3A_352, %sub3A_360 : vector<16xf32>
        %broadcast_in_dim3A_362 = vector.broadcast %mul3A_320 : f32 to vector<16xf32>
        %sub3A_363 = arith.subf %add3A_245, %broadcast_in_dim3A_362 : vector<16xf32>
        %mul3A_364 = arith.mulf %mul3A_361, %get3A_18 : vector<16xf32>
        %mul3A_365 = arith.mulf %sub3A_363, %mul3A_364 : vector<16xf32>
        %add3A_366 = arith.addf %mul3A_365, %get3A_34 : vector<16xf32>
        %swap3A = arith.index_cast %add3A_238 : i32 to index
        %swap3A_367 = arith.constant 0 : index
        %swap3A_368 = tpu.vector_load %arg30[%swap3A, %swap3A_367] {strides = array<i32>} : memref<64x128xf32, #tpu.memory_space<vmem>>, vector<16xf32>,
        tpu.vector_store %arg30[%swap3A, %swap3A_367], %add3A_366 {strides = array<i32>} : memref<64x128xf32, #tpu.memory_space<vmem>>, vector<16xf32>,
        %sub3A_369 = arith.subf %add3A_252, %broadcast_in_dim3A_362 : vector<16xf32>
        %mul3A_370 = arith.mulf %mul3A_361, %get3A_20 : vector<16xf32>
        %mul3A_371 = arith.mulf %sub3A_369, %mul3A_370 : vector<16xf32>
        %add3A_372 = arith.addf %mul3A_371, %get3A_36 : vector<16xf32>
        %swap3A_373 = arith.index_cast %add3A_238 : i32 to index
        %swap3A_374 = arith.constant 16 : index
        %swap3A_375 = tpu.vector_load %arg30[%swap3A_373, %swap3A_374] {strides = array<i32>} : memref<64x128xf32, #tpu.memory_space<vmem>>, vector<16xf32>,
        tpu.vector_store %arg30[%swap3A_373, %swap3A_374], %add3A_372 {strides = array<i32>} : memref<64x128xf32, #tpu.memory_space<vmem>>, vector<16xf32>,
        %sub3A_376 = arith.subf %add3A_259, %broadcast_in_dim3A_362 : vector<16xf32>
        %mul3A_377 = arith.mulf %mul3A_361, %get3A_22 : vector<16xf32>
        %mul3A_378 = arith.mulf %sub3A_376, %mul3A_377 : vector<16xf32>
        %add3A_379 = arith.addf %mul3A_378, %get3A_38 : vector<16xf32>
        %swap3A_380 = arith.index_cast %add3A_238 : i32 to index
        %swap3A_381 = arith.constant 32 : index
        %swap3A_382 = tpu.vector_load %arg30[%swap3A_380, %swap3A_381] {strides = array<i32>} : memref<64x128xf32, #tpu.memory_space<vmem>>, vector<16xf32>,
        tpu.vector_store %arg30[%swap3A_380, %swap3A_381], %add3A_379 {strides = array<i32>} : memref<64x128xf32, #tpu.memory_space<vmem>>, vector<16xf32>,
        %sub3A_383 = arith.subf %add3A_266, %broadcast_in_dim3A_362 : vector<16xf32>
        %mul3A_384 = arith.mulf %mul3A_361, %get3A_24 : vector<16xf32>
        %mul3A_385 = arith.mulf %sub3A_383, %mul3A_384 : vector<16xf32>
        %add3A_386 = arith.addf %mul3A_385, %get3A_40 : vector<16xf32>
        %swap3A_387 = arith.index_cast %add3A_238 : i32 to index
        %swap3A_388 = arith.constant 48 : index
        %swap3A_389 = tpu.vector_load %arg30[%swap3A_387, %swap3A_388] {strides = array<i32>} : memref<64x128xf32, #tpu.memory_space<vmem>>, vector<16xf32>,
        tpu.vector_store %arg30[%swap3A_387, %swap3A_388], %add3A_386 {strides = array<i32>} : memref<64x128xf32, #tpu.memory_space<vmem>>, vector<16xf32>,
        %sub3A_390 = arith.subf %add3A_273, %broadcast_in_dim3A_362 : vector<16xf32>
        %mul3A_391 = arith.mulf %mul3A_361, %get3A_26 : vector<16xf32>
        %mul3A_392 = arith.mulf %sub3A_390, %mul3A_391 : vector<16xf32>
        %add3A_393 = arith.addf %mul3A_392, %get3A_42 : vector<16xf32>
        %swap3A_394 = arith.index_cast %add3A_238 : i32 to index
        %swap3A_395 = arith.constant 64 : index
        %swap3A_396 = tpu.vector_load %arg30[%swap3A_394, %swap3A_395] {strides = array<i32>} : memref<64x128xf32, #tpu.memory_space<vmem>>, vector<16xf32>,
        tpu.vector_store %arg30[%swap3A_394, %swap3A_395], %add3A_393 {strides = array<i32>} : memref<64x128xf32, #tpu.memory_space<vmem>>, vector<16xf32>,
        %sub3A_397 = arith.subf %add3A_280, %broadcast_in_dim3A_362 : vector<16xf32>
        %mul3A_398 = arith.mulf %mul3A_361, %get3A_28 : vector<16xf32>
        %mul3A_399 = arith.mulf %sub3A_397, %mul3A_398 : vector<16xf32>
        %add3A_400 = arith.addf %mul3A_399, %get3A_44 : vector<16xf32>
        %swap3A_401 = arith.index_cast %add3A_238 : i32 to index
        %swap3A_402 = arith.constant 80 : index
        %swap3A_403 = tpu.vector_load %arg30[%swap3A_401, %swap3A_402] {strides = array<i32>} : memref<64x128xf32, #tpu.memory_space<vmem>>, vector<16xf32>,
        tpu.vector_store %arg30[%swap3A_401, %swap3A_402], %add3A_400 {strides = array<i32>} : memref<64x128xf32, #tpu.memory_space<vmem>>, vector<16xf32>,
        %sub3A_404 = arith.subf %add3A_287, %broadcast_in_dim3A_362 : vector<16xf32>
        %mul3A_405 = arith.mulf %mul3A_361, %get3A_30 : vector<16xf32>
        %mul3A_406 = arith.mulf %sub3A_404, %mul3A_405 : vector<16xf32>
        %add3A_407 = arith.addf %mul3A_406, %get3A_46 : vector<16xf32>
        %swap3A_408 = arith.index_cast %add3A_238 : i32 to index
        %swap3A_409 = arith.constant 96 : index
        %swap3A_410 = tpu.vector_load %arg30[%swap3A_408, %swap3A_409] {strides = array<i32>} : memref<64x128xf32, #tpu.memory_space<vmem>>, vector<16xf32>,
        tpu.vector_store %arg30[%swap3A_408, %swap3A_409], %add3A_407 {strides = array<i32>} : memref<64x128xf32, #tpu.memory_space<vmem>>, vector<16xf32>,
        %sub3A_411 = arith.subf %add3A_294, %broadcast_in_dim3A_362 : vector<16xf32>
        %mul3A_412 = arith.mulf %mul3A_361, %get3A_32 : vector<16xf32>
        %mul3A_413 = arith.mulf %sub3A_411, %mul3A_412 : vector<16xf32>
        %add3A_414 = arith.addf %mul3A_413, %get3A_48 : vector<16xf32>
        %swap3A_415 = arith.index_cast %add3A_238 : i32 to index
        %swap3A_416 = arith.constant 112 : index
        %swap3A_417 = tpu.vector_load %arg30[%swap3A_415, %swap3A_416] {strides = array<i32>} : memref<64x128xf32, #tpu.memory_space<vmem>>, vector<16xf32>,
        tpu.vector_store %arg30[%swap3A_415, %swap3A_416], %add3A_414 {strides = array<i32>} : memref<64x128xf32, #tpu.memory_space<vmem>>, vector<16xf32>,
        %add3A_418 = arith.constant 1 : i32
        %add3A_419 = arith.addi %add3A_238, %add3A_418 : i32
        %get3A_420 = arith.index_cast %add3A_419 : i32 to index
        %get3A_421 = arith.constant 0 : index
        %get3A_422 = tpu.vector_load %arg22[%get3A_420, %get3A_421] {strides = array<i32>} : memref<64x128xf32, #tpu.memory_space<vmem>>, vector<16xf32>,
        %get3A_423 = arith.index_cast %add3A_419 : i32 to index
        %get3A_424 = arith.constant 0 : index
        %get3A_425 = tpu.vector_load %arg26[%get3A_423, %get3A_424] {strides = array<i32>} : memref<64x128xf32, #tpu.memory_space<vmem>>, vector<16xf32>,
        %add3A_426 = arith.addf %get3A_422, %get3A_425 : vector<16xf32>
        %get3A_427 = arith.index_cast %add3A_419 : i32 to index
        %get3A_428 = arith.constant 16 : index
        %get3A_429 = tpu.vector_load %arg22[%get3A_427, %get3A_428] {strides = array<i32>} : memref<64x128xf32, #tpu.memory_space<vmem>>, vector<16xf32>,
        %get3A_430 = arith.index_cast %add3A_419 : i32 to index
        %get3A_431 = arith.constant 16 : index
        %get3A_432 = tpu.vector_load %arg26[%get3A_430, %get3A_431] {strides = array<i32>} : memref<64x128xf32, #tpu.memory_space<vmem>>, vector<16xf32>,
        %add3A_433 = arith.addf %get3A_429, %get3A_432 : vector<16xf32>
        %get3A_434 = arith.index_cast %add3A_419 : i32 to index
        %get3A_435 = arith.constant 32 : index
        %get3A_436 = tpu.vector_load %arg22[%get3A_434, %get3A_435] {strides = array<i32>} : memref<64x128xf32, #tpu.memory_space<vmem>>, vector<16xf32>,
        %get3A_437 = arith.index_cast %add3A_419 : i32 to index
        %get3A_438 = arith.constant 32 : index
        %get3A_439 = tpu.vector_load %arg26[%get3A_437, %get3A_438] {strides = array<i32>} : memref<64x128xf32, #tpu.memory_space<vmem>>, vector<16xf32>,
        %add3A_440 = arith.addf %get3A_436, %get3A_439 : vector<16xf32>
        %get3A_441 = arith.index_cast %add3A_419 : i32 to index
        %get3A_442 = arith.constant 48 : index
        %get3A_443 = tpu.vector_load %arg22[%get3A_441, %get3A_442] {strides = array<i32>} : memref<64x128xf32, #tpu.memory_space<vmem>>, vector<16xf32>,
        %get3A_444 = arith.index_cast %add3A_419 : i32 to index
        %get3A_445 = arith.constant 48 : index
        %get3A_446 = tpu.vector_load %arg26[%get3A_444, %get3A_445] {strides = array<i32>} : memref<64x128xf32, #tpu.memory_space<vmem>>, vector<16xf32>,
        %add3A_447 = arith.addf %get3A_443, %get3A_446 : vector<16xf32>
        %get3A_448 = arith.index_cast %add3A_419 : i32 to index
        %get3A_449 = arith.constant 64 : index
        %get3A_450 = tpu.vector_load %arg22[%get3A_448, %get3A_449] {strides = array<i32>} : memref<64x128xf32, #tpu.memory_space<vmem>>, vector<16xf32>,
        %get3A_451 = arith.index_cast %add3A_419 : i32 to index
        %get3A_452 = arith.constant 64 : index
        %get3A_453 = tpu.vector_load %arg26[%get3A_451, %get3A_452] {strides = array<i32>} : memref<64x128xf32, #tpu.memory_space<vmem>>, vector<16xf32>,
        %add3A_454 = arith.addf %get3A_450, %get3A_453 : vector<16xf32>
        %get3A_455 = arith.index_cast %add3A_419 : i32 to index
        %get3A_456 = arith.constant 80 : index
        %get3A_457 = tpu.vector_load %arg22[%get3A_455, %get3A_456] {strides = array<i32>} : memref<64x128xf32, #tpu.memory_space<vmem>>, vector<16xf32>,
        %get3A_458 = arith.index_cast %add3A_419 : i32 to index
        %get3A_459 = arith.constant 80 : index
        %get3A_460 = tpu.vector_load %arg26[%get3A_458, %get3A_459] {strides = array<i32>} : memref<64x128xf32, #tpu.memory_space<vmem>>, vector<16xf32>,
        %add3A_461 = arith.addf %get3A_457, %get3A_460 : vector<16xf32>
        %get3A_462 = arith.index_cast %add3A_419 : i32 to index
        %get3A_463 = arith.constant 96 : index
        %get3A_464 = tpu.vector_load %arg22[%get3A_462, %get3A_463] {strides = array<i32>} : memref<64x128xf32, #tpu.memory_space<vmem>>, vector<16xf32>,
        %get3A_465 = arith.index_cast %add3A_419 : i32 to index
        %get3A_466 = arith.constant 96 : index
        %get3A_467 = tpu.vector_load %arg26[%get3A_465, %get3A_466] {strides = array<i32>} : memref<64x128xf32, #tpu.memory_space<vmem>>, vector<16xf32>,
        %add3A_468 = arith.addf %get3A_464, %get3A_467 : vector<16xf32>
        %get3A_469 = arith.index_cast %add3A_419 : i32 to index
        %get3A_470 = arith.constant 112 : index
        %get3A_471 = tpu.vector_load %arg22[%get3A_469, %get3A_470] {strides = array<i32>} : memref<64x128xf32, #tpu.memory_space<vmem>>, vector<16xf32>,
        %get3A_472 = arith.index_cast %add3A_419 : i32 to index
        %get3A_473 = arith.constant 112 : index
        %get3A_474 = tpu.vector_load %arg26[%get3A_472, %get3A_473] {strides = array<i32>} : memref<64x128xf32, #tpu.memory_space<vmem>>, vector<16xf32>,
        %add3A_475 = arith.addf %get3A_471, %get3A_474 : vector<16xf32>
        %mul3A_476 = arith.mulf %add3A_426, %add3A_426 : vector<16xf32>
        %add3A_477 = arith.addf %add3A_426, %add3A_433 : vector<16xf32>
        %mul3A_478 = arith.mulf %add3A_433, %add3A_433 : vector<16xf32>
        %add3A_479 = arith.addf %mul3A_476, %mul3A_478 : vector<16xf32>
        %add3A_480 = arith.addf %add3A_477, %add3A_440 : vector<16xf32>
        %mul3A_481 = arith.mulf %add3A_440, %add3A_440 : vector<16xf32>
        %add3A_482 = arith.addf %add3A_479, %mul3A_481 : vector<16xf32>
        %add3A_483 = arith.addf %add3A_480, %add3A_447 : vector<16xf32>
        %mul3A_484 = arith.mulf %add3A_447, %add3A_447 : vector<16xf32>
        %add3A_485 = arith.addf %add3A_482, %mul3A_484 : vector<16xf32>
        %add3A_486 = arith.addf %add3A_483, %add3A_454 : vector<16xf32>
        %mul3A_487 = arith.mulf %add3A_454, %add3A_454 : vector<16xf32>
        %add3A_488 = arith.addf %add3A_485, %mul3A_487 : vector<16xf32>
        %add3A_489 = arith.addf %add3A_486, %add3A_461 : vector<16xf32>
        %mul3A_490 = arith.mulf %add3A_461, %add3A_461 : vector<16xf32>
        %add3A_491 = arith.addf %add3A_488, %mul3A_490 : vector<16xf32>
        %add3A_492 = arith.addf %add3A_489, %add3A_468 : vector<16xf32>
        %mul3A_493 = arith.mulf %add3A_468, %add3A_468 : vector<16xf32>
        %add3A_494 = arith.addf %add3A_491, %mul3A_493 : vector<16xf32>
        %add3A_495 = arith.addf %add3A_492, %add3A_475 : vector<16xf32>
        %mul3A_496 = arith.mulf %add3A_475, %add3A_475 : vector<16xf32>
        %add3A_497 = arith.addf %add3A_494, %mul3A_496 : vector<16xf32>
        %reduce_sum3A_498 = arith.constant true
        %reduce_sum3A_499 = vector.broadcast %reduce_sum3A_498 : i1 to vector<16xi1>
        %reduce_sum3A_500 = tpu.scan <sum>, %add3A_495 masked %reduce_sum3A_499 : vector<16xf32>, vector<16xi1> -> vector<16xf32>
        %reduce_sum3A_501 = vector.extract %reduce_sum3A_500[15] : f32 from vector<16xf32>
        %mul3A_502 = arith.mulf %reduce_sum3A_501, %scan3A_67 : f32
        %reduce_sum3A_503 = arith.constant true
        %reduce_sum3A_504 = vector.broadcast %reduce_sum3A_503 : i1 to vector<16xi1>
        %reduce_sum3A_505 = tpu.scan <sum>, %add3A_497 masked %reduce_sum3A_504 : vector<16xf32>, vector<16xi1> -> vector<16xf32>
        %reduce_sum3A_506 = vector.extract %reduce_sum3A_505[15] : f32 from vector<16xf32>
        %mul3A_507 = arith.mulf %reduce_sum3A_506, %scan3A_67 : f32
        %mul3A_508 = arith.mulf %mul3A_502, %mul3A_502 : f32
        %sub3A_509 = arith.subf %mul3A_507, %mul3A_508 : f32
        %add3A_510 = arith.constant 9.99999996E-13 : f32
        %add3A_511 = arith.addf %sub3A_509, %add3A_510 : f32
        %broadcast_in_dim3A_512 = vector.broadcast %add3A_511 : f32 to vector<16xf32>
        %bitcast_convert_type3A_513 = tpu.bitcast %broadcast_in_dim3A_512 : vector<16xf32> -> vector<16xi32>
        %shift_right_logical3A_514 = arith.constant 1 : i32
        %shift_right_logical3A_515 = vector.broadcast %shift_right_logical3A_514 : i32 to vector<16xi32>
        %shift_right_logical3A_516 = arith.shrui %bitcast_convert_type3A_513, %shift_right_logical3A_515 : vector<16xi32>
        %sub3A_517 = arith.constant 1597463007 : i32
        %sub3A_518 = vector.broadcast %sub3A_517 : i32 to vector<16xi32>
        %sub3A_519 = arith.subi %sub3A_518, %shift_right_logical3A_516 : vector<16xi32>
        %bitcast_convert_type3A_520 = tpu.bitcast %sub3A_519 : vector<16xi32> -> vector<16xf32>
        %mul3A_521 = arith.constant 5.000000e-01 : f32
        %mul3A_522 = vector.broadcast %mul3A_521 : f32 to vector<16xf32>
        %mul3A_523 = arith.mulf %mul3A_522, %broadcast_in_dim3A_512 : vector<16xf32>
        %mul3A_524 = arith.mulf %mul3A_523, %bitcast_convert_type3A_520 : vector<16xf32>
        %mul3A_525 = arith.mulf %mul3A_524, %bitcast_convert_type3A_520 : vector<16xf32>
        %sub3A_526 = arith.constant 1.500000e+00 : f32
        %sub3A_527 = vector.broadcast %sub3A_526 : f32 to vector<16xf32>
        %sub3A_528 = arith.subf %sub3A_527, %mul3A_525 : vector<16xf32>
        %mul3A_529 = arith.mulf %bitcast_convert_type3A_520, %sub3A_528 : vector<16xf32>
        %mul3A_530 = arith.constant 5.000000e-01 : f32
        %mul3A_531 = vector.broadcast %mul3A_530 : f32 to vector<16xf32>
        %mul3A_532 = arith.mulf %mul3A_531, %broadcast_in_dim3A_512 : vector<16xf32>
        %mul3A_533 = arith.mulf %mul3A_532, %mul3A_529 : vector<16xf32>
        %mul3A_534 = arith.mulf %mul3A_533, %mul3A_529 : vector<16xf32>
        %sub3A_535 = arith.constant 1.500000e+00 : f32
        %sub3A_536 = vector.broadcast %sub3A_535 : f32 to vector<16xf32>
        %sub3A_537 = arith.subf %sub3A_536, %mul3A_534 : vector<16xf32>
        %mul3A_538 = arith.mulf %mul3A_529, %sub3A_537 : vector<16xf32>
        %mul3A_539 = arith.constant 5.000000e-01 : f32
        %mul3A_540 = vector.broadcast %mul3A_539 : f32 to vector<16xf32>
        %mul3A_541 = arith.mulf %mul3A_540, %broadcast_in_dim3A_512 : vector<16xf32>
        %mul3A_542 = arith.mulf %mul3A_541, %mul3A_538 : vector<16xf32>
        %mul3A_543 = arith.mulf %mul3A_542, %mul3A_538 : vector<16xf32>
        %sub3A_544 = arith.constant 1.500000e+00 : f32
        %sub3A_545 = vector.broadcast %sub3A_544 : f32 to vector<16xf32>
        %sub3A_546 = arith.subf %sub3A_545, %mul3A_543 : vector<16xf32>
        %mul3A_547 = arith.mulf %mul3A_538, %sub3A_546 : vector<16xf32>
        %broadcast_in_dim3A_548 = vector.broadcast %mul3A_502 : f32 to vector<16xf32>
        %sub3A_549 = arith.subf %add3A_426, %broadcast_in_dim3A_548 : vector<16xf32>
        %mul3A_550 = arith.mulf %mul3A_547, %get3A_18 : vector<16xf32>
        %mul3A_551 = arith.mulf %sub3A_549, %mul3A_550 : vector<16xf32>
        %add3A_552 = arith.addf %mul3A_551, %get3A_34 : vector<16xf32>
        %swap3A_553 = arith.index_cast %add3A_419 : i32 to index
        %swap3A_554 = arith.constant 0 : index
        %swap3A_555 = tpu.vector_load %arg30[%swap3A_553, %swap3A_554] {strides = array<i32>} : memref<64x128xf32, #tpu.memory_space<vmem>>, vector<16xf32>,
        tpu.vector_store %arg30[%swap3A_553, %swap3A_554], %add3A_552 {strides = array<i32>} : memref<64x128xf32, #tpu.memory_space<vmem>>, vector<16xf32>,
        %sub3A_556 = arith.subf %add3A_433, %broadcast_in_dim3A_548 : vector<16xf32>
        %mul3A_557 = arith.mulf %mul3A_547, %get3A_20 : vector<16xf32>
        %mul3A_558 = arith.mulf %sub3A_556, %mul3A_557 : vector<16xf32>
        %add3A_559 = arith.addf %mul3A_558, %get3A_36 : vector<16xf32>
        %swap3A_560 = arith.index_cast %add3A_419 : i32 to index
        %swap3A_561 = arith.constant 16 : index
        %swap3A_562 = tpu.vector_load %arg30[%swap3A_560, %swap3A_561] {strides = array<i32>} : memref<64x128xf32, #tpu.memory_space<vmem>>, vector<16xf32>,
        tpu.vector_store %arg30[%swap3A_560, %swap3A_561], %add3A_559 {strides = array<i32>} : memref<64x128xf32, #tpu.memory_space<vmem>>, vector<16xf32>,
        %sub3A_563 = arith.subf %add3A_440, %broadcast_in_dim3A_548 : vector<16xf32>
        %mul3A_564 = arith.mulf %mul3A_547, %get3A_22 : vector<16xf32>
        %mul3A_565 = arith.mulf %sub3A_563, %mul3A_564 : vector<16xf32>
        %add3A_566 = arith.addf %mul3A_565, %get3A_38 : vector<16xf32>
        %swap3A_567 = arith.index_cast %add3A_419 : i32 to index
        %swap3A_568 = arith.constant 32 : index
        %swap3A_569 = tpu.vector_load %arg30[%swap3A_567, %swap3A_568] {strides = array<i32>} : memref<64x128xf32, #tpu.memory_space<vmem>>, vector<16xf32>,
        tpu.vector_store %arg30[%swap3A_567, %swap3A_568], %add3A_566 {strides = array<i32>} : memref<64x128xf32, #tpu.memory_space<vmem>>, vector<16xf32>,
        %sub3A_570 = arith.subf %add3A_447, %broadcast_in_dim3A_548 : vector<16xf32>
        %mul3A_571 = arith.mulf %mul3A_547, %get3A_24 : vector<16xf32>
        %mul3A_572 = arith.mulf %sub3A_570, %mul3A_571 : vector<16xf32>
        %add3A_573 = arith.addf %mul3A_572, %get3A_40 : vector<16xf32>
        %swap3A_574 = arith.index_cast %add3A_419 : i32 to index
        %swap3A_575 = arith.constant 48 : index
        %swap3A_576 = tpu.vector_load %arg30[%swap3A_574, %swap3A_575] {strides = array<i32>} : memref<64x128xf32, #tpu.memory_space<vmem>>, vector<16xf32>,
        tpu.vector_store %arg30[%swap3A_574, %swap3A_575], %add3A_573 {strides = array<i32>} : memref<64x128xf32, #tpu.memory_space<vmem>>, vector<16xf32>,
        %sub3A_577 = arith.subf %add3A_454, %broadcast_in_dim3A_548 : vector<16xf32>
        %mul3A_578 = arith.mulf %mul3A_547, %get3A_26 : vector<16xf32>
        %mul3A_579 = arith.mulf %sub3A_577, %mul3A_578 : vector<16xf32>
        %add3A_580 = arith.addf %mul3A_579, %get3A_42 : vector<16xf32>
        %swap3A_581 = arith.index_cast %add3A_419 : i32 to index
        %swap3A_582 = arith.constant 64 : index
        %swap3A_583 = tpu.vector_load %arg30[%swap3A_581, %swap3A_582] {strides = array<i32>} : memref<64x128xf32, #tpu.memory_space<vmem>>, vector<16xf32>,
        tpu.vector_store %arg30[%swap3A_581, %swap3A_582], %add3A_580 {strides = array<i32>} : memref<64x128xf32, #tpu.memory_space<vmem>>, vector<16xf32>,
        %sub3A_584 = arith.subf %add3A_461, %broadcast_in_dim3A_548 : vector<16xf32>
        %mul3A_585 = arith.mulf %mul3A_547, %get3A_28 : vector<16xf32>
        %mul3A_586 = arith.mulf %sub3A_584, %mul3A_585 : vector<16xf32>
        %add3A_587 = arith.addf %mul3A_586, %get3A_44 : vector<16xf32>
        %swap3A_588 = arith.index_cast %add3A_419 : i32 to index
        %swap3A_589 = arith.constant 80 : index
        %swap3A_590 = tpu.vector_load %arg30[%swap3A_588, %swap3A_589] {strides = array<i32>} : memref<64x128xf32, #tpu.memory_space<vmem>>, vector<16xf32>,
        tpu.vector_store %arg30[%swap3A_588, %swap3A_589], %add3A_587 {strides = array<i32>} : memref<64x128xf32, #tpu.memory_space<vmem>>, vector<16xf32>,
        %sub3A_591 = arith.subf %add3A_468, %broadcast_in_dim3A_548 : vector<16xf32>
        %mul3A_592 = arith.mulf %mul3A_547, %get3A_30 : vector<16xf32>
        %mul3A_593 = arith.mulf %sub3A_591, %mul3A_592 : vector<16xf32>
        %add3A_594 = arith.addf %mul3A_593, %get3A_46 : vector<16xf32>
        %swap3A_595 = arith.index_cast %add3A_419 : i32 to index
        %swap3A_596 = arith.constant 96 : index
        %swap3A_597 = tpu.vector_load %arg30[%swap3A_595, %swap3A_596] {strides = array<i32>} : memref<64x128xf32, #tpu.memory_space<vmem>>, vector<16xf32>,
        tpu.vector_store %arg30[%swap3A_595, %swap3A_596], %add3A_594 {strides = array<i32>} : memref<64x128xf32, #tpu.memory_space<vmem>>, vector<16xf32>,
        %sub3A_598 = arith.subf %add3A_475, %broadcast_in_dim3A_548 : vector<16xf32>
        %mul3A_599 = arith.mulf %mul3A_547, %get3A_32 : vector<16xf32>
        %mul3A_600 = arith.mulf %sub3A_598, %mul3A_599 : vector<16xf32>
        %add3A_601 = arith.addf %mul3A_600, %get3A_48 : vector<16xf32>
        %swap3A_602 = arith.index_cast %add3A_419 : i32 to index
        %swap3A_603 = arith.constant 112 : index
        %swap3A_604 = tpu.vector_load %arg30[%swap3A_602, %swap3A_603] {strides = array<i32>} : memref<64x128xf32, #tpu.memory_space<vmem>>, vector<16xf32>,
        tpu.vector_store %arg30[%swap3A_602, %swap3A_603], %add3A_601 {strides = array<i32>} : memref<64x128xf32, #tpu.memory_space<vmem>>, vector<16xf32>,
      }
      %scan3A_192 = arith.constant 32 : i32
      %mul3A_193 = arith.constant 64 : i32
      %mul3A_194 = arith.muli %add3A_169, %mul3A_193 : i32
      %multiple_of3A_195 = tpu.assume_multiple %mul3A_194, 64 : i32
      %add3A_196 = arith.addi %mul3A_2, %multiple_of3A_195 : i32
      %dma_start3A_197 = arith.constant 0 : i32
      %dma_start3A_198 = tpu.memref_slice %arg10[%add3A_196, %dma_start3A_197] : memref<65536x128xf32, #tpu.memory_space<hbm>> -> memref<64x128xf32, #tpu.memory_space<hbm>>
      %dma_start3A_199 = arith.constant 0 : i32
      %dma_start3A_200 = tpu.memref_slice %arg10[%add3A_196, %dma_start3A_199] : memref<65536x128xf32, #tpu.memory_space<hbm>> -> memref<64x128xf32, #tpu.memory_space<hbm>>
      tpu.enqueue_dma source(%arg30 : memref<64x128xf32, #tpu.memory_space<vmem>>) target(%dma_start3A_200 : memref<64x128xf32, #tpu.memory_space<hbm>>) target_semaphore(%arg42 : memref<!tpu.dma_semaphore, #tpu.memory_space<semaphore_mem>>)
      %add3A_201 = arith.constant 3 : i32
      %add3A_202 = arith.addi %add3A_104, %add3A_201 : i32
      %add3A_203 = arith.constant 2 : i32
      %add3A_204 = arith.addi %add3A_202, %add3A_203 : i32
      %lt3A_205 = arith.constant 32 : i32
      %lt3A_206 = arith.cmpi slt, %add3A_204, %lt3A_205 : i32
      %convert_element_type3A_207 = arith.extui %lt3A_206 : i1 to i32
      %cond3A_208 = arith.constant 0 : i32
      %cond3A_209 = arith.cmpi ne, %convert_element_type3A_207, %cond3A_208 : i32
      scf.if %cond3A_209 {
        %ge3A = arith.constant 2 : i32
        %ge3A_234 = arith.cmpi sge, %add3A_202, %ge3A : i32
        %convert_element_type3A_235 = arith.extui %ge3A_234 : i1 to i32
        %cond3A_236 = arith.constant 0 : i32
        %cond3A_237 = arith.cmpi ne, %convert_element_type3A_235, %cond3A_236 : i32
        scf.if %cond3A_237 {
          %sub3A = arith.constant 2 : i32
          %sub3A_251 = arith.subi %add3A_202, %sub3A : i32
          %mul3A_252 = arith.constant 64 : i32
          %mul3A_253 = arith.muli %sub3A_251, %mul3A_252 : i32
          %multiple_of3A_254 = tpu.assume_multiple %mul3A_253, 64 : i32
          %add3A_255 = arith.addi %mul3A_2, %multiple_of3A_254 : i32
          %dma_wait3A_256 = arith.constant 0 : i32
          %dma_wait3A_257 = tpu.memref_slice %arg10[%add3A_255, %dma_wait3A_256] : memref<65536x128xf32, #tpu.memory_space<hbm>> -> memref<64x128xf32, #tpu.memory_space<hbm>>
          %dma_wait3A_258 = arith.constant 0 : i32
          %dma_wait3A_259 = tpu.memref_slice %arg10[%add3A_255, %dma_wait3A_258] : memref<65536x128xf32, #tpu.memory_space<hbm>> -> memref<64x128xf32, #tpu.memory_space<hbm>>
          tpu.wait_dma2 semaphore(%arg41 : memref<!tpu.dma_semaphore, #tpu.memory_space<semaphore_mem>>) src(%arg29 : memref<64x128xf32, #tpu.memory_space<vmem>>) dst(%dma_wait3A_259 : memref<64x128xf32, #tpu.memory_space<hbm>>)
        } else {
        }
        %add3A_238 = arith.constant 2 : i32
        %add3A_239 = arith.addi %add3A_202, %add3A_238 : i32
        %mul3A_240 = arith.constant 64 : i32
        %mul3A_241 = arith.muli %add3A_239, %mul3A_240 : i32
        %multiple_of3A_242 = tpu.assume_multiple %mul3A_241, 64 : i32
        %dma_start3A_243 = tpu.memref_slice %arg11[%multiple_of3A_242] : memref<2048xi32, #tpu.memory_space<vmem>> -> memref<64xi32, #tpu.memory_space<vmem>>
        %dma_start3A_244 = arith.constant 0 : i32
        %dma_start3A_245 = arith.constant 0 : i32
        %dma_start3A_246 = tpu.memref_slice %arg2[%dma_start3A_244, %dma_start3A_245] : memref<100000x128xf32, #tpu.memory_space<hbm>> -> memref<100000x128xf32, #tpu.memory_space<hbm>>
        tpu.enqueue_indirect_dma source(%dma_start3A_246 : memref<100000x128xf32, #tpu.memory_space<hbm>>) target(%arg21 : memref<64x128xf32, #tpu.memory_space<vmem>>) offsets(%dma_start3A_243 : memref<64xi32, #tpu.memory_space<vmem>>) semaphore(%arg33 : memref<!tpu.dma_semaphore, #tpu.memory_space<semaphore_mem>>)
        %dma_start3A_247 = tpu.memref_slice %arg12[%multiple_of3A_242] : memref<2048xi32, #tpu.memory_space<vmem>> -> memref<64xi32, #tpu.memory_space<vmem>>
        %dma_start3A_248 = arith.constant 0 : i32
        %dma_start3A_249 = arith.constant 0 : i32
        %dma_start3A_250 = tpu.memref_slice %arg19[%dma_start3A_248, %dma_start3A_249] : memref<1024x128xf32, #tpu.memory_space<vmem_shared>> -> memref<1024x128xf32, #tpu.memory_space<vmem_shared>>
        tpu.enqueue_indirect_dma source(%dma_start3A_250 : memref<1024x128xf32, #tpu.memory_space<vmem_shared>>) target(%arg25 : memref<64x128xf32, #tpu.memory_space<vmem>>) offsets(%dma_start3A_247 : memref<64xi32, #tpu.memory_space<vmem>>) semaphore(%arg37 : memref<!tpu.dma_semaphore, #tpu.memory_space<semaphore_mem>>)
      } else {
      }
      %mul3A_210 = arith.constant 64 : i32
      %mul3A_211 = arith.muli %add3A_202, %mul3A_210 : i32
      %multiple_of3A_212 = tpu.assume_multiple %mul3A_211, 64 : i32
      %dma_wait3A_213 = tpu.memref_slice %arg11[%multiple_of3A_212] : memref<2048xi32, #tpu.memory_space<vmem>> -> memref<64xi32, #tpu.memory_space<vmem>>
      %dma_wait3A_214 = arith.constant 0 : i32
      %dma_wait3A_215 = arith.constant 0 : i32
      %dma_wait3A_216 = tpu.memref_slice %arg2[%dma_wait3A_214, %dma_wait3A_215] : memref<100000x128xf32, #tpu.memory_space<hbm>> -> memref<100000x128xf32, #tpu.memory_space<hbm>>
      tpu.wait_indirect_dma semaphore(%arg35 : memref<!tpu.dma_semaphore, #tpu.memory_space<semaphore_mem>>) src(%dma_wait3A_216 : memref<100000x128xf32, #tpu.memory_space<hbm>>) dst(%arg23 : memref<64x128xf32, #tpu.memory_space<vmem>>)
      %dma_wait3A_217 = tpu.memref_slice %arg12[%multiple_of3A_212] : memref<2048xi32, #tpu.memory_space<vmem>> -> memref<64xi32, #tpu.memory_space<vmem>>
      %dma_wait3A_218 = arith.constant 0 : i32
      %dma_wait3A_219 = arith.constant 0 : i32
      %dma_wait3A_220 = tpu.memref_slice %arg19[%dma_wait3A_218, %dma_wait3A_219] : memref<1024x128xf32, #tpu.memory_space<vmem_shared>> -> memref<1024x128xf32, #tpu.memory_space<vmem_shared>>
      tpu.wait_indirect_dma semaphore(%arg39 : memref<!tpu.dma_semaphore, #tpu.memory_space<semaphore_mem>>) src(%dma_wait3A_220 : memref<1024x128xf32, #tpu.memory_space<vmem_shared>>) dst(%arg27 : memref<64x128xf32, #tpu.memory_space<vmem>>)
      %scan3A_221 = arith.constant 0 : i32
      %scan3A_222 = arith.constant 32 : i32
      %scan3A_223 = arith.addi %scan3A_221, %scan3A_222 : i32
      %scan3A_224 = arith.constant 1 : i32
      scf.for %scan3A_234 = %scan3A_221 to %scan3A_223 step %scan3A_224  : i32 {
        %mul3A_235 = arith.constant 2 : i32
        %mul3A_236 = arith.muli %scan3A_234, %mul3A_235 : i32
        %add3A_237 = arith.constant 0 : i32
        %add3A_238 = arith.addi %add3A_237, %mul3A_236 : i32
        %get3A_239 = arith.index_cast %add3A_238 : i32 to index
        %get3A_240 = arith.constant 0 : index
        %get3A_241 = tpu.vector_load %arg23[%get3A_239, %get3A_240] {strides = array<i32>} : memref<64x128xf32, #tpu.memory_space<vmem>>, vector<16xf32>,
        %get3A_242 = arith.index_cast %add3A_238 : i32 to index
        %get3A_243 = arith.constant 0 : index
        %get3A_244 = tpu.vector_load %arg27[%get3A_242, %get3A_243] {strides = array<i32>} : memref<64x128xf32, #tpu.memory_space<vmem>>, vector<16xf32>,
        %add3A_245 = arith.addf %get3A_241, %get3A_244 : vector<16xf32>
        %get3A_246 = arith.index_cast %add3A_238 : i32 to index
        %get3A_247 = arith.constant 16 : index
        %get3A_248 = tpu.vector_load %arg23[%get3A_246, %get3A_247] {strides = array<i32>} : memref<64x128xf32, #tpu.memory_space<vmem>>, vector<16xf32>,
        %get3A_249 = arith.index_cast %add3A_238 : i32 to index
        %get3A_250 = arith.constant 16 : index
        %get3A_251 = tpu.vector_load %arg27[%get3A_249, %get3A_250] {strides = array<i32>} : memref<64x128xf32, #tpu.memory_space<vmem>>, vector<16xf32>,
        %add3A_252 = arith.addf %get3A_248, %get3A_251 : vector<16xf32>
        %get3A_253 = arith.index_cast %add3A_238 : i32 to index
        %get3A_254 = arith.constant 32 : index
        %get3A_255 = tpu.vector_load %arg23[%get3A_253, %get3A_254] {strides = array<i32>} : memref<64x128xf32, #tpu.memory_space<vmem>>, vector<16xf32>,
        %get3A_256 = arith.index_cast %add3A_238 : i32 to index
        %get3A_257 = arith.constant 32 : index
        %get3A_258 = tpu.vector_load %arg27[%get3A_256, %get3A_257] {strides = array<i32>} : memref<64x128xf32, #tpu.memory_space<vmem>>, vector<16xf32>,
        %add3A_259 = arith.addf %get3A_255, %get3A_258 : vector<16xf32>
        %get3A_260 = arith.index_cast %add3A_238 : i32 to index
        %get3A_261 = arith.constant 48 : index
        %get3A_262 = tpu.vector_load %arg23[%get3A_260, %get3A_261] {strides = array<i32>} : memref<64x128xf32, #tpu.memory_space<vmem>>, vector<16xf32>,
        %get3A_263 = arith.index_cast %add3A_238 : i32 to index
        %get3A_264 = arith.constant 48 : index
        %get3A_265 = tpu.vector_load %arg27[%get3A_263, %get3A_264] {strides = array<i32>} : memref<64x128xf32, #tpu.memory_space<vmem>>, vector<16xf32>,
        %add3A_266 = arith.addf %get3A_262, %get3A_265 : vector<16xf32>
        %get3A_267 = arith.index_cast %add3A_238 : i32 to index
        %get3A_268 = arith.constant 64 : index
        %get3A_269 = tpu.vector_load %arg23[%get3A_267, %get3A_268] {strides = array<i32>} : memref<64x128xf32, #tpu.memory_space<vmem>>, vector<16xf32>,
        %get3A_270 = arith.index_cast %add3A_238 : i32 to index
        %get3A_271 = arith.constant 64 : index
        %get3A_272 = tpu.vector_load %arg27[%get3A_270, %get3A_271] {strides = array<i32>} : memref<64x128xf32, #tpu.memory_space<vmem>>, vector<16xf32>,
        %add3A_273 = arith.addf %get3A_269, %get3A_272 : vector<16xf32>
        %get3A_274 = arith.index_cast %add3A_238 : i32 to index
        %get3A_275 = arith.constant 80 : index
        %get3A_276 = tpu.vector_load %arg23[%get3A_274, %get3A_275] {strides = array<i32>} : memref<64x128xf32, #tpu.memory_space<vmem>>, vector<16xf32>,
        %get3A_277 = arith.index_cast %add3A_238 : i32 to index
        %get3A_278 = arith.constant 80 : index
        %get3A_279 = tpu.vector_load %arg27[%get3A_277, %get3A_278] {strides = array<i32>} : memref<64x128xf32, #tpu.memory_space<vmem>>, vector<16xf32>,
        %add3A_280 = arith.addf %get3A_276, %get3A_279 : vector<16xf32>
        %get3A_281 = arith.index_cast %add3A_238 : i32 to index
        %get3A_282 = arith.constant 96 : index
        %get3A_283 = tpu.vector_load %arg23[%get3A_281, %get3A_282] {strides = array<i32>} : memref<64x128xf32, #tpu.memory_space<vmem>>, vector<16xf32>,
        %get3A_284 = arith.index_cast %add3A_238 : i32 to index
        %get3A_285 = arith.constant 96 : index
        %get3A_286 = tpu.vector_load %arg27[%get3A_284, %get3A_285] {strides = array<i32>} : memref<64x128xf32, #tpu.memory_space<vmem>>, vector<16xf32>,
        %add3A_287 = arith.addf %get3A_283, %get3A_286 : vector<16xf32>
        %get3A_288 = arith.index_cast %add3A_238 : i32 to index
        %get3A_289 = arith.constant 112 : index
        %get3A_290 = tpu.vector_load %arg23[%get3A_288, %get3A_289] {strides = array<i32>} : memref<64x128xf32, #tpu.memory_space<vmem>>, vector<16xf32>,
        %get3A_291 = arith.index_cast %add3A_238 : i32 to index
        %get3A_292 = arith.constant 112 : index
        %get3A_293 = tpu.vector_load %arg27[%get3A_291, %get3A_292] {strides = array<i32>} : memref<64x128xf32, #tpu.memory_space<vmem>>, vector<16xf32>,
        %add3A_294 = arith.addf %get3A_290, %get3A_293 : vector<16xf32>
        %mul3A_295 = arith.mulf %add3A_245, %add3A_245 : vector<16xf32>
        %add3A_296 = arith.addf %add3A_245, %add3A_252 : vector<16xf32>
        %mul3A_297 = arith.mulf %add3A_252, %add3A_252 : vector<16xf32>
        %add3A_298 = arith.addf %mul3A_295, %mul3A_297 : vector<16xf32>
        %add3A_299 = arith.addf %add3A_296, %add3A_259 : vector<16xf32>
        %mul3A_300 = arith.mulf %add3A_259, %add3A_259 : vector<16xf32>
        %add3A_301 = arith.addf %add3A_298, %mul3A_300 : vector<16xf32>
        %add3A_302 = arith.addf %add3A_299, %add3A_266 : vector<16xf32>
        %mul3A_303 = arith.mulf %add3A_266, %add3A_266 : vector<16xf32>
        %add3A_304 = arith.addf %add3A_301, %mul3A_303 : vector<16xf32>
        %add3A_305 = arith.addf %add3A_302, %add3A_273 : vector<16xf32>
        %mul3A_306 = arith.mulf %add3A_273, %add3A_273 : vector<16xf32>
        %add3A_307 = arith.addf %add3A_304, %mul3A_306 : vector<16xf32>
        %add3A_308 = arith.addf %add3A_305, %add3A_280 : vector<16xf32>
        %mul3A_309 = arith.mulf %add3A_280, %add3A_280 : vector<16xf32>
        %add3A_310 = arith.addf %add3A_307, %mul3A_309 : vector<16xf32>
        %add3A_311 = arith.addf %add3A_308, %add3A_287 : vector<16xf32>
        %mul3A_312 = arith.mulf %add3A_287, %add3A_287 : vector<16xf32>
        %add3A_313 = arith.addf %add3A_310, %mul3A_312 : vector<16xf32>
        %add3A_314 = arith.addf %add3A_311, %add3A_294 : vector<16xf32>
        %mul3A_315 = arith.mulf %add3A_294, %add3A_294 : vector<16xf32>
        %add3A_316 = arith.addf %add3A_313, %mul3A_315 : vector<16xf32>
        %reduce_sum3A = arith.constant true
        %reduce_sum3A_317 = vector.broadcast %reduce_sum3A : i1 to vector<16xi1>
        %reduce_sum3A_318 = tpu.scan <sum>, %add3A_314 masked %reduce_sum3A_317 : vector<16xf32>, vector<16xi1> -> vector<16xf32>
        %reduce_sum3A_319 = vector.extract %reduce_sum3A_318[15] : f32 from vector<16xf32>
        %mul3A_320 = arith.mulf %reduce_sum3A_319, %scan3A_67 : f32
        %reduce_sum3A_321 = arith.constant true
        %reduce_sum3A_322 = vector.broadcast %reduce_sum3A_321 : i1 to vector<16xi1>
        %reduce_sum3A_323 = tpu.scan <sum>, %add3A_316 masked %reduce_sum3A_322 : vector<16xf32>, vector<16xi1> -> vector<16xf32>
        %reduce_sum3A_324 = vector.extract %reduce_sum3A_323[15] : f32 from vector<16xf32>
        %mul3A_325 = arith.mulf %reduce_sum3A_324, %scan3A_67 : f32
        %mul3A_326 = arith.mulf %mul3A_320, %mul3A_320 : f32
        %sub3A = arith.subf %mul3A_325, %mul3A_326 : f32
        %add3A_327 = arith.constant 9.99999996E-13 : f32
        %add3A_328 = arith.addf %sub3A, %add3A_327 : f32
        %broadcast_in_dim3A = vector.broadcast %add3A_328 : f32 to vector<16xf32>
        %bitcast_convert_type3A = tpu.bitcast %broadcast_in_dim3A : vector<16xf32> -> vector<16xi32>
        %shift_right_logical3A = arith.constant 1 : i32
        %shift_right_logical3A_329 = vector.broadcast %shift_right_logical3A : i32 to vector<16xi32>
        %shift_right_logical3A_330 = arith.shrui %bitcast_convert_type3A, %shift_right_logical3A_329 : vector<16xi32>
        %sub3A_331 = arith.constant 1597463007 : i32
        %sub3A_332 = vector.broadcast %sub3A_331 : i32 to vector<16xi32>
        %sub3A_333 = arith.subi %sub3A_332, %shift_right_logical3A_330 : vector<16xi32>
        %bitcast_convert_type3A_334 = tpu.bitcast %sub3A_333 : vector<16xi32> -> vector<16xf32>
        %mul3A_335 = arith.constant 5.000000e-01 : f32
        %mul3A_336 = vector.broadcast %mul3A_335 : f32 to vector<16xf32>
        %mul3A_337 = arith.mulf %mul3A_336, %broadcast_in_dim3A : vector<16xf32>
        %mul3A_338 = arith.mulf %mul3A_337, %bitcast_convert_type3A_334 : vector<16xf32>
        %mul3A_339 = arith.mulf %mul3A_338, %bitcast_convert_type3A_334 : vector<16xf32>
        %sub3A_340 = arith.constant 1.500000e+00 : f32
        %sub3A_341 = vector.broadcast %sub3A_340 : f32 to vector<16xf32>
        %sub3A_342 = arith.subf %sub3A_341, %mul3A_339 : vector<16xf32>
        %mul3A_343 = arith.mulf %bitcast_convert_type3A_334, %sub3A_342 : vector<16xf32>
        %mul3A_344 = arith.constant 5.000000e-01 : f32
        %mul3A_345 = vector.broadcast %mul3A_344 : f32 to vector<16xf32>
        %mul3A_346 = arith.mulf %mul3A_345, %broadcast_in_dim3A : vector<16xf32>
        %mul3A_347 = arith.mulf %mul3A_346, %mul3A_343 : vector<16xf32>
        %mul3A_348 = arith.mulf %mul3A_347, %mul3A_343 : vector<16xf32>
        %sub3A_349 = arith.constant 1.500000e+00 : f32
        %sub3A_350 = vector.broadcast %sub3A_349 : f32 to vector<16xf32>
        %sub3A_351 = arith.subf %sub3A_350, %mul3A_348 : vector<16xf32>
        %mul3A_352 = arith.mulf %mul3A_343, %sub3A_351 : vector<16xf32>
        %mul3A_353 = arith.constant 5.000000e-01 : f32
        %mul3A_354 = vector.broadcast %mul3A_353 : f32 to vector<16xf32>
        %mul3A_355 = arith.mulf %mul3A_354, %broadcast_in_dim3A : vector<16xf32>
        %mul3A_356 = arith.mulf %mul3A_355, %mul3A_352 : vector<16xf32>
        %mul3A_357 = arith.mulf %mul3A_356, %mul3A_352 : vector<16xf32>
        %sub3A_358 = arith.constant 1.500000e+00 : f32
        %sub3A_359 = vector.broadcast %sub3A_358 : f32 to vector<16xf32>
        %sub3A_360 = arith.subf %sub3A_359, %mul3A_357 : vector<16xf32>
        %mul3A_361 = arith.mulf %mul3A_352, %sub3A_360 : vector<16xf32>
        %broadcast_in_dim3A_362 = vector.broadcast %mul3A_320 : f32 to vector<16xf32>
        %sub3A_363 = arith.subf %add3A_245, %broadcast_in_dim3A_362 : vector<16xf32>
        %mul3A_364 = arith.mulf %mul3A_361, %get3A_18 : vector<16xf32>
        %mul3A_365 = arith.mulf %sub3A_363, %mul3A_364 : vector<16xf32>
        %add3A_366 = arith.addf %mul3A_365, %get3A_34 : vector<16xf32>
        %swap3A = arith.index_cast %add3A_238 : i32 to index
        %swap3A_367 = arith.constant 0 : index
        %swap3A_368 = tpu.vector_load %arg31[%swap3A, %swap3A_367] {strides = array<i32>} : memref<64x128xf32, #tpu.memory_space<vmem>>, vector<16xf32>,
        tpu.vector_store %arg31[%swap3A, %swap3A_367], %add3A_366 {strides = array<i32>} : memref<64x128xf32, #tpu.memory_space<vmem>>, vector<16xf32>,
        %sub3A_369 = arith.subf %add3A_252, %broadcast_in_dim3A_362 : vector<16xf32>
        %mul3A_370 = arith.mulf %mul3A_361, %get3A_20 : vector<16xf32>
        %mul3A_371 = arith.mulf %sub3A_369, %mul3A_370 : vector<16xf32>
        %add3A_372 = arith.addf %mul3A_371, %get3A_36 : vector<16xf32>
        %swap3A_373 = arith.index_cast %add3A_238 : i32 to index
        %swap3A_374 = arith.constant 16 : index
        %swap3A_375 = tpu.vector_load %arg31[%swap3A_373, %swap3A_374] {strides = array<i32>} : memref<64x128xf32, #tpu.memory_space<vmem>>, vector<16xf32>,
        tpu.vector_store %arg31[%swap3A_373, %swap3A_374], %add3A_372 {strides = array<i32>} : memref<64x128xf32, #tpu.memory_space<vmem>>, vector<16xf32>,
        %sub3A_376 = arith.subf %add3A_259, %broadcast_in_dim3A_362 : vector<16xf32>
        %mul3A_377 = arith.mulf %mul3A_361, %get3A_22 : vector<16xf32>
        %mul3A_378 = arith.mulf %sub3A_376, %mul3A_377 : vector<16xf32>
        %add3A_379 = arith.addf %mul3A_378, %get3A_38 : vector<16xf32>
        %swap3A_380 = arith.index_cast %add3A_238 : i32 to index
        %swap3A_381 = arith.constant 32 : index
        %swap3A_382 = tpu.vector_load %arg31[%swap3A_380, %swap3A_381] {strides = array<i32>} : memref<64x128xf32, #tpu.memory_space<vmem>>, vector<16xf32>,
        tpu.vector_store %arg31[%swap3A_380, %swap3A_381], %add3A_379 {strides = array<i32>} : memref<64x128xf32, #tpu.memory_space<vmem>>, vector<16xf32>,
        %sub3A_383 = arith.subf %add3A_266, %broadcast_in_dim3A_362 : vector<16xf32>
        %mul3A_384 = arith.mulf %mul3A_361, %get3A_24 : vector<16xf32>
        %mul3A_385 = arith.mulf %sub3A_383, %mul3A_384 : vector<16xf32>
        %add3A_386 = arith.addf %mul3A_385, %get3A_40 : vector<16xf32>
        %swap3A_387 = arith.index_cast %add3A_238 : i32 to index
        %swap3A_388 = arith.constant 48 : index
        %swap3A_389 = tpu.vector_load %arg31[%swap3A_387, %swap3A_388] {strides = array<i32>} : memref<64x128xf32, #tpu.memory_space<vmem>>, vector<16xf32>,
        tpu.vector_store %arg31[%swap3A_387, %swap3A_388], %add3A_386 {strides = array<i32>} : memref<64x128xf32, #tpu.memory_space<vmem>>, vector<16xf32>,
        %sub3A_390 = arith.subf %add3A_273, %broadcast_in_dim3A_362 : vector<16xf32>
        %mul3A_391 = arith.mulf %mul3A_361, %get3A_26 : vector<16xf32>
        %mul3A_392 = arith.mulf %sub3A_390, %mul3A_391 : vector<16xf32>
        %add3A_393 = arith.addf %mul3A_392, %get3A_42 : vector<16xf32>
        %swap3A_394 = arith.index_cast %add3A_238 : i32 to index
        %swap3A_395 = arith.constant 64 : index
        %swap3A_396 = tpu.vector_load %arg31[%swap3A_394, %swap3A_395] {strides = array<i32>} : memref<64x128xf32, #tpu.memory_space<vmem>>, vector<16xf32>,
        tpu.vector_store %arg31[%swap3A_394, %swap3A_395], %add3A_393 {strides = array<i32>} : memref<64x128xf32, #tpu.memory_space<vmem>>, vector<16xf32>,
        %sub3A_397 = arith.subf %add3A_280, %broadcast_in_dim3A_362 : vector<16xf32>
        %mul3A_398 = arith.mulf %mul3A_361, %get3A_28 : vector<16xf32>
        %mul3A_399 = arith.mulf %sub3A_397, %mul3A_398 : vector<16xf32>
        %add3A_400 = arith.addf %mul3A_399, %get3A_44 : vector<16xf32>
        %swap3A_401 = arith.index_cast %add3A_238 : i32 to index
        %swap3A_402 = arith.constant 80 : index
        %swap3A_403 = tpu.vector_load %arg31[%swap3A_401, %swap3A_402] {strides = array<i32>} : memref<64x128xf32, #tpu.memory_space<vmem>>, vector<16xf32>,
        tpu.vector_store %arg31[%swap3A_401, %swap3A_402], %add3A_400 {strides = array<i32>} : memref<64x128xf32, #tpu.memory_space<vmem>>, vector<16xf32>,
        %sub3A_404 = arith.subf %add3A_287, %broadcast_in_dim3A_362 : vector<16xf32>
        %mul3A_405 = arith.mulf %mul3A_361, %get3A_30 : vector<16xf32>
        %mul3A_406 = arith.mulf %sub3A_404, %mul3A_405 : vector<16xf32>
        %add3A_407 = arith.addf %mul3A_406, %get3A_46 : vector<16xf32>
        %swap3A_408 = arith.index_cast %add3A_238 : i32 to index
        %swap3A_409 = arith.constant 96 : index
        %swap3A_410 = tpu.vector_load %arg31[%swap3A_408, %swap3A_409] {strides = array<i32>} : memref<64x128xf32, #tpu.memory_space<vmem>>, vector<16xf32>,
        tpu.vector_store %arg31[%swap3A_408, %swap3A_409], %add3A_407 {strides = array<i32>} : memref<64x128xf32, #tpu.memory_space<vmem>>, vector<16xf32>,
        %sub3A_411 = arith.subf %add3A_294, %broadcast_in_dim3A_362 : vector<16xf32>
        %mul3A_412 = arith.mulf %mul3A_361, %get3A_32 : vector<16xf32>
        %mul3A_413 = arith.mulf %sub3A_411, %mul3A_412 : vector<16xf32>
        %add3A_414 = arith.addf %mul3A_413, %get3A_48 : vector<16xf32>
        %swap3A_415 = arith.index_cast %add3A_238 : i32 to index
        %swap3A_416 = arith.constant 112 : index
        %swap3A_417 = tpu.vector_load %arg31[%swap3A_415, %swap3A_416] {strides = array<i32>} : memref<64x128xf32, #tpu.memory_space<vmem>>, vector<16xf32>,
        tpu.vector_store %arg31[%swap3A_415, %swap3A_416], %add3A_414 {strides = array<i32>} : memref<64x128xf32, #tpu.memory_space<vmem>>, vector<16xf32>,
        %add3A_418 = arith.constant 1 : i32
        %add3A_419 = arith.addi %add3A_238, %add3A_418 : i32
        %get3A_420 = arith.index_cast %add3A_419 : i32 to index
        %get3A_421 = arith.constant 0 : index
        %get3A_422 = tpu.vector_load %arg23[%get3A_420, %get3A_421] {strides = array<i32>} : memref<64x128xf32, #tpu.memory_space<vmem>>, vector<16xf32>,
        %get3A_423 = arith.index_cast %add3A_419 : i32 to index
        %get3A_424 = arith.constant 0 : index
        %get3A_425 = tpu.vector_load %arg27[%get3A_423, %get3A_424] {strides = array<i32>} : memref<64x128xf32, #tpu.memory_space<vmem>>, vector<16xf32>,
        %add3A_426 = arith.addf %get3A_422, %get3A_425 : vector<16xf32>
        %get3A_427 = arith.index_cast %add3A_419 : i32 to index
        %get3A_428 = arith.constant 16 : index
        %get3A_429 = tpu.vector_load %arg23[%get3A_427, %get3A_428] {strides = array<i32>} : memref<64x128xf32, #tpu.memory_space<vmem>>, vector<16xf32>,
        %get3A_430 = arith.index_cast %add3A_419 : i32 to index
        %get3A_431 = arith.constant 16 : index
        %get3A_432 = tpu.vector_load %arg27[%get3A_430, %get3A_431] {strides = array<i32>} : memref<64x128xf32, #tpu.memory_space<vmem>>, vector<16xf32>,
        %add3A_433 = arith.addf %get3A_429, %get3A_432 : vector<16xf32>
        %get3A_434 = arith.index_cast %add3A_419 : i32 to index
        %get3A_435 = arith.constant 32 : index
        %get3A_436 = tpu.vector_load %arg23[%get3A_434, %get3A_435] {strides = array<i32>} : memref<64x128xf32, #tpu.memory_space<vmem>>, vector<16xf32>,
        %get3A_437 = arith.index_cast %add3A_419 : i32 to index
        %get3A_438 = arith.constant 32 : index
        %get3A_439 = tpu.vector_load %arg27[%get3A_437, %get3A_438] {strides = array<i32>} : memref<64x128xf32, #tpu.memory_space<vmem>>, vector<16xf32>,
        %add3A_440 = arith.addf %get3A_436, %get3A_439 : vector<16xf32>
        %get3A_441 = arith.index_cast %add3A_419 : i32 to index
        %get3A_442 = arith.constant 48 : index
        %get3A_443 = tpu.vector_load %arg23[%get3A_441, %get3A_442] {strides = array<i32>} : memref<64x128xf32, #tpu.memory_space<vmem>>, vector<16xf32>,
        %get3A_444 = arith.index_cast %add3A_419 : i32 to index
        %get3A_445 = arith.constant 48 : index
        %get3A_446 = tpu.vector_load %arg27[%get3A_444, %get3A_445] {strides = array<i32>} : memref<64x128xf32, #tpu.memory_space<vmem>>, vector<16xf32>,
        %add3A_447 = arith.addf %get3A_443, %get3A_446 : vector<16xf32>
        %get3A_448 = arith.index_cast %add3A_419 : i32 to index
        %get3A_449 = arith.constant 64 : index
        %get3A_450 = tpu.vector_load %arg23[%get3A_448, %get3A_449] {strides = array<i32>} : memref<64x128xf32, #tpu.memory_space<vmem>>, vector<16xf32>,
        %get3A_451 = arith.index_cast %add3A_419 : i32 to index
        %get3A_452 = arith.constant 64 : index
        %get3A_453 = tpu.vector_load %arg27[%get3A_451, %get3A_452] {strides = array<i32>} : memref<64x128xf32, #tpu.memory_space<vmem>>, vector<16xf32>,
        %add3A_454 = arith.addf %get3A_450, %get3A_453 : vector<16xf32>
        %get3A_455 = arith.index_cast %add3A_419 : i32 to index
        %get3A_456 = arith.constant 80 : index
        %get3A_457 = tpu.vector_load %arg23[%get3A_455, %get3A_456] {strides = array<i32>} : memref<64x128xf32, #tpu.memory_space<vmem>>, vector<16xf32>,
        %get3A_458 = arith.index_cast %add3A_419 : i32 to index
        %get3A_459 = arith.constant 80 : index
        %get3A_460 = tpu.vector_load %arg27[%get3A_458, %get3A_459] {strides = array<i32>} : memref<64x128xf32, #tpu.memory_space<vmem>>, vector<16xf32>,
        %add3A_461 = arith.addf %get3A_457, %get3A_460 : vector<16xf32>
        %get3A_462 = arith.index_cast %add3A_419 : i32 to index
        %get3A_463 = arith.constant 96 : index
        %get3A_464 = tpu.vector_load %arg23[%get3A_462, %get3A_463] {strides = array<i32>} : memref<64x128xf32, #tpu.memory_space<vmem>>, vector<16xf32>,
        %get3A_465 = arith.index_cast %add3A_419 : i32 to index
        %get3A_466 = arith.constant 96 : index
        %get3A_467 = tpu.vector_load %arg27[%get3A_465, %get3A_466] {strides = array<i32>} : memref<64x128xf32, #tpu.memory_space<vmem>>, vector<16xf32>,
        %add3A_468 = arith.addf %get3A_464, %get3A_467 : vector<16xf32>
        %get3A_469 = arith.index_cast %add3A_419 : i32 to index
        %get3A_470 = arith.constant 112 : index
        %get3A_471 = tpu.vector_load %arg23[%get3A_469, %get3A_470] {strides = array<i32>} : memref<64x128xf32, #tpu.memory_space<vmem>>, vector<16xf32>,
        %get3A_472 = arith.index_cast %add3A_419 : i32 to index
        %get3A_473 = arith.constant 112 : index
        %get3A_474 = tpu.vector_load %arg27[%get3A_472, %get3A_473] {strides = array<i32>} : memref<64x128xf32, #tpu.memory_space<vmem>>, vector<16xf32>,
        %add3A_475 = arith.addf %get3A_471, %get3A_474 : vector<16xf32>
        %mul3A_476 = arith.mulf %add3A_426, %add3A_426 : vector<16xf32>
        %add3A_477 = arith.addf %add3A_426, %add3A_433 : vector<16xf32>
        %mul3A_478 = arith.mulf %add3A_433, %add3A_433 : vector<16xf32>
        %add3A_479 = arith.addf %mul3A_476, %mul3A_478 : vector<16xf32>
        %add3A_480 = arith.addf %add3A_477, %add3A_440 : vector<16xf32>
        %mul3A_481 = arith.mulf %add3A_440, %add3A_440 : vector<16xf32>
        %add3A_482 = arith.addf %add3A_479, %mul3A_481 : vector<16xf32>
        %add3A_483 = arith.addf %add3A_480, %add3A_447 : vector<16xf32>
        %mul3A_484 = arith.mulf %add3A_447, %add3A_447 : vector<16xf32>
        %add3A_485 = arith.addf %add3A_482, %mul3A_484 : vector<16xf32>
        %add3A_486 = arith.addf %add3A_483, %add3A_454 : vector<16xf32>
        %mul3A_487 = arith.mulf %add3A_454, %add3A_454 : vector<16xf32>
        %add3A_488 = arith.addf %add3A_485, %mul3A_487 : vector<16xf32>
        %add3A_489 = arith.addf %add3A_486, %add3A_461 : vector<16xf32>
        %mul3A_490 = arith.mulf %add3A_461, %add3A_461 : vector<16xf32>
        %add3A_491 = arith.addf %add3A_488, %mul3A_490 : vector<16xf32>
        %add3A_492 = arith.addf %add3A_489, %add3A_468 : vector<16xf32>
        %mul3A_493 = arith.mulf %add3A_468, %add3A_468 : vector<16xf32>
        %add3A_494 = arith.addf %add3A_491, %mul3A_493 : vector<16xf32>
        %add3A_495 = arith.addf %add3A_492, %add3A_475 : vector<16xf32>
        %mul3A_496 = arith.mulf %add3A_475, %add3A_475 : vector<16xf32>
        %add3A_497 = arith.addf %add3A_494, %mul3A_496 : vector<16xf32>
        %reduce_sum3A_498 = arith.constant true
        %reduce_sum3A_499 = vector.broadcast %reduce_sum3A_498 : i1 to vector<16xi1>
        %reduce_sum3A_500 = tpu.scan <sum>, %add3A_495 masked %reduce_sum3A_499 : vector<16xf32>, vector<16xi1> -> vector<16xf32>
        %reduce_sum3A_501 = vector.extract %reduce_sum3A_500[15] : f32 from vector<16xf32>
        %mul3A_502 = arith.mulf %reduce_sum3A_501, %scan3A_67 : f32
        %reduce_sum3A_503 = arith.constant true
        %reduce_sum3A_504 = vector.broadcast %reduce_sum3A_503 : i1 to vector<16xi1>
        %reduce_sum3A_505 = tpu.scan <sum>, %add3A_497 masked %reduce_sum3A_504 : vector<16xf32>, vector<16xi1> -> vector<16xf32>
        %reduce_sum3A_506 = vector.extract %reduce_sum3A_505[15] : f32 from vector<16xf32>
        %mul3A_507 = arith.mulf %reduce_sum3A_506, %scan3A_67 : f32
        %mul3A_508 = arith.mulf %mul3A_502, %mul3A_502 : f32
        %sub3A_509 = arith.subf %mul3A_507, %mul3A_508 : f32
        %add3A_510 = arith.constant 9.99999996E-13 : f32
        %add3A_511 = arith.addf %sub3A_509, %add3A_510 : f32
        %broadcast_in_dim3A_512 = vector.broadcast %add3A_511 : f32 to vector<16xf32>
        %bitcast_convert_type3A_513 = tpu.bitcast %broadcast_in_dim3A_512 : vector<16xf32> -> vector<16xi32>
        %shift_right_logical3A_514 = arith.constant 1 : i32
        %shift_right_logical3A_515 = vector.broadcast %shift_right_logical3A_514 : i32 to vector<16xi32>
        %shift_right_logical3A_516 = arith.shrui %bitcast_convert_type3A_513, %shift_right_logical3A_515 : vector<16xi32>
        %sub3A_517 = arith.constant 1597463007 : i32
        %sub3A_518 = vector.broadcast %sub3A_517 : i32 to vector<16xi32>
        %sub3A_519 = arith.subi %sub3A_518, %shift_right_logical3A_516 : vector<16xi32>
        %bitcast_convert_type3A_520 = tpu.bitcast %sub3A_519 : vector<16xi32> -> vector<16xf32>
        %mul3A_521 = arith.constant 5.000000e-01 : f32
        %mul3A_522 = vector.broadcast %mul3A_521 : f32 to vector<16xf32>
        %mul3A_523 = arith.mulf %mul3A_522, %broadcast_in_dim3A_512 : vector<16xf32>
        %mul3A_524 = arith.mulf %mul3A_523, %bitcast_convert_type3A_520 : vector<16xf32>
        %mul3A_525 = arith.mulf %mul3A_524, %bitcast_convert_type3A_520 : vector<16xf32>
        %sub3A_526 = arith.constant 1.500000e+00 : f32
        %sub3A_527 = vector.broadcast %sub3A_526 : f32 to vector<16xf32>
        %sub3A_528 = arith.subf %sub3A_527, %mul3A_525 : vector<16xf32>
        %mul3A_529 = arith.mulf %bitcast_convert_type3A_520, %sub3A_528 : vector<16xf32>
        %mul3A_530 = arith.constant 5.000000e-01 : f32
        %mul3A_531 = vector.broadcast %mul3A_530 : f32 to vector<16xf32>
        %mul3A_532 = arith.mulf %mul3A_531, %broadcast_in_dim3A_512 : vector<16xf32>
        %mul3A_533 = arith.mulf %mul3A_532, %mul3A_529 : vector<16xf32>
        %mul3A_534 = arith.mulf %mul3A_533, %mul3A_529 : vector<16xf32>
        %sub3A_535 = arith.constant 1.500000e+00 : f32
        %sub3A_536 = vector.broadcast %sub3A_535 : f32 to vector<16xf32>
        %sub3A_537 = arith.subf %sub3A_536, %mul3A_534 : vector<16xf32>
        %mul3A_538 = arith.mulf %mul3A_529, %sub3A_537 : vector<16xf32>
        %mul3A_539 = arith.constant 5.000000e-01 : f32
        %mul3A_540 = vector.broadcast %mul3A_539 : f32 to vector<16xf32>
        %mul3A_541 = arith.mulf %mul3A_540, %broadcast_in_dim3A_512 : vector<16xf32>
        %mul3A_542 = arith.mulf %mul3A_541, %mul3A_538 : vector<16xf32>
        %mul3A_543 = arith.mulf %mul3A_542, %mul3A_538 : vector<16xf32>
        %sub3A_544 = arith.constant 1.500000e+00 : f32
        %sub3A_545 = vector.broadcast %sub3A_544 : f32 to vector<16xf32>
        %sub3A_546 = arith.subf %sub3A_545, %mul3A_543 : vector<16xf32>
        %mul3A_547 = arith.mulf %mul3A_538, %sub3A_546 : vector<16xf32>
        %broadcast_in_dim3A_548 = vector.broadcast %mul3A_502 : f32 to vector<16xf32>
        %sub3A_549 = arith.subf %add3A_426, %broadcast_in_dim3A_548 : vector<16xf32>
        %mul3A_550 = arith.mulf %mul3A_547, %get3A_18 : vector<16xf32>
        %mul3A_551 = arith.mulf %sub3A_549, %mul3A_550 : vector<16xf32>
        %add3A_552 = arith.addf %mul3A_551, %get3A_34 : vector<16xf32>
        %swap3A_553 = arith.index_cast %add3A_419 : i32 to index
        %swap3A_554 = arith.constant 0 : index
        %swap3A_555 = tpu.vector_load %arg31[%swap3A_553, %swap3A_554] {strides = array<i32>} : memref<64x128xf32, #tpu.memory_space<vmem>>, vector<16xf32>,
        tpu.vector_store %arg31[%swap3A_553, %swap3A_554], %add3A_552 {strides = array<i32>} : memref<64x128xf32, #tpu.memory_space<vmem>>, vector<16xf32>,
        %sub3A_556 = arith.subf %add3A_433, %broadcast_in_dim3A_548 : vector<16xf32>
        %mul3A_557 = arith.mulf %mul3A_547, %get3A_20 : vector<16xf32>
        %mul3A_558 = arith.mulf %sub3A_556, %mul3A_557 : vector<16xf32>
        %add3A_559 = arith.addf %mul3A_558, %get3A_36 : vector<16xf32>
        %swap3A_560 = arith.index_cast %add3A_419 : i32 to index
        %swap3A_561 = arith.constant 16 : index
        %swap3A_562 = tpu.vector_load %arg31[%swap3A_560, %swap3A_561] {strides = array<i32>} : memref<64x128xf32, #tpu.memory_space<vmem>>, vector<16xf32>,
        tpu.vector_store %arg31[%swap3A_560, %swap3A_561], %add3A_559 {strides = array<i32>} : memref<64x128xf32, #tpu.memory_space<vmem>>, vector<16xf32>,
        %sub3A_563 = arith.subf %add3A_440, %broadcast_in_dim3A_548 : vector<16xf32>
        %mul3A_564 = arith.mulf %mul3A_547, %get3A_22 : vector<16xf32>
        %mul3A_565 = arith.mulf %sub3A_563, %mul3A_564 : vector<16xf32>
        %add3A_566 = arith.addf %mul3A_565, %get3A_38 : vector<16xf32>
        %swap3A_567 = arith.index_cast %add3A_419 : i32 to index
        %swap3A_568 = arith.constant 32 : index
        %swap3A_569 = tpu.vector_load %arg31[%swap3A_567, %swap3A_568] {strides = array<i32>} : memref<64x128xf32, #tpu.memory_space<vmem>>, vector<16xf32>,
        tpu.vector_store %arg31[%swap3A_567, %swap3A_568], %add3A_566 {strides = array<i32>} : memref<64x128xf32, #tpu.memory_space<vmem>>, vector<16xf32>,
        %sub3A_570 = arith.subf %add3A_447, %broadcast_in_dim3A_548 : vector<16xf32>
        %mul3A_571 = arith.mulf %mul3A_547, %get3A_24 : vector<16xf32>
        %mul3A_572 = arith.mulf %sub3A_570, %mul3A_571 : vector<16xf32>
        %add3A_573 = arith.addf %mul3A_572, %get3A_40 : vector<16xf32>
        %swap3A_574 = arith.index_cast %add3A_419 : i32 to index
        %swap3A_575 = arith.constant 48 : index
        %swap3A_576 = tpu.vector_load %arg31[%swap3A_574, %swap3A_575] {strides = array<i32>} : memref<64x128xf32, #tpu.memory_space<vmem>>, vector<16xf32>,
        tpu.vector_store %arg31[%swap3A_574, %swap3A_575], %add3A_573 {strides = array<i32>} : memref<64x128xf32, #tpu.memory_space<vmem>>, vector<16xf32>,
        %sub3A_577 = arith.subf %add3A_454, %broadcast_in_dim3A_548 : vector<16xf32>
        %mul3A_578 = arith.mulf %mul3A_547, %get3A_26 : vector<16xf32>
        %mul3A_579 = arith.mulf %sub3A_577, %mul3A_578 : vector<16xf32>
        %add3A_580 = arith.addf %mul3A_579, %get3A_42 : vector<16xf32>
        %swap3A_581 = arith.index_cast %add3A_419 : i32 to index
        %swap3A_582 = arith.constant 64 : index
        %swap3A_583 = tpu.vector_load %arg31[%swap3A_581, %swap3A_582] {strides = array<i32>} : memref<64x128xf32, #tpu.memory_space<vmem>>, vector<16xf32>,
        tpu.vector_store %arg31[%swap3A_581, %swap3A_582], %add3A_580 {strides = array<i32>} : memref<64x128xf32, #tpu.memory_space<vmem>>, vector<16xf32>,
        %sub3A_584 = arith.subf %add3A_461, %broadcast_in_dim3A_548 : vector<16xf32>
        %mul3A_585 = arith.mulf %mul3A_547, %get3A_28 : vector<16xf32>
        %mul3A_586 = arith.mulf %sub3A_584, %mul3A_585 : vector<16xf32>
        %add3A_587 = arith.addf %mul3A_586, %get3A_44 : vector<16xf32>
        %swap3A_588 = arith.index_cast %add3A_419 : i32 to index
        %swap3A_589 = arith.constant 80 : index
        %swap3A_590 = tpu.vector_load %arg31[%swap3A_588, %swap3A_589] {strides = array<i32>} : memref<64x128xf32, #tpu.memory_space<vmem>>, vector<16xf32>,
        tpu.vector_store %arg31[%swap3A_588, %swap3A_589], %add3A_587 {strides = array<i32>} : memref<64x128xf32, #tpu.memory_space<vmem>>, vector<16xf32>,
        %sub3A_591 = arith.subf %add3A_468, %broadcast_in_dim3A_548 : vector<16xf32>
        %mul3A_592 = arith.mulf %mul3A_547, %get3A_30 : vector<16xf32>
        %mul3A_593 = arith.mulf %sub3A_591, %mul3A_592 : vector<16xf32>
        %add3A_594 = arith.addf %mul3A_593, %get3A_46 : vector<16xf32>
        %swap3A_595 = arith.index_cast %add3A_419 : i32 to index
        %swap3A_596 = arith.constant 96 : index
        %swap3A_597 = tpu.vector_load %arg31[%swap3A_595, %swap3A_596] {strides = array<i32>} : memref<64x128xf32, #tpu.memory_space<vmem>>, vector<16xf32>,
        tpu.vector_store %arg31[%swap3A_595, %swap3A_596], %add3A_594 {strides = array<i32>} : memref<64x128xf32, #tpu.memory_space<vmem>>, vector<16xf32>,
        %sub3A_598 = arith.subf %add3A_475, %broadcast_in_dim3A_548 : vector<16xf32>
        %mul3A_599 = arith.mulf %mul3A_547, %get3A_32 : vector<16xf32>
        %mul3A_600 = arith.mulf %sub3A_598, %mul3A_599 : vector<16xf32>
        %add3A_601 = arith.addf %mul3A_600, %get3A_48 : vector<16xf32>
        %swap3A_602 = arith.index_cast %add3A_419 : i32 to index
        %swap3A_603 = arith.constant 112 : index
        %swap3A_604 = tpu.vector_load %arg31[%swap3A_602, %swap3A_603] {strides = array<i32>} : memref<64x128xf32, #tpu.memory_space<vmem>>, vector<16xf32>,
        tpu.vector_store %arg31[%swap3A_602, %swap3A_603], %add3A_601 {strides = array<i32>} : memref<64x128xf32, #tpu.memory_space<vmem>>, vector<16xf32>,
      }
      %scan3A_225 = arith.constant 32 : i32
      %mul3A_226 = arith.constant 64 : i32
      %mul3A_227 = arith.muli %add3A_202, %mul3A_226 : i32
      %multiple_of3A_228 = tpu.assume_multiple %mul3A_227, 64 : i32
      %add3A_229 = arith.addi %mul3A_2, %multiple_of3A_228 : i32
      %dma_start3A_230 = arith.constant 0 : i32
      %dma_start3A_231 = tpu.memref_slice %arg10[%add3A_229, %dma_start3A_230] : memref<65536x128xf32, #tpu.memory_space<hbm>> -> memref<64x128xf32, #tpu.memory_space<hbm>>
      %dma_start3A_232 = arith.constant 0 : i32
      %dma_start3A_233 = tpu.memref_slice %arg10[%add3A_229, %dma_start3A_232] : memref<65536x128xf32, #tpu.memory_space<hbm>> -> memref<64x128xf32, #tpu.memory_space<hbm>>
      tpu.enqueue_dma source(%arg31 : memref<64x128xf32, #tpu.memory_space<vmem>>) target(%dma_start3A_233 : memref<64x128xf32, #tpu.memory_space<hbm>>) target_semaphore(%arg43 : memref<!tpu.dma_semaphore, #tpu.memory_space<semaphore_mem>>)
    }
    %scan3A_72 = arith.constant 8 : i32
    %multiple_of3A_73 = arith.constant 1792 : i32
    %multiple_of3A_74 = tpu.assume_multiple %multiple_of3A_73, 64 : i32
    %add3A_75 = arith.addi %mul3A_2, %multiple_of3A_74 : i32
    %dma_wait3A = arith.constant 0 : i32
    %dma_wait3A_76 = tpu.memref_slice %arg10[%add3A_75, %dma_wait3A] : memref<65536x128xf32, #tpu.memory_space<hbm>> -> memref<64x128xf32, #tpu.memory_space<hbm>>
    %dma_wait3A_77 = arith.constant 0 : i32
    %dma_wait3A_78 = tpu.memref_slice %arg10[%add3A_75, %dma_wait3A_77] : memref<65536x128xf32, #tpu.memory_space<hbm>> -> memref<64x128xf32, #tpu.memory_space<hbm>>
    tpu.wait_dma2 semaphore(%arg40 : memref<!tpu.dma_semaphore, #tpu.memory_space<semaphore_mem>>) src(%arg28 : memref<64x128xf32, #tpu.memory_space<vmem>>) dst(%dma_wait3A_78 : memref<64x128xf32, #tpu.memory_space<hbm>>)
    %multiple_of3A_79 = arith.constant 1856 : i32
    %multiple_of3A_80 = tpu.assume_multiple %multiple_of3A_79, 64 : i32
    %add3A_81 = arith.addi %mul3A_2, %multiple_of3A_80 : i32
    %dma_wait3A_82 = arith.constant 0 : i32
    %dma_wait3A_83 = tpu.memref_slice %arg10[%add3A_81, %dma_wait3A_82] : memref<65536x128xf32, #tpu.memory_space<hbm>> -> memref<64x128xf32, #tpu.memory_space<hbm>>
    %dma_wait3A_84 = arith.constant 0 : i32
    %dma_wait3A_85 = tpu.memref_slice %arg10[%add3A_81, %dma_wait3A_84] : memref<65536x128xf32, #tpu.memory_space<hbm>> -> memref<64x128xf32, #tpu.memory_space<hbm>>
    tpu.wait_dma2 semaphore(%arg41 : memref<!tpu.dma_semaphore, #tpu.memory_space<semaphore_mem>>) src(%arg29 : memref<64x128xf32, #tpu.memory_space<vmem>>) dst(%dma_wait3A_85 : memref<64x128xf32, #tpu.memory_space<hbm>>)
    %multiple_of3A_86 = arith.constant 1920 : i32
    %multiple_of3A_87 = tpu.assume_multiple %multiple_of3A_86, 64 : i32
    %add3A_88 = arith.addi %mul3A_2, %multiple_of3A_87 : i32
    %dma_wait3A_89 = arith.constant 0 : i32
    %dma_wait3A_90 = tpu.memref_slice %arg10[%add3A_88, %dma_wait3A_89] : memref<65536x128xf32, #tpu.memory_space<hbm>> -> memref<64x128xf32, #tpu.memory_space<hbm>>
    %dma_wait3A_91 = arith.constant 0 : i32
    %dma_wait3A_92 = tpu.memref_slice %arg10[%add3A_88, %dma_wait3A_91] : memref<65536x128xf32, #tpu.memory_space<hbm>> -> memref<64x128xf32, #tpu.memory_space<hbm>>
    tpu.wait_dma2 semaphore(%arg42 : memref<!tpu.dma_semaphore, #tpu.memory_space<semaphore_mem>>) src(%arg30 : memref<64x128xf32, #tpu.memory_space<vmem>>) dst(%dma_wait3A_92 : memref<64x128xf32, #tpu.memory_space<hbm>>)
    %multiple_of3A_93 = arith.constant 1984 : i32
    %multiple_of3A_94 = tpu.assume_multiple %multiple_of3A_93, 64 : i32
    %add3A_95 = arith.addi %mul3A_2, %multiple_of3A_94 : i32
    %dma_wait3A_96 = arith.constant 0 : i32
    %dma_wait3A_97 = tpu.memref_slice %arg10[%add3A_95, %dma_wait3A_96] : memref<65536x128xf32, #tpu.memory_space<hbm>> -> memref<64x128xf32, #tpu.memory_space<hbm>>
    %dma_wait3A_98 = arith.constant 0 : i32
    %dma_wait3A_99 = tpu.memref_slice %arg10[%add3A_95, %dma_wait3A_98] : memref<65536x128xf32, #tpu.memory_space<hbm>> -> memref<64x128xf32, #tpu.memory_space<hbm>>
    tpu.wait_dma2 semaphore(%arg43 : memref<!tpu.dma_semaphore, #tpu.memory_space<semaphore_mem>>) src(%arg31 : memref<64x128xf32, #tpu.memory_space<vmem>>) dst(%dma_wait3A_99 : memref<64x128xf32, #tpu.memory_space<hbm>>)
    return
  }
}

</mosaic_0001>

<sc_bundles>
// kernel: kernel.3.cloned.1.call-start
scs
__scs_entry_jumppad:
0x0: {  	(pc) =	sbr.rel $0x88, $3  }
0x1: {  	(tag) =	ssettag $0x0;
	lr =	simm.s32 $0x1  }
0x2: {  	[smem:$0x3F99] =	sst lr;
	_ =	strace $0xD0000000  }
0x3: {  	_ = 	snop  }
0x4: {  	_ = 	snop  }
0x5: {  	_ = 	snop  }
0x6: {  	_ = 	snop  }
0x7: {  	_ = 	snop  }
__scs_overlays_trampoline_lowered:
0x8: {  	[smem:$0x3FA8] =	sst s0  }
0x9: {  	[smem:$0x3FA9] =	sst s1  }
0xa: {  	[smem:$0x3FAA] =	sst s2  }
0xb: {  	[smem:$0x3FAB] =	sst s3  }
0xc: {  	[smem:$0x3FAC] =	sst s4  }
0xd: {  	[smem:$0x3FAD] =	sst s5  }
0xe: {  	[smem:$0x3FAE] =	sst s6  }
0xf: {  	[smem:$0x3FAF] =	sst s7  }
0x10: {  	[smem:$0x3FB0] =	sst s8  }
0x11: {  	[smem:$0x3FB1] =	sst s9;
	s0 =	simm.s32 @!p0 $0x0  }
0x12: {  	s1 =	sld [smem:$0x3F97];
	s0 =	simm.s32 @p0 $0x1  }
0x13: {  	[smem:$0x3FB2] =	sst s0;
	s0 =	simm.s32 @!p1 $0x0  }
0x14: {  	s2 =	sld [smem:$0x3F96];
	s0 =	simm.s32 @p1 $0x1  }
0x15: {  	[smem:$0x3FB3] =	sst s0;
	s0 =	simm.s32 @!p2 $0x0  }
0x16: {  	s3 =	sld [smem:$0x3FDB];
	s0 =	simm.s32 @p2 $0x1  }
0x17: {  	s4 =	simm.s32 $0x1BF5;
	[smem:$0x3FB5] =	sst s0  }
0x18: {  	s0 =	sld [smem:$0x3F98];
	_ =	swait.ge [sflag:s4], $0x0  }
0x19: {  	s7 =	sld [smem:$0x3F99]  }
0x1a: {  	s8 =	sadd.s32 $0xFFFFE003, lr  }
0x1b: {  	s9 =	sadd.s32 $0xFFFFFEF7, lr;
	s5 =	simm.s32 $0xFFFFFFFF;
	p2 =	slt.u32 s8, $0xFFFFF086  }
0x1c: {  	p1 =	slt.u32 s9, $0xF7A;
	s5 =	simm.s32 @!p2 $0x0  }
0x1d: {  	s5 =	simm.s32 @p1 $0x1;
	p0 =	seq.s32 s7, s2  }
0x1e: {  	s7 =	smul.u32 @!p0 $0xF7A, s2;
	p2 =	seq.s32 @!p0 s5, $0x0  }
0x1f: {  	s9 =	smul.u32 $0xF7A, s1;
	s8 =	simm.s32 @!p0 $0x1BF5;
	p2 =	por !p2, p0  }
0x20: {  	[sflag:s8] =	ssyncset.s32 @!p0 $0xFFFFF086;
	s6 =	sadd.s32 @!p0 s3, s7;
	s7 =	simm.s32 @!p0 $0x108  }
0x21: {  	s3 =	sadd.s32 s3, s9;
	s6 =	sadd.s32 @!p0 $0x88, s6;
	s7 =	simm.s32 @p2 $0x1082  }
0x22: {  	[simem:s7], [sflag:s8] =	dma.local @!p0 [hbm:s6], $0xF7A  }
0x23: {  	s9 =	sor.u32 $0xD0000000, s2;
	s6 =	simm.s32 $0x108;
	_ =	swait.ge @!p0 [sflag:s8], $0x0  }
0x24: {  	s3 =	sadd.s32 $0x88, s3;
	s6 =	simm.s32 @!p1 $0x1082;
	[sflag:s4] =	ssyncset.s32 $0xFFFFF086  }
0x25: {  	[simem:s6], [sflag:s4] =	dma.local [hbm:s3], $0xF7A  }
0x26: {  	[smem:$0x3F99] =	sst s1;
	(tag) =	ssettag s2;
	_ =	strace s9  }
0x27: {  	s1 =	sld [smem:$0x3FA9]  }
0x28: {  	s2 =	sld [smem:$0x3FAA]  }
0x29: {  	s4 =	sld [smem:$0x3FAC]  }
0x2a: {  	p0 =	seq.s32 s5, $0x0;
	s5 =	sld [smem:$0x3FAD]  }
0x2b: {  	s6 =	sld [smem:$0x3FAE]  }
0x2c: {  	s7 =	sld [smem:$0x3FAF]  }
0x2d: {  	s3 =	simm.s32 $0x108;
	s8 =	sld [smem:$0x3FB0]  }
0x2e: {  	s3 =	simm.s32 @!p0 $0x1082;
	s9 =	sld [smem:$0x3FB1]  }
0x2f: {  	lr =	sadd.s32 s0, s3;
	s0 =	sld [smem:$0x3FA8]  }
0x30: {  	s3 =	sld [smem:$0x3FAB]  }
0x31: {  	[smem:$0x3FB4] =	sst s10  }
0x32: {  	s10 =	sld [smem:$0x3FB2];
	_ =	sdelay $0x3  }
0x33: {  	p0 =	seq.s32 s10, $0x1;
	s10 =	sld [smem:$0x3FB4];
	_ =	sdelay $0x3  }
0x34: {  	[smem:$0x3FB4] =	sst s10  }
0x35: {  	s10 =	sld [smem:$0x3FB3];
	_ =	sdelay $0x3  }
0x36: {  	p1 =	seq.s32 s10, $0x1;
	s10 =	sld [smem:$0x3FB4];
	_ =	sdelay $0x3  }
0x37: {  	[smem:$0x3FB4] =	sst s10  }
0x38: {  	s10 =	sld [smem:$0x3FB5]  }
0x39: {  	_ = 	snop;
	(pc) =	sbr.ind lr, $3  }
0x3a: {  	_ = 	snop  }
0x3b: {  	_ = 	snop  }
0x3c: {  	p2 =	seq.s32 s10, $0x1;
	s10 =	sld [smem:$0x3FB4]  }
0x3d: {  	_ =	shalt  }
0x3e: {  	_ =	shalt  }
0x3f: {  	_ =	shalt  }
0x40: {  	_ =	shalt  }
0x41: {  	_ =	shalt  }
0x42: {  	_ =	shalt  }
0x43: {  	_ =	shalt  }
0x44: {  	_ =	shalt  }
0x45: {  	_ =	shalt  }
0x46: {  	_ =	shalt  }
0x47: {  	_ =	shalt  }
0x48: {  	_ =	shalt  }
0x49: {  	_ =	shalt  }
0x4a: {  	_ =	shalt  }
0x4b: {  	_ =	shalt  }
0x4c: {  	_ =	shalt  }
0x4d: {  	_ =	shalt  }
0x4e: {  	_ =	shalt  }
0x4f: {  	_ =	shalt  }
0x50: {  	_ =	shalt  }
0x51: {  	_ =	shalt  }
0x52: {  	_ =	shalt  }
0x53: {  	_ =	shalt  }
0x54: {  	_ =	shalt  }
0x55: {  	_ =	shalt  }
0x56: {  	_ =	shalt  }
0x57: {  	_ =	shalt  }
0x58: {  	_ =	shalt  }
0x59: {  	_ =	shalt  }
0x5a: {  	_ =	shalt  }
0x5b: {  	_ =	shalt  }
0x5c: {  	_ =	shalt  }
0x5d: {  	_ =	shalt  }
0x5e: {  	_ =	shalt  }
0x5f: {  	_ =	shalt  }
0x60: {  	_ =	shalt  }
0x61: {  	_ =	shalt  }
0x62: {  	_ =	shalt  }
0x63: {  	_ =	shalt  }
0x64: {  	_ =	shalt  }
0x65: {  	_ =	shalt  }
0x66: {  	_ =	shalt  }
0x67: {  	_ =	shalt  }
0x68: {  	_ =	shalt  }
0x69: {  	_ =	shalt  }
0x6a: {  	_ =	shalt  }
0x6b: {  	_ =	shalt  }
0x6c: {  	_ =	shalt  }
0x6d: {  	_ =	shalt  }
0x6e: {  	_ =	shalt  }
0x6f: {  	_ =	shalt  }
0x70: {  	_ =	shalt  }
0x71: {  	_ =	shalt  }
0x72: {  	_ =	shalt  }
0x73: {  	_ =	shalt  }
0x74: {  	_ =	shalt  }
0x75: {  	_ =	shalt  }
0x76: {  	_ =	shalt  }
0x77: {  	_ =	shalt  }
0x78: {  	_ =	shalt  }
0x79: {  	_ =	shalt  }
0x7a: {  	_ =	shalt  }
0x7b: {  	_ =	shalt  }
0x7c: {  	_ =	shalt  }
0x7d: {  	_ =	shalt  }
0x7e: {  	_ =	shalt  }
0x7f: {  	_ =	shalt  }
0x80: {  	_ =	shalt  }
0x81: {  	_ =	shalt  }
0x82: {  	_ =	shalt  }
0x83: {  	_ =	shalt  }
0x84: {  	_ =	shalt  }
0x85: {  	_ =	shalt  }
0x86: {  	_ =	shalt  }
0x87: {  	_ =	shalt  }
.Lfunc_end0:
.L_simem_size_0:
called_computation_lowered:
.L_overlay_start_0:
0x88: {  	s2 =	sld [smem:$0x3FD9]  }
0x89: {  	s3 =	sld [smem:$0x3FFE];
	_ =	sdelay $0x1  }
0x8a: {  	s1 =	srdreg.scid  }
0x8b: {  	s0 =	sand.u32 $0x1, s1  }
0x8c: {  	s17 =	sshll.u32 s0, $0xA;
	s2 =	sadd.s32 s3, s2  }
0x8d: {  	s2 =	sadd.s32 s2, s17  }
0x8e: {  	[smem:$0x3FC0] =	sst s2  }
0x8f: {  	_ = 	snop  }
0x90: {  	s2 =	sld [smem:$0x3FC6]  }
0x91: {  	s18 =	sld [smem:$0x3FC5]  }
0x92: {  	s4 =	sld [smem:$0x3FC4]  }
0x93: {  	s5 =	sld [smem:$0x3FC3]  }
0x94: {  	s6 =	sld [smem:$0x3FC2]  }
0x95: {  	s7 =	sld [smem:$0x3FD0];
	(tm) =	ssettm $0x1  }
0x96: {  	s8 =	sld [smem:$0x3FFB];
	_ =	sdelay $0x3  }
0x97: {  	_ =	strace s8  }
0x98: {  	s8 =	sld [smem:$0x3FFC];
	_ =	sdelay $0x3  }
0x99: {  	_ =	strace s8  }
0x9a: {  	s8 =	sld [smem:$0x3FFD];
	_ =	sdelay $0x3  }
0x9b: {  	_ =	strace s8  }
0x9c: {  	_ =	strace $0x8FFFFFFF  }
0x9d: {  	s19 =	sld [smem:$0x3FDB];
	_ =	sdelay $0x1  }
0x9e: {  	s9 =	simm.s32 $_scs_section_size  }
0x9f: {  	s10 =	simm.s32 $_size__tile_overlayer_lowered;
	s11 =	simm.s32 $_tile_overlayer_lowered  }
0xa0: {  	s22 =	simm.s32 $0x1BFF;
	s21 =	sshll.u32 s11, $0x1;
	s8 =	sadd.s32 s9, s19  }
0xa1: {  	s12 =	simm.s32 $0x0;
	s20 =	sshll.u32 s10, $0x1;
	s10 =	sadd.s32 s21, s8  }
0xa2: {  	[timem:s12], [sflag:s22] =	dma.local [hbm:s10], s20  }
0xa3: {  	_ =	swait.ge [sflag:s22], s20  }
0xa4: {  	s9 =	ssub.s32 $0x0, s20;
	[sflag:s22] =	ssyncset.done $0x0  }
0xa5: {  	[sflag:s22] =	ssyncadd.s32 s9;
	_ =	sdelay $0x1  }
0xa6: {  	s23 =	simm.s32 $0x1B8B  }
0xa7: {  	_ =	swait.ge [sflag:s23], $0x1  }
0xa8: {  	[sflag:s23] =	ssyncset.done $0x0  }
0xa9: {  	s25 =	simm.s32 $0x1B8E;
	s24 =	sld [smem:$0x3FFE];
	[sflag:s23] =	ssyncadd.s32 $0xFFFFFFFF  }
0xaa: {  	s26 =	simm.s32 $execute0_lowered;
	[smem:$0x3FD2] =	sst s25  }
0xab: {  	s10 =	sshll.u32 s26, $0x1;
	_ =	strace $0x80000046;
	[dreg:$0x1] =	wrdreg $0xFFFFFFFF  }
0xac: {  	s28 =	simm.s32 $_size_execute0_lowered;
	s8 =	sadd.s32 s8, s10;
	[dreg:$0x0] =	wrdreg $0x0  }
0xad: {  	s10 =	sshll.u32 s28, $0x1;
	[dreg:$0x2] =	wrdreg s8  }
0xae: {  	[dreg:$0x3] =	wrdreg s10  }
0xaf: {  	[dreg:$0x4] =	wrdreg $0xC0  }
0xb0: {  	_ =	task [dreg:s12], $0x5FFFF  }
0xb1: {  	[dreg:$0x1] =	wrdreg $0xFFFFFFFF  }
0xb2: {  	[dreg:$0x0] =	wrdreg $0x60  }
0xb3: {  	[dreg:$0x2] =	wrdreg s2  }
0xb4: {  	[dreg:$0x3] =	wrdreg s18  }
0xb5: {  	[dreg:$0x4] =	wrdreg s4  }
0xb6: {  	[dreg:$0x5] =	wrdreg s24  }
0xb7: {  	[dreg:$0x6] =	wrdreg s5  }
0xb8: {  	[dreg:$0x7] =	wrdreg s6  }
0xb9: {  	[dreg:$0x8] =	wrdreg s7  }
0xba: {  	[dreg:$0x9] =	wrdreg $0x4A000  }
0xbb: {  	[dreg:$0xa] =	wrdreg $0x9  }
0xbc: {  	_ =	task.clear_ibuf [dreg:s12], $0xBFFFF;
	_ =	strace $0x90000046  }
0xbd: {  	s29 =	simm.s32 $0x9;
	_ =	strace $0x80000048  }
0xbe: {  	_ =	swait.ge [sflag:s29], $0x1  }
0xbf: {  	[sflag:s29] =	ssyncadd.s32 $0xFFFFFFFF  }
0xc0: {  	_ =	strace $0x90000048  }
0xc1: {  	_ =	sfence  }
0xc2: {  	s30 =	sld [smem:$0x0];
	_ =	sdelay $0x2  }
0xc3: {  	s31 =	sshll.u32 s1, $0xD;
	s1 =	sshrl.u32 s1, $0x2  }
0xc4: {  	s3 =	sand.u32 $0x4000, s31;
	s1 =	sadd.s32 s1, s30  }
0xc5: {  	s0 =	sor.u32 s3, s0;
	s1 =	sshll.u32 s1, $0x11  }
0xc6: {  	s0 =	sor.u32 s1, s0  }
0xc7: {  	s0 =	sadd.s32 $0x8F2B, s0  }
0xc8: {  	[sflag:s0] =	ssyncadd.remote.s32 $0x1  }
0xc9: {  	_ =	sfence.sel $0xFFFF  }
0xca: {  	[dreg:$0x0] =	wrdreg $0xFFFFFFFF;
	(pc) =	sbr.abs _section_cstart, $3  }
0xcb: {  	[dreg:$0x1] =	wrdreg $0xFFFFFFFF  }
0xcc: {  	_ =	task.clear_ibuf [dreg:s12], $0x2FFFF;
	_ =	strace $0x9FFFFFFF  }
0xcd: {  	(tm) =	ssettm $0x7FFFFFFF  }
tec
execute0_lowered:
.L_overlay_start_1:
0x0: {  	(tag) =	ssettag $0x1  }
0x1: {  	s0 =	rddreg [dreg:$0x0]  }
0x2: {  	s1 =	rddreg [dreg:$0x1]  }
0x3: {  	s2 =	rddreg [dreg:$0x3]  }
0x4: {  	s3 =	srdreg.scid;
	s10 =	rddreg [dreg:$0x6]  }
0x5: {  	s6 =	stileid.u32;
	s7 =	rddreg [dreg:$0x7];
	s9 =	simm.s32 $0x0  }
0x6: {  	s11 =	simm.s32 $0xD;
	s12 =	simm.s32 $0x800;
	s28 =	simm.s32 $0x40  }
0x7: {  	s29 =	simm.s32 $0x3;
	s30 =	simm.s32 $0x7;
	s31 =	simm.s32 $0x1AA00  }
0x8: {  	s19 =	simm.s32 $0x1CA00;
	s3 =	sand.u32 $0x1, s3;
	s4 =	sshll.u32 s6, $0xC  }
0x9: {  	[smem:$0x7FF] =	sst s9;
	s23 =	sshll.u32 s6, $0x9;
	s6 =	simm.s32 $0x0  }
0xa: {  	s5 =	sshll.u32 s3, $0xB;
	s3 =	ssub.s32 $0x2, s3;
	_ =	strace $0x80000047  }
0xb: {  	s1 =	sadd.s32 s1, s23;
	s24 =	sadd.s32 s4, s7;
	s23 =	simm.s32 $0x14A00  }
0xc: {  	s8 =	sor.u32 s5, s4;
	s20 =	sshrl.u32 s3, $0x1;
	[dreg:$0xc] =	wrdreg s1  }
0xd: {  	[dreg:$0xd] =	wrdreg s24;
	s4 =	simm.s32 $0x1;
	s5 =	sshrl.u32 s8, $0x3  }
0xe: {  	s3 =	ssub.s32 s3, s20;
	s25 =	sshll.u32 s8, $0x4;
	s20 =	simm.s32 $0x5  }
0xf: {  	s2 =	sadd.s32 s5, s2;
	s16 =	sadd.s32 s10, s25;
	s26 =	smax.u32 s3, $0x1  }
0x10: {  	s25 =	simm.s32 $0x6;
	s21 =	sadd.s32 $0x400, s2;
	[dreg:$0xf] =	wrdreg s26  }
0x11: {  	s5 =	simm.s32 $0x4;
	s22 =	sadd.s32 $0x2400, s2;
	[dreg:$0x9] =	wrdreg s21  }
0x12: {  	s2 =	sadd.s32 $0x4400, s2;
	s26 =	simm.s32 $0x18A00;
	[dreg:$0xa] =	wrdreg s22  }
0x13: {  	[dreg:$0xb] =	wrdreg s2;
	s2 =	sadd.s32 $0x10000, s24;
	s22 =	smov.u32 s10  }
0x14: {  	s24 =	simm.s32 $0x2;
	[dreg:$0xe] =	wrdreg s2;
	s2 =	simm.s32 $0x8  }
.LBB2_1:
0x15: {  	[dreg:$0x10] =	wrdreg s6  }
0x16: {  	s1 =	rddreg [dreg:$0x9]  }
0x17: {  	[tilespmem:s9], [sflag:$0xD] =	stream.linear.gather [hbm4b:s1+s9], $0x800, $0x38;
	[tilespmem:$0x1EA00] =	vst v63  }
0x18: {  	_ =	swait.ge [sflag:s11], $0x800  }
0x19: {  	[sflag:s11] =	ssyncset.done $0x0  }
0x1a: {  	s6 =	rddreg [dreg:$0xa];
	[sflag:s11] =	ssyncadd.s32 $0xFFFFF800  }
0x1b: {  	[tilespmem:s12], [sflag:$0xD] =	stream.linear.gather [hbm4b:s6+s9], $0x800, $0x38;
	[tilespmem:$0x1EA00] =	vst v63  }
0x1c: {  	_ =	swait.ge [sflag:s11], $0x800  }
0x1d: {  	[sflag:s11] =	ssyncset.done $0x0  }
0x1e: {  	s3 =	simm.s32 $0x1000;
	s10 =	rddreg [dreg:$0xb];
	[sflag:s11] =	ssyncadd.s32 $0xFFFFF800  }
0x1f: {  	[tilespmem:s3], [sflag:$0xD] =	stream.linear.gather [hbm4b:s10+s9], $0x800, $0x38;
	[tilespmem:$0x1EA00] =	vst v63  }
0x20: {  	_ =	swait.ge [sflag:s11], $0x800  }
0x21: {  	[sflag:s11] =	ssyncset.done $0x0  }
0x22: {  	[sflag:s11] =	ssyncadd.s32 $0xFFFFF800  }
0x23: {  	s14 =	simm.s32 $0x1800;
	s13 =	rddreg [dreg:$0x4]  }
0x24: {  	[tilespmem:s14], [sflag:$0xD] =	stream.linear.gather [hbm4b:s13+s9], $0x80, $0x38;
	[tilespmem:$0x1EA00] =	vst v63  }
0x25: {  	_ =	swait.ge [sflag:s11], $0x80  }
0x26: {  	[sflag:s11] =	ssyncset.done $0x0  }
0x27: {  	[sflag:s11] =	ssyncadd.s32 $0xFFFFFF80  }
0x28: {  	s17 =	simm.s32 $0x1880;
	s15 =	rddreg [dreg:$0x5]  }
0x29: {  	[tilespmem:s17], [sflag:$0xD] =	stream.linear.gather [hbm4b:s15+s9], $0x80, $0x38;
	[tilespmem:$0x1EA00] =	vst v63  }
0x2a: {  	_ =	swait.ge [sflag:s11], $0x80  }
0x2b: {  	[sflag:s11] =	ssyncset.done $0x0  }
0x2c: {  	[sflag:s11] =	ssyncadd.s32 $0xFFFFFF80  }
0x2d: {  	s21 =	simm.s32 $0x4900;
	s18 =	rddreg [dreg:$0x2]  }
0x2e: {  	[tilespmem:s21], [sflag:$0xD] =	stream.linear.gather [hbm4b:s18+s9], $0x100, $0x38;
	[tilespmem:$0x1EA00] =	vst v63  }
0x2f: {  	_ =	swait.ge [sflag:s11], $0x100  }
0x30: {  	[sflag:s11] =	ssyncset.done $0x0  }
0x31: {  	s1 =	simm.s32 $0x0;
	[sflag:s11] =	ssyncadd.s32 $0xFFFFFF00  }
0x32: {  	v0 =	vld [tilespmem:s1+$0x1000]  }
0x33: {  	v1 =	vld [tilespmem:s1+$0x800];
	_ =	sdelay $0x3  }
0x34: {  	v0 =	vshll.u32 v0, $0x9  }
0x35: {  	s6 =	simm.s32 $0x80;
	s10 =	simm.s32 $0x10;
	v0 =	vadd.s32 v1, v0  }
.LBB2_2:
0x36: {  	p0 =	sne.s32 s6, $0x1FC0;
	v1 =	vld [tilespmem:s10+$0x1000];
	[tilespmem:s1+$0x800] =	vst v0;
	s1 =	smov.u32 s10  }
0x37: {  	v0 =	vld [tilespmem:s1+$0x800]  }
.Ltmp0:
0x38: {  	(pc) =	sbr.rel @p0 .LBB2_2-.Ltmp0, $3  }
0x39: {  	_ =	sdelay $0x1  }
0x3a: {  	v1 =	vshll.u32 v1, $0x9  }
0x3b: {  	s10 =	sshra.s32 s6, $0x2;
	s6 =	sadd.s32 $0x40, s6;
	v0 =	vadd.s32 v0, v1  }
0x3c: {  	v1 =	vld [tilespmem:s10+$0x1000];
	[tilespmem:s1+$0x800] =	vst v0  }
0x3d: {  	v0 =	vld [tilespmem:s10+$0x800];
	_ =	sdelay $0x3  }
0x3e: {  	v1 =	vshll.u32 v1, $0x9  }
0x3f: {  	v0 =	vadd.s32 v0, v1  }
0x40: {  	s21 =	simm.s32 $0x0;
	s3 =	rddreg [dreg:$0xc];
	s6 =	simm.s32 $0x1900;
	[tilespmem:s10+$0x800] =	vst v0  }
0x41: {  	[tilespmem:s6], [sflag:$0xD] =	stream.linear.gather [hbm4b:s3+s21], $0x1000, $0x38;
	[tilespmem:$0x1EA00] =	vst v63  }
0x42: {  	_ =	swait.ge [sflag:s11], $0x1000  }
0x43: {  	[sflag:s11] =	ssyncset.done $0x0  }
0x44: {  	s6 =	simm.s32 $0x0;
	[sflag:s11] =	ssyncadd.s32 $0xFFFFF000  }
0x45: {  	s10 =	simm.s32 $0x200;
	v0 =	vld [tilespmem:s6+$0x1900]  }
.LBB2_4:
0x46: {  	p0 =	sne.s32 s10, $0x3E00;
	v1 =	vld [tilespmem:$0x4900];
	_ =	sdelay $0x4  }
0x47: {  	v0 =	vadd.f32 v1, v0;
	_ =	sdelay $0x1  }
0x48: {  	[tilespmem:s6+$0x2900] =	vst v0;
	v0 =	vld [tilespmem:s6+$0x1910]  }
0x49: {  	v1 =	vld [tilespmem:$0x4910];
	_ =	sdelay $0x4  }
0x4a: {  	v0 =	vadd.f32 v1, v0;
	_ =	sdelay $0x1  }
0x4b: {  	[tilespmem:s6+$0x2910] =	vst v0;
	v0 =	vld [tilespmem:s6+$0x1920]  }
0x4c: {  	v1 =	vld [tilespmem:$0x4920];
	_ =	sdelay $0x4  }
0x4d: {  	v0 =	vadd.f32 v1, v0;
	_ =	sdelay $0x1  }
0x4e: {  	[tilespmem:s6+$0x2920] =	vst v0;
	v0 =	vld [tilespmem:s6+$0x1930]  }
0x4f: {  	v1 =	vld [tilespmem:$0x4930];
	_ =	sdelay $0x4  }
0x50: {  	v0 =	vadd.f32 v1, v0;
	_ =	sdelay $0x1  }
0x51: {  	[tilespmem:s6+$0x2930] =	vst v0;
	v0 =	vld [tilespmem:s6+$0x1940]  }
0x52: {  	v1 =	vld [tilespmem:$0x4940];
	_ =	sdelay $0x4  }
0x53: {  	v0 =	vadd.f32 v1, v0;
	_ =	sdelay $0x1  }
0x54: {  	[tilespmem:s6+$0x2940] =	vst v0;
	v0 =	vld [tilespmem:s6+$0x1950]  }
0x55: {  	v1 =	vld [tilespmem:$0x4950];
	_ =	sdelay $0x4  }
0x56: {  	v0 =	vadd.f32 v1, v0;
	_ =	sdelay $0x1  }
0x57: {  	[tilespmem:s6+$0x2950] =	vst v0;
	v0 =	vld [tilespmem:s6+$0x1960]  }
0x58: {  	v1 =	vld [tilespmem:$0x4960];
	_ =	sdelay $0x4  }
0x59: {  	v0 =	vadd.f32 v1, v0;
	_ =	sdelay $0x1  }
0x5a: {  	[tilespmem:s6+$0x2960] =	vst v0;
	v0 =	vld [tilespmem:s6+$0x1970]  }
0x5b: {  	v1 =	vld [tilespmem:$0x4970];
	_ =	sdelay $0x4  }
0x5c: {  	v0 =	vadd.f32 v1, v0;
	_ =	sdelay $0x1  }
0x5d: {  	[tilespmem:s6+$0x2970] =	vst v0;
	v0 =	vld [tilespmem:s6+$0x1900]  }
0x5e: {  	v1 =	vld [tilespmem:$0x4980];
	_ =	sdelay $0x4  }
0x5f: {  	v0 =	vadd.f32 v1, v0;
	_ =	sdelay $0x1  }
0x60: {  	[tilespmem:s6+$0x3900] =	vst v0;
	v0 =	vld [tilespmem:s6+$0x1910]  }
0x61: {  	v1 =	vld [tilespmem:$0x4990];
	_ =	sdelay $0x4  }
0x62: {  	v0 =	vadd.f32 v1, v0;
	_ =	sdelay $0x1  }
0x63: {  	[tilespmem:s6+$0x3910] =	vst v0;
	v0 =	vld [tilespmem:s6+$0x1920]  }
0x64: {  	v1 =	vld [tilespmem:$0x49A0];
	_ =	sdelay $0x4  }
0x65: {  	v0 =	vadd.f32 v1, v0;
	_ =	sdelay $0x1  }
0x66: {  	[tilespmem:s6+$0x3920] =	vst v0;
	v0 =	vld [tilespmem:s6+$0x1930]  }
0x67: {  	v1 =	vld [tilespmem:$0x49B0];
	_ =	sdelay $0x4  }
0x68: {  	v0 =	vadd.f32 v1, v0;
	_ =	sdelay $0x1  }
0x69: {  	[tilespmem:s6+$0x3930] =	vst v0;
	v0 =	vld [tilespmem:s6+$0x1940]  }
0x6a: {  	v1 =	vld [tilespmem:$0x49C0];
	_ =	sdelay $0x4  }
0x6b: {  	v0 =	vadd.f32 v1, v0;
	_ =	sdelay $0x1  }
0x6c: {  	[tilespmem:s6+$0x3940] =	vst v0;
	v0 =	vld [tilespmem:s6+$0x1950]  }
0x6d: {  	v1 =	vld [tilespmem:$0x49D0];
	_ =	sdelay $0x4  }
0x6e: {  	v0 =	vadd.f32 v1, v0;
	_ =	sdelay $0x1  }
0x6f: {  	[tilespmem:s6+$0x3950] =	vst v0;
	v0 =	vld [tilespmem:s6+$0x1960]  }
0x70: {  	v1 =	vld [tilespmem:$0x49E0];
	_ =	sdelay $0x4  }
0x71: {  	v0 =	vadd.f32 v1, v0;
	_ =	sdelay $0x1  }
0x72: {  	[tilespmem:s6+$0x3960] =	vst v0;
	v0 =	vld [tilespmem:s6+$0x1970]  }
0x73: {  	v1 =	vld [tilespmem:$0x49F0];
	_ =	sdelay $0x2  }
.Ltmp1:
0x74: {  	(pc) =	sbr.rel @p0 .LBB2_4-.Ltmp1, $4  }
0x75: {  	_ = 	snop  }
0x76: {  	v1 =	vadd.f32 v1, v0  }
0x77: {  	s1 =	sshra.s32 s10, $0x2  }
0x78: {  	s10 =	sadd.s32 $0x200, s10;
	v0 =	vld [tilespmem:s1+$0x1900];
	[tilespmem:s6+$0x3970] =	vst v1;
	s6 =	smov.u32 s1  }
0x79: {  	v1 =	vld [tilespmem:$0x4900];
	_ =	sdelay $0x4  }
0x7a: {  	v0 =	vadd.f32 v1, v0;
	_ =	sdelay $0x1  }
0x7b: {  	v18 =	vld [tilespmem:s6+$0x1910];
	[tilespmem:s6+$0x2900] =	vst v0  }
0x7c: {  	v19 =	vld [tilespmem:$0x4910];
	_ =	sdelay $0x4  }
0x7d: {  	v0 =	vadd.f32 v19, v18;
	_ =	sdelay $0x1  }
0x7e: {  	v20 =	vld [tilespmem:s6+$0x1920];
	[tilespmem:s6+$0x2910] =	vst v0  }
0x7f: {  	v21 =	vld [tilespmem:$0x4920];
	_ =	sdelay $0x4  }
0x80: {  	v0 =	vadd.f32 v21, v20;
	_ =	sdelay $0x1  }
0x81: {  	v22 =	vld [tilespmem:s6+$0x1930];
	[tilespmem:s6+$0x2920] =	vst v0  }
0x82: {  	v23 =	vld [tilespmem:$0x4930];
	_ =	sdelay $0x4  }
0x83: {  	v0 =	vadd.f32 v23, v22;
	_ =	sdelay $0x1  }
0x84: {  	v24 =	vld [tilespmem:s6+$0x1940];
	[tilespmem:s6+$0x2930] =	vst v0  }
0x85: {  	v25 =	vld [tilespmem:$0x4940];
	_ =	sdelay $0x4  }
0x86: {  	v0 =	vadd.f32 v25, v24;
	_ =	sdelay $0x1  }
0x87: {  	v26 =	vld [tilespmem:s6+$0x1950];
	[tilespmem:s6+$0x2940] =	vst v0  }
0x88: {  	v27 =	vld [tilespmem:$0x4950];
	_ =	sdelay $0x4  }
0x89: {  	v0 =	vadd.f32 v27, v26;
	_ =	sdelay $0x1  }
0x8a: {  	v28 =	vld [tilespmem:s6+$0x1960];
	[tilespmem:s6+$0x2950] =	vst v0  }
0x8b: {  	v29 =	vld [tilespmem:$0x4960];
	_ =	sdelay $0x4  }
0x8c: {  	v0 =	vadd.f32 v29, v28;
	_ =	sdelay $0x1  }
0x8d: {  	v30 =	vld [tilespmem:s6+$0x1970];
	[tilespmem:s6+$0x2960] =	vst v0  }
0x8e: {  	v31 =	vld [tilespmem:$0x4970];
	_ =	sdelay $0x4  }
0x8f: {  	v0 =	vadd.f32 v31, v30;
	_ =	sdelay $0x1  }
0x90: {  	v32 =	vld [tilespmem:s6+$0x1900];
	[tilespmem:s6+$0x2970] =	vst v0  }
0x91: {  	v33 =	vld [tilespmem:$0x4980];
	_ =	sdelay $0x4  }
0x92: {  	v0 =	vadd.f32 v33, v32;
	_ =	sdelay $0x1  }
0x93: {  	v34 =	vld [tilespmem:s6+$0x1910];
	[tilespmem:s6+$0x3900] =	vst v0  }
0x94: {  	v35 =	vld [tilespmem:$0x4990];
	_ =	sdelay $0x4  }
0x95: {  	v0 =	vadd.f32 v35, v34;
	_ =	sdelay $0x1  }
0x96: {  	v36 =	vld [tilespmem:s6+$0x1920];
	[tilespmem:s6+$0x3910] =	vst v0  }
0x97: {  	v37 =	vld [tilespmem:$0x49A0];
	_ =	sdelay $0x4  }
0x98: {  	v0 =	vadd.f32 v37, v36;
	_ =	sdelay $0x1  }
0x99: {  	v38 =	vld [tilespmem:s6+$0x1930];
	[tilespmem:s6+$0x3920] =	vst v0  }
0x9a: {  	v39 =	vld [tilespmem:$0x49B0];
	_ =	sdelay $0x4  }
0x9b: {  	v0 =	vadd.f32 v39, v38;
	_ =	sdelay $0x1  }
0x9c: {  	v40 =	vld [tilespmem:s6+$0x1940];
	[tilespmem:s6+$0x3930] =	vst v0  }
0x9d: {  	v41 =	vld [tilespmem:$0x49C0];
	_ =	sdelay $0x4  }
0x9e: {  	v0 =	vadd.f32 v41, v40;
	_ =	sdelay $0x1  }
0x9f: {  	v42 =	vld [tilespmem:s6+$0x1950];
	[tilespmem:s6+$0x3940] =	vst v0  }
0xa0: {  	v43 =	vld [tilespmem:$0x49D0];
	_ =	sdelay $0x4  }
0xa1: {  	v0 =	vadd.f32 v43, v42;
	_ =	sdelay $0x1  }
0xa2: {  	v44 =	vld [tilespmem:s6+$0x1960];
	[tilespmem:s6+$0x3950] =	vst v0  }
0xa3: {  	v45 =	vld [tilespmem:$0x49E0];
	_ =	sdelay $0x4  }
0xa4: {  	v0 =	vadd.f32 v45, v44;
	_ =	sdelay $0x1  }
0xa5: {  	v46 =	vld [tilespmem:s6+$0x1970];
	[tilespmem:s6+$0x3960] =	vst v0  }
0xa6: {  	v47 =	vld [tilespmem:$0x49F0];
	_ =	sdelay $0x4  }
0xa7: {  	v0 =	vadd.f32 v47, v46;
	_ =	sdelay $0x1  }
0xa8: {  	s1 =	rddreg [dreg:$0xd];
	s3 =	simm.s32 $0x2900;
	[tilespmem:s6+$0x3970] =	vst v0  }
0xa9: {  	[spmem:s1] =	stream.linear.scatter [tilespmem:s3], [sflag:$0xD], $0x1000, $0x38;
	[tilespmem:$0x1EA00] =	vst v63  }
0xaa: {  	_ =	swait.ge [sflag:s11], $0x1000  }
0xab: {  	[sflag:s11] =	ssyncset.done $0x0  }
0xac: {  	s10 =	simm.s32 $0x3900;
	s6 =	rddreg [dreg:$0xe];
	[sflag:s11] =	ssyncadd.s32 $0xFFFFF000  }
0xad: {  	[spmem:s6] =	stream.linear.scatter [tilespmem:s10], [sflag:$0xD], $0x1000, $0x38;
	[tilespmem:$0x1EA00] =	vst v63  }
0xae: {  	_ =	swait.ge [sflag:s11], $0x1000  }
0xaf: {  	[sflag:s11] =	ssyncset.done $0x0  }
0xb0: {  	[sflag:s11] =	ssyncadd.s32 $0xFFFFF000  }
0xb1: {  	[bflag:$0x0] =	sbarrier.arrive $0xFFFF  }
0xb2: {  	v48 =	vld [tilespmem:$0x1800]  }
0xb3: {  	v49 =	vld [tilespmem:$0x1810]  }
0xb4: {  	v50 =	vld [tilespmem:$0x1820]  }
0xb5: {  	v51 =	vld [tilespmem:$0x1830]  }
0xb6: {  	v52 =	vld [tilespmem:$0x1840]  }
0xb7: {  	v53 =	vld [tilespmem:$0x1850]  }
0xb8: {  	v54 =	vld [tilespmem:$0x1860]  }
0xb9: {  	v55 =	vld [tilespmem:$0x1870]  }
0xba: {  	v56 =	vld [tilespmem:$0x1880]  }
0xbb: {  	v57 =	vld [tilespmem:$0x1890]  }
0xbc: {  	v58 =	vld [tilespmem:$0x18A0]  }
0xbd: {  	v59 =	vld [tilespmem:$0x18B0]  }
0xbe: {  	v60 =	vld [tilespmem:$0x18C0]  }
0xbf: {  	v61 =	vld [tilespmem:$0x18D0]  }
0xc0: {  	s17 =	simm.s32 $0x0;
	s13 =	simm.s32 $0x6A00;
	v62 =	vld [tilespmem:$0x18E0]  }
0xc1: {  	v63 =	vld [tilespmem:$0x18F0];
	[tilespmem:s13], [sflag:$0x1] =	stream.indirect.gather [hbm4b:s0+s28], $0x80, s17, s28, $0xb8  }
0xc2: {  	s14 =	simm.s32 $0xEA00  }
0xc3: {  	[tilespmem:s14], [sflag:$0x5] =	stream.indirect.gather [spmem:s7], $0x80, s12, s28, $0xb8;
	[tilespmem:$0x1EA00] =	vst v63  }
0xc4: {  	s15 =	simm.s32 $0x8A00  }
0xc5: {  	[tilespmem:s15], [sflag:$0x2] =	stream.indirect.gather [hbm4b:s0+s28], $0x80, s28, s28, $0xb8;
	[tilespmem:$0x1EA00] =	vst v63  }
0xc6: {  	[tilespmem:$0x1FF00] =	vst v48  }
0xc7: {  	[tilespmem:$0x1FF10] =	vst v49  }
0xc8: {  	[tilespmem:$0x1FF20] =	vst v50  }
0xc9: {  	[tilespmem:$0x1FF30] =	vst v51  }
0xca: {  	[tilespmem:$0x1FF40] =	vst v52  }
0xcb: {  	[tilespmem:$0x1FF50] =	vst v53  }
0xcc: {  	[tilespmem:$0x1FF60] =	vst v54  }
0xcd: {  	[tilespmem:$0x1FF70] =	vst v55  }
0xce: {  	[tilespmem:$0x1FF80] =	vst v56  }
0xcf: {  	[tilespmem:$0x1FF90] =	vst v57  }
0xd0: {  	[tilespmem:$0x1FFA0] =	vst v58  }
0xd1: {  	[tilespmem:$0x1FFB0] =	vst v59  }
0xd2: {  	[tilespmem:$0x1FFC0] =	vst v60  }
0xd3: {  	[tilespmem:$0x1FFD0] =	vst v61  }
0xd4: {  	[tilespmem:$0x1FFE0] =	vst v62  }
0xd5: {  	s18 =	simm.s32 $0x840;
	s21 =	simm.s32 $0x10A00;
	[tilespmem:$0x1FFF0] =	vst v63  }
0xd6: {  	[tilespmem:s21], [sflag:$0x6] =	stream.indirect.gather [spmem:s7], $0x80, s18, s28, $0xb8;
	[tilespmem:$0x1EA00] =	vst v63  }
.LBB2_6:
0xd7: {  	p0 =	seq.s32 s17, $0x0  }
0xd8: {  	s1 =	simm.s32 @!p0 $0xB  }
0xd9: {  	s11 =	sshll.u32 s17, $0x2;
	_ =	swait.ge @!p0 [sflag:s1], $0x2000  }
0xda: {  	s10 =	sor.u32 $0x2, s11;
	[sflag:s1] =	ssyncset.done @!p0 $0x0  }
0xdb: {  	s3 =	simm.s32 $0xAA00;
	s13 =	sshll.u32 s10, $0x6;
	[sflag:s1] =	ssyncadd.s32 @!p0 $0xFFFFE000  }
0xdc: {  	[tilespmem:s3], [sflag:$0x3] =	stream.indirect.gather [hbm4b:s0+s28], $0x80, s13, s28, $0xb8;
	[tilespmem:$0x1EA00] =	vst v63  }
0xdd: {  	s14 =	simm.s32 $0x12A00;
	s1 =	sadd.s32 $0x800, s13  }
0xde: {  	[tilespmem:s14], [sflag:$0x7] =	stream.indirect.gather [spmem:s7], $0x80, s1, s28, $0xb8;
	[tilespmem:$0x1EA00] =	vst v63  }
0xdf: {  	_ =	swait.ge [sflag:s4], $0x2000  }
0xe0: {  	[sflag:s4] =	ssyncset.done $0x0  }
0xe1: {  	[sflag:s4] =	ssyncadd.s32 $0xFFFFE000  }
0xe2: {  	_ =	swait.ge [sflag:s20], $0x2000  }
0xe3: {  	[sflag:s20] =	ssyncset.done $0x0  }
0xe4: {  	s14 =	simm.s32 $0x0;
	[sflag:s20] =	ssyncadd.s32 $0xFFFFE000  }
0xe5: {  	v16 =	vld [tilespmem:s14+$0x6A80]  }
0xe6: {  	v17 =	vld [tilespmem:s14+$0xEA80]  }
0xe7: {  	v18 =	vld [tilespmem:s14+$0x6A90]  }
0xe8: {  	v19 =	vld [tilespmem:s14+$0xEA90]  }
0xe9: {  	v20 =	vld [tilespmem:s14+$0x6AA0]  }
0xea: {  	v21 =	vld [tilespmem:s14+$0xEAA0]  }
0xeb: {  	v22 =	vld [tilespmem:s14+$0x6AB0]  }
0xec: {  	v23 =	vld [tilespmem:s14+$0xEAB0]  }
0xed: {  	v41 =	vadd.f32 v17, v16;
	v40 =	vadd.f32 v19, v18;
	v16 =	vld [tilespmem:s14+$0x6AC0]  }
0xee: {  	v17 =	vld [tilespmem:s14+$0xEAC0]  }
0xef: {  	v24 =	vld [tilespmem:s14+$0xEAD0];
	v42 =	vadd.f32 v21, v20;
	v19 =	vmul.f32 v41, v41;
	v20 =	vmul.f32 v40, v40  }
0xf0: {  	v18 =	vld [tilespmem:s14+$0x6AD0];
	v21 =	vadd.f32 v40, v41  }
0xf1: {  	v43 =	vadd.f32 v23, v22;
	v22 =	vld [tilespmem:s14+$0x6AE0];
	v19 =	vadd.f32 v20, v19;
	v20 =	vmul.f32 v42, v42  }
0xf2: {  	v23 =	vld [tilespmem:s14+$0xEAE0];
	v21 =	vadd.f32 v42, v21  }
0xf3: {  	v25 =	vld [tilespmem:s14+$0x6AF0];
	v44 =	vadd.f32 v17, v16;
	v17 =	vmul.f32 v43, v43;
	v16 =	vadd.f32 v20, v19  }
0xf4: {  	v19 =	vld [tilespmem:s14+$0xEAF0];
	v20 =	vadd.f32 v43, v21  }
0xf5: {  	v45 =	vadd.f32 v24, v18;
	v16 =	vadd.f32 v17, v16;
	v17 =	vmul.f32 v44, v44  }
0xf6: {  	v18 =	vadd.f32 v44, v20  }
0xf7: {  	v46 =	vadd.f32 v23, v22;
	v22 =	vld [tilespmem:s14+$0xEA10];
	v16 =	vadd.f32 v17, v16;
	v17 =	vmul.f32 v45, v45  }
0xf8: {  	v23 =	vld [tilespmem:s14+$0x6A20];
	v18 =	vadd.f32 v45, v18  }
0xf9: {  	v21 =	vld [tilespmem:s14+$0xEA00];
	v30 =	vadd.f32 v19, v25;
	v16 =	vadd.f32 v17, v16;
	v17 =	vmul.f32 v46, v46  }
0xfa: {  	v20 =	vld [tilespmem:s14+$0x6A00];
	v18 =	vadd.f32 v46, v18  }
0xfb: {  	v19 =	vld [tilespmem:s14+$0x6A10];
	v16 =	vadd.f32 v17, v16;
	v17 =	vmul.f32 v30, v30  }
0xfc: {  	v24 =	vld [tilespmem:s14+$0xEA20];
	v18 =	vadd.f32 v30, v18  }
0xfd: {  	v16 =	vadd.f32 v17, v16;
	v17 =	vld [tilespmem:s14+$0x6A30]  }
0xfe: {  	(xrf2) =	vadd.scan.msk.f32 $0xffff, v18;
	v18 =	vld [tilespmem:s14+$0xEA30]  }
0xff: {  	v35 =	vadd.f32 v21, v20;
	v20 =	vld [tilespmem:s14+$0x6A50]  }
0x100: {  	v31 =	vadd.f32 v22, v19;
	v19 =	vld [tilespmem:s14+$0xEA40];
	(xrf2) =	vadd.scan.msk.f32 $0xffff, v16  }
0x101: {  	v33 =	vadd.f32 v24, v23;
	v16 =	vld [tilespmem:s14+$0x6A40]  }
0x102: {  	v23 =	vmul.f32 v35, v35;
	v22 =	vld [tilespmem:s14+$0xEA50];
	v21 =	vadd.f32 v31, v35;
	v24 =	vmul.f32 v31, v31  }
0x103: {  	v34 =	vadd.f32 v18, v17;
	v17 =	vld [tilespmem:s14+$0x6A60]  }
0x104: {  	v18 =	vadd.f32 v33, v21;
	v21 =	vadd.f32 v24, v23;
	v23 =	vld [tilespmem:s14+$0xEA60]  }
0x105: {  	v24 =	vmul.f32 v33, v33  }
0x106: {  	v25 =	vld [tilespmem:s14+$0xEA70];
	v36 =	vadd.f32 v19, v16;
	v18 =	vadd.f32 v34, v18  }
0x107: {  	v16 =	vld [tilespmem:s14+$0x6A70];
	v19 =	vmul.f32 v34, v34;
	v21 =	vadd.f32 v24, v21  }
0x108: {  	v47 =	vadd.f32 v22, v20;
	v18 =	vadd.f32 v36, v18  }
0x109: {  	v22 =	vmul.f32 v36, v36;
	v19 =	vadd.f32 v19, v21;
	v20, _, _ =	vpop (xrf2);
	v48 =	vadd.f32 v23, v17  }
0x10a: {  	(v2sf) =	vpush v20, $0xF;
	v17 =	vadd.f32 v47, v18;
	v20, _, _ =	vpop (xrf2)  }
0x10b: {  	v18 =	vmul.f32 v47, v47;
	v19 =	vadd.f32 v22, v19;
	(v2sf) =	vpush v20, $0xF  }
0x10c: {  	v49 =	vadd.f32 v25, v16;
	v16 =	vadd.f32 v48, v17  }
0x10d: {  	v17 =	vmul.f32 v48, v48;
	v18 =	vadd.f32 v18, v19  }
0x10e: {  	v16 =	vadd.f32 v49, v16  }
0x10f: {  	v19 =	vmul.f32 v49, v49;
	v17 =	vadd.f32 v17, v18  }
0x110: {  	(xrf2) =	vadd.scan.msk.f32 $0xffff, v16  }
0x111: {  	v16 =	vadd.f32 v19, v17;
	_ =	sdelay $0x1  }
0x112: {  	(xrf2) =	vadd.scan.msk.f32 $0xffff, v16;
	_ =	sdelay $0x3  }
0x113: {  	s12 =	simm.s32 $0x100  }
0x114: {  	v21 =	vld [tilespmem:s12+$0x6AA0]  }
0x115: {  	v22 =	vld [tilespmem:s12+$0xEAA0];
	s15 =	spop (v2sf)  }
0x116: {  	v20 =	vld [tilespmem:s12+$0xEA90];
	s6 =	smul.f32 $7.812500000e-03, s15;
	v16, _, _ =	vpop (xrf2);
	s18 =	spop (v2sf)  }
0x117: {  	v18 =	vld [tilespmem:s12+$0x6A90];
	(v2sf) =	vpush v16, $0xF;
	s1 =	smul.f32 $7.812500000e-03, s18  }
0x118: {  	v17 =	vld [tilespmem:s12+$0x6A80];
	s13 =	smul.f32 s6, s6  }
0x119: {  	v16 =	vld [tilespmem:s12+$0xEA80];
	v19, _, _ =	vpop (xrf2)  }
0x11a: {  	(v2sf) =	vpush v19, $0xF;
	s1 =	ssub.f32 s1, s13  }
0x11b: {  	v24 =	vld [tilespmem:s12+$0xEAB0]  }
0x11c: {  	v23 =	vld [tilespmem:s12+$0x6AB0];
	s1 =	sadd.f32 $9.999999960e-13, s1  }
0x11d: {  	v1 =	vld [tilespmem:s12+$0x6AC0];
	v2 =	vadd.f32 v20, v18  }
0x11e: {  	v3 =	vld [tilespmem:s12+$0xEAC0];
	v4 =	vadd.f32 v22, v21;
	v0 =	vadd.f32 v16, v17;
	v19 =	vmov s1  }
0x11f: {  	v5 =	vld [tilespmem:s12+$0x6AD0];
	v28 =	vmul.f32 v2, v2;
	v25 =	vshrl.u32 v19, $0x1;
	v27 =	vmul.f32 $5.000000000e-01, v19  }
0x120: {  	v37 =	vld [tilespmem:s12+$0xEAD0];
	v26 =	vmul.f32 v0, v0;
	v29 =	vadd.f32 v2, v0;
	v25 =	vsub.s32 $0x5F3759DF, v25  }
0x121: {  	v58 =	vld [tilespmem:s12+$0xEAE0];
	v62 =	vadd.f32 v24, v23;
	v16 =	vmul.f32 v25, v27  }
0x122: {  	v23 =	vld [tilespmem:s12+$0x6AE0];
	v24 =	vadd.f32 v28, v26;
	v26 =	vmul.f32 v4, v4;
	v28 =	vadd.f32 v4, v29  }
0x123: {  	v38 =	vld [tilespmem:s12+$0x6AF0];
	v59 =	vadd.f32 v3, v1;
	v32 =	vmul.f32 v25, v16  }
0x124: {  	v39 =	vld [tilespmem:s12+$0xEAF0];
	v24 =	vadd.f32 v26, v24;
	v26 =	vmul.f32 v62, v62;
	v28 =	vadd.f32 v62, v28  }
0x125: {  	v63 =	vadd.f32 v37, v5;
	v29 =	vsub.f32 $1.500000000e+00, v32  }
0x126: {  	v60 =	vld [tilespmem:s12+$0xEA00];
	v24 =	vadd.f32 v26, v24;
	v26 =	vmul.f32 v59, v59;
	v28 =	vadd.f32 v59, v28;
	s21 =	spop (v2sf)  }
0x127: {  	v51 =	vld [tilespmem:s12+$0x6A10];
	v61 =	vadd.f32 v58, v23;
	v29 =	vmul.f32 v25, v29;
	s3 =	smul.f32 $7.812500000e-03, s21  }
0x128: {  	v23 =	vadd.f32 v26, v24;
	v24 =	vmul.f32 v63, v63;
	v28 =	vadd.f32 v63, v28;
	v25 =	vld [tilespmem:s12+$0x6A00]  }
0x129: {  	v1 =	vld [tilespmem:s12+$0xEA10];
	v21 =	vmovc v59;
	v59 =	vmov s6;
	v26 =	vadd.f32 v39, v38;
	s15 =	spop (v2sf);
	v50 =	vmul.f32 v29, v27;
	s1 =	smul.f32 s3, s3  }
0x12a: {  	v52 =	vld [tilespmem:s12+$0x6A20];
	v23 =	vadd.f32 v24, v23;
	v24 =	vmul.f32 v61, v61;
	v28 =	vadd.f32 v61, v28;
	s15 =	smul.f32 $7.812500000e-03, s15  }
0x12b: {  	v20 =	vmov v2;
	v2 =	vld [tilespmem:s12+$0xEA20];
	v40 =	vsub.f32 v40, v59;
	v50 =	vmul.f32 v50, v29  }
0x12c: {  	v53 =	vld [tilespmem:s12+$0xEA30];
	v23 =	vadd.f32 v24, v23;
	v24 =	vmul.f32 v26, v26;
	v28 =	vadd.f32 v26, v28;
	s1 =	ssub.f32 s15, s1  }
0x12d: {  	v7 =	vld [tilespmem:s12+$0x6A50];
	v25 =	vadd.f32 v60, v25;
	v3 =	vsub.f32 $1.500000000e+00, v50  }
0x12e: {  	v22 =	vmov v4;
	v4 =	vld [tilespmem:s12+$0x6A30];
	v24 =	vadd.f32 v24, v23;
	v23 =	vadd.f32 v1, v51;
	s1 =	sadd.f32 $9.999999960e-13, s1  }
0x12f: {  	v5 =	vld [tilespmem:s12+$0xEA40];
	v42 =	vsub.f32 v42, v59;
	(xrf2) =	vadd.scan.msk.f32 $0xffff, v28;
	v6 =	vmul.f32 v25, v25;
	v37 =	vmul.f32 v3, v29  }
0x130: {  	(xrf2) =	vadd.scan.msk.f32 $0xffff, v24;
	v55 =	vmul.f32 v23, v23;
	v24 =	vadd.f32 v2, v52;
	v29 =	vld [tilespmem:s12+$0x6A40];
	v28 =	vmov s1  }
0x131: {  	v8 =	vld [tilespmem:s12+$0xEA50];
	v9 =	vadd.f32 v23, v25;
	v54 =	vshrl.u32 v28, $0x1;
	v27 =	vmul.f32 v37, v27  }
0x132: {  	v10 =	vld [tilespmem:s12+$0x6A60];
	v56 =	vmul.f32 $5.000000000e-01, v28;
	v39 =	vadd.f32 v55, v6;
	v11 =	vmul.f32 v24, v24  }
0x133: {  	v12 =	vld [tilespmem:s12+$0xEA60];
	v54 =	vsub.s32 $0x5F3759DF, v54;
	v28 =	vmul.f32 v27, v37;
	v27 =	vadd.f32 v53, v4  }
0x134: {  	v52 =	vadd.f32 v24, v9;
	v39 =	vadd.f32 v11, v39;
	v58 =	vmul.f32 v54, v56  }
0x135: {  	v14 =	vld [tilespmem:s12+$0x6A70];
	v57 =	vsub.f32 $1.500000000e+00, v28;
	v28 =	vadd.f32 v5, v29;
	v13 =	vmul.f32 v27, v27  }
0x136: {  	v15 =	vld [tilespmem:s12+$0xEA70];
	v18 =	vmovc v61;
	v61 =	vsub.f32 v30, v59;
	v2 =	vmul.f32 v54, v58;
	v52 =	vadd.f32 v27, v52  }
0x137: {  	v29 =	vadd.f32 v8, v7;
	v7 =	vld [tilespmem:$0x1FF70];
	v60 =	vmul.f32 v28, v28;
	v32 =	vadd.f32 v13, v39  }
0x138: {  	v30 =	vadd.f32 v12, v10;
	v52 =	vadd.f32 v28, v52  }
0x139: {  	[tilespmem:$0x1FEF0] =	vst v0;
	v1, _, _ =	vpop (xrf2);
	v5 =	vsub.f32 $1.500000000e+00, v2;
	v3 =	vmul.f32 v29, v29;
	v0 =	vadd.f32 v60, v32  }
0x13a: {  	v2 =	vld [tilespmem:$0x1FF20];
	(v2sf) =	vpush v1, $0xF;
	v57 =	vmul.f32 v57, v37;
	v52 =	vadd.f32 v29, v52  }
0x13b: {  	v6 =	vmul.f32 v30, v30;
	v32 =	vadd.f32 v15, v14;
	v14 =	vld [tilespmem:$0x1FFF0];
	v50 =	vadd.f32 v3, v0  }
0x13c: {  	v1 =	vld [tilespmem:$0x1FF10];
	v4, _, _ =	vpop (xrf2);
	v53 =	vmul.f32 v54, v5;
	v8 =	vmul.f32 v57, v7;
	v52 =	vadd.f32 v30, v52  }
0x13d: {  	(v2sf) =	vpush v4, $0xF;
	v9 =	vmul.f32 v32, v32;
	v3 =	vld [tilespmem:$0x1FF30];
	v38 =	vadd.f32 v6, v50  }
0x13e: {  	v12 =	vmul.f32 v53, v56;
	v0 =	vld [tilespmem:$0x1FF00];
	v10 =	vmul.f32 v8, v61;
	v11 =	vadd.f32 v32, v52  }
0x13f: {  	v43 =	vsub.f32 v43, v59;
	v13 =	vadd.f32 v9, v38;
	v9 =	vld [tilespmem:$0x1FF40]  }
0x140: {  	v54 =	vmov s3;
	v15 =	vmul.f32 v12, v53;
	v50 =	vadd.f32 v10, v14;
	(xrf2) =	vadd.scan.msk.f32 $0xffff, v11;
	v11 =	vld [tilespmem:$0x1FF50]  }
0x141: {  	v39 =	vsub.f32 v35, v54;
	v35 =	vsub.f32 v34, v54;
	v8 =	vmul.f32 v57, v2;
	(xrf2) =	vadd.scan.msk.f32 $0xffff, v13;
	v13 =	vld [tilespmem:$0x1FF60]  }
0x142: {  	s13 =	simm.s32 $0x200;
	v58 =	vmul.f32 v57, v1;
	v10 =	vsub.f32 $1.500000000e+00, v15;
	v60 =	vmul.f32 v57, v3;
	[tilespmem:s14+$0x16AF0] =	vst v50  }
0x143: {  	v15 =	vsub.f32 v44, v59;
	v42 =	vmul.f32 v8, v42;
	v55 =	vmul.f32 v57, v0;
	v44 =	vld [tilespmem:s13+$0x6AB0]  }
0x144: {  	v34 =	vsub.f32 v47, v54;
	v47 =	vmul.f32 v10, v53;
	v8 =	vmul.f32 v60, v43;
	v43 =	vld [tilespmem:s13+$0x6A90]  }
0x145: {  	v60 =	vld [tilespmem:$0x1FFD0];
	v61 =	vmul.f32 v57, v9;
	v12 =	vmul.f32 v57, v11  }
0x146: {  	v53 =	vmul.f32 v57, v13;
	v57 =	vmul.f32 v58, v40;
	v58 =	vld [tilespmem:$0x1FF80]  }
0x147: {  	v41 =	vsub.f32 v41, v59;
	v11 =	vld [tilespmem:$0x1FF90]  }
0x148: {  	v45 =	vsub.f32 v45, v59;
	v37 =	vsub.f32 v31, v54;
	v14 =	vmul.f32 v47, v56;
	v40 =	vld [tilespmem:s13+$0x6A80]  }
0x149: {  	v31 =	vsub.f32 v48, v54;
	v38 =	vsub.f32 v33, v54;
	v41 =	vmul.f32 v55, v41;
	v13 =	vld [tilespmem:$0x1FFA0]  }
0x14a: {  	v33 =	vsub.f32 v49, v54;
	v48 =	vmul.f32 v14, v47;
	v49 =	vmul.f32 v61, v15;
	v61 =	vld [tilespmem:$0x1FFE0]  }
0x14b: {  	v46 =	vsub.f32 v46, v59;
	s15 =	spop (v2sf);
	v59 =	vadd.f32 v41, v58;
	v41 =	vld [tilespmem:s13+$0xEA80]  }
0x14c: {  	v48 =	vsub.f32 $1.500000000e+00, v48;
	v45 =	vmul.f32 v12, v45;
	s15 =	smul.f32 $7.812500000e-03, s15;
	s18 =	spop (v2sf);
	v58 =	vld [tilespmem:$0x1FFB0]  }
0x14d: {  	s1 =	smul.f32 $7.812500000e-03, s18;
	[tilespmem:s14+$0x16A80] =	vst v59;
	v59 =	vld [tilespmem:$0x1FFC0]  }
0x14e: {  	v36 =	vsub.f32 v36, v54;
	v50 =	vmul.f32 v48, v47;
	v45 =	vadd.f32 v45, v60;
	v9, _, _ =	vpop (xrf2);
	s21 =	smul.f32 s15, s15  }
0x14f: {  	v15 =	vmul.f32 v53, v46;
	v12 =	vadd.f32 v57, v11;
	(v2sf) =	vpush v9, $0xF  }
0x150: {  	v47 =	vmul.f32 v50, v0;
	v57 =	vmul.f32 v50, v1;
	v10, _, _ =	vpop (xrf2);
	v14 =	vadd.f32 v42, v13;
	s1 =	ssub.f32 s1, s21  }
0x151: {  	v55 =	vmul.f32 v50, v3;
	v51 =	vadd.f32 v15, v61;
	(v2sf) =	vpush v10, $0xF;
	v48 =	vld [tilespmem:s13+$0xEA90];
	[tilespmem:s14+$0x16A90] =	vst v12  }
0x152: {  	s18 =	simm.s32 $0xC00;
	s1 =	sadd.f32 $9.999999960e-13, s1;
	v46 =	vadd.f32 v8, v58;
	v58 =	vmul.f32 v50, v2;
	v42 =	vadd.f32 v49, v59;
	v49 =	vld [tilespmem:s13+$0x6AA0];
	[tilespmem:s14+$0x16AA0] =	vst v14  }
.LBB2_7:
0x153: {  	v52 =	vld [tilespmem:s13+$0xEAA0]  }
0x154: {  	v8 =	vld [tilespmem:$0x1FF40]  }
0x155: {  	v13 =	vld [tilespmem:$0x1FF50]  }
0x156: {  	v14 =	vld [tilespmem:$0x1FF60]  }
0x157: {  	v15 =	vld [tilespmem:$0x1FF80]  }
0x158: {  	v6 =	vld [tilespmem:$0x1FF70];
	[tilespmem:s14+$0x16AB0] =	vst v46  }
0x159: {  	v53 =	vmov s1;
	v39 =	vmul.f32 v47, v39;
	v59 =	vld [tilespmem:s13+$0xEAB0];
	[tilespmem:s14+$0x16AC0] =	vst v42  }
0x15a: {  	v17 =	vmovc v62;
	v47 =	vadd.f32 v41, v40;
	v60 =	vshrl.u32 v53, $0x1;
	v61 =	vmul.f32 $5.000000000e-01, v53;
	v62 =	vld [tilespmem:s13+$0x6AF0];
	[tilespmem:s14+$0x16AD0] =	vst v45  }
0x15b: {  	v40 =	vmul.f32 v58, v38;
	v53 =	vsub.s32 $0x5F3759DF, v60;
	v45 =	vadd.f32 v48, v43;
	v7 =	vld [tilespmem:s13+$0x6AC0];
	[tilespmem:s14+$0x16AE0] =	vst v51  }
0x15c: {  	v60 =	vmul.f32 v47, v47;
	v9 =	vmul.f32 v53, v61;
	v51 =	vld [tilespmem:s13+$0xEAC0];
	v39 =	vadd.f32 v39, v15  }
0x15d: {  	v54 =	vmul.f32 v50, v8;
	v56 =	vmul.f32 v50, v13;
	v10 =	vld [tilespmem:s13+$0x6AD0]  }
0x15e: {  	v46 =	vmul.f32 v50, v14;
	v48 =	vadd.f32 v52, v49;
	v12 =	vld [tilespmem:s13+$0xEAD0];
	v0 =	vmul.f32 v45, v45;
	[tilespmem:s14+$0x16A00] =	vst v39  }
0x15f: {  	v11 =	vadd.f32 v45, v47;
	v43 =	vmul.f32 v53, v9;
	v49 =	vadd.f32 v59, v44;
	v59 =	vld [tilespmem:s13+$0x6AE0]  }
0x160: {  	v44 =	vmul.f32 v55, v35;
	v2 =	vadd.f32 v0, v60;
	v3 =	vmul.f32 v48, v48;
	v35 =	vld [tilespmem:s13+$0xEAE0]  }
0x161: {  	v38 =	vadd.f32 v48, v11;
	v1 =	vsub.f32 $1.500000000e+00, v43;
	v43 =	vmul.f32 v54, v36;
	v36 =	vld [tilespmem:s13+$0xEAF0]  }
0x162: {  	v42 =	vmul.f32 v50, v6;
	v60 =	vld [tilespmem:s13+$0x6A00];
	s6 =	spop (v2sf);
	v4 =	vadd.f32 v3, v2;
	v5 =	vmul.f32 v49, v49  }
0x163: {  	v11 =	vld [tilespmem:s13+$0x6A10];
	v38 =	vadd.f32 v49, v38;
	s1 =	smul.f32 $7.812500000e-03, s6;
	v50 =	vadd.f32 v51, v7;
	v58 =	vmul.f32 v53, v1  }
0x164: {  	v41 =	vmul.f32 v57, v37;
	v0 =	vld [tilespmem:s13+$0xEA10];
	v52 =	vadd.f32 v12, v10;
	v51 =	vadd.f32 v5, v4  }
0x165: {  	v37 =	vld [tilespmem:s13+$0x6A20];
	v54 =	vmov s1;
	v9 =	vadd.f32 v50, v38;
	v10 =	vmul.f32 v58, v61  }
0x166: {  	v7 =	vld [tilespmem:s13+$0xEA00];
	v12 =	vmul.f32 v50, v50;
	v39 =	vsub.f32 v25, v54;
	v53 =	vadd.f32 v35, v59  }
0x167: {  	v36 =	vadd.f32 v36, v62;
	v62 =	vld [tilespmem:s13+$0xEA20];
	v25 =	vadd.f32 v52, v9  }
0x168: {  	s6 =	smul.f32 s1, s1;
	s3 =	spop (v2sf);
	v2 =	vmul.f32 v10, v58;
	v3 =	vadd.f32 v12, v51;
	v51 =	vmul.f32 v56, v34;
	v34 =	vld [tilespmem:s13+$0x6A30]  }
0x169: {  	v4 =	vmul.f32 v52, v52;
	v0 =	vadd.f32 v0, v11;
	v56 =	vld [tilespmem:s13+$0xEA30];
	s3 =	smul.f32 $7.812500000e-03, s3  }
0x16a: {  	v19 =	vmovc v63;
	v63 =	vmov s15;
	v5 =	vadd.f32 v53, v25;
	v35 =	vsub.f32 $1.500000000e+00, v2  }
0x16b: {  	v25 =	vadd.f32 v7, v60;
	v38 =	vadd.f32 v4, v3;
	v7 =	vmul.f32 v53, v53;
	s21 =	ssub.f32 s3, s6  }
0x16c: {  	v57 =	vld [tilespmem:s13+$0x6A40];
	v3 =	vmul.f32 v0, v0;
	v9 =	vadd.f32 v36, v5;
	v35 =	vmul.f32 v35, v58  }
0x16d: {  	v38 =	vadd.f32 v7, v38;
	v58 =	vld [tilespmem:s13+$0xEA40];
	v12 =	vmul.f32 v25, v25;
	v2 =	vadd.f32 v0, v25;
	s1 =	sadd.f32 $9.999999960e-13, s21  }
0x16e: {  	v1 =	vld [tilespmem:s13+$0x6A50];
	v11 =	vmul.f32 v36, v36;
	v62 =	vadd.f32 v62, v37;
	v56 =	vadd.f32 v56, v34  }
0x16f: {  	v37 =	vld [tilespmem:s13+$0xEA50];
	v61 =	vmul.f32 v35, v61;
	v3 =	vadd.f32 v3, v12;
	v10 =	vmov s1  }
0x170: {  	v59 =	vld [tilespmem:s13+$0xEA60];
	v7 =	vshrl.u32 v10, $0x1;
	v60 =	vmul.f32 $5.000000000e-01, v10;
	v10 =	vmul.f32 v62, v62  }
0x171: {  	v34 =	vld [tilespmem:s13+$0x6A60];
	(xrf2) =	vadd.scan.msk.f32 $0xffff, v9;
	v38 =	vadd.f32 v11, v38;
	v2 =	vadd.f32 v62, v2;
	v9 =	vmul.f32 v61, v35  }
0x172: {  	v5 =	vld [tilespmem:s13+$0xEA70];
	v12 =	vmul.f32 v56, v56;
	v55 =	vadd.f32 v58, v57;
	v3 =	vadd.f32 v10, v3  }
0x173: {  	(xrf2) =	vadd.scan.msk.f32 $0xffff, v38;
	v2 =	vadd.f32 v56, v2;
	v38 =	vsub.s32 $0x5F3759DF, v7;
	v57 =	vld [tilespmem:s13+$0x6A70];
	v11 =	vsub.f32 $1.500000000e+00, v9  }
0x174: {  	v1 =	vadd.f32 v37, v1;
	v7 =	vmul.f32 v55, v55;
	v3 =	vadd.f32 v12, v3  }
0x175: {  	v4 =	vmul.f32 v38, v60;
	v2 =	vadd.f32 v55, v2;
	v61 =	vmul.f32 v11, v35  }
0x176: {  	v59 =	vadd.f32 v59, v34;
	v11 =	vmul.f32 v1, v1;
	v3 =	vadd.f32 v7, v3  }
0x177: {  	v9 =	vsub.f32 v26, v63;
	v2 =	vadd.f32 v1, v2;
	v10 =	vmul.f32 v61, v6  }
0x178: {  	v16 =	vld [tilespmem:$0x1FFF0];
	v5 =	vadd.f32 v5, v57;
	v6 =	vmul.f32 v59, v59;
	v3 =	vadd.f32 v11, v3  }
0x179: {  	v37 =	vsub.f32 v23, v54;
	v2 =	vadd.f32 v59, v2;
	v12 =	vmul.f32 v10, v9  }
0x17a: {  	v26 =	vmovc v36;
	v4 =	vmul.f32 v38, v4;
	v36 =	vmul.f32 v5, v5;
	v3 =	vadd.f32 v6, v3  }
0x17b: {  	v34 =	vsub.f32 v29, v54;
	v2 =	vadd.f32 v5, v2  }
0x17c: {  	v4 =	vsub.f32 $1.500000000e+00, v4;
	v35, _, _ =	vpop (xrf2);
	v9 =	vld [tilespmem:$0x1FF00];
	v3 =	vadd.f32 v36, v3  }
0x17d: {  	v10 =	vld [tilespmem:$0x1FF10];
	(v2sf) =	vpush v35, $0xF;
	v7 =	vadd.f32 v12, v16;
	v12, _, _ =	vpop (xrf2);
	(xrf2) =	vadd.scan.msk.f32 $0xffff, v2  }
0x17e: {  	v35 =	vsub.f32 v27, v54;
	(xrf2) =	vadd.scan.msk.f32 $0xffff, v3;
	v3 =	vsub.f32 v32, v54;
	v32 =	vld [tilespmem:$0x1FEF0]  }
0x17f: {  	v27 =	vmul.f32 v61, v14;
	v2 =	vmul.f32 v38, v4;
	v38 =	vsub.f32 v24, v54  }
0x180: {  	v4 =	vmul.f32 v61, v13;
	v36 =	vsub.f32 v28, v54;
	v24 =	vmovc v62;
	(v2sf) =	vpush v12, $0xF  }
0x181: {  	v28 =	vmul.f32 v46, v31;
	v31 =	vsub.f32 v30, v54;
	v30 =	vsub.f32 v20, v63;
	v46 =	vmovc v47;
	v12 =	vld [tilespmem:$0x1FF30]  }
0x182: {  	v62 =	vmovc v49;
	v49 =	vsub.f32 v18, v63;
	v57 =	vmul.f32 v61, v9;
	v58 =	vmul.f32 v61, v10  }
0x183: {  	v11 =	vld [tilespmem:$0x1FF20];
	v20 =	vmovc v45;
	v14 =	vmul.f32 v2, v60;
	v54 =	vsub.f32 v22, v63;
	v29 =	vsub.f32 v32, v63  }
0x184: {  	[tilespmem:$0x1FEF0] =	vst v46;
	v46 =	vsub.f32 v17, v63;
	v47 =	vmul.f32 v27, v49;
	v49 =	vld [tilespmem:$0x1FFC0];
	v45 =	vmul.f32 v58, v30  }
0x185: {  	v30 =	vsub.f32 v19, v63;
	v29 =	vmul.f32 v57, v29;
	v57 =	vsub.f32 v21, v63;
	v63 =	vmovc v52;
	v52 =	vld [tilespmem:$0x1FFD0]  }
0x186: {  	v23 =	vmov v0;
	[tilespmem:s12+$0x16AF0] =	vst v7;
	v13 =	vld [tilespmem:$0x1FF90];
	v0 =	vmul.f32 v14, v2;
	v7 =	vmul.f32 v61, v12  }
0x187: {  	v14 =	vld [tilespmem:$0x1FFA0]  }
0x188: {  	v0 =	vsub.f32 $1.500000000e+00, v0;
	v7 =	vmul.f32 v7, v46;
	v46 =	vld [tilespmem:$0x1FFB0]  }
0x189: {  	v8 =	vmul.f32 v61, v8;
	v6 =	vmul.f32 v61, v11  }
0x18a: {  	v17 =	vadd.f32 v43, v49;
	v0 =	vmul.f32 v0, v2;
	v32 =	vadd.f32 v51, v52;
	v51 =	vld [tilespmem:$0x1FFE0]  }
0x18b: {  	v2 =	vmul.f32 v6, v54;
	v54 =	vadd.f32 v41, v13  }
0x18c: {  	[tilespmem:s14+$0x16A40] =	vst v17;
	v60 =	vmul.f32 v0, v60;
	v8 =	vmul.f32 v8, v57;
	v57 =	vadd.f32 v40, v14;
	s3 =	spop (v2sf)  }
0x18d: {  	v33 =	vmul.f32 v42, v33;
	[tilespmem:s14+$0x16A10] =	vst v54;
	v61 =	vadd.f32 v44, v46;
	s15 =	smul.f32 $7.812500000e-03, s3  }
0x18e: {  	v58, _, _ =	vpop (xrf2);
	v19 =	vmul.f32 v60, v0;
	[tilespmem:s14+$0x16A20] =	vst v57  }
0x18f: {  	v18 =	vmovc v53;
	v22 =	vmovc v48;
	v27 =	vmov v56;
	(v2sf) =	vpush v58, $0xF;
	s3 =	sshra.s32 s18, $0x2;
	[tilespmem:s14+$0x16A30] =	vst v61;
	s21 =	smul.f32 s15, s15;
	s6 =	spop (v2sf);
	v54 =	vadd.f32 v28, v51  }
0x190: {  	p1 =	sne.s32 s18, $0x7C00;
	v4 =	vmul.f32 v4, v30;
	v30 =	vmovc v59;
	v58 =	vadd.f32 v33, v16;
	v60 =	vsub.f32 $1.500000000e+00, v19;
	v44 =	vld [tilespmem:s3+$0x6AB0];
	[tilespmem:s14+$0x16A50] =	vst v32;
	s1 =	smul.f32 $7.812500000e-03, s6  }
.Ltmp2:
0x191: {  	v21 =	vmovc v50;
	v2 =	vadd.f32 v2, v14;
	v33 =	vmov v3;
	v57 =	vadd.f32 v29, v15;
	v40 =	vld [tilespmem:s3+$0x6A80];
	[tilespmem:s14+$0x16A60] =	vst v54;
	(pc) =	sbr.rel @p1 .LBB2_7-.Ltmp2, $4  }
0x192: {  	v46 =	vadd.f32 v7, v46;
	v61 =	vadd.f32 v45, v13;
	v50 =	vmul.f32 v60, v0;
	v41 =	vld [tilespmem:s3+$0xEA80];
	[tilespmem:s14+$0x16A70] =	vst v58;
	s14 =	smov.u32 s12  }
0x193: {  	v29 =	vmovc v1;
	v42 =	vadd.f32 v8, v49;
	v45 =	vadd.f32 v4, v52;
	v28 =	vmov v55;
	s1 =	ssub.f32 s1, s21;
	s12 =	smov.u32 s13;
	s13 =	smov.u32 s3;
	v43 =	vld [tilespmem:s3+$0x6A90];
	[tilespmem:s14+$0x16A80] =	vst v57  }
0x194: {  	v56, _, _ =	vpop (xrf2);
	v51 =	vadd.f32 v47, v51;
	v47 =	vmul.f32 v50, v9;
	v55 =	vmul.f32 v50, v12;
	v48 =	vld [tilespmem:s13+$0xEA90];
	[tilespmem:s14+$0x16A90] =	vst v61  }
0x195: {  	s18 =	sadd.s32 $0x400, s18;
	(v2sf) =	vpush v56, $0xF;
	v32 =	vmovc v5;
	s1 =	sadd.f32 $9.999999960e-13, s1;
	v58 =	vmul.f32 v50, v11;
	v57 =	vmul.f32 v50, v10;
	v49 =	vld [tilespmem:s13+$0x6AA0];
	[tilespmem:s14+$0x16AA0] =	vst v2  }
0x196: {  	v6 =	vld [tilespmem:$0x1FF80]  }
0x197: {  	v0 =	vld [tilespmem:s13+$0xEAA0];
	[tilespmem:s14+$0x16AB0] =	vst v46  }
0x198: {  	v1 =	vld [tilespmem:s13+$0xEAB0];
	[tilespmem:s14+$0x16AC0] =	vst v42  }
0x199: {  	v4 =	vmul.f32 v47, v39;
	v2 =	vld [tilespmem:s13+$0x6AF0];
	[tilespmem:s14+$0x16AD0] =	vst v45  }
0x19a: {  	v45 =	vadd.f32 v41, v40;
	v3 =	vld [tilespmem:s13+$0x6AC0];
	[tilespmem:s14+$0x16AE0] =	vst v51  }
0x19b: {  	v41 =	vadd.f32 v48, v43;
	v5 =	vld [tilespmem:s13+$0xEAC0];
	v4 =	vadd.f32 v4, v6  }
0x19c: {  	v13 =	vld [tilespmem:s13+$0x6AD0];
	v7 =	vmul.f32 v45, v45  }
0x19d: {  	v14 =	vld [tilespmem:s13+$0xEAD0];
	v43 =	vadd.f32 v0, v49;
	v8 =	vmul.f32 v41, v41;
	v48 =	vadd.f32 v41, v45;
	[tilespmem:s14+$0x16A00] =	vst v4  }
0x19e: {  	v44 =	vadd.f32 v1, v44;
	v49 =	vld [tilespmem:s13+$0x6AE0]  }
0x19f: {  	v51 =	vadd.f32 v8, v7;
	v52 =	vmul.f32 v43, v43;
	v53 =	vadd.f32 v43, v48;
	v54 =	vld [tilespmem:s13+$0xEAE0]  }
0x1a0: {  	v42 =	vadd.f32 v5, v3  }
0x1a1: {  	v59 =	vmul.f32 v44, v44;
	v60 =	vld [tilespmem:s13+$0xEAF0];
	v56 =	vadd.f32 v52, v51;
	v61 =	vadd.f32 v44, v53  }
0x1a2: {  	v40 =	vadd.f32 v14, v13  }
0x1a3: {  	v8 =	vadd.f32 v59, v56;
	v9 =	vmul.f32 v42, v42;
	v10 =	vadd.f32 v42, v61  }
0x1a4: {  	v4 =	vld [tilespmem:s13+$0xEA00];
	v39 =	vadd.f32 v54, v49  }
0x1a5: {  	v47 =	vld [tilespmem:s13+$0x6A10];
	v11 =	vmul.f32 v40, v40;
	v0 =	vadd.f32 v9, v8;
	v12 =	vadd.f32 v40, v10  }
0x1a6: {  	v1 =	vld [tilespmem:s13+$0x6A20];
	v46 =	vadd.f32 v60, v2  }
0x1a7: {  	v59 =	vld [tilespmem:s13+$0xEA10];
	v0 =	vadd.f32 v11, v0;
	v13 =	vmul.f32 v39, v39;
	v3 =	vadd.f32 v39, v12  }
0x1a8: {  	v2 =	vld [tilespmem:s13+$0x6A00]  }
0x1a9: {  	v61 =	vld [tilespmem:s13+$0xEA20];
	v14 =	vmul.f32 v46, v46;
	v0 =	vadd.f32 v13, v0;
	v3 =	vadd.f32 v46, v3  }
0x1aa: {  	v13 =	vld [tilespmem:s13+$0x6A30]  }
0x1ab: {  	v60 =	vmov s1;
	v0 =	vadd.f32 v14, v0;
	(xrf2) =	vadd.scan.msk.f32 $0xffff, v3;
	v14 =	vld [tilespmem:s13+$0xEA30]  }
0x1ac: {  	v52 =	vld [tilespmem:s13+$0x6A40];
	v12 =	vshrl.u32 v60, $0x1;
	v3 =	vmul.f32 $5.000000000e-01, v60  }
0x1ad: {  	v47 =	vadd.f32 v59, v47;
	v59 =	vld [tilespmem:s13+$0xEA40];
	v51 =	vadd.f32 v4, v2;
	(xrf2) =	vadd.scan.msk.f32 $0xffff, v0;
	v0 =	vsub.s32 $0x5F3759DF, v12  }
0x1ae: {  	v5 =	vld [tilespmem:s13+$0x6A50];
	v48 =	vadd.f32 v61, v1;
	v56 =	vmul.f32 v0, v3  }
0x1af: {  	v53 =	vld [tilespmem:s13+$0xEA50];
	v6 =	vadd.f32 v47, v51;
	v61 =	vmul.f32 v51, v51;
	v12 =	vmul.f32 v47, v47  }
0x1b0: {  	v60 =	vmul.f32 v0, v56;
	v49 =	vadd.f32 v14, v13;
	v13 =	vld [tilespmem:s13+$0x6A60]  }
0x1b1: {  	v54 =	vmul.f32 v48, v48;
	v6 =	vadd.f32 v48, v6;
	v4 =	vadd.f32 v12, v61;
	v14 =	vld [tilespmem:s13+$0xEA60]  }
0x1b2: {  	v10 =	vld [tilespmem:s13+$0xEA70];
	v52 =	vadd.f32 v59, v52;
	v1 =	vsub.f32 $1.500000000e+00, v60  }
0x1b3: {  	v56 =	vld [tilespmem:s13+$0x6A70];
	v4 =	vadd.f32 v54, v4;
	v6 =	vadd.f32 v49, v6;
	v9 =	vmul.f32 v49, v49  }
0x1b4: {  	v53 =	vadd.f32 v53, v5;
	v0 =	vmul.f32 v0, v1  }
0x1b5: {  	s18 =	spop (v2sf);
	v12 =	vmul.f32 v52, v52;
	v11 =	vadd.f32 v52, v6;
	v4 =	vadd.f32 v9, v4;
	v60, _, _ =	vpop (xrf2)  }
0x1b6: {  	s18 =	smul.f32 $7.812500000e-03, s18;
	v54 =	vadd.f32 v14, v13;
	(v2sf) =	vpush v60, $0xF;
	v13 =	vmul.f32 v0, v3  }
0x1b7: {  	v14 =	vmul.f32 v53, v53;
	v1 =	vadd.f32 v53, v11;
	v4 =	vadd.f32 v12, v4;
	v61, _, _ =	vpop (xrf2)  }
0x1b8: {  	s1 =	smul.f32 s18, s18;
	s3 =	spop (v2sf);
	v56 =	vadd.f32 v10, v56;
	(v2sf) =	vpush v61, $0xF;
	v60 =	vmul.f32 v13, v0  }
0x1b9: {  	s3 =	smul.f32 $7.812500000e-03, s3;
	v1 =	vadd.f32 v54, v1;
	v4 =	vadd.f32 v14, v4;
	v61 =	vmul.f32 v54, v54  }
0x1ba: {  	v2 =	vsub.f32 $1.500000000e+00, v60  }
0x1bb: {  	s1 =	ssub.f32 s3, s1;
	v12 =	vld [tilespmem:$0x1FF40];
	v8 =	vmul.f32 v56, v56;
	v1 =	vadd.f32 v56, v1;
	v4 =	vadd.f32 v61, v4;
	_ =	sdelay $0x1  }
0x1bc: {  	s1 =	sadd.f32 $9.999999960e-13, s1;
	v0 =	vmul.f32 v2, v0;
	(xrf2) =	vadd.scan.msk.f32 $0xffff, v1;
	v9 =	vadd.f32 v8, v4;
	_ =	sdelay $0x1  }
0x1bd: {  	v10 =	vmov s1;
	v2 =	vmul.f32 v0, v3;
	(xrf2) =	vadd.scan.msk.f32 $0xffff, v9  }
0x1be: {  	v11 =	vshrl.u32 v10, $0x1;
	v14 =	vmul.f32 v50, v12;
	v3 =	vmul.f32 $5.000000000e-01, v10  }
0x1bf: {  	v59 =	vld [tilespmem:$0x1FF50];
	v6 =	vmul.f32 v57, v37;
	v1 =	vsub.s32 $0x5F3759DF, v11;
	v2 =	vmul.f32 v2, v0  }
0x1c0: {  	v4 =	vmul.f32 v14, v36;
	v14 =	vld [tilespmem:$0x1FF70];
	v57 =	vmul.f32 v1, v3  }
0x1c1: {  	v2 =	vsub.f32 $1.500000000e+00, v2  }
0x1c2: {  	v11 =	vmul.f32 v1, v57  }
0x1c3: {  	v15 =	vld [tilespmem:$0x1FF90];
	v0 =	vmul.f32 v2, v0  }
0x1c4: {  	v35 =	vmul.f32 v55, v35;
	v7 =	vmov s15;
	v60 =	vld [tilespmem:$0x1FF60];
	v2 =	vsub.f32 $1.500000000e+00, v11;
	s21 =	spop (v2sf)  }
0x1c5: {  	v26 =	vsub.f32 v26, v7;
	v5 =	vmul.f32 v50, v59;
	v13 =	vld [tilespmem:$0x1FF10];
	s6 =	smul.f32 $7.812500000e-03, s21;
	v55 =	vmul.f32 v0, v14;
	v57, _, _ =	vpop (xrf2);
	s3 =	spop (v2sf)  }
0x1c6: {  	v16 =	vsub.f32 v62, v7;
	v62 =	vld [tilespmem:$0x1FFD0];
	v1 =	vmul.f32 v1, v2;
	(v2sf) =	vpush v57, $0xF;
	s1 =	smul.f32 $7.812500000e-03, s3  }
0x1c7: {  	v19 =	vsub.f32 v20, v7;
	v5 =	vmul.f32 v5, v34;
	s21 =	smul.f32 s6, s6;
	v26 =	vmul.f32 v55, v26;
	v55 =	vld [tilespmem:$0x1FF00];
	v9, _, _ =	vpop (xrf2)  }
0x1c8: {  	v8 =	vmul.f32 v58, v38;
	v10 =	vmul.f32 v1, v3;
	(v2sf) =	vpush v9, $0xF;
	v9 =	vld [tilespmem:$0x1FEF0]  }
0x1c9: {  	v20 =	vsub.f32 v21, v7;
	v37 =	vmul.f32 v50, v60;
	v58 =	vmul.f32 v50, v14;
	s1 =	ssub.f32 s1, s21  }
0x1ca: {  	v21 =	vsub.f32 v63, v7;
	v34 =	vmul.f32 v0, v13;
	v38 =	vmul.f32 v10, v1  }
0x1cb: {  	v6 =	vadd.f32 v6, v15;
	v5 =	vadd.f32 v5, v62;
	v31 =	vmul.f32 v37, v31;
	v10 =	vld [tilespmem:$0x1FF20];
	s1 =	sadd.f32 $9.999999960e-13, s1  }
0x1cc: {  	v33 =	vmul.f32 v58, v33;
	v19 =	vmul.f32 v34, v19;
	v38 =	vsub.f32 $1.500000000e+00, v38  }
0x1cd: {  	v61 =	vmul.f32 v0, v55;
	v11 =	vmov s1;
	v17 =	vsub.f32 v9, v7  }
0x1ce: {  	v1 =	vmul.f32 v38, v1;
	v57 =	vshrl.u32 v11, $0x1;
	v36 =	vmul.f32 $5.000000000e-01, v11  }
0x1cf: {  	v9 =	vmul.f32 v0, v12;
	v37 =	vsub.s32 $0x5F3759DF, v57;
	v2 =	vmul.f32 v61, v17  }
0x1d0: {  	v19 =	vadd.f32 v19, v15;
	v17 =	vmul.f32 v0, v10;
	v58 =	vmul.f32 v37, v36  }
0x1d1: {  	v61 =	vsub.f32 v22, v7;
	v57 =	vmov s18;
	v20 =	vmul.f32 v9, v20  }
0x1d2: {  	v63 =	vld [tilespmem:$0x1FFE0];
	v7 =	vsub.f32 v18, v7;
	v25 =	vsub.f32 v25, v57;
	v50 =	vmul.f32 v37, v58  }
0x1d3: {  	v11 =	vld [tilespmem:$0x1FF30];
	v3 =	vmul.f32 v1, v3;
	v23 =	vsub.f32 v23, v57;
	v24 =	vsub.f32 v24, v57  }
0x1d4: {  	v22 =	vmul.f32 v0, v59;
	v27 =	vsub.f32 v27, v57;
	v58 =	vsub.f32 $1.500000000e+00, v50  }
0x1d5: {  	v9 =	vld [tilespmem:$0x1FFF0];
	v28 =	vsub.f32 v28, v57;
	v29 =	vsub.f32 v29, v57;
	v3 =	vmul.f32 v3, v1;
	s15 =	spop (v2sf)  }
0x1d6: {  	v30 =	vsub.f32 v30, v57;
	v32 =	vsub.f32 v32, v57;
	v57 =	vld [tilespmem:$0x1FFA0];
	v50 =	vmul.f32 v37, v58;
	s1 =	smul.f32 $7.812500000e-03, s15  }
0x1d7: {  	v17 =	vmul.f32 v17, v61;
	v18 =	vmul.f32 v22, v21;
	v3 =	vsub.f32 $1.500000000e+00, v3  }
0x1d8: {  	v21 =	vadd.f32 v31, v63;
	v61 =	vmul.f32 v0, v11;
	s21 =	spop (v2sf);
	v38 =	vmul.f32 v50, v36;
	s18 =	smul.f32 s1, s1  }
0x1d9: {  	v0 =	vmul.f32 v0, v60;
	v18 =	vadd.f32 v18, v62;
	v1 =	vmul.f32 v3, v1;
	s15 =	smul.f32 $7.812500000e-03, s21  }
0x1da: {  	v26 =	vadd.f32 v26, v9;
	v16 =	vmul.f32 v61, v16;
	v61 =	vld [tilespmem:$0x1FFC0];
	v34 =	vmul.f32 v38, v50  }
0x1db: {  	v8 =	vadd.f32 v8, v57;
	v0 =	vmul.f32 v0, v7;
	v31 =	vmul.f32 v1, v55;
	s3 =	ssub.f32 s15, s18  }
0x1dc: {  	v3 =	vadd.f32 v33, v9;
	v58 =	vld [tilespmem:$0x1FFB0];
	[tilespmem:s12+$0x16AF0] =	vst v26;
	v26 =	vmul.f32 v1, v11;
	v22 =	vsub.f32 $1.500000000e+00, v34  }
0x1dd: {  	v17 =	vadd.f32 v17, v57;
	v37 =	vld [tilespmem:$0x1FF80];
	v33 =	vmul.f32 v1, v13;
	v25 =	vmul.f32 v31, v25;
	s3 =	sadd.f32 $9.999999960e-13, s3  }
0x1de: {  	v0 =	vadd.f32 v0, v63;
	[tilespmem:s14+$0x16A60] =	vst v21;
	v21 =	vmul.f32 v26, v27;
	v7 =	vmul.f32 v22, v50  }
0x1df: {  	v4 =	vadd.f32 v4, v61;
	v38 =	vmov s1;
	v50 =	vmov s3  }
0x1e0: {  	v31 =	vshrl.u32 v50, $0x1;
	v22 =	vmul.f32 v7, v36;
	v36 =	vmul.f32 $5.000000000e-01, v50  }
0x1e1: {  	[tilespmem:s14+$0x16A10] =	vst v6;
	v6 =	vadd.f32 v16, v58;
	v16 =	vmul.f32 v33, v23;
	v31 =	vsub.s32 $0x5F3759DF, v31  }
0x1e2: {  	[tilespmem:s14+$0x16A20] =	vst v8;
	v2 =	vadd.f32 v2, v37;
	v22 =	vmul.f32 v22, v7;
	v23 =	vmul.f32 v31, v36  }
0x1e3: {  	[tilespmem:s14+$0x16A50] =	vst v5;
	v33 =	vadd.f32 v20, v61;
	v34 =	vadd.f32 v35, v58;
	v35 =	vmul.f32 v1, v10  }
0x1e4: {  	[tilespmem:s14+$0x16A70] =	vst v3;
	v20 =	vmul.f32 v1, v12;
	v22 =	vsub.f32 $1.500000000e+00, v22;
	v23 =	vmul.f32 v31, v23  }
0x1e5: {  	[tilespmem:s14+$0x16A40] =	vst v4;
	v16 =	vadd.f32 v16, v15;
	v5 =	vmul.f32 v35, v24;
	v24 =	vmov s6  }
0x1e6: {  	[tilespmem:s14+$0x16A30] =	vst v34;
	v34 =	vsub.f32 v53, v38;
	v7 =	vmul.f32 v22, v7;
	v23 =	vsub.f32 $1.500000000e+00, v23  }
0x1e7: {  	v4 =	vmul.f32 v1, v60;
	v35 =	vsub.f32 v54, v38;
	v26 =	vsub.f32 v46, v24;
	[tilespmem:s12+$0x16A90] =	vst v19  }
0x1e8: {  	v19 =	vsub.f32 v51, v38;
	[tilespmem:s12+$0x16AB0] =	vst v6;
	v27 =	vmul.f32 v7, v14;
	v23 =	vmul.f32 v31, v23  }
0x1e9: {  	v20 =	vmul.f32 v20, v28;
	v6 =	vsub.f32 v47, v38;
	[tilespmem:s12+$0x16AC0] =	vst v33;
	v33 =	vsub.f32 v52, v38  }
0x1ea: {  	v50 =	vadd.f32 v25, v37;
	v25 =	vmul.f32 v27, v26;
	v27 =	vmul.f32 v23, v36  }
0x1eb: {  	v4 =	vmul.f32 v4, v30;
	[tilespmem:s12+$0x16A80] =	vst v2;
	v2 =	vsub.f32 v56, v38;
	v54 =	vsub.f32 v45, v24  }
0x1ec: {  	v56 =	vadd.f32 v20, v61;
	v22 =	vmul.f32 v1, v59;
	v27 =	vmul.f32 v27, v23  }
0x1ed: {  	[tilespmem:s12+$0x16AA0] =	vst v17;
	v5 =	vadd.f32 v5, v57;
	v4 =	vadd.f32 v4, v63;
	v1 =	vmul.f32 v1, v14  }
0x1ee: {  	[tilespmem:s12+$0x16AD0] =	vst v18;
	v22 =	vmul.f32 v22, v29;
	v28 =	vmul.f32 v7, v10;
	v27 =	vsub.f32 $1.500000000e+00, v27  }
0x1ef: {  	[tilespmem:s12+$0x16AE0] =	vst v0;
	v46 =	vmul.f32 v7, v11;
	v1 =	vmul.f32 v1, v32;
	v17 =	vadd.f32 v25, v9  }
0x1f0: {  	[tilespmem:s12+$0x16A00] =	vst v50;
	v29 =	vsub.f32 v48, v38;
	v26 =	vmul.f32 v7, v55;
	v23 =	vmul.f32 v27, v23  }
0x1f1: {  	v31 =	vsub.f32 v49, v38;
	v18 =	vmul.f32 v7, v12;
	v47 =	vmul.f32 v7, v59;
	[tilespmem:s13+$0x16AF0] =	vst v17  }
0x1f2: {  	v1 =	vadd.f32 v1, v9;
	v3 =	vmul.f32 v26, v54;
	[tilespmem:s12+$0x16A10] =	vst v16;
	v36 =	vmul.f32 v23, v36  }
0x1f3: {  	v25 =	vmul.f32 v7, v13;
	v17 =	vsub.f32 v41, v24;
	v16 =	vadd.f32 v21, v58;
	[tilespmem:s12+$0x16A20] =	vst v5  }
0x1f4: {  	v3 =	vadd.f32 v3, v37;
	v21 =	vsub.f32 v44, v24;
	[tilespmem:s12+$0x16A40] =	vst v56;
	v20 =	vmul.f32 v36, v23  }
0x1f5: {  	v7 =	vmul.f32 v7, v60;
	v27 =	vsub.f32 v43, v24;
	[tilespmem:s12+$0x16A30] =	vst v16;
	v16 =	vadd.f32 v22, v62  }
0x1f6: {  	[tilespmem:s12+$0x16A60] =	vst v4;
	v38 =	vmul.f32 v25, v17;
	v43 =	vsub.f32 v39, v24;
	v17 =	vsub.f32 $1.500000000e+00, v20  }
0x1f7: {  	v22 =	vsub.f32 v42, v24;
	v41 =	vmul.f32 v46, v21;
	[tilespmem:s12+$0x16A50] =	vst v16;
	v16 =	vsub.f32 v40, v24  }
0x1f8: {  	[tilespmem:s12+$0x16A70] =	vst v1;
	v5 =	vadd.f32 v38, v15;
	v1 =	vmul.f32 v7, v43;
	v42 =	vmul.f32 v17, v23  }
0x1f9: {  	v51 =	vmov v37;
	v44 =	vadd.f32 v41, v58;
	[tilespmem:s13+$0x16A80] =	vst v3;
	v0 =	vmul.f32 v47, v16  }
0x1fa: {  	[tilespmem:s13+$0x16A90] =	vst v5;
	v1 =	vadd.f32 v1, v63;
	v20 =	vmul.f32 v28, v27;
	v45 =	vmul.f32 v42, v55  }
0x1fb: {  	[tilespmem:s13+$0x16AB0] =	vst v44;
	v0 =	vadd.f32 v0, v62;
	v17 =	vmul.f32 v18, v22;
	v47 =	vmul.f32 v42, v13  }
0x1fc: {  	[tilespmem:s13+$0x16AE0] =	vst v1;
	v18 =	vadd.f32 v20, v57;
	v16 =	vmul.f32 v42, v10;
	v48 =	vmul.f32 v45, v19  }
0x1fd: {  	[tilespmem:s13+$0x16AD0] =	vst v0;
	v46 =	vadd.f32 v17, v61;
	v49 =	vmul.f32 v42, v11;
	v50 =	vmul.f32 v47, v6  }
0x1fe: {  	[tilespmem:s13+$0x16AA0] =	vst v18;
	v52 =	vmul.f32 v42, v12;
	v54 =	vmul.f32 v16, v29;
	v53 =	vadd.f32 v48, v37  }
0x1ff: {  	v56 =	vmul.f32 v42, v59;
	[tilespmem:s13+$0x16AC0] =	vst v46;
	v32 =	vmul.f32 v49, v31;
	v36 =	vadd.f32 v50, v15  }
0x200: {  	v39 =	vmul.f32 v42, v14;
	v38 =	vmul.f32 v52, v33;
	v3 =	vadd.f32 v54, v57;
	[tilespmem:s13+$0x16A00] =	vst v53  }
0x201: {  	v7 =	vmul.f32 v56, v34;
	v37 =	vmul.f32 v42, v60;
	v1 =	vadd.f32 v32, v58;
	[tilespmem:s13+$0x16A10] =	vst v36  }
0x202: {  	v2 =	vmul.f32 v39, v2;
	v0 =	vadd.f32 v38, v61;
	[tilespmem:s13+$0x16A20] =	vst v3  }
0x203: {  	v41 =	vadd.f32 v7, v62;
	v40 =	vmul.f32 v37, v35;
	[tilespmem:s13+$0x16A30] =	vst v1  }
0x204: {  	v43 =	vadd.f32 v2, v9;
	[tilespmem:s13+$0x16A40] =	vst v0  }
0x205: {  	[tilespmem:s13+$0x16A50] =	vst v41;
	v42 =	vadd.f32 v40, v63  }
0x206: {  	s12 =	sshll.u32 s17, $0xC;
	[tilespmem:s13+$0x16A70] =	vst v43  }
0x207: {  	s14 =	simm.s32 $0x16A00;
	s1 =	sadd.s32 s12, s16;
	[tilespmem:s13+$0x16A60] =	vst v42  }
0x208: {  	[hbm4b:s1+s9] =	stream.linear.scatter [tilespmem:s14], [sflag:$0x9], $0x2000, $0x38;
	[tilespmem:$0x1EA00] =	vst v63  }
0x209: {  	s1 =	simm.s32 @!p0 $0xC  }
0x20a: {  	_ =	swait.ge @!p0 [sflag:s1], $0x2000  }
0x20b: {  	s14 =	sor.u32 $0x3, s11;
	[sflag:s1] =	ssyncset.done @!p0 $0x0  }
0x20c: {  	s18 =	simm.s32 $0xCA00;
	s15 =	sshll.u32 s14, $0x6;
	[sflag:s1] =	ssyncadd.s32 @!p0 $0xFFFFE000  }
0x20d: {  	[tilespmem:s18], [sflag:$0x4] =	stream.indirect.gather [hbm4b:s0+s28], $0x80, s15, s28, $0xb8;
	[tilespmem:$0x1EA00] =	vst v63  }
0x20e: {  	s1 =	sadd.s32 $0x800, s15  }
0x20f: {  	[tilespmem:s23], [sflag:$0x8] =	stream.indirect.gather [spmem:s7], $0x80, s1, s28, $0xb8;
	[tilespmem:$0x1EA00] =	vst v63  }
0x210: {  	_ =	swait.ge [sflag:s24], $0x2000  }
0x211: {  	[sflag:s24] =	ssyncset.done $0x0  }
0x212: {  	[sflag:s24] =	ssyncadd.s32 $0xFFFFE000  }
0x213: {  	_ =	swait.ge [sflag:s25], $0x2000  }
0x214: {  	[sflag:s25] =	ssyncset.done $0x0  }
0x215: {  	s11 =	simm.s32 $0x0;
	[sflag:s25] =	ssyncadd.s32 $0xFFFFE000  }
0x216: {  	v44 =	vld [tilespmem:s11+$0x8A80]  }
0x217: {  	v45 =	vld [tilespmem:s11+$0x10A80]  }
0x218: {  	v46 =	vld [tilespmem:s11+$0x8A90]  }
0x219: {  	v47 =	vld [tilespmem:s11+$0x10A90]  }
0x21a: {  	v48 =	vld [tilespmem:s11+$0x8AA0]  }
0x21b: {  	v49 =	vld [tilespmem:s11+$0x10AA0]  }
0x21c: {  	v50 =	vld [tilespmem:s11+$0x8AB0]  }
0x21d: {  	v52 =	vld [tilespmem:s11+$0x10AB0]  }
0x21e: {  	v53 =	vld [tilespmem:s11+$0x8AC0]  }
0x21f: {  	v54 =	vld [tilespmem:s11+$0x10AC0];
	v43 =	vadd.f32 v45, v44;
	v40 =	vadd.f32 v47, v46  }
0x220: {  	v56 =	vld [tilespmem:s11+$0x8AD0]  }
0x221: {  	v35 =	vld [tilespmem:s11+$0x10AD0];
	v41 =	vadd.f32 v49, v48;
	v32 =	vmul.f32 v43, v43;
	v33 =	vmul.f32 v40, v40  }
0x222: {  	v36 =	vld [tilespmem:s11+$0x8AE0];
	v34 =	vadd.f32 v40, v43  }
0x223: {  	v38 =	vld [tilespmem:s11+$0x10AE0];
	v42 =	vadd.f32 v52, v50;
	v37 =	vmul.f32 v41, v41;
	v3 =	vadd.f32 v33, v32  }
0x224: {  	v16 =	vld [tilespmem:s11+$0x8AF0];
	v5 =	vadd.f32 v41, v34  }
0x225: {  	v17 =	vld [tilespmem:s11+$0x10A30];
	v44 =	vadd.f32 v54, v53;
	v48 =	vmul.f32 v42, v42;
	v39 =	vadd.f32 v37, v3  }
0x226: {  	v49 =	vld [tilespmem:s11+$0x10AF0];
	v50 =	vadd.f32 v42, v5  }
0x227: {  	v52 =	vld [tilespmem:s11+$0x8A00];
	v45 =	vadd.f32 v35, v56;
	v53 =	vmul.f32 v44, v44;
	v0 =	vadd.f32 v48, v39  }
0x228: {  	v54 =	vld [tilespmem:s11+$0x10A00];
	v4 =	vadd.f32 v44, v50  }
0x229: {  	v56 =	vld [tilespmem:s11+$0x8A10];
	v46 =	vadd.f32 v38, v36;
	v36 =	vmul.f32 v45, v45;
	v0 =	vadd.f32 v53, v0  }
0x22a: {  	v37 =	vld [tilespmem:s11+$0x10A10];
	v4 =	vadd.f32 v45, v4  }
0x22b: {  	v38 =	vld [tilespmem:s11+$0x8A20];
	v31 =	vadd.f32 v49, v16;
	v39 =	vmul.f32 v46, v46;
	v0 =	vadd.f32 v36, v0  }
0x22c: {  	v47 =	vld [tilespmem:s11+$0x10A20];
	v4 =	vadd.f32 v46, v4  }
0x22d: {  	v32 =	vld [tilespmem:s11+$0x8A60];
	v48 =	vmul.f32 v31, v31;
	v0 =	vadd.f32 v39, v0  }
0x22e: {  	v16 =	vld [tilespmem:s11+$0x8A30];
	v33 =	vadd.f32 v54, v52;
	v4 =	vadd.f32 v31, v4  }
0x22f: {  	v49 =	vld [tilespmem:s11+$0x8A40];
	v34 =	vadd.f32 v37, v56;
	v0 =	vadd.f32 v48, v0  }
0x230: {  	v50 =	vld [tilespmem:s11+$0x10A40];
	(xrf2) =	vadd.scan.msk.f32 $0xffff, v4  }
0x231: {  	v35 =	vadd.f32 v47, v38;
	v53 =	vld [tilespmem:s11+$0x8A50];
	v54 =	vadd.f32 v34, v33;
	(xrf2) =	vadd.scan.msk.f32 $0xffff, v0  }
0x232: {  	v52 =	vmul.f32 v33, v33;
	v56 =	vld [tilespmem:s11+$0x10A50];
	v6 =	vmul.f32 v34, v34  }
0x233: {  	v37 =	vld [tilespmem:s11+$0x10A60];
	v36 =	vadd.f32 v17, v16;
	v0 =	vadd.f32 v35, v54  }
0x234: {  	v38 =	vmul.f32 v35, v35;
	v16 =	vld [tilespmem:s11+$0x10A70];
	v4 =	vadd.f32 v6, v52  }
0x235: {  	v47 =	vadd.f32 v50, v49;
	v39 =	vld [tilespmem:s11+$0x8A70];
	v0 =	vadd.f32 v36, v0  }
0x236: {  	v52 =	vmul.f32 v36, v36;
	v4 =	vadd.f32 v38, v4  }
0x237: {  	v48 =	vadd.f32 v56, v53;
	v0 =	vadd.f32 v47, v0  }
0x238: {  	v53 =	vmul.f32 v47, v47;
	v2 =	vadd.f32 v52, v4  }
0x239: {  	v49 =	vadd.f32 v37, v32;
	v0 =	vadd.f32 v48, v0  }
0x23a: {  	v56 =	vmul.f32 v48, v48;
	v50 =	vadd.f32 v16, v39;
	v2 =	vadd.f32 v53, v2;
	v54, _, _ =	vpop (xrf2)  }
0x23b: {  	v0 =	vadd.f32 v49, v0;
	(v2sf) =	vpush v54, $0xF;
	v7, _, _ =	vpop (xrf2)  }
0x23c: {  	v8 =	vmul.f32 v49, v49;
	v2 =	vadd.f32 v56, v2;
	(v2sf) =	vpush v7, $0xF  }
0x23d: {  	v0 =	vadd.f32 v50, v0  }
0x23e: {  	v32 =	vmul.f32 v50, v50;
	v1 =	vadd.f32 v8, v2  }
0x23f: {  	(xrf2) =	vadd.scan.msk.f32 $0xffff, v0  }
0x240: {  	v37 =	vadd.f32 v32, v1;
	_ =	sdelay $0x1  }
0x241: {  	(xrf2) =	vadd.scan.msk.f32 $0xffff, v37;
	_ =	sdelay $0x3  }
0x242: {  	s12 =	simm.s32 $0x100  }
0x243: {  	v24 =	vld [tilespmem:s12+$0x8AC0]  }
0x244: {  	v39 =	vld [tilespmem:s12+$0x8A80]  }
0x245: {  	v52 =	vld [tilespmem:s12+$0x10A80];
	v38, _, _ =	vpop (xrf2)  }
0x246: {  	v53 =	vld [tilespmem:s12+$0x8A90];
	s21 =	spop (v2sf);
	(v2sf) =	vpush v38, $0xF  }
0x247: {  	v56 =	vld [tilespmem:s12+$0x10A90];
	s6 =	smul.f32 $7.812500000e-03, s21;
	s3 =	spop (v2sf)  }
0x248: {  	v32 =	vld [tilespmem:s12+$0x8AA0];
	v54, _, _ =	vpop (xrf2);
	s1 =	smul.f32 $7.812500000e-03, s3  }
0x249: {  	v37 =	vld [tilespmem:s12+$0x10AA0];
	(v2sf) =	vpush v54, $0xF;
	s13 =	smul.f32 s6, s6  }
0x24a: {  	v27 =	vld [tilespmem:s12+$0x8AE0]  }
0x24b: {  	v0 =	vld [tilespmem:s12+$0x8AB0];
	s1 =	ssub.f32 s1, s13  }
0x24c: {  	v20 =	vadd.f32 v56, v53;
	v38 =	vld [tilespmem:s12+$0x10AB0]  }
0x24d: {  	v23 =	vld [tilespmem:s12+$0x10AF0];
	v17 =	vadd.f32 v52, v39;
	s1 =	sadd.f32 $9.999999960e-13, s1  }
0x24e: {  	v1 =	vld [tilespmem:s12+$0x10AC0];
	v56 =	vmul.f32 v20, v20;
	v21 =	vadd.f32 v37, v32  }
0x24f: {  	v52 =	vld [tilespmem:s12+$0x8AD0];
	v19 =	vmovc v20;
	v20 =	vadd.f32 v20, v17;
	v54 =	vmul.f32 v17, v17;
	v16 =	vmov s1  }
0x250: {  	v53 =	vld [tilespmem:s12+$0x10AD0];
	v37 =	vmul.f32 v21, v21;
	v39 =	vshrl.u32 v16, $0x1;
	v28 =	vmul.f32 $5.000000000e-01, v16  }
0x251: {  	v25 =	vld [tilespmem:s12+$0x10A00];
	v5 =	vadd.f32 v56, v54;
	v16 =	vadd.f32 v38, v0;
	v2 =	vsub.s32 $0x5F3759DF, v39  }
0x252: {  	v32 =	vld [tilespmem:s12+$0x10AE0];
	v20 =	vadd.f32 v21, v20;
	v38 =	vmul.f32 v2, v28  }
0x253: {  	v29 =	vld [tilespmem:s12+$0x8A40];
	v26 =	vadd.f32 v1, v24;
	v5 =	vadd.f32 v37, v5;
	v39 =	vmul.f32 v16, v16  }
0x254: {  	v8 =	vld [tilespmem:s12+$0x8AF0];
	[tilespmem:$0x1FEE0] =	vst v17;
	v24 =	vadd.f32 v16, v20;
	v7 =	vmul.f32 v2, v38  }
0x255: {  	v3 =	vld [tilespmem:s12+$0x8A10];
	v17 =	vmovc v16;
	v16 =	vadd.f32 v53, v52;
	v53 =	vmul.f32 v26, v26;
	v52 =	vadd.f32 v39, v5;
	s15 =	spop (v2sf)  }
0x256: {  	v1 =	vld [tilespmem:s12+$0x8A00];
	v56 =	vadd.f32 v26, v24;
	s18 =	smul.f32 $7.812500000e-03, s15;
	v54 =	vsub.f32 $1.500000000e+00, v7  }
0x257: {  	v27 =	vadd.f32 v32, v27;
	v0 =	vld [tilespmem:s12+$0x8A20];
	v32 =	vmul.f32 v16, v16;
	v4 =	vadd.f32 v53, v52  }
0x258: {  	v24 =	vld [tilespmem:s12+$0x10A10];
	v37 =	vadd.f32 v16, v56;
	s21 =	spop (v2sf);
	s1 =	smul.f32 s18, s18;
	v2 =	vmul.f32 v2, v54  }
0x259: {  	v20 =	vmovc v26;
	v26 =	vadd.f32 v23, v8;
	v38 =	vmul.f32 v27, v27;
	v7 =	vld [tilespmem:s12+$0x10A20];
	s3 =	smul.f32 $7.812500000e-03, s21;
	v4 =	vadd.f32 v32, v4  }
0x25a: {  	v8 =	vld [tilespmem:s12+$0x8A30];
	v6 =	vadd.f32 v27, v37;
	v23 =	vmul.f32 v2, v28  }
0x25b: {  	v18 =	vmov v27;
	v39 =	vmul.f32 v26, v26;
	v27 =	vld [tilespmem:s12+$0x10A30];
	s1 =	ssub.f32 s3, s1;
	v4 =	vadd.f32 v38, v4  }
0x25c: {  	v25 =	vadd.f32 v25, v1;
	v1 =	vld [tilespmem:s12+$0x10A50];
	v52 =	vadd.f32 v26, v6;
	v30 =	vmul.f32 v23, v2  }
0x25d: {  	v6 =	vld [tilespmem:s12+$0x10A40];
	s1 =	sadd.f32 $9.999999960e-13, s1;
	v23 =	vadd.f32 v24, v3;
	v4 =	vadd.f32 v39, v4  }
0x25e: {  	v54 =	vmul.f32 v25, v25;
	v3 =	vld [tilespmem:s12+$0x8A50];
	(xrf2) =	vadd.scan.msk.f32 $0xffff, v52;
	v24 =	vadd.f32 v7, v0;
	v53 =	vsub.f32 $1.500000000e+00, v30  }
0x25f: {  	v30 =	vmov s1;
	v56 =	vmul.f32 v23, v23;
	(xrf2) =	vadd.scan.msk.f32 $0xffff, v4;
	v52 =	vadd.f32 v23, v25  }
0x260: {  	v5 =	vld [tilespmem:s12+$0x8A60];
	v27 =	vadd.f32 v27, v8;
	v0 =	vmul.f32 v53, v2;
	v2 =	vshrl.u32 v30, $0x1  }
0x261: {  	v8 =	vld [tilespmem:s12+$0x10A60];
	v53 =	vadd.f32 v56, v54;
	v54 =	vmul.f32 v24, v24;
	v4 =	vadd.f32 v24, v52  }
0x262: {  	v52 =	vmul.f32 v27, v27;
	v56 =	vmul.f32 v0, v28;
	v28 =	vadd.f32 v6, v29;
	v6 =	vld [tilespmem:s12+$0x8A70]  }
0x263: {  	v7 =	vadd.f32 v54, v53;
	v29 =	vadd.f32 v1, v3;
	v53 =	vld [tilespmem:s12+$0x10A70];
	v3 =	vmul.f32 $5.000000000e-01, v30  }
0x264: {  	v2 =	vsub.s32 $0x5F3759DF, v2;
	v4 =	vadd.f32 v27, v4;
	v37 =	vmul.f32 v56, v0  }
0x265: {  	v7 =	vadd.f32 v52, v7;
	v54 =	vmul.f32 v28, v28;
	v56 =	vmul.f32 v2, v3  }
0x266: {  	v30 =	vadd.f32 v8, v5;
	v4 =	vadd.f32 v28, v4  }
0x267: {  	v52 =	vmul.f32 v29, v29;
	v8 =	vsub.f32 $1.500000000e+00, v37;
	v7 =	vadd.f32 v54, v7  }
0x268: {  	v5 =	vmul.f32 v2, v56;
	v4 =	vadd.f32 v29, v4;
	v32 =	vadd.f32 v53, v6;
	v53, _, _ =	vpop (xrf2)  }
0x269: {  	v37 =	vmul.f32 v30, v30;
	v54 =	vadd.f32 v52, v7;
	(v2sf) =	vpush v53, $0xF;
	v56, _, _ =	vpop (xrf2)  }
0x26a: {  	v38 =	vsub.f32 $1.500000000e+00, v5;
	v0 =	vmul.f32 v8, v0;
	(v2sf) =	vpush v56, $0xF  }
0x26b: {  	v5 =	vmov s6;
	v4 =	vadd.f32 v30, v4;
	v52 =	vmov s18  }
0x26c: {  	v53 =	vsub.f32 v31, v5;
	v43 =	vsub.f32 v43, v5;
	v1 =	vmul.f32 v2, v38  }
0x26d: {  	v39 =	vmul.f32 v32, v32;
	v40 =	vsub.f32 v40, v5;
	v41 =	vsub.f32 v41, v5  }
0x26e: {  	v42 =	vsub.f32 v42, v5;
	v6 =	vadd.f32 v37, v54;
	v54 =	vmul.f32 v1, v3  }
0x26f: {  	v31 =	vmul.f32 v0, v14;
	v4 =	vadd.f32 v32, v4;
	v38 =	vsub.f32 v34, v52  }
0x270: {  	v37 =	vsub.f32 v35, v52;
	v35 =	vsub.f32 v36, v52;
	v56 =	vmul.f32 v54, v1  }
0x271: {  	v14 =	vmul.f32 v0, v55;
	v34 =	vsub.f32 v48, v52;
	v48 =	vmul.f32 v0, v13  }
0x272: {  	v6 =	vadd.f32 v39, v6;
	v7 =	vmul.f32 v31, v53;
	(xrf2) =	vadd.scan.msk.f32 $0xffff, v4;
	v4 =	vsub.f32 $1.500000000e+00, v56  }
0x273: {  	v39 =	vsub.f32 v33, v52;
	v31 =	vsub.f32 v49, v52;
	v49 =	vmul.f32 v0, v10  }
0x274: {  	v33 =	vsub.f32 v50, v52;
	v50 =	vmul.f32 v0, v11;
	(xrf2) =	vadd.scan.msk.f32 $0xffff, v6;
	v1 =	vmul.f32 v4, v1  }
0x275: {  	v36 =	vsub.f32 v47, v52;
	v8 =	vmul.f32 v14, v43;
	v52 =	vmul.f32 v0, v12  }
0x276: {  	v45 =	vsub.f32 v45, v5;
	v53 =	vmul.f32 v0, v59;
	v3 =	vmul.f32 v1, v3  }
0x277: {  	v0 =	vmul.f32 v0, v60;
	v7 =	vadd.f32 v7, v9;
	v54 =	vsub.f32 v44, v5  }
0x278: {  	v6 =	vmul.f32 v48, v40;
	v5 =	vsub.f32 v46, v5;
	v3 =	vmul.f32 v3, v1;
	s15 =	spop (v2sf)  }
0x279: {  	s13 =	simm.s32 $0x200;
	v2 =	vmul.f32 v49, v41;
	v8 =	vadd.f32 v8, v51;
	[tilespmem:s11+$0x18AF0] =	vst v7;
	v56 =	vmul.f32 v52, v54;
	s15 =	smul.f32 $7.812500000e-03, s15;
	s18 =	spop (v2sf)  }
0x27a: {  	v7 =	vmul.f32 v53, v45;
	v6 =	vadd.f32 v6, v15;
	v44 =	vld [tilespmem:s13+$0x8AB0];
	v3 =	vsub.f32 $1.500000000e+00, v3;
	s1 =	smul.f32 $7.812500000e-03, s18  }
0x27b: {  	v2 =	vadd.f32 v2, v57;
	v0 =	vmul.f32 v0, v5;
	v40 =	vld [tilespmem:s13+$0x8A80];
	v4 =	vmul.f32 v50, v42;
	s21 =	smul.f32 s15, s15  }
0x27c: {  	v41 =	vld [tilespmem:s13+$0x10A80];
	v42 =	vadd.f32 v56, v61;
	v45 =	vadd.f32 v7, v62;
	v50 =	vmul.f32 v3, v1  }
0x27d: {  	v22 =	vmov v21;
	v43 =	vld [tilespmem:s13+$0x8A90];
	[tilespmem:s11+$0x18A80] =	vst v8;
	v51 =	vadd.f32 v0, v63;
	v46 =	vadd.f32 v4, v58;
	v59, _, _ =	vpop (xrf2);
	s1 =	ssub.f32 s1, s21  }
0x27e: {  	v48 =	vld [tilespmem:s13+$0x10A90];
	[tilespmem:s11+$0x18A90] =	vst v6;
	(v2sf) =	vpush v59, $0xF;
	v60, _, _ =	vpop (xrf2);
	v47 =	vmul.f32 v50, v55;
	v57 =	vmul.f32 v50, v13  }
0x27f: {  	v21 =	vmovc v16;
	v49 =	vld [tilespmem:s13+$0x8AA0];
	[tilespmem:s11+$0x18AA0] =	vst v2;
	(v2sf) =	vpush v60, $0xF;
	s18 =	simm.s32 $0xC00;
	v58 =	vmul.f32 v50, v10;
	v55 =	vmul.f32 v50, v11;
	s1 =	sadd.f32 $9.999999960e-13, s1  }
.LBB2_9:
0x280: {  	v0 =	vld [tilespmem:s13+$0x10AA0]  }
0x281: {  	v63 =	vld [tilespmem:$0x1FF40]  }
0x282: {  	v13 =	vld [tilespmem:$0x1FF50]  }
0x283: {  	v14 =	vld [tilespmem:$0x1FF60]  }
0x284: {  	v15 =	vld [tilespmem:$0x1FF80]  }
0x285: {  	v9 =	vld [tilespmem:$0x1FF70];
	v1 =	vmov s1;
	[tilespmem:s11+$0x18AB0] =	vst v46;
	v7 =	vmul.f32 v47, v39  }
0x286: {  	v47 =	vadd.f32 v41, v40;
	v4 =	vld [tilespmem:s13+$0x10AB0];
	v5 =	vshrl.u32 v1, $0x1;
	v1 =	vmul.f32 $5.000000000e-01, v1;
	[tilespmem:s11+$0x18AC0] =	vst v42  }
0x287: {  	v41 =	vmul.f32 v57, v38;
	v40 =	vmul.f32 v58, v37;
	v6 =	vld [tilespmem:s13+$0x8AF0];
	v5 =	vsub.s32 $0x5F3759DF, v5;
	[tilespmem:s11+$0x18AD0] =	vst v45  }
0x288: {  	v45 =	vadd.f32 v48, v43;
	v56 =	vmul.f32 v47, v47;
	v8 =	vld [tilespmem:s13+$0x8AC0];
	v60 =	vmul.f32 v5, v1;
	[tilespmem:s11+$0x18AE0] =	vst v51  }
0x289: {  	v2 =	vmul.f32 v50, v63;
	v3 =	vmul.f32 v50, v13;
	v61 =	vld [tilespmem:s13+$0x10AC0];
	v7 =	vadd.f32 v7, v15  }
0x28a: {  	v48 =	vadd.f32 v0, v49;
	v62 =	vld [tilespmem:s13+$0x8AD0];
	v10 =	vadd.f32 v45, v47;
	v43 =	vmul.f32 v45, v45  }
0x28b: {  	v46 =	vmul.f32 v50, v14;
	v12 =	vld [tilespmem:s13+$0x10AD0];
	v11 =	vmul.f32 v5, v60;
	v49 =	vadd.f32 v4, v44;
	[tilespmem:s11+$0x18A00] =	vst v7  }
0x28c: {  	v37 =	vadd.f32 v48, v10;
	v39 =	vadd.f32 v43, v56;
	v57 =	vmul.f32 v48, v48;
	v7 =	vld [tilespmem:s13+$0x8AE0]  }
0x28d: {  	v42 =	vmul.f32 v50, v9;
	v44 =	vmul.f32 v55, v35;
	v38 =	vsub.f32 $1.500000000e+00, v11;
	v35 =	vld [tilespmem:s13+$0x10AE0]  }
0x28e: {  	v43 =	vmul.f32 v2, v36;
	v2 =	vld [tilespmem:s13+$0x10AF0];
	v58 =	vadd.f32 v49, v37;
	v59 =	vadd.f32 v57, v39  }
0x28f: {  	v36 =	vld [tilespmem:s13+$0x8A00];
	v60 =	vmul.f32 v49, v49;
	s6 =	spop (v2sf);
	v50 =	vadd.f32 v61, v8;
	v5 =	vmul.f32 v5, v38  }
0x290: {  	v55 =	vld [tilespmem:s13+$0x10A00];
	v52 =	vadd.f32 v12, v62;
	s1 =	smul.f32 $7.812500000e-03, s6  }
0x291: {  	v56 =	vld [tilespmem:s13+$0x10A10];
	v37 =	vadd.f32 v60, v59;
	v61 =	vadd.f32 v50, v58;
	v62 =	vmul.f32 v5, v1  }
0x292: {  	v8 =	vld [tilespmem:s13+$0x8A10];
	v12 =	vmul.f32 v50, v50;
	v54 =	vmov s1;
	v53 =	vadd.f32 v35, v7  }
0x293: {  	s3 =	smul.f32 s1, s1;
	v7 =	vld [tilespmem:s13+$0x8A20];
	v2 =	vadd.f32 v2, v6;
	s6 =	spop (v2sf);
	v39 =	vsub.f32 v25, v54;
	v4 =	vmul.f32 v62, v5  }
0x294: {  	v0 =	vadd.f32 v52, v61;
	v60 =	vadd.f32 v12, v37;
	v61 =	vmul.f32 v52, v52;
	v37 =	vld [tilespmem:s13+$0x10A20];
	s6 =	smul.f32 $7.812500000e-03, s6  }
0x295: {  	v51 =	vmul.f32 v3, v34;
	v3 =	vld [tilespmem:s13+$0x8A30];
	v25 =	vadd.f32 v55, v36;
	v4 =	vsub.f32 $1.500000000e+00, v4  }
0x296: {  	v35 =	vld [tilespmem:s13+$0x10A30];
	v62 =	vmul.f32 v53, v53;
	v0 =	vadd.f32 v53, v0;
	v6 =	vadd.f32 v61, v60;
	s21 =	ssub.f32 s6, s3  }
0x297: {  	v60 =	vmul.f32 v2, v2;
	v61 =	vld [tilespmem:s13+$0x10A40];
	v4 =	vmul.f32 v4, v5;
	v5 =	vadd.f32 v56, v8  }
0x298: {  	v55 =	vmul.f32 v25, v25;
	v0 =	vadd.f32 v2, v0;
	v8 =	vld [tilespmem:s13+$0x8A40];
	v6 =	vadd.f32 v62, v6;
	s1 =	sadd.f32 $9.999999960e-13, s21  }
0x299: {  	v7 =	vadd.f32 v37, v7;
	v1 =	vmul.f32 v4, v1;
	v10 =	vadd.f32 v5, v25  }
0x29a: {  	v34 =	vld [tilespmem:s13+$0x10A50];
	v11 =	vmul.f32 v5, v5;
	v6 =	vadd.f32 v60, v6;
	v12 =	vmov s1  }
0x29b: {  	v56 =	vld [tilespmem:s13+$0x8A50];
	v3 =	vadd.f32 v35, v3;
	(xrf2) =	vadd.scan.msk.f32 $0xffff, v0;
	v62 =	vshrl.u32 v12, $0x1;
	v59 =	vmul.f32 $5.000000000e-01, v12  }
0x29c: {  	v35 =	vld [tilespmem:s13+$0x8A60];
	v1 =	vmul.f32 v1, v4;
	v36 =	vadd.f32 v11, v55;
	(xrf2) =	vadd.scan.msk.f32 $0xffff, v6;
	v37 =	vadd.f32 v7, v10  }
0x29d: {  	v60 =	vld [tilespmem:s13+$0x10A70];
	v12 =	vmul.f32 v7, v7;
	v0 =	vsub.s32 $0x5F3759DF, v62;
	v55 =	vadd.f32 v61, v8  }
0x29e: {  	v6 =	vld [tilespmem:s13+$0x10A60];
	v11 =	vmul.f32 v3, v3;
	v1 =	vsub.f32 $1.500000000e+00, v1;
	v58 =	vmul.f32 v0, v59  }
0x29f: {  	v8 =	vld [tilespmem:s13+$0x8A70];
	v36 =	vadd.f32 v12, v36;
	v37 =	vadd.f32 v3, v37;
	v12 =	vmul.f32 v55, v55  }
0x2a0: {  	v1 =	vmul.f32 v1, v4;
	v4 =	vadd.f32 v34, v56;
	v56 =	vmov s15  }
0x2a1: {  	v10 =	vadd.f32 v11, v36;
	v61 =	vadd.f32 v55, v37;
	v37 =	vmul.f32 v0, v58  }
0x2a2: {  	v36 =	vsub.f32 v28, v54;
	v28 =	vmul.f32 v46, v31;
	v31 =	vsub.f32 v30, v54  }
0x2a3: {  	v16 =	vld [tilespmem:$0x1FFF0];
	v38 =	vsub.f32 v26, v56;
	v26 =	vmovc v2;
	v2 =	vadd.f32 v6, v35;
	v11 =	vmul.f32 v1, v9  }
0x2a4: {  	v62 =	vmul.f32 v4, v4;
	v34 =	vadd.f32 v12, v10;
	v8 =	vadd.f32 v60, v8;
	v9 =	vld [tilespmem:$0x1FF00]  }
0x2a5: {  	v6 =	vadd.f32 v4, v61;
	v10 =	vld [tilespmem:$0x1FF10];
	v37 =	vsub.f32 $1.500000000e+00, v37;
	v63 =	vmul.f32 v1, v63;
	v12, _, _ =	vpop (xrf2)  }
0x2a6: {  	v38 =	vmul.f32 v11, v38;
	v34 =	vadd.f32 v62, v34;
	v11 =	vld [tilespmem:$0x1FF20];
	(v2sf) =	vpush v12, $0xF;
	v12, _, _ =	vpop (xrf2)  }
0x2a7: {  	v61 =	vmul.f32 v2, v2;
	v6 =	vadd.f32 v2, v6;
	(v2sf) =	vpush v12, $0xF;
	v12 =	vld [tilespmem:$0x1FF30]  }
0x2a8: {  	v0 =	vmul.f32 v0, v37;
	v37 =	vsub.f32 v24, v54;
	v62 =	vadd.f32 v38, v16  }
0x2a9: {  	v38 =	vmul.f32 v8, v8;
	v34 =	vadd.f32 v61, v34;
	v6 =	vadd.f32 v8, v6  }
0x2aa: {  	v24 =	vmovc v7;
	v7 =	vsub.f32 v32, v54;
	v58 =	vmul.f32 v1, v9;
	v57 =	vmul.f32 v1, v10  }
0x2ab: {  	v61 =	vadd.f32 v38, v34;
	(xrf2) =	vadd.scan.msk.f32 $0xffff, v6;
	v6 =	vmul.f32 v1, v13;
	v34 =	vsub.f32 v29, v54  }
0x2ac: {  	[tilespmem:s12+$0x18AF0] =	vst v62;
	v29 =	vsub.f32 v19, v56;
	v60 =	vmul.f32 v1, v11;
	v62 =	vmul.f32 v1, v12  }
0x2ad: {  	v32 =	vld [tilespmem:$0x1FEE0];
	v38 =	vsub.f32 v23, v54;
	v1 =	vmul.f32 v1, v14;
	v14 =	vmul.f32 v0, v59  }
0x2ae: {  	v19 =	vmovc v45;
	v45 =	vmul.f32 v57, v29;
	v29 =	vsub.f32 v21, v56;
	v21 =	vmov v52;
	v52 =	vld [tilespmem:$0x1FFB0]  }
0x2af: {  	v23 =	vmovc v5;
	v57 =	vsub.f32 v18, v56;
	v18 =	vmov v53;
	v53 =	vld [tilespmem:$0x1FFC0];
	v5 =	vmul.f32 v14, v0  }
0x2b0: {  	v35 =	vsub.f32 v27, v54;
	v54 =	vsub.f32 v17, v56;
	v13 =	vld [tilespmem:$0x1FF90]  }
0x2b1: {  	v33 =	vmul.f32 v42, v33;
	v46 =	vmovc v47;
	v30 =	vsub.f32 v22, v56;
	v14 =	vld [tilespmem:$0x1FFA0];
	v5 =	vsub.f32 $1.500000000e+00, v5  }
0x2b2: {  	v27 =	vsub.f32 v32, v56;
	(xrf2) =	vadd.scan.msk.f32 $0xffff, v61;
	v6 =	vmul.f32 v6, v29;
	v47 =	vmul.f32 v62, v54;
	v54 =	vld [tilespmem:$0x1FFD0]  }
0x2b3: {  	v1 =	vmul.f32 v1, v57;
	v57 =	vld [tilespmem:$0x1FFE0];
	v29 =	vadd.f32 v44, v52;
	v0 =	vmul.f32 v5, v0  }
0x2b4: {  	[tilespmem:$0x1FEE0] =	vst v46;
	v42 =	vmul.f32 v58, v27;
	v27 =	vsub.f32 v20, v56;
	v62 =	vadd.f32 v43, v53  }
0x2b5: {  	[tilespmem:s11+$0x18A30] =	vst v29;
	v5 =	vmul.f32 v60, v30;
	v30 =	vadd.f32 v41, v13;
	v61 =	vmul.f32 v0, v59  }
0x2b6: {  	v22 =	vmov v48;
	v48 =	vmul.f32 v63, v27;
	[tilespmem:s11+$0x18A40] =	vst v62;
	v58 =	vadd.f32 v40, v14;
	s3 =	spop (v2sf)  }
0x2b7: {  	v46 =	vadd.f32 v47, v52;
	v56 =	vadd.f32 v51, v54;
	[tilespmem:s11+$0x18A10] =	vst v30;
	s15 =	smul.f32 $7.812500000e-03, s3;
	s6 =	spop (v2sf);
	v63 =	vmul.f32 v61, v0  }
0x2b8: {  	v62 =	vadd.f32 v45, v13;
	[tilespmem:s11+$0x18A20] =	vst v58;
	v58 =	vadd.f32 v28, v57;
	s3 =	sshra.s32 s18, $0x2;
	s1 =	smul.f32 $7.812500000e-03, s6  }
0x2b9: {  	p0 =	sne.s32 s18, $0x7C00;
	v27 =	vmov v3;
	v60, _, _ =	vpop (xrf2);
	v61 =	vadd.f32 v33, v16;
	v44 =	vld [tilespmem:s3+$0x8AB0];
	[tilespmem:s11+$0x18A50] =	vst v56;
	s21 =	smul.f32 s15, s15;
	v3 =	vsub.f32 $1.500000000e+00, v63  }
.Ltmp3:
0x2ba: {  	v17 =	vmovc v49;
	v32 =	vmovc v8;
	v20 =	vmov v50;
	(v2sf) =	vpush v60, $0xF;
	v60 =	vadd.f32 v42, v15;
	v40 =	vld [tilespmem:s3+$0x8A80];
	[tilespmem:s11+$0x18A60] =	vst v58;
	(pc) =	sbr.rel @p0 .LBB2_9-.Ltmp3, $4  }
0x2bb: {  	v42 =	vadd.f32 v48, v53;
	v45 =	vadd.f32 v6, v54;
	v41 =	vld [tilespmem:s3+$0x10A80];
	[tilespmem:s11+$0x18A70] =	vst v61;
	s11 =	smov.u32 s12;
	v50 =	vmul.f32 v3, v0  }
0x2bc: {  	v29 =	vmov v4;
	v51 =	vadd.f32 v1, v57;
	v59, _, _ =	vpop (xrf2);
	v63 =	vadd.f32 v5, v14;
	s12 =	smov.u32 s13;
	s13 =	smov.u32 s3;
	s1 =	ssub.f32 s1, s21;
	v43 =	vld [tilespmem:s3+$0x8A90];
	[tilespmem:s11+$0x18A80] =	vst v60  }
0x2bd: {  	v28 =	vmovc v55;
	(v2sf) =	vpush v59, $0xF;
	v48 =	vld [tilespmem:s13+$0x10A90];
	[tilespmem:s11+$0x18A90] =	vst v62;
	v47 =	vmul.f32 v50, v9;
	v57 =	vmul.f32 v50, v10  }
0x2be: {  	s18 =	sadd.s32 $0x400, s18;
	v30 =	vmovc v2;
	v33 =	vmov v7;
	s1 =	sadd.f32 $9.999999960e-13, s1;
	v49 =	vld [tilespmem:s13+$0x8AA0];
	[tilespmem:s11+$0x18AA0] =	vst v63;
	v58 =	vmul.f32 v50, v11;
	v55 =	vmul.f32 v50, v12  }
0x2bf: {  	v6 =	vld [tilespmem:$0x1FF80]  }
0x2c0: {  	v0 =	vld [tilespmem:s13+$0x10AA0];
	[tilespmem:s11+$0x18AB0] =	vst v46  }
0x2c1: {  	v1 =	vld [tilespmem:s13+$0x10AB0];
	[tilespmem:s11+$0x18AC0] =	vst v42  }
0x2c2: {  	v4 =	vmul.f32 v47, v39;
	v2 =	vld [tilespmem:s13+$0x8AF0];
	[tilespmem:s11+$0x18AD0] =	vst v45  }
0x2c3: {  	v45 =	vadd.f32 v41, v40;
	v3 =	vld [tilespmem:s13+$0x8AC0];
	[tilespmem:s11+$0x18AE0] =	vst v51;
	v41 =	vadd.f32 v48, v43  }
0x2c4: {  	v5 =	vld [tilespmem:s13+$0x10AC0];
	v4 =	vadd.f32 v4, v6  }
0x2c5: {  	v56 =	vld [tilespmem:s13+$0x8AD0];
	v7 =	vmul.f32 v45, v45;
	v43 =	vadd.f32 v0, v49;
	v8 =	vmul.f32 v41, v41  }
0x2c6: {  	v59 =	vld [tilespmem:s13+$0x10AD0];
	v60 =	vadd.f32 v41, v45;
	[tilespmem:s11+$0x18A00] =	vst v4  }
0x2c7: {  	v44 =	vadd.f32 v1, v44;
	v62 =	vadd.f32 v8, v7;
	v63 =	vmul.f32 v43, v43;
	v61 =	vld [tilespmem:s13+$0x8AE0]  }
0x2c8: {  	v12 =	vadd.f32 v43, v60;
	v13 =	vld [tilespmem:s13+$0x10AE0]  }
0x2c9: {  	v46 =	vmul.f32 v44, v44;
	v42 =	vadd.f32 v5, v3;
	v14 =	vadd.f32 v63, v62  }
0x2ca: {  	v47 =	vld [tilespmem:s13+$0x10AF0];
	v48 =	vadd.f32 v44, v12  }
0x2cb: {  	v40 =	vadd.f32 v59, v56;
	v49 =	vadd.f32 v46, v14;
	v51 =	vmul.f32 v42, v42  }
0x2cc: {  	v60 =	vld [tilespmem:s13+$0x10A00];
	v52 =	vadd.f32 v42, v48  }
0x2cd: {  	v39 =	vld [tilespmem:s13+$0x8A10];
	v53 =	vmul.f32 v40, v40;
	v59 =	vadd.f32 v13, v61;
	v0 =	vadd.f32 v51, v49  }
0x2ce: {  	v62 =	vld [tilespmem:s13+$0x10A20];
	v54 =	vadd.f32 v40, v52  }
0x2cf: {  	v46 =	vadd.f32 v47, v2;
	v2 =	vld [tilespmem:s13+$0x8A00];
	v0 =	vadd.f32 v53, v0;
	v56 =	vmul.f32 v59, v59  }
0x2d0: {  	v47 =	vld [tilespmem:s13+$0x10A10];
	v3 =	vadd.f32 v59, v54  }
0x2d1: {  	v12 =	vld [tilespmem:s13+$0x8A30];
	v14 =	vmul.f32 v46, v46;
	v0 =	vadd.f32 v56, v0  }
0x2d2: {  	v13 =	vld [tilespmem:s13+$0x10A30];
	v3 =	vadd.f32 v46, v3  }
0x2d3: {  	v56 =	vld [tilespmem:s13+$0x8A20];
	v0 =	vadd.f32 v14, v0  }
0x2d4: {  	v5 =	vld [tilespmem:s13+$0x8A50];
	(xrf2) =	vadd.scan.msk.f32 $0xffff, v3  }
0x2d5: {  	v61 =	vmov s1;
	v53 =	vld [tilespmem:s13+$0x10A50];
	v51 =	vadd.f32 v60, v2;
	v47 =	vadd.f32 v47, v39;
	(xrf2) =	vadd.scan.msk.f32 $0xffff, v0  }
0x2d6: {  	v52 =	vld [tilespmem:s13+$0x8A40];
	v63 =	vshrl.u32 v61, $0x1  }
0x2d7: {  	v39 =	vld [tilespmem:s13+$0x10A40];
	v49 =	vadd.f32 v13, v12;
	v3 =	vmul.f32 $5.000000000e-01, v61;
	v6 =	vadd.f32 v47, v51  }
0x2d8: {  	v12 =	vld [tilespmem:s13+$0x10A60];
	v61 =	vmul.f32 v51, v51;
	v0 =	vsub.s32 $0x5F3759DF, v63;
	v48 =	vadd.f32 v62, v56  }
0x2d9: {  	v63 =	vld [tilespmem:s13+$0x8A60];
	v14 =	vmul.f32 v0, v3;
	v62 =	vmul.f32 v47, v47  }
0x2da: {  	v53 =	vadd.f32 v53, v5;
	v6 =	vadd.f32 v48, v6  }
0x2db: {  	v60 =	vmul.f32 v0, v14;
	v4 =	vadd.f32 v62, v61;
	v54 =	vmul.f32 v48, v48  }
0x2dc: {  	v56 =	vld [tilespmem:s13+$0x8A70];
	v52 =	vadd.f32 v39, v52;
	v6 =	vadd.f32 v49, v6  }
0x2dd: {  	v39 =	vmul.f32 v49, v49;
	v1 =	vsub.f32 $1.500000000e+00, v60;
	v4 =	vadd.f32 v54, v4;
	v60 =	vld [tilespmem:s13+$0x10A70]  }
0x2de: {  	v54 =	vadd.f32 v12, v63;
	v61 =	vadd.f32 v52, v6;
	v13, _, _ =	vpop (xrf2)  }
0x2df: {  	v62 =	vmul.f32 v52, v52;
	v4 =	vadd.f32 v39, v4;
	(v2sf) =	vpush v13, $0xF;
	v14, _, _ =	vpop (xrf2)  }
0x2e0: {  	s18 =	spop (v2sf);
	v0 =	vmul.f32 v0, v1;
	v1 =	vadd.f32 v53, v61;
	(v2sf) =	vpush v14, $0xF  }
0x2e1: {  	s18 =	smul.f32 $7.812500000e-03, s18;
	v9 =	vmul.f32 v53, v53;
	v4 =	vadd.f32 v62, v4  }
0x2e2: {  	v56 =	vadd.f32 v60, v56;
	v1 =	vadd.f32 v54, v1  }
0x2e3: {  	s1 =	smul.f32 s18, s18;
	s3 =	spop (v2sf);
	v11 =	vmul.f32 v54, v54;
	v63 =	vmul.f32 v0, v3;
	v4 =	vadd.f32 v9, v4  }
0x2e4: {  	s3 =	smul.f32 $7.812500000e-03, s3;
	v1 =	vadd.f32 v56, v1  }
0x2e5: {  	v10 =	vmul.f32 v63, v0;
	v12 =	vmul.f32 v56, v56;
	v4 =	vadd.f32 v11, v4  }
0x2e6: {  	s1 =	ssub.f32 s3, s1;
	(xrf2) =	vadd.scan.msk.f32 $0xffff, v1  }
0x2e7: {  	v2 =	vsub.f32 $1.500000000e+00, v10;
	v13 =	vadd.f32 v12, v4  }
0x2e8: {  	v15 =	vld [tilespmem:$0x1FF60];
	s1 =	sadd.f32 $9.999999960e-13, s1  }
0x2e9: {  	v61 =	vld [tilespmem:$0x1FF50];
	v0 =	vmul.f32 v2, v0;
	(xrf2) =	vadd.scan.msk.f32 $0xffff, v13  }
0x2ea: {  	v60 =	vld [tilespmem:$0x1FF40];
	v14 =	vmov s1  }
0x2eb: {  	v35 =	vmul.f32 v55, v35;
	v39 =	vshrl.u32 v14, $0x1;
	v2 =	vmul.f32 v0, v3  }
0x2ec: {  	v8 =	vmul.f32 v58, v37;
	v1 =	vsub.s32 $0x5F3759DF, v39;
	v39 =	vld [tilespmem:$0x1FF70];
	v3 =	vmul.f32 $5.000000000e-01, v14  }
0x2ed: {  	v6 =	vmul.f32 v57, v38;
	v2 =	vmul.f32 v2, v0  }
0x2ee: {  	v7 =	vmov s15;
	v10 =	vmul.f32 v50, v15;
	v63 =	vmul.f32 v1, v3;
	s21 =	spop (v2sf)  }
0x2ef: {  	v62 =	vmul.f32 v50, v61;
	v4 =	vmul.f32 v50, v60;
	v12 =	vld [tilespmem:$0x1FF00];
	v2 =	vsub.f32 $1.500000000e+00, v2;
	s6 =	smul.f32 $7.812500000e-03, s21;
	s3 =	spop (v2sf)  }
0x2f0: {  	v26 =	vsub.f32 v26, v7;
	v31 =	vmul.f32 v10, v31;
	v13 =	vld [tilespmem:$0x1FF10];
	v14 =	vmul.f32 v1, v63;
	v57, _, _ =	vpop (xrf2);
	s1 =	smul.f32 $7.812500000e-03, s3  }
0x2f1: {  	v9 =	vld [tilespmem:$0x1FEE0];
	v58 =	vmul.f32 v50, v39;
	v0 =	vmul.f32 v2, v0;
	(v2sf) =	vpush v57, $0xF;
	s21 =	smul.f32 s6, s6  }
0x2f2: {  	v5 =	vmul.f32 v62, v34;
	v4 =	vmul.f32 v4, v36;
	v2 =	vsub.f32 $1.500000000e+00, v14  }
0x2f3: {  	v16 =	vsub.f32 v17, v7;
	v33 =	vmul.f32 v58, v33;
	v55 =	vmul.f32 v0, v39;
	v11, _, _ =	vpop (xrf2);
	s1 =	ssub.f32 s1, s21  }
0x2f4: {  	v1 =	vmul.f32 v1, v2;
	v62 =	vmul.f32 v0, v12;
	(v2sf) =	vpush v11, $0xF  }
0x2f5: {  	v10 =	vsub.f32 v22, v7;
	v63 =	vmul.f32 v0, v13;
	v22 =	vmul.f32 v0, v61;
	s1 =	sadd.f32 $9.999999960e-13, s1  }
0x2f6: {  	v9 =	vsub.f32 v9, v7;
	v26 =	vmul.f32 v55, v26;
	v14 =	vmul.f32 v1, v3  }
0x2f7: {  	v11 =	vsub.f32 v19, v7;
	v19 =	vsub.f32 v20, v7;
	v55 =	vmov s1  }
0x2f8: {  	v38 =	vmul.f32 v14, v1;
	v14 =	vld [tilespmem:$0x1FF20];
	v57 =	vshrl.u32 v55, $0x1;
	v36 =	vmul.f32 $5.000000000e-01, v55  }
0x2f9: {  	v20 =	vsub.f32 v21, v7;
	v11 =	vmul.f32 v63, v11;
	v37 =	vsub.s32 $0x5F3759DF, v57  }
0x2fa: {  	v63 =	vmov s18;
	v38 =	vsub.f32 $1.500000000e+00, v38;
	v58 =	vmul.f32 v37, v36  }
0x2fb: {  	v2 =	vmul.f32 v62, v9;
	v7 =	vsub.f32 v18, v7;
	v25 =	vsub.f32 v25, v63  }
0x2fc: {  	v23 =	vsub.f32 v23, v63;
	v1 =	vmul.f32 v38, v1;
	v55 =	vld [tilespmem:$0x1FF30];
	v50 =	vmul.f32 v37, v58  }
0x2fd: {  	v24 =	vsub.f32 v24, v63;
	v27 =	vsub.f32 v27, v63;
	v62 =	vmul.f32 v0, v14  }
0x2fe: {  	v28 =	vsub.f32 v28, v63;
	v3 =	vmul.f32 v1, v3;
	v38 =	vmovc v61;
	v61 =	vld [tilespmem:$0x1FFC0];
	v57 =	vsub.f32 $1.500000000e+00, v50  }
0x2ff: {  	v29 =	vsub.f32 v29, v63;
	v9 =	vmul.f32 v62, v10;
	v62 =	vmul.f32 v0, v60;
	v10 =	vld [tilespmem:$0x1FFF0]  }
0x300: {  	v30 =	vsub.f32 v30, v63;
	v3 =	vmul.f32 v3, v1;
	s15 =	spop (v2sf);
	v17 =	vmul.f32 v37, v57  }
0x301: {  	v32 =	vsub.f32 v32, v63;
	v19 =	vmul.f32 v62, v19;
	v62 =	vld [tilespmem:$0x1FFD0];
	v58 =	vmul.f32 v0, v55;
	s1 =	smul.f32 $7.812500000e-03, s15  }
0x302: {  	v0 =	vmul.f32 v0, v15;
	v3 =	vsub.f32 $1.500000000e+00, v3;
	v37 =	vmovc v15;
	v15 =	vld [tilespmem:$0x1FF90];
	v63 =	vmul.f32 v17, v36  }
0x303: {  	v20 =	vmul.f32 v22, v20;
	v4 =	vadd.f32 v4, v61;
	v16 =	vmul.f32 v58, v16;
	v57 =	vld [tilespmem:$0x1FFA0];
	s21 =	spop (v2sf);
	s18 =	smul.f32 s1, s1  }
0x304: {  	v26 =	vadd.f32 v26, v10;
	v1 =	vmul.f32 v3, v1;
	s15 =	smul.f32 $7.812500000e-03, s21;
	v34 =	vmul.f32 v63, v17;
	v63 =	vld [tilespmem:$0x1FFE0]  }
0x305: {  	v0 =	vmul.f32 v0, v7;
	v3 =	vadd.f32 v33, v10;
	v33 =	vadd.f32 v19, v61  }
0x306: {  	v5 =	vadd.f32 v5, v62;
	[tilespmem:s12+$0x18AF0] =	vst v26;
	v26 =	vmul.f32 v1, v55;
	s3 =	ssub.f32 s15, s18;
	v22 =	vsub.f32 $1.500000000e+00, v34  }
0x307: {  	v58 =	vld [tilespmem:$0x1FFB0];
	v19 =	vmul.f32 v1, v60;
	v20 =	vadd.f32 v20, v62;
	[tilespmem:s11+$0x18A40] =	vst v4;
	v4 =	vmul.f32 v1, v37  }
0x308: {  	v50 =	vld [tilespmem:$0x1FF80];
	v6 =	vadd.f32 v6, v15;
	v18 =	vadd.f32 v11, v15;
	s3 =	sadd.f32 $9.999999960e-13, s3;
	v7 =	vmul.f32 v22, v17  }
0x309: {  	v17 =	vadd.f32 v9, v57;
	v21 =	vadd.f32 v31, v63;
	v31 =	vmul.f32 v1, v12  }
0x30a: {  	v9 =	vmul.f32 v1, v13;
	v11 =	vmov s3;
	v22 =	vmul.f32 v7, v36  }
0x30b: {  	v36 =	vmul.f32 $5.000000000e-01, v11;
	v25 =	vmul.f32 v31, v25;
	v31 =	vshrl.u32 v11, $0x1  }
0x30c: {  	[tilespmem:s11+$0x18A10] =	vst v6;
	v6 =	vadd.f32 v16, v58;
	v16 =	vmul.f32 v9, v23;
	v31 =	vsub.s32 $0x5F3759DF, v31  }
0x30d: {  	v2 =	vadd.f32 v2, v50;
	v22 =	vmul.f32 v22, v7;
	v23 =	vmul.f32 v31, v36  }
0x30e: {  	[tilespmem:s11+$0x18A70] =	vst v3;
	v8 =	vadd.f32 v8, v57;
	v34 =	vadd.f32 v35, v58;
	v35 =	vmul.f32 v1, v14  }
0x30f: {  	[tilespmem:s11+$0x18A50] =	vst v5;
	v4 =	vmul.f32 v4, v30;
	v22 =	vsub.f32 $1.500000000e+00, v22;
	v23 =	vmul.f32 v31, v23  }
0x310: {  	[tilespmem:s11+$0x18A20] =	vst v8;
	v5 =	vmul.f32 v35, v24;
	v24 =	vmov s6;
	v0 =	vadd.f32 v0, v63  }
0x311: {  	[tilespmem:s11+$0x18A30] =	vst v34;
	v4 =	vadd.f32 v4, v63;
	v7 =	vmul.f32 v22, v7;
	v23 =	vsub.f32 $1.500000000e+00, v23  }
0x312: {  	v5 =	vadd.f32 v5, v57;
	[tilespmem:s11+$0x18A60] =	vst v21;
	v21 =	vmul.f32 v26, v27;
	v26 =	vsub.f32 v46, v24  }
0x313: {  	v11 =	vsub.f32 v59, v24;
	[tilespmem:s12+$0x18A80] =	vst v2;
	v27 =	vmul.f32 v7, v39;
	v23 =	vmul.f32 v31, v23  }
0x314: {  	v2 =	vmov s1;
	[tilespmem:s12+$0x18A90] =	vst v18;
	v16 =	vadd.f32 v16, v15;
	v3 =	vadd.f32 v25, v50  }
0x315: {  	[tilespmem:s12+$0x18AB0] =	vst v6;
	v18 =	vsub.f32 v51, v2;
	v25 =	vmul.f32 v27, v26;
	v27 =	vmul.f32 v23, v36  }
0x316: {  	v19 =	vmul.f32 v19, v28;
	[tilespmem:s12+$0x18AC0] =	vst v33;
	v6 =	vsub.f32 v47, v2;
	v33 =	vsub.f32 v52, v2  }
0x317: {  	v34 =	vsub.f32 v53, v2;
	v22 =	vmul.f32 v1, v38;
	v27 =	vmul.f32 v27, v23  }
0x318: {  	[tilespmem:s12+$0x18AA0] =	vst v17;
	v35 =	vsub.f32 v54, v2;
	v51 =	vadd.f32 v19, v61;
	v1 =	vmul.f32 v1, v39  }
0x319: {  	[tilespmem:s12+$0x18AD0] =	vst v20;
	v22 =	vmul.f32 v22, v29;
	v28 =	vmul.f32 v7, v14;
	v27 =	vsub.f32 $1.500000000e+00, v27  }
0x31a: {  	[tilespmem:s12+$0x18AE0] =	vst v0;
	v46 =	vmul.f32 v7, v55;
	v20 =	vmul.f32 v7, v60;
	v17 =	vadd.f32 v25, v10  }
0x31b: {  	[tilespmem:s12+$0x18A00] =	vst v3;
	v29 =	vsub.f32 v48, v2;
	v1 =	vmul.f32 v1, v32;
	v23 =	vmul.f32 v27, v23  }
0x31c: {  	v31 =	vsub.f32 v49, v2;
	v49 =	vsub.f32 v45, v24;
	v26 =	vmul.f32 v7, v12;
	[tilespmem:s13+$0x18AF0] =	vst v17  }
0x31d: {  	v47 =	vmul.f32 v7, v38;
	v2 =	vsub.f32 v56, v2;
	[tilespmem:s12+$0x18A10] =	vst v16;
	v36 =	vmul.f32 v23, v36  }
0x31e: {  	v1 =	vadd.f32 v1, v10;
	v3 =	vmul.f32 v26, v49;
	v16 =	vadd.f32 v21, v58;
	[tilespmem:s12+$0x18A20] =	vst v5  }
0x31f: {  	v25 =	vmul.f32 v7, v13;
	v17 =	vsub.f32 v41, v24;
	[tilespmem:s12+$0x18A40] =	vst v51;
	v19 =	vmul.f32 v36, v23  }
0x320: {  	v7 =	vmul.f32 v7, v37;
	v3 =	vadd.f32 v3, v50;
	[tilespmem:s12+$0x18A30] =	vst v16;
	v16 =	vadd.f32 v22, v62  }
0x321: {  	v21 =	vsub.f32 v44, v24;
	v51 =	vmovc v50;
	[tilespmem:s12+$0x18A70] =	vst v1;
	v54 =	vmul.f32 v25, v17;
	v17 =	vsub.f32 $1.500000000e+00, v19  }
0x322: {  	v1 =	vmul.f32 v7, v11;
	v27 =	vsub.f32 v43, v24;
	[tilespmem:s12+$0x18A50] =	vst v16;
	v16 =	vsub.f32 v40, v24  }
0x323: {  	[tilespmem:s12+$0x18A60] =	vst v4;
	v56 =	vmul.f32 v46, v21;
	v5 =	vadd.f32 v54, v15;
	v8 =	vmul.f32 v17, v23  }
0x324: {  	v22 =	vsub.f32 v42, v24;
	v1 =	vadd.f32 v1, v63;
	[tilespmem:s13+$0x18A80] =	vst v3;
	v0 =	vmul.f32 v47, v16  }
0x325: {  	v32 =	vadd.f32 v56, v58;
	[tilespmem:s13+$0x18A90] =	vst v5;
	v19 =	vmul.f32 v28, v27;
	v36 =	vmul.f32 v8, v12  }
0x326: {  	[tilespmem:s13+$0x18AE0] =	vst v1;
	v0 =	vadd.f32 v0, v62;
	v17 =	vmul.f32 v20, v22;
	v41 =	vmul.f32 v8, v13  }
0x327: {  	[tilespmem:s13+$0x18AB0] =	vst v32;
	v19 =	vadd.f32 v19, v57;
	v16 =	vmul.f32 v8, v14;
	v42 =	vmul.f32 v36, v18  }
0x328: {  	[tilespmem:s13+$0x18AD0] =	vst v0;
	v40 =	vadd.f32 v17, v61;
	v43 =	vmul.f32 v8, v55;
	v44 =	vmul.f32 v41, v6  }
0x329: {  	[tilespmem:s13+$0x18AA0] =	vst v19;
	v45 =	vmul.f32 v8, v60;
	v47 =	vmul.f32 v16, v29;
	v46 =	vadd.f32 v42, v50  }
0x32a: {  	v48 =	vmul.f32 v8, v38;
	[tilespmem:s13+$0x18AC0] =	vst v40;
	v49 =	vmul.f32 v43, v31;
	v50 =	vadd.f32 v44, v15  }
0x32b: {  	v54 =	vmul.f32 v8, v37;
	v56 =	vmul.f32 v45, v33;
	v3 =	vadd.f32 v47, v57;
	[tilespmem:s13+$0x18A00] =	vst v46  }
0x32c: {  	v59 =	vmul.f32 v8, v39;
	v7 =	vmul.f32 v48, v34;
	v1 =	vadd.f32 v49, v58;
	[tilespmem:s13+$0x18A10] =	vst v50  }
0x32d: {  	v8 =	vmul.f32 v54, v35;
	v0 =	vadd.f32 v56, v61;
	[tilespmem:s13+$0x18A20] =	vst v3  }
0x32e: {  	s11 =	sshll.u32 s17, $0x8;
	v2 =	vmul.f32 v59, v2;
	v9 =	vadd.f32 v7, v62;
	[tilespmem:s13+$0x18A30] =	vst v1  }
0x32f: {  	s12 =	sadd.s32 s11, s8;
	v11 =	vadd.f32 v8, v63;
	[tilespmem:s13+$0x18A40] =	vst v0  }
0x330: {  	s1 =	sshll.u32 s12, $0x4;
	v32 =	vadd.f32 v2, v10;
	[tilespmem:s13+$0x18A50] =	vst v9  }
0x331: {  	s1 =	sadd.s32 s22, s1;
	[tilespmem:s13+$0x18A60] =	vst v11  }
0x332: {  	p0 =	seq.s32 s17, $0x7;
	s1 =	sadd.s32 $0x400, s1;
	[tilespmem:s13+$0x18A70] =	vst v32  }
0x333: {  	[hbm4b:s1+s9] =	stream.linear.scatter [tilespmem:s26], [sflag:$0xA], $0x2000, $0x38;
	[tilespmem:$0x1EA00] =	vst v63  }
0x334: {  	s1 =	simm.s32 @!p0 $0x9  }
0x335: {  	_ =	swait.ge @!p0 [sflag:s1], $0x2000  }
0x336: {  	s3 =	simm.s32 @!p0 $0x40;
	[sflag:s1] =	ssyncset.done @!p0 $0x0  }
0x337: {  	s6 =	simm.s32 @!p0 $0x6A00;
	[sflag:s1] =	ssyncadd.s32 @!p0 $0xFFFFE000;
	s1 =	sadd.s32 @!p0 $0x100, s11  }
0x338: {  	[tilespmem:s6], [sflag:$0x1] =	stream.indirect.gather @!p0 [hbm4b:s0+s3], $0x80, s1, s3, $0xb8;
	[tilespmem:$0x1EA00] =	vst v63  }
0x339: {  	s1 =	sadd.s32 @!p0 $0x900, s11;
	s6 =	simm.s32 @!p0 $0xEA00  }
0x33a: {  	[tilespmem:s6], [sflag:$0x5] =	stream.indirect.gather @!p0 [spmem:s7], $0x80, s1, s3, $0xb8;
	[tilespmem:$0x1EA00] =	vst v63  }
0x33b: {  	_ =	swait.ge [sflag:s29], $0x2000  }
0x33c: {  	[sflag:s29] =	ssyncset.done $0x0  }
0x33d: {  	[sflag:s29] =	ssyncadd.s32 $0xFFFFE000  }
0x33e: {  	_ =	swait.ge [sflag:s30], $0x2000  }
0x33f: {  	[sflag:s30] =	ssyncset.done $0x0  }
0x340: {  	s12 =	simm.s32 $0x0;
	[sflag:s30] =	ssyncadd.s32 $0xFFFFE000  }
0x341: {  	v33 =	vld [tilespmem:s12+$0xAA80]  }
0x342: {  	v34 =	vld [tilespmem:s12+$0x12A80]  }
0x343: {  	v35 =	vld [tilespmem:s12+$0xAA90]  }
0x344: {  	v36 =	vld [tilespmem:s12+$0x12A90]  }
0x345: {  	v52 =	vmov v37;
	v37 =	vld [tilespmem:s12+$0xAAA0]  }
0x346: {  	v53 =	vmov v38;
	v38 =	vld [tilespmem:s12+$0x12AA0]  }
0x347: {  	v45 =	vld [tilespmem:s12+$0xAAB0]  }
0x348: {  	v46 =	vld [tilespmem:s12+$0x12AB0]  }
0x349: {  	v47 =	vld [tilespmem:s12+$0xAAC0]  }
0x34a: {  	v48 =	vld [tilespmem:s12+$0x12AC0];
	v43 =	vadd.f32 v34, v33;
	v40 =	vadd.f32 v36, v35  }
0x34b: {  	v49 =	vld [tilespmem:s12+$0xAAD0]  }
0x34c: {  	v59 =	vld [tilespmem:s12+$0x12AD0];
	v41 =	vadd.f32 v38, v37;
	v50 =	vmul.f32 v43, v43;
	v54 =	vmul.f32 v40, v40  }
0x34d: {  	v32 =	vld [tilespmem:s12+$0xAAE0];
	v56 =	vadd.f32 v40, v43  }
0x34e: {  	v16 =	vld [tilespmem:s12+$0xAAF0];
	v42 =	vadd.f32 v46, v45;
	v33 =	vmul.f32 v41, v41;
	v3 =	vadd.f32 v54, v50  }
0x34f: {  	v34 =	vld [tilespmem:s12+$0x12AE0];
	v5 =	vadd.f32 v41, v56  }
0x350: {  	v9 =	vld [tilespmem:s12+$0xAA20];
	v44 =	vadd.f32 v48, v47;
	v36 =	vmul.f32 v42, v42;
	v35 =	vadd.f32 v33, v3  }
0x351: {  	v37 =	vld [tilespmem:s12+$0x12AF0];
	v38 =	vadd.f32 v42, v5  }
0x352: {  	v17 =	vld [tilespmem:s12+$0x12A30];
	v45 =	vadd.f32 v59, v49;
	v49 =	vmul.f32 v44, v44;
	v0 =	vadd.f32 v36, v35  }
0x353: {  	v48 =	vld [tilespmem:s12+$0xAA00];
	v4 =	vadd.f32 v44, v38  }
0x354: {  	v59 =	vld [tilespmem:s12+$0x12A10];
	v56 =	vmul.f32 v45, v45;
	v46 =	vadd.f32 v34, v32;
	v0 =	vadd.f32 v49, v0  }
0x355: {  	v50 =	vld [tilespmem:s12+$0x12A00];
	v4 =	vadd.f32 v45, v4  }
0x356: {  	v54 =	vld [tilespmem:s12+$0xAA10];
	v31 =	vadd.f32 v37, v16;
	v36 =	vmul.f32 v46, v46;
	v0 =	vadd.f32 v56, v0  }
0x357: {  	v47 =	vld [tilespmem:s12+$0xAA40];
	v4 =	vadd.f32 v46, v4  }
0x358: {  	v37 =	vld [tilespmem:s12+$0x12A20];
	v38 =	vmul.f32 v31, v31;
	v0 =	vadd.f32 v36, v0  }
0x359: {  	v16 =	vld [tilespmem:s12+$0xAA30];
	v4 =	vadd.f32 v31, v4  }
0x35a: {  	v32 =	vld [tilespmem:s12+$0x12A50];
	v0 =	vadd.f32 v38, v0  }
0x35b: {  	v33 =	vadd.f32 v50, v48;
	v34 =	vadd.f32 v59, v54;
	v48 =	vld [tilespmem:s12+$0x12A40];
	(xrf2) =	vadd.scan.msk.f32 $0xffff, v4  }
0x35c: {  	v50 =	vld [tilespmem:s12+$0xAA50];
	(xrf2) =	vadd.scan.msk.f32 $0xffff, v0  }
0x35d: {  	v35 =	vadd.f32 v37, v9;
	v37 =	vld [tilespmem:s12+$0xAA60];
	v11 =	vadd.f32 v34, v33  }
0x35e: {  	v49 =	vmul.f32 v33, v33;
	v6 =	vmul.f32 v34, v34;
	v56 =	vld [tilespmem:s12+$0xAA70]  }
0x35f: {  	v36 =	vadd.f32 v17, v16;
	v16 =	vld [tilespmem:s12+$0x12A70];
	v0 =	vadd.f32 v35, v11  }
0x360: {  	v54 =	vmul.f32 v35, v35;
	v4 =	vadd.f32 v6, v49;
	v38 =	vld [tilespmem:s12+$0x12A60]  }
0x361: {  	v47 =	vadd.f32 v48, v47;
	v0 =	vadd.f32 v36, v0  }
0x362: {  	v59 =	vmul.f32 v36, v36;
	v4 =	vadd.f32 v54, v4  }
0x363: {  	v48 =	vadd.f32 v32, v50;
	v0 =	vadd.f32 v47, v0  }
0x364: {  	v8 =	vmul.f32 v47, v47;
	v50 =	vadd.f32 v16, v56;
	v2 =	vadd.f32 v59, v4  }
0x365: {  	v49 =	vadd.f32 v38, v37;
	v0 =	vadd.f32 v48, v0;
	v9, _, _ =	vpop (xrf2)  }
0x366: {  	v11 =	vmul.f32 v48, v48;
	v2 =	vadd.f32 v8, v2;
	(v2sf) =	vpush v9, $0xF;
	v32, _, _ =	vpop (xrf2)  }
0x367: {  	v0 =	vadd.f32 v49, v0;
	(v2sf) =	vpush v32, $0xF  }
0x368: {  	v37 =	vmul.f32 v49, v49;
	v2 =	vadd.f32 v11, v2  }
0x369: {  	v0 =	vadd.f32 v50, v0  }
0x36a: {  	v38 =	vmul.f32 v50, v50;
	v1 =	vadd.f32 v37, v2  }
0x36b: {  	(xrf2) =	vadd.scan.msk.f32 $0xffff, v0  }
0x36c: {  	v54 =	vadd.f32 v38, v1;
	_ =	sdelay $0x1  }
0x36d: {  	(xrf2) =	vadd.scan.msk.f32 $0xffff, v54;
	_ =	sdelay $0x2  }
0x36e: {  	s13 =	simm.s32 $0x100  }
0x36f: {  	v26 =	vld [tilespmem:s13+$0xAAE0]  }
0x370: {  	v3 =	vld [tilespmem:s13+$0xAA90]  }
0x371: {  	v59 =	vld [tilespmem:s13+$0x12A80]  }
0x372: {  	v2 =	vld [tilespmem:s13+$0xAA80];
	v56, _, _ =	vpop (xrf2);
	s15 =	spop (v2sf)  }
0x373: {  	v37 =	vld [tilespmem:s13+$0x12A90];
	(v2sf) =	vpush v56, $0xF;
	s6 =	smul.f32 $7.812500000e-03, s15;
	s18 =	spop (v2sf)  }
0x374: {  	v38 =	vld [tilespmem:s13+$0xAAA0];
	s1 =	smul.f32 $7.812500000e-03, s18  }
0x375: {  	v54 =	vld [tilespmem:s13+$0x12AA0];
	v32, _, _ =	vpop (xrf2);
	s21 =	smul.f32 s6, s6  }
0x376: {  	v23 =	vld [tilespmem:s13+$0x12AF0];
	(v2sf) =	vpush v32, $0xF  }
0x377: {  	v0 =	vld [tilespmem:s13+$0xAAB0];
	s1 =	ssub.f32 s1, s21  }
0x378: {  	v59 =	vadd.f32 v59, v2;
	v20 =	vadd.f32 v37, v3;
	v56 =	vld [tilespmem:s13+$0x12AB0]  }
0x379: {  	v17 =	vld [tilespmem:s13+$0xAAC0];
	s1 =	sadd.f32 $9.999999960e-13, s1  }
0x37a: {  	v1 =	vld [tilespmem:s13+$0x12AC0];
	v21 =	vadd.f32 v54, v38;
	v38 =	vmul.f32 v59, v59;
	v54 =	vmul.f32 v20, v20  }
0x37b: {  	v3 =	vld [tilespmem:s13+$0xAAD0];
	v19 =	vmov v20;
	v20 =	vadd.f32 v20, v59;
	v16 =	vmov s1  }
0x37c: {  	v37 =	vld [tilespmem:s13+$0x12AD0];
	v5 =	vadd.f32 v54, v38;
	v32 =	vshrl.u32 v16, $0x1;
	v28 =	vmul.f32 $5.000000000e-01, v16  }
0x37d: {  	v25 =	vld [tilespmem:s13+$0x12A00];
	[tilespmem:$0x1FED0] =	vst v59;
	v59 =	vmul.f32 v21, v21;
	v56 =	vadd.f32 v56, v0;
	v2 =	vsub.s32 $0x5F3759DF, v32  }
0x37e: {  	v20 =	vadd.f32 v21, v20;
	v0 =	vld [tilespmem:s13+$0x12AE0];
	v11 =	vmul.f32 v2, v28  }
0x37f: {  	v27 =	vld [tilespmem:s13+$0x12A30];
	v5 =	vadd.f32 v59, v5;
	v16 =	vadd.f32 v1, v17;
	v32 =	vmul.f32 v56, v56  }
0x380: {  	v8 =	vld [tilespmem:s13+$0xAAF0];
	v24 =	vadd.f32 v56, v20;
	v7 =	vmul.f32 v2, v11  }
0x381: {  	v9 =	vadd.f32 v37, v3;
	v3 =	vld [tilespmem:s13+$0xAA10];
	v38 =	vmul.f32 v16, v16;
	v37 =	vadd.f32 v32, v5  }
0x382: {  	v1 =	vld [tilespmem:s13+$0xAA00];
	v17 =	vmov v56;
	v56 =	vadd.f32 v16, v24;
	s15 =	spop (v2sf);
	v54 =	vsub.f32 $1.500000000e+00, v7  }
0x383: {  	v59 =	vadd.f32 v0, v26;
	v0 =	vld [tilespmem:s13+$0xAA20];
	v32 =	vmul.f32 v9, v9;
	v4 =	vadd.f32 v38, v37;
	s18 =	smul.f32 $7.812500000e-03, s15  }
0x384: {  	v24 =	vld [tilespmem:s13+$0x12A10];
	v37 =	vadd.f32 v9, v56;
	v2 =	vmul.f32 v2, v54  }
0x385: {  	v26 =	vadd.f32 v23, v8;
	v8 =	vld [tilespmem:s13+$0xAA30];
	v38 =	vmul.f32 v59, v59;
	s21 =	spop (v2sf);
	v4 =	vadd.f32 v32, v4;
	s1 =	smul.f32 s18, s18  }
0x386: {  	v7 =	vld [tilespmem:s13+$0x12A20];
	v6 =	vadd.f32 v59, v37;
	s3 =	smul.f32 $7.812500000e-03, s21;
	v23 =	vmul.f32 v2, v28  }
0x387: {  	v29 =	vld [tilespmem:s13+$0xAA40];
	v54 =	vmul.f32 v26, v26;
	v4 =	vadd.f32 v38, v4  }
0x388: {  	v25 =	vadd.f32 v25, v1;
	v1 =	vld [tilespmem:s13+$0x12A50];
	v56 =	vadd.f32 v26, v6;
	s1 =	ssub.f32 s3, s1;
	v30 =	vmul.f32 v23, v2  }
0x389: {  	v22 =	vmov v21;
	v6 =	vld [tilespmem:s13+$0x12A40];
	v4 =	vadd.f32 v54, v4;
	v23 =	vadd.f32 v24, v3  }
0x38a: {  	v21 =	vmovc v9;
	v18 =	vmov v59;
	v27 =	vadd.f32 v27, v8;
	(xrf2) =	vadd.scan.msk.f32 $0xffff, v56;
	s1 =	sadd.f32 $9.999999960e-13, s1;
	v3 =	vld [tilespmem:s13+$0xAA50];
	v59 =	vsub.f32 $1.500000000e+00, v30  }
0x38b: {  	v9 =	vmul.f32 v25, v25;
	v24 =	vadd.f32 v7, v0;
	(xrf2) =	vadd.scan.msk.f32 $0xffff, v4;
	v11 =	vmul.f32 v23, v23  }
0x38c: {  	v5 =	vld [tilespmem:s13+$0xAA60];
	v30 =	vmov s1;
	v54 =	vadd.f32 v23, v25;
	v0 =	vmul.f32 v59, v2  }
0x38d: {  	v2 =	vshrl.u32 v30, $0x1;
	v56 =	vadd.f32 v11, v9;
	v59 =	vld [tilespmem:s13+$0x12A60];
	v9 =	vmul.f32 v24, v24  }
0x38e: {  	v4 =	vadd.f32 v24, v54;
	v11 =	vmul.f32 v0, v28;
	v28 =	vadd.f32 v6, v29;
	v6 =	vld [tilespmem:s13+$0xAA70]  }
0x38f: {  	v54 =	vmul.f32 v27, v27;
	v7 =	vadd.f32 v9, v56;
	v29 =	vadd.f32 v1, v3;
	v1 =	vld [tilespmem:s13+$0x12A70]  }
0x390: {  	v3 =	vmul.f32 $5.000000000e-01, v30;
	v4 =	vadd.f32 v27, v4;
	v56 =	vmul.f32 v28, v28  }
0x391: {  	v2 =	vsub.s32 $0x5F3759DF, v2;
	v37 =	vmul.f32 v11, v0;
	v7 =	vadd.f32 v54, v7  }
0x392: {  	v4 =	vadd.f32 v28, v4;
	v30 =	vadd.f32 v59, v5;
	v59 =	vmul.f32 v2, v3  }
0x393: {  	v54 =	vmul.f32 v29, v29;
	v8 =	vsub.f32 $1.500000000e+00, v37;
	v7 =	vadd.f32 v56, v7  }
0x394: {  	v4 =	vadd.f32 v29, v4;
	v32 =	vadd.f32 v1, v6;
	v5 =	vmul.f32 v2, v59;
	v56, _, _ =	vpop (xrf2)  }
0x395: {  	v37 =	vmul.f32 v30, v30;
	v59 =	vadd.f32 v54, v7;
	(v2sf) =	vpush v56, $0xF;
	v11, _, _ =	vpop (xrf2)  }
0x396: {  	v0 =	vmul.f32 v8, v0;
	v38 =	vsub.f32 $1.500000000e+00, v5;
	(v2sf) =	vpush v11, $0xF  }
0x397: {  	v4 =	vadd.f32 v30, v4;
	v5 =	vmov s6;
	v54 =	vmul.f32 v32, v32  }
0x398: {  	v6 =	vadd.f32 v37, v59;
	v56 =	vsub.f32 v31, v5;
	v1 =	vmul.f32 v2, v38  }
0x399: {  	v31 =	vmul.f32 v0, v39;
	v4 =	vadd.f32 v32, v4;
	v43 =	vsub.f32 v43, v5  }
0x39a: {  	v40 =	vsub.f32 v40, v5;
	v41 =	vsub.f32 v41, v5;
	v59 =	vmul.f32 v1, v3  }
0x39b: {  	v42 =	vsub.f32 v42, v5;
	v45 =	vsub.f32 v45, v5;
	v2 =	vmov s18  }
0x39c: {  	v6 =	vadd.f32 v54, v6;
	v39 =	vsub.f32 v33, v2;
	v54 =	vmul.f32 v59, v1  }
0x39d: {  	v53 =	vmul.f32 v0, v53;
	v38 =	vsub.f32 v34, v2;
	v37 =	vsub.f32 v35, v2  }
0x39e: {  	v7 =	vmul.f32 v31, v56;
	(xrf2) =	vadd.scan.msk.f32 $0xffff, v4;
	v35 =	vsub.f32 v36, v2;
	v4 =	vsub.f32 $1.500000000e+00, v54  }
0x39f: {  	v56 =	vmul.f32 v0, v12;
	v34 =	vsub.f32 v48, v2;
	v48 =	vmul.f32 v0, v14  }
0x3a0: {  	v31 =	vsub.f32 v49, v2;
	v49 =	vmul.f32 v0, v55;
	(xrf2) =	vadd.scan.msk.f32 $0xffff, v6;
	v1 =	vmul.f32 v4, v1  }
0x3a1: {  	v33 =	vsub.f32 v50, v2;
	v50 =	vmul.f32 v0, v60;
	v8 =	vmul.f32 v56, v43  }
0x3a2: {  	v36 =	vsub.f32 v47, v2;
	v2 =	vmul.f32 v48, v41;
	v3 =	vmul.f32 v1, v3  }
0x3a3: {  	v7 =	vadd.f32 v7, v10;
	v59 =	vmul.f32 v0, v13;
	v0 =	vmul.f32 v0, v52  }
0x3a4: {  	v8 =	vadd.f32 v8, v51;
	v2 =	vadd.f32 v2, v57;
	v3 =	vmul.f32 v3, v1;
	s3 =	spop (v2sf)  }
0x3a5: {  	s15 =	simm.s32 $0x200;
	[tilespmem:s12+$0x1AAF0] =	vst v7;
	v7 =	vmul.f32 v53, v45;
	v54 =	vsub.f32 v44, v5;
	v5 =	vsub.f32 v46, v5;
	s18 =	smul.f32 $7.812500000e-03, s3;
	s6 =	spop (v2sf)  }
0x3a6: {  	v6 =	vmul.f32 v59, v40;
	v44 =	vld [tilespmem:s15+$0xAAB0];
	v4 =	vmul.f32 v49, v42;
	v3 =	vsub.f32 $1.500000000e+00, v3;
	s1 =	smul.f32 $7.812500000e-03, s6  }
0x3a7: {  	v40 =	vld [tilespmem:s15+$0xAA80];
	v45 =	vadd.f32 v7, v62;
	v56 =	vmul.f32 v50, v54;
	v0 =	vmul.f32 v0, v5;
	s21 =	smul.f32 s18, s18  }
0x3a8: {  	v41 =	vld [tilespmem:s15+$0x12A80];
	v6 =	vadd.f32 v6, v15;
	v46 =	vadd.f32 v4, v58;
	v50 =	vmul.f32 v3, v1  }
0x3a9: {  	v43 =	vld [tilespmem:s15+$0xAA90];
	[tilespmem:s12+$0x1AA80] =	vst v8;
	v42 =	vadd.f32 v56, v61;
	v51 =	vadd.f32 v0, v63;
	v59, _, _ =	vpop (xrf2);
	s1 =	ssub.f32 s1, s21  }
0x3aa: {  	v48 =	vld [tilespmem:s15+$0x12A90];
	[tilespmem:s12+$0x1AA90] =	vst v6;
	v60, _, _ =	vpop (xrf2);
	(v2sf) =	vpush v59, $0xF;
	v47 =	vmul.f32 v50, v12;
	v57 =	vmul.f32 v50, v13  }
0x3ab: {  	v20 =	vmovc v16;
	v49 =	vld [tilespmem:s15+$0xAAA0];
	[tilespmem:s12+$0x1AAA0] =	vst v2;
	(v2sf) =	vpush v60, $0xF;
	s6 =	simm.s32 $0xC00;
	v58 =	vmul.f32 v50, v14;
	v55 =	vmul.f32 v50, v55;
	s1 =	sadd.f32 $9.999999960e-13, s1  }
.LBB2_11:
0x3ac: {  	v0 =	vld [tilespmem:s15+$0x12AA0]  }
0x3ad: {  	v63 =	vld [tilespmem:$0x1FF40]  }
0x3ae: {  	v13 =	vld [tilespmem:$0x1FF50]  }
0x3af: {  	v14 =	vld [tilespmem:$0x1FF60]  }
0x3b0: {  	v15 =	vld [tilespmem:$0x1FF80]  }
0x3b1: {  	v9 =	vld [tilespmem:$0x1FF70];
	v1 =	vmov s1;
	[tilespmem:s12+$0x1AAB0] =	vst v46;
	v7 =	vmul.f32 v47, v39  }
0x3b2: {  	v47 =	vadd.f32 v41, v40;
	v4 =	vld [tilespmem:s15+$0x12AB0];
	v5 =	vshrl.u32 v1, $0x1;
	v1 =	vmul.f32 $5.000000000e-01, v1;
	[tilespmem:s12+$0x1AAC0] =	vst v42  }
0x3b3: {  	v41 =	vmul.f32 v57, v38;
	v40 =	vmul.f32 v58, v37;
	v6 =	vld [tilespmem:s15+$0xAAF0];
	v5 =	vsub.s32 $0x5F3759DF, v5;
	[tilespmem:s12+$0x1AAD0] =	vst v45  }
0x3b4: {  	v45 =	vadd.f32 v48, v43;
	v56 =	vmul.f32 v47, v47;
	v8 =	vld [tilespmem:s15+$0xAAC0];
	v60 =	vmul.f32 v5, v1;
	[tilespmem:s12+$0x1AAE0] =	vst v51  }
0x3b5: {  	v2 =	vmul.f32 v50, v63;
	v3 =	vmul.f32 v50, v13;
	v61 =	vld [tilespmem:s15+$0x12AC0];
	v7 =	vadd.f32 v7, v15  }
0x3b6: {  	v48 =	vadd.f32 v0, v49;
	v62 =	vld [tilespmem:s15+$0xAAD0];
	v10 =	vadd.f32 v45, v47;
	v43 =	vmul.f32 v45, v45  }
0x3b7: {  	v46 =	vmul.f32 v50, v14;
	v12 =	vld [tilespmem:s15+$0x12AD0];
	v11 =	vmul.f32 v5, v60;
	v49 =	vadd.f32 v4, v44;
	[tilespmem:s12+$0x1AA00] =	vst v7  }
0x3b8: {  	v37 =	vadd.f32 v48, v10;
	v39 =	vadd.f32 v43, v56;
	v57 =	vmul.f32 v48, v48;
	v7 =	vld [tilespmem:s15+$0xAAE0]  }
0x3b9: {  	v42 =	vmul.f32 v50, v9;
	v44 =	vmul.f32 v55, v35;
	v38 =	vsub.f32 $1.500000000e+00, v11;
	v35 =	vld [tilespmem:s15+$0x12AE0]  }
0x3ba: {  	v43 =	vmul.f32 v2, v36;
	v2 =	vld [tilespmem:s15+$0x12AF0];
	v58 =	vadd.f32 v49, v37;
	v59 =	vadd.f32 v57, v39  }
0x3bb: {  	v36 =	vld [tilespmem:s15+$0xAA00];
	v60 =	vmul.f32 v49, v49;
	s21 =	spop (v2sf);
	v50 =	vadd.f32 v61, v8;
	v5 =	vmul.f32 v5, v38  }
0x3bc: {  	v55 =	vld [tilespmem:s15+$0x12A00];
	v52 =	vadd.f32 v12, v62;
	s1 =	smul.f32 $7.812500000e-03, s21  }
0x3bd: {  	v56 =	vld [tilespmem:s15+$0x12A10];
	v37 =	vadd.f32 v60, v59;
	v61 =	vadd.f32 v50, v58;
	v62 =	vmul.f32 v5, v1  }
0x3be: {  	v8 =	vld [tilespmem:s15+$0xAA10];
	v12 =	vmul.f32 v50, v50;
	v54 =	vmov s1;
	v53 =	vadd.f32 v35, v7  }
0x3bf: {  	s3 =	smul.f32 s1, s1;
	v7 =	vld [tilespmem:s15+$0xAA20];
	v2 =	vadd.f32 v2, v6;
	s21 =	spop (v2sf);
	v39 =	vsub.f32 v25, v54;
	v4 =	vmul.f32 v62, v5  }
0x3c0: {  	v0 =	vadd.f32 v52, v61;
	v60 =	vadd.f32 v12, v37;
	v61 =	vmul.f32 v52, v52;
	v37 =	vld [tilespmem:s15+$0x12A20];
	s21 =	smul.f32 $7.812500000e-03, s21  }
0x3c1: {  	v51 =	vmul.f32 v3, v34;
	v3 =	vld [tilespmem:s15+$0xAA30];
	v25 =	vadd.f32 v55, v36;
	v4 =	vsub.f32 $1.500000000e+00, v4  }
0x3c2: {  	v35 =	vld [tilespmem:s15+$0x12A30];
	v62 =	vmul.f32 v53, v53;
	v0 =	vadd.f32 v53, v0;
	v6 =	vadd.f32 v61, v60;
	s3 =	ssub.f32 s21, s3  }
0x3c3: {  	v60 =	vmul.f32 v2, v2;
	v61 =	vld [tilespmem:s15+$0x12A40];
	v4 =	vmul.f32 v4, v5;
	v5 =	vadd.f32 v56, v8  }
0x3c4: {  	v55 =	vmul.f32 v25, v25;
	v0 =	vadd.f32 v2, v0;
	v8 =	vld [tilespmem:s15+$0xAA40];
	v6 =	vadd.f32 v62, v6;
	s1 =	sadd.f32 $9.999999960e-13, s3  }
0x3c5: {  	v7 =	vadd.f32 v37, v7;
	v1 =	vmul.f32 v4, v1;
	v10 =	vadd.f32 v5, v25  }
0x3c6: {  	v34 =	vld [tilespmem:s15+$0x12A50];
	v11 =	vmul.f32 v5, v5;
	v6 =	vadd.f32 v60, v6;
	v12 =	vmov s1  }
0x3c7: {  	v56 =	vld [tilespmem:s15+$0xAA50];
	v3 =	vadd.f32 v35, v3;
	(xrf2) =	vadd.scan.msk.f32 $0xffff, v0;
	v62 =	vshrl.u32 v12, $0x1;
	v59 =	vmul.f32 $5.000000000e-01, v12  }
0x3c8: {  	v35 =	vld [tilespmem:s15+$0xAA60];
	v1 =	vmul.f32 v1, v4;
	v36 =	vadd.f32 v11, v55;
	(xrf2) =	vadd.scan.msk.f32 $0xffff, v6;
	v37 =	vadd.f32 v7, v10  }
0x3c9: {  	v60 =	vld [tilespmem:s15+$0x12A70];
	v12 =	vmul.f32 v7, v7;
	v0 =	vsub.s32 $0x5F3759DF, v62;
	v55 =	vadd.f32 v61, v8  }
0x3ca: {  	v6 =	vld [tilespmem:s15+$0x12A60];
	v11 =	vmul.f32 v3, v3;
	v1 =	vsub.f32 $1.500000000e+00, v1;
	v58 =	vmul.f32 v0, v59  }
0x3cb: {  	v8 =	vld [tilespmem:s15+$0xAA70];
	v36 =	vadd.f32 v12, v36;
	v37 =	vadd.f32 v3, v37;
	v12 =	vmul.f32 v55, v55  }
0x3cc: {  	v1 =	vmul.f32 v1, v4;
	v4 =	vadd.f32 v34, v56;
	v56 =	vmov s18  }
0x3cd: {  	v10 =	vadd.f32 v11, v36;
	v61 =	vadd.f32 v55, v37;
	v37 =	vmul.f32 v0, v58  }
0x3ce: {  	v36 =	vsub.f32 v28, v54;
	v28 =	vmul.f32 v46, v31;
	v31 =	vsub.f32 v30, v54  }
0x3cf: {  	v16 =	vld [tilespmem:$0x1FFF0];
	v38 =	vsub.f32 v26, v56;
	v26 =	vmovc v2;
	v2 =	vadd.f32 v6, v35;
	v11 =	vmul.f32 v1, v9  }
0x3d0: {  	v62 =	vmul.f32 v4, v4;
	v34 =	vadd.f32 v12, v10;
	v8 =	vadd.f32 v60, v8;
	v9 =	vld [tilespmem:$0x1FF00]  }
0x3d1: {  	v6 =	vadd.f32 v4, v61;
	v10 =	vld [tilespmem:$0x1FF10];
	v37 =	vsub.f32 $1.500000000e+00, v37;
	v63 =	vmul.f32 v1, v63;
	v12, _, _ =	vpop (xrf2)  }
0x3d2: {  	v38 =	vmul.f32 v11, v38;
	v34 =	vadd.f32 v62, v34;
	v11 =	vld [tilespmem:$0x1FF20];
	(v2sf) =	vpush v12, $0xF;
	v12, _, _ =	vpop (xrf2)  }
0x3d3: {  	v61 =	vmul.f32 v2, v2;
	v6 =	vadd.f32 v2, v6;
	(v2sf) =	vpush v12, $0xF;
	v12 =	vld [tilespmem:$0x1FF30]  }
0x3d4: {  	v0 =	vmul.f32 v0, v37;
	v37 =	vsub.f32 v24, v54;
	v62 =	vadd.f32 v38, v16  }
0x3d5: {  	v38 =	vmul.f32 v8, v8;
	v34 =	vadd.f32 v61, v34;
	v6 =	vadd.f32 v8, v6  }
0x3d6: {  	v24 =	vmovc v7;
	v7 =	vsub.f32 v32, v54;
	v58 =	vmul.f32 v1, v9;
	v57 =	vmul.f32 v1, v10  }
0x3d7: {  	v61 =	vadd.f32 v38, v34;
	(xrf2) =	vadd.scan.msk.f32 $0xffff, v6;
	v6 =	vmul.f32 v1, v13;
	v34 =	vsub.f32 v29, v54  }
0x3d8: {  	[tilespmem:s13+$0x1AAF0] =	vst v62;
	v29 =	vsub.f32 v19, v56;
	v60 =	vmul.f32 v1, v11;
	v62 =	vmul.f32 v1, v12  }
0x3d9: {  	v32 =	vld [tilespmem:$0x1FED0];
	v38 =	vsub.f32 v23, v54;
	v1 =	vmul.f32 v1, v14;
	v14 =	vmul.f32 v0, v59  }
0x3da: {  	v19 =	vmovc v45;
	v45 =	vmul.f32 v57, v29;
	v29 =	vsub.f32 v21, v56;
	v21 =	vmov v52;
	v52 =	vld [tilespmem:$0x1FFB0]  }
0x3db: {  	v23 =	vmovc v5;
	v57 =	vsub.f32 v18, v56;
	v18 =	vmov v53;
	v53 =	vld [tilespmem:$0x1FFC0];
	v5 =	vmul.f32 v14, v0  }
0x3dc: {  	v35 =	vsub.f32 v27, v54;
	v54 =	vsub.f32 v17, v56;
	v13 =	vld [tilespmem:$0x1FF90]  }
0x3dd: {  	v33 =	vmul.f32 v42, v33;
	v46 =	vmovc v47;
	v30 =	vsub.f32 v22, v56;
	v14 =	vld [tilespmem:$0x1FFA0];
	v5 =	vsub.f32 $1.500000000e+00, v5  }
0x3de: {  	v27 =	vsub.f32 v32, v56;
	(xrf2) =	vadd.scan.msk.f32 $0xffff, v61;
	v6 =	vmul.f32 v6, v29;
	v47 =	vmul.f32 v62, v54;
	v54 =	vld [tilespmem:$0x1FFD0]  }
0x3df: {  	v1 =	vmul.f32 v1, v57;
	v57 =	vld [tilespmem:$0x1FFE0];
	v29 =	vadd.f32 v44, v52;
	v0 =	vmul.f32 v5, v0  }
0x3e0: {  	[tilespmem:$0x1FED0] =	vst v46;
	v42 =	vmul.f32 v58, v27;
	v27 =	vsub.f32 v20, v56;
	v62 =	vadd.f32 v43, v53  }
0x3e1: {  	[tilespmem:s12+$0x1AA30] =	vst v29;
	v5 =	vmul.f32 v60, v30;
	v30 =	vadd.f32 v41, v13;
	v61 =	vmul.f32 v0, v59  }
0x3e2: {  	v22 =	vmov v48;
	v48 =	vmul.f32 v63, v27;
	[tilespmem:s12+$0x1AA40] =	vst v62;
	v58 =	vadd.f32 v40, v14;
	s18 =	spop (v2sf)  }
0x3e3: {  	v46 =	vadd.f32 v47, v52;
	v56 =	vadd.f32 v51, v54;
	[tilespmem:s12+$0x1AA10] =	vst v30;
	s18 =	smul.f32 $7.812500000e-03, s18;
	s21 =	spop (v2sf);
	v63 =	vmul.f32 v61, v0  }
0x3e4: {  	s3 =	sshra.s32 s6, $0x2;
	v62 =	vadd.f32 v45, v13;
	[tilespmem:s12+$0x1AA20] =	vst v58;
	v58 =	vadd.f32 v28, v57;
	s1 =	smul.f32 $7.812500000e-03, s21  }
0x3e5: {  	p1 =	sne.s32 s6, $0x7C00;
	v27 =	vmov v3;
	v60, _, _ =	vpop (xrf2);
	v61 =	vadd.f32 v33, v16;
	v44 =	vld [tilespmem:s3+$0xAAB0];
	[tilespmem:s12+$0x1AA50] =	vst v56;
	s21 =	smul.f32 s18, s18;
	v3 =	vsub.f32 $1.500000000e+00, v63  }
.Ltmp4:
0x3e6: {  	v17 =	vmovc v49;
	v32 =	vmovc v8;
	v20 =	vmov v50;
	(v2sf) =	vpush v60, $0xF;
	v60 =	vadd.f32 v42, v15;
	v40 =	vld [tilespmem:s3+$0xAA80];
	[tilespmem:s12+$0x1AA60] =	vst v58;
	(pc) =	sbr.rel @p1 .LBB2_11-.Ltmp4, $4  }
0x3e7: {  	v42 =	vadd.f32 v48, v53;
	v45 =	vadd.f32 v6, v54;
	v41 =	vld [tilespmem:s3+$0x12A80];
	[tilespmem:s12+$0x1AA70] =	vst v61;
	s12 =	smov.u32 s13;
	v50 =	vmul.f32 v3, v0  }
0x3e8: {  	v29 =	vmov v4;
	v51 =	vadd.f32 v1, v57;
	v59, _, _ =	vpop (xrf2);
	v63 =	vadd.f32 v5, v14;
	s13 =	smov.u32 s15;
	s15 =	smov.u32 s3;
	s1 =	ssub.f32 s1, s21;
	v43 =	vld [tilespmem:s3+$0xAA90];
	[tilespmem:s12+$0x1AA80] =	vst v60  }
0x3e9: {  	v28 =	vmovc v55;
	(v2sf) =	vpush v59, $0xF;
	v48 =	vld [tilespmem:s15+$0x12A90];
	[tilespmem:s12+$0x1AA90] =	vst v62;
	v47 =	vmul.f32 v50, v9;
	v57 =	vmul.f32 v50, v10  }
0x3ea: {  	s6 =	sadd.s32 $0x400, s6;
	v30 =	vmovc v2;
	v33 =	vmov v7;
	s1 =	sadd.f32 $9.999999960e-13, s1;
	v49 =	vld [tilespmem:s15+$0xAAA0];
	[tilespmem:s12+$0x1AAA0] =	vst v63;
	v58 =	vmul.f32 v50, v11;
	v55 =	vmul.f32 v50, v12  }
0x3eb: {  	v6 =	vld [tilespmem:$0x1FF80]  }
0x3ec: {  	v0 =	vld [tilespmem:s15+$0x12AA0];
	[tilespmem:s12+$0x1AAB0] =	vst v46  }
0x3ed: {  	v1 =	vld [tilespmem:s15+$0x12AB0];
	[tilespmem:s12+$0x1AAC0] =	vst v42  }
0x3ee: {  	v4 =	vmul.f32 v47, v39;
	v2 =	vld [tilespmem:s15+$0xAAF0];
	[tilespmem:s12+$0x1AAD0] =	vst v45  }
0x3ef: {  	v45 =	vadd.f32 v41, v40;
	v3 =	vld [tilespmem:s15+$0xAAC0];
	[tilespmem:s12+$0x1AAE0] =	vst v51;
	v41 =	vadd.f32 v48, v43  }
0x3f0: {  	v5 =	vld [tilespmem:s15+$0x12AC0];
	v4 =	vadd.f32 v4, v6  }
0x3f1: {  	v56 =	vld [tilespmem:s15+$0xAAD0];
	v7 =	vmul.f32 v45, v45;
	v43 =	vadd.f32 v0, v49;
	v8 =	vmul.f32 v41, v41  }
0x3f2: {  	v59 =	vld [tilespmem:s15+$0x12AD0];
	v60 =	vadd.f32 v41, v45;
	[tilespmem:s12+$0x1AA00] =	vst v4  }
0x3f3: {  	v44 =	vadd.f32 v1, v44;
	v62 =	vadd.f32 v8, v7;
	v63 =	vmul.f32 v43, v43;
	v61 =	vld [tilespmem:s15+$0xAAE0]  }
0x3f4: {  	v12 =	vadd.f32 v43, v60;
	v13 =	vld [tilespmem:s15+$0x12AE0]  }
0x3f5: {  	v46 =	vmul.f32 v44, v44;
	v42 =	vadd.f32 v5, v3;
	v14 =	vadd.f32 v63, v62  }
0x3f6: {  	v47 =	vld [tilespmem:s15+$0x12AF0];
	v48 =	vadd.f32 v44, v12  }
0x3f7: {  	v40 =	vadd.f32 v59, v56;
	v49 =	vadd.f32 v46, v14;
	v51 =	vmul.f32 v42, v42  }
0x3f8: {  	v60 =	vld [tilespmem:s15+$0x12A00];
	v52 =	vadd.f32 v42, v48  }
0x3f9: {  	v39 =	vld [tilespmem:s15+$0xAA10];
	v53 =	vmul.f32 v40, v40;
	v59 =	vadd.f32 v13, v61;
	v0 =	vadd.f32 v51, v49  }
0x3fa: {  	v62 =	vld [tilespmem:s15+$0x12A20];
	v54 =	vadd.f32 v40, v52  }
0x3fb: {  	v46 =	vadd.f32 v47, v2;
	v2 =	vld [tilespmem:s15+$0xAA00];
	v0 =	vadd.f32 v53, v0;
	v56 =	vmul.f32 v59, v59  }
0x3fc: {  	v47 =	vld [tilespmem:s15+$0x12A10];
	v3 =	vadd.f32 v59, v54  }
0x3fd: {  	v12 =	vld [tilespmem:s15+$0xAA30];
	v14 =	vmul.f32 v46, v46;
	v0 =	vadd.f32 v56, v0  }
0x3fe: {  	v13 =	vld [tilespmem:s15+$0x12A30];
	v3 =	vadd.f32 v46, v3  }
0x3ff: {  	v56 =	vld [tilespmem:s15+$0xAA20];
	v0 =	vadd.f32 v14, v0  }
0x400: {  	v5 =	vld [tilespmem:s15+$0xAA50];
	(xrf2) =	vadd.scan.msk.f32 $0xffff, v3  }
0x401: {  	v61 =	vmov s1;
	v53 =	vld [tilespmem:s15+$0x12A50];
	v51 =	vadd.f32 v60, v2;
	v47 =	vadd.f32 v47, v39;
	(xrf2) =	vadd.scan.msk.f32 $0xffff, v0  }
0x402: {  	v52 =	vld [tilespmem:s15+$0xAA40];
	v63 =	vshrl.u32 v61, $0x1  }
0x403: {  	v39 =	vld [tilespmem:s15+$0x12A40];
	v49 =	vadd.f32 v13, v12;
	v3 =	vmul.f32 $5.000000000e-01, v61;
	v6 =	vadd.f32 v47, v51  }
0x404: {  	v12 =	vld [tilespmem:s15+$0x12A60];
	v61 =	vmul.f32 v51, v51;
	v0 =	vsub.s32 $0x5F3759DF, v63;
	v48 =	vadd.f32 v62, v56  }
0x405: {  	v63 =	vld [tilespmem:s15+$0xAA60];
	v14 =	vmul.f32 v0, v3;
	v62 =	vmul.f32 v47, v47  }
0x406: {  	v53 =	vadd.f32 v53, v5;
	v6 =	vadd.f32 v48, v6  }
0x407: {  	v60 =	vmul.f32 v0, v14;
	v4 =	vadd.f32 v62, v61;
	v54 =	vmul.f32 v48, v48  }
0x408: {  	v56 =	vld [tilespmem:s15+$0xAA70];
	v52 =	vadd.f32 v39, v52;
	v6 =	vadd.f32 v49, v6  }
0x409: {  	v39 =	vmul.f32 v49, v49;
	v1 =	vsub.f32 $1.500000000e+00, v60;
	v4 =	vadd.f32 v54, v4;
	v60 =	vld [tilespmem:s15+$0x12A70]  }
0x40a: {  	v54 =	vadd.f32 v12, v63;
	v61 =	vadd.f32 v52, v6;
	v13, _, _ =	vpop (xrf2)  }
0x40b: {  	v62 =	vmul.f32 v52, v52;
	v4 =	vadd.f32 v39, v4;
	(v2sf) =	vpush v13, $0xF;
	v14, _, _ =	vpop (xrf2)  }
0x40c: {  	v0 =	vmul.f32 v0, v1;
	v1 =	vadd.f32 v53, v61;
	(v2sf) =	vpush v14, $0xF  }
0x40d: {  	s3 =	spop (v2sf);
	v9 =	vmul.f32 v53, v53;
	v4 =	vadd.f32 v62, v4  }
0x40e: {  	s1 =	smul.f32 $7.812500000e-03, s3;
	s6 =	spop (v2sf);
	v56 =	vadd.f32 v60, v56;
	v1 =	vadd.f32 v54, v1  }
0x40f: {  	s6 =	smul.f32 $7.812500000e-03, s6;
	v11 =	vmul.f32 v54, v54;
	v63 =	vmul.f32 v0, v3;
	v4 =	vadd.f32 v9, v4  }
0x410: {  	s3 =	smul.f32 s1, s1;
	v1 =	vadd.f32 v56, v1  }
0x411: {  	v10 =	vmul.f32 v63, v0;
	v12 =	vmul.f32 v56, v56;
	v4 =	vadd.f32 v11, v4  }
0x412: {  	s3 =	ssub.f32 s6, s3;
	(xrf2) =	vadd.scan.msk.f32 $0xffff, v1  }
0x413: {  	v2 =	vsub.f32 $1.500000000e+00, v10;
	v13 =	vadd.f32 v12, v4  }
0x414: {  	v15 =	vld [tilespmem:$0x1FF60];
	s3 =	sadd.f32 $9.999999960e-13, s3  }
0x415: {  	v61 =	vld [tilespmem:$0x1FF50];
	v0 =	vmul.f32 v2, v0;
	(xrf2) =	vadd.scan.msk.f32 $0xffff, v13  }
0x416: {  	v60 =	vld [tilespmem:$0x1FF40];
	v14 =	vmov s3  }
0x417: {  	v35 =	vmul.f32 v55, v35;
	v39 =	vshrl.u32 v14, $0x1;
	v2 =	vmul.f32 v0, v3  }
0x418: {  	v8 =	vmul.f32 v58, v37;
	v1 =	vsub.s32 $0x5F3759DF, v39;
	v39 =	vld [tilespmem:$0x1FF70];
	v3 =	vmul.f32 $5.000000000e-01, v14  }
0x419: {  	v6 =	vmul.f32 v57, v38;
	v2 =	vmul.f32 v2, v0  }
0x41a: {  	v7 =	vmov s18;
	v10 =	vmul.f32 v50, v15;
	v63 =	vmul.f32 v1, v3;
	s6 =	spop (v2sf)  }
0x41b: {  	v62 =	vmul.f32 v50, v61;
	v4 =	vmul.f32 v50, v60;
	v12 =	vld [tilespmem:$0x1FF00];
	v2 =	vsub.f32 $1.500000000e+00, v2;
	s6 =	smul.f32 $7.812500000e-03, s6;
	s21 =	spop (v2sf)  }
0x41c: {  	v26 =	vsub.f32 v26, v7;
	v31 =	vmul.f32 v10, v31;
	v13 =	vld [tilespmem:$0x1FF10];
	v14 =	vmul.f32 v1, v63;
	v57, _, _ =	vpop (xrf2);
	s3 =	smul.f32 $7.812500000e-03, s21  }
0x41d: {  	v9 =	vld [tilespmem:$0x1FED0];
	v58 =	vmul.f32 v50, v39;
	v0 =	vmul.f32 v2, v0;
	(v2sf) =	vpush v57, $0xF;
	s21 =	smul.f32 s6, s6  }
0x41e: {  	v5 =	vmul.f32 v62, v34;
	v4 =	vmul.f32 v4, v36;
	v2 =	vsub.f32 $1.500000000e+00, v14  }
0x41f: {  	v16 =	vsub.f32 v17, v7;
	v33 =	vmul.f32 v58, v33;
	v55 =	vmul.f32 v0, v39;
	v11, _, _ =	vpop (xrf2);
	s3 =	ssub.f32 s3, s21  }
0x420: {  	v1 =	vmul.f32 v1, v2;
	v62 =	vmul.f32 v0, v12;
	(v2sf) =	vpush v11, $0xF  }
0x421: {  	v10 =	vsub.f32 v22, v7;
	v63 =	vmul.f32 v0, v13;
	v22 =	vmul.f32 v0, v61;
	s3 =	sadd.f32 $9.999999960e-13, s3  }
0x422: {  	v9 =	vsub.f32 v9, v7;
	v26 =	vmul.f32 v55, v26;
	v14 =	vmul.f32 v1, v3  }
0x423: {  	v11 =	vsub.f32 v19, v7;
	v19 =	vsub.f32 v20, v7;
	v55 =	vmov s3  }
0x424: {  	v38 =	vmul.f32 v14, v1;
	v14 =	vld [tilespmem:$0x1FF20];
	v57 =	vshrl.u32 v55, $0x1;
	v36 =	vmul.f32 $5.000000000e-01, v55  }
0x425: {  	v20 =	vsub.f32 v21, v7;
	v11 =	vmul.f32 v63, v11;
	v37 =	vsub.s32 $0x5F3759DF, v57  }
0x426: {  	v63 =	vmov s1;
	v38 =	vsub.f32 $1.500000000e+00, v38;
	v58 =	vmul.f32 v37, v36  }
0x427: {  	v2 =	vmul.f32 v62, v9;
	v7 =	vsub.f32 v18, v7;
	v25 =	vsub.f32 v25, v63  }
0x428: {  	v23 =	vsub.f32 v23, v63;
	v1 =	vmul.f32 v38, v1;
	v55 =	vld [tilespmem:$0x1FF30];
	v50 =	vmul.f32 v37, v58  }
0x429: {  	v24 =	vsub.f32 v24, v63;
	v27 =	vsub.f32 v27, v63;
	v62 =	vmul.f32 v0, v14  }
0x42a: {  	v28 =	vsub.f32 v28, v63;
	v3 =	vmul.f32 v1, v3;
	v38 =	vmovc v61;
	v61 =	vld [tilespmem:$0x1FFC0];
	v57 =	vsub.f32 $1.500000000e+00, v50  }
0x42b: {  	v29 =	vsub.f32 v29, v63;
	v9 =	vmul.f32 v62, v10;
	v62 =	vmul.f32 v0, v60;
	v10 =	vld [tilespmem:$0x1FFF0]  }
0x42c: {  	v30 =	vsub.f32 v30, v63;
	v3 =	vmul.f32 v3, v1;
	s18 =	spop (v2sf);
	v17 =	vmul.f32 v37, v57  }
0x42d: {  	v32 =	vsub.f32 v32, v63;
	v19 =	vmul.f32 v62, v19;
	v62 =	vld [tilespmem:$0x1FFD0];
	v58 =	vmul.f32 v0, v55;
	s1 =	smul.f32 $7.812500000e-03, s18  }
0x42e: {  	v0 =	vmul.f32 v0, v15;
	v3 =	vsub.f32 $1.500000000e+00, v3;
	v37 =	vmovc v15;
	v15 =	vld [tilespmem:$0x1FF90];
	v63 =	vmul.f32 v17, v36  }
0x42f: {  	v20 =	vmul.f32 v22, v20;
	v4 =	vadd.f32 v4, v61;
	v16 =	vmul.f32 v58, v16;
	v57 =	vld [tilespmem:$0x1FFA0];
	s21 =	spop (v2sf);
	s3 =	smul.f32 s1, s1  }
0x430: {  	v26 =	vadd.f32 v26, v10;
	v1 =	vmul.f32 v3, v1;
	s18 =	smul.f32 $7.812500000e-03, s21;
	v34 =	vmul.f32 v63, v17;
	v63 =	vld [tilespmem:$0x1FFE0]  }
0x431: {  	v0 =	vmul.f32 v0, v7;
	v3 =	vadd.f32 v33, v10;
	v33 =	vadd.f32 v19, v61  }
0x432: {  	v5 =	vadd.f32 v5, v62;
	[tilespmem:s13+$0x1AAF0] =	vst v26;
	v26 =	vmul.f32 v1, v55;
	s3 =	ssub.f32 s18, s3;
	v22 =	vsub.f32 $1.500000000e+00, v34  }
0x433: {  	v58 =	vld [tilespmem:$0x1FFB0];
	v19 =	vmul.f32 v1, v60;
	v20 =	vadd.f32 v20, v62;
	[tilespmem:s12+$0x1AA40] =	vst v4;
	v4 =	vmul.f32 v1, v37  }
0x434: {  	v50 =	vld [tilespmem:$0x1FF80];
	v6 =	vadd.f32 v6, v15;
	v18 =	vadd.f32 v11, v15;
	s3 =	sadd.f32 $9.999999960e-13, s3;
	v7 =	vmul.f32 v22, v17  }
0x435: {  	v17 =	vadd.f32 v9, v57;
	v21 =	vadd.f32 v31, v63;
	v31 =	vmul.f32 v1, v12  }
0x436: {  	v9 =	vmul.f32 v1, v13;
	v11 =	vmov s3;
	v22 =	vmul.f32 v7, v36  }
0x437: {  	v36 =	vmul.f32 $5.000000000e-01, v11;
	v25 =	vmul.f32 v31, v25;
	v31 =	vshrl.u32 v11, $0x1  }
0x438: {  	[tilespmem:s12+$0x1AA10] =	vst v6;
	v6 =	vadd.f32 v16, v58;
	v16 =	vmul.f32 v9, v23;
	v31 =	vsub.s32 $0x5F3759DF, v31  }
0x439: {  	v2 =	vadd.f32 v2, v50;
	v22 =	vmul.f32 v22, v7;
	v23 =	vmul.f32 v31, v36  }
0x43a: {  	[tilespmem:s12+$0x1AA70] =	vst v3;
	v8 =	vadd.f32 v8, v57;
	v34 =	vadd.f32 v35, v58;
	v35 =	vmul.f32 v1, v14  }
0x43b: {  	[tilespmem:s12+$0x1AA50] =	vst v5;
	v19 =	vmul.f32 v19, v28;
	v22 =	vsub.f32 $1.500000000e+00, v22;
	v23 =	vmul.f32 v31, v23  }
0x43c: {  	v4 =	vmul.f32 v4, v30;
	[tilespmem:s12+$0x1AA20] =	vst v8;
	v5 =	vmul.f32 v35, v24;
	v24 =	vmov s6  }
0x43d: {  	[tilespmem:s12+$0x1AA30] =	vst v34;
	v0 =	vadd.f32 v0, v63;
	v7 =	vmul.f32 v22, v7;
	v23 =	vsub.f32 $1.500000000e+00, v23  }
0x43e: {  	v4 =	vadd.f32 v4, v63;
	v5 =	vadd.f32 v5, v57;
	[tilespmem:s12+$0x1AA60] =	vst v21;
	v21 =	vmul.f32 v26, v27  }
0x43f: {  	v26 =	vsub.f32 v46, v24;
	[tilespmem:s13+$0x1AA80] =	vst v2;
	v27 =	vmul.f32 v7, v39;
	v23 =	vmul.f32 v31, v23  }
0x440: {  	v2 =	vmov s1;
	[tilespmem:s13+$0x1AA90] =	vst v18;
	v16 =	vadd.f32 v16, v15;
	v3 =	vadd.f32 v25, v50  }
0x441: {  	[tilespmem:s13+$0x1AAB0] =	vst v6;
	v18 =	vsub.f32 v51, v2;
	v25 =	vmul.f32 v27, v26;
	v27 =	vmul.f32 v23, v36  }
0x442: {  	[tilespmem:s13+$0x1AAC0] =	vst v33;
	v6 =	vsub.f32 v47, v2;
	v33 =	vsub.f32 v52, v2;
	v22 =	vmul.f32 v1, v38  }
0x443: {  	v34 =	vsub.f32 v53, v2;
	v35 =	vsub.f32 v54, v2;
	v27 =	vmul.f32 v27, v23  }
0x444: {  	[tilespmem:s13+$0x1AAA0] =	vst v17;
	v53 =	vadd.f32 v19, v61;
	v1 =	vmul.f32 v1, v39;
	v22 =	vmul.f32 v22, v29  }
0x445: {  	[tilespmem:s13+$0x1AAD0] =	vst v20;
	v28 =	vmul.f32 v7, v14;
	v46 =	vmul.f32 v7, v55;
	v27 =	vsub.f32 $1.500000000e+00, v27  }
0x446: {  	[tilespmem:s13+$0x1AAE0] =	vst v0;
	v20 =	vmul.f32 v7, v60;
	v47 =	vmul.f32 v7, v38;
	v17 =	vadd.f32 v25, v10  }
0x447: {  	[tilespmem:s13+$0x1AA00] =	vst v3;
	v29 =	vsub.f32 v48, v2;
	v1 =	vmul.f32 v1, v32;
	v23 =	vmul.f32 v27, v23  }
0x448: {  	v31 =	vsub.f32 v49, v2;
	v49 =	vsub.f32 v45, v24;
	v26 =	vmul.f32 v7, v12;
	[tilespmem:s15+$0x1AAF0] =	vst v17  }
0x449: {  	v32 =	vsub.f32 v59, v24;
	v2 =	vsub.f32 v56, v2;
	[tilespmem:s13+$0x1AA10] =	vst v16;
	v36 =	vmul.f32 v23, v36  }
0x44a: {  	v1 =	vadd.f32 v1, v10;
	v3 =	vmul.f32 v26, v49;
	v16 =	vadd.f32 v21, v58;
	[tilespmem:s13+$0x1AA20] =	vst v5  }
0x44b: {  	v25 =	vmul.f32 v7, v13;
	v17 =	vsub.f32 v41, v24;
	[tilespmem:s13+$0x1AA40] =	vst v53;
	v19 =	vmul.f32 v36, v23  }
0x44c: {  	v7 =	vmul.f32 v7, v37;
	v3 =	vadd.f32 v3, v50;
	[tilespmem:s13+$0x1AA30] =	vst v16;
	v16 =	vadd.f32 v22, v62  }
0x44d: {  	v21 =	vsub.f32 v44, v24;
	[tilespmem:s13+$0x1AA70] =	vst v1;
	v54 =	vmul.f32 v25, v17;
	v17 =	vsub.f32 $1.500000000e+00, v19  }
0x44e: {  	v1 =	vmul.f32 v7, v32;
	v27 =	vsub.f32 v43, v24;
	[tilespmem:s13+$0x1AA50] =	vst v16;
	v16 =	vsub.f32 v40, v24  }
0x44f: {  	[tilespmem:s13+$0x1AA60] =	vst v4;
	v56 =	vmul.f32 v46, v21;
	v5 =	vadd.f32 v54, v15;
	v8 =	vmul.f32 v17, v23  }
0x450: {  	v22 =	vsub.f32 v42, v24;
	v1 =	vadd.f32 v1, v63;
	[tilespmem:s15+$0x1AA80] =	vst v3;
	v0 =	vmul.f32 v47, v16  }
0x451: {  	[tilespmem:s15+$0x1AA90] =	vst v5;
	v36 =	vadd.f32 v56, v58;
	v19 =	vmul.f32 v28, v27;
	v40 =	vmul.f32 v8, v12  }
0x452: {  	[tilespmem:s15+$0x1AAE0] =	vst v1;
	v0 =	vadd.f32 v0, v62;
	v17 =	vmul.f32 v20, v22;
	v42 =	vmul.f32 v8, v13  }
0x453: {  	[tilespmem:s15+$0x1AAB0] =	vst v36;
	v19 =	vadd.f32 v19, v57;
	v16 =	vmul.f32 v8, v14;
	v43 =	vmul.f32 v40, v18  }
0x454: {  	[tilespmem:s15+$0x1AAD0] =	vst v0;
	v41 =	vadd.f32 v17, v61;
	v46 =	vmul.f32 v8, v60;
	v45 =	vmul.f32 v42, v6  }
0x455: {  	[tilespmem:s15+$0x1AAA0] =	vst v19;
	v49 =	vmul.f32 v8, v38;
	v48 =	vmul.f32 v16, v29;
	v47 =	vadd.f32 v43, v50  }
0x456: {  	v54 =	vmul.f32 v8, v37;
	[tilespmem:s15+$0x1AAC0] =	vst v41;
	v56 =	vmul.f32 v46, v33;
	v53 =	vadd.f32 v45, v15  }
0x457: {  	v59 =	vmul.f32 v8, v39;
	v7 =	vmul.f32 v49, v34;
	v3 =	vadd.f32 v48, v57;
	[tilespmem:s15+$0x1AA00] =	vst v47  }
0x458: {  	v44 =	vmul.f32 v8, v55;
	v9 =	vmul.f32 v54, v35;
	v0 =	vadd.f32 v56, v61;
	[tilespmem:s15+$0x1AA10] =	vst v53  }
0x459: {  	v2 =	vmul.f32 v59, v2;
	v32 =	vadd.f32 v7, v62;
	[tilespmem:s15+$0x1AA20] =	vst v3  }
0x45a: {  	v51 =	vmov v50;
	v50 =	vmul.f32 v44, v31;
	v33 =	vadd.f32 v9, v63;
	[tilespmem:s15+$0x1AA40] =	vst v0  }
0x45b: {  	v34 =	vadd.f32 v2, v10;
	[tilespmem:s15+$0x1AA50] =	vst v32  }
0x45c: {  	v1 =	vadd.f32 v50, v58;
	[tilespmem:s15+$0x1AA60] =	vst v33  }
0x45d: {  	s3 =	sshll.u32 s10, $0xA;
	[tilespmem:s15+$0x1AA70] =	vst v34  }
0x45e: {  	s1 =	sadd.s32 s3, s16;
	[tilespmem:s15+$0x1AA30] =	vst v1  }
0x45f: {  	[hbm4b:s1+s9] =	stream.linear.scatter [tilespmem:s31], [sflag:$0xB], $0x2000, $0x38;
	[tilespmem:$0x1EA00] =	vst v63  }
0x460: {  	s1 =	simm.s32 @!p0 $0xA  }
0x461: {  	_ =	swait.ge @!p0 [sflag:s1], $0x2000  }
0x462: {  	s6 =	simm.s32 @!p0 $0x8A00;
	[sflag:s1] =	ssyncset.done @!p0 $0x0  }
0x463: {  	s3 =	simm.s32 @!p0 $0x40;
	[sflag:s1] =	ssyncadd.s32 @!p0 $0xFFFFE000;
	s1 =	sadd.s32 @!p0 $0x140, s11  }
0x464: {  	[tilespmem:s6], [sflag:$0x2] =	stream.indirect.gather @!p0 [hbm4b:s0+s3], $0x80, s1, s3, $0xb8;
	[tilespmem:$0x1EA00] =	vst v63  }
0x465: {  	s1 =	sadd.s32 @!p0 $0x940, s11;
	s6 =	simm.s32 @!p0 $0x10A00  }
0x466: {  	[tilespmem:s6], [sflag:$0x6] =	stream.indirect.gather @!p0 [spmem:s7], $0x80, s1, s3, $0xb8;
	[tilespmem:$0x1EA00] =	vst v63  }
0x467: {  	_ =	swait.ge [sflag:s5], $0x2000  }
0x468: {  	[sflag:s5] =	ssyncset.done $0x0  }
0x469: {  	[sflag:s5] =	ssyncadd.s32 $0xFFFFE000  }
0x46a: {  	_ =	swait.ge [sflag:s2], $0x2000  }
0x46b: {  	[sflag:s2] =	ssyncset.done $0x0  }
0x46c: {  	s10 =	simm.s32 $0x0;
	[sflag:s2] =	ssyncadd.s32 $0xFFFFE000  }
0x46d: {  	v35 =	vld [tilespmem:s10+$0xCA80]  }
0x46e: {  	v36 =	vld [tilespmem:s10+$0x14A80]  }
0x46f: {  	v52 =	vmov v37;
	v37 =	vld [tilespmem:s10+$0xCA90]  }
0x470: {  	v11 =	vmov v38;
	v38 =	vld [tilespmem:s10+$0x14A90]  }
0x471: {  	v45 =	vld [tilespmem:s10+$0xCAA0]  }
0x472: {  	v46 =	vld [tilespmem:s10+$0x14AA0]  }
0x473: {  	v47 =	vld [tilespmem:s10+$0xCAB0]  }
0x474: {  	v48 =	vld [tilespmem:s10+$0x14AB0]  }
0x475: {  	v49 =	vld [tilespmem:s10+$0xCAC0];
	v43 =	vadd.f32 v36, v35;
	v40 =	vadd.f32 v38, v37  }
0x476: {  	v50 =	vld [tilespmem:s10+$0x14AC0]  }
0x477: {  	v53 =	vld [tilespmem:s10+$0xCAD0];
	v41 =	vadd.f32 v46, v45;
	v54 =	vmul.f32 v43, v43;
	v56 =	vmul.f32 v40, v40  }
0x478: {  	v32 =	vld [tilespmem:s10+$0x14AD0];
	v59 =	vadd.f32 v40, v43  }
0x479: {  	v33 =	vld [tilespmem:s10+$0xCAE0];
	v42 =	vadd.f32 v48, v47;
	v34 =	vmul.f32 v41, v41;
	v3 =	vadd.f32 v56, v54  }
0x47a: {  	v35 =	vld [tilespmem:s10+$0x14AE0];
	v5 =	vadd.f32 v41, v59  }
0x47b: {  	v16 =	vld [tilespmem:s10+$0xCAF0];
	v44 =	vadd.f32 v50, v49;
	v37 =	vmul.f32 v42, v42;
	v36 =	vadd.f32 v34, v3  }
0x47c: {  	v38 =	vld [tilespmem:s10+$0x14AF0];
	v48 =	vadd.f32 v42, v5  }
0x47d: {  	v45 =	vadd.f32 v32, v53;
	v50 =	vmul.f32 v44, v44;
	v0 =	vadd.f32 v37, v36  }
0x47e: {  	v9 =	vld [tilespmem:s10+$0xCA20];
	v4 =	vadd.f32 v44, v48  }
0x47f: {  	v49 =	vld [tilespmem:s10+$0xCA00];
	v56 =	vmul.f32 v45, v45;
	v46 =	vadd.f32 v35, v33;
	v0 =	vadd.f32 v50, v0  }
0x480: {  	v53 =	vld [tilespmem:s10+$0x14A00];
	v4 =	vadd.f32 v45, v4  }
0x481: {  	v54 =	vld [tilespmem:s10+$0xCA10];
	v29 =	vadd.f32 v38, v16;
	v36 =	vmul.f32 v46, v46;
	v0 =	vadd.f32 v56, v0  }
0x482: {  	v59 =	vld [tilespmem:s10+$0x14A10];
	v4 =	vadd.f32 v46, v4  }
0x483: {  	v17 =	vld [tilespmem:s10+$0x14A30];
	v38 =	vmul.f32 v29, v29;
	v0 =	vadd.f32 v36, v0  }
0x484: {  	v37 =	vld [tilespmem:s10+$0x14A20];
	v4 =	vadd.f32 v29, v4  }
0x485: {  	v47 =	vld [tilespmem:s10+$0xCA40];
	v0 =	vadd.f32 v38, v0  }
0x486: {  	v16 =	vld [tilespmem:s10+$0xCA30];
	(xrf2) =	vadd.scan.msk.f32 $0xffff, v4  }
0x487: {  	v32 =	vld [tilespmem:s10+$0x14A60];
	v33 =	vadd.f32 v53, v49;
	v34 =	vadd.f32 v59, v54;
	(xrf2) =	vadd.scan.msk.f32 $0xffff, v0  }
0x488: {  	v48 =	vld [tilespmem:s10+$0x14A40]  }
0x489: {  	v50 =	vld [tilespmem:s10+$0xCA50];
	v54 =	vadd.f32 v34, v33;
	v35 =	vadd.f32 v37, v9  }
0x48a: {  	v49 =	vmul.f32 v33, v33;
	v6 =	vmul.f32 v34, v34;
	v56 =	vld [tilespmem:s10+$0x14A50]  }
0x48b: {  	v59 =	vld [tilespmem:s10+$0xCA60];
	v36 =	vadd.f32 v17, v16;
	v0 =	vadd.f32 v35, v54  }
0x48c: {  	v37 =	vmul.f32 v35, v35;
	v4 =	vadd.f32 v6, v49  }
0x48d: {  	v47 =	vadd.f32 v48, v47;
	v16 =	vld [tilespmem:s10+$0x14A70];
	v0 =	vadd.f32 v36, v0  }
0x48e: {  	v38 =	vld [tilespmem:s10+$0xCA70];
	v53 =	vmul.f32 v36, v36;
	v4 =	vadd.f32 v37, v4  }
0x48f: {  	v48 =	vadd.f32 v56, v50;
	v0 =	vadd.f32 v47, v0  }
0x490: {  	v49 =	vadd.f32 v32, v59;
	v54 =	vmul.f32 v47, v47;
	v2 =	vadd.f32 v53, v4;
	v56, _, _ =	vpop (xrf2)  }
0x491: {  	v0 =	vadd.f32 v48, v0;
	(v2sf) =	vpush v56, $0xF;
	v6, _, _ =	vpop (xrf2)  }
0x492: {  	v59 =	vmul.f32 v48, v48;
	v2 =	vadd.f32 v54, v2;
	(v2sf) =	vpush v6, $0xF  }
0x493: {  	v50 =	vadd.f32 v16, v38;
	v0 =	vadd.f32 v49, v0  }
0x494: {  	v7 =	vmul.f32 v49, v49;
	v2 =	vadd.f32 v59, v2  }
0x495: {  	v0 =	vadd.f32 v50, v0  }
0x496: {  	v8 =	vmul.f32 v50, v50;
	v1 =	vadd.f32 v7, v2  }
0x497: {  	(xrf2) =	vadd.scan.msk.f32 $0xffff, v0  }
0x498: {  	v9 =	vadd.f32 v8, v1;
	_ =	sdelay $0x1  }
0x499: {  	(xrf2) =	vadd.scan.msk.f32 $0xffff, v9;
	_ =	sdelay $0x2  }
0x49a: {  	s11 =	simm.s32 $0x100  }
0x49b: {  	v37 =	vld [tilespmem:s11+$0x14A80]  }
0x49c: {  	v38 =	vld [tilespmem:s11+$0xCA90]  }
0x49d: {  	v54 =	vld [tilespmem:s11+$0x14A90];
	s6 =	spop (v2sf)  }
0x49e: {  	v59 =	vld [tilespmem:s11+$0x14AA0];
	v32, _, _ =	vpop (xrf2);
	s12 =	smul.f32 $7.812500000e-03, s6;
	s13 =	spop (v2sf)  }
0x49f: {  	v2 =	vld [tilespmem:s11+$0xCA80];
	(v2sf) =	vpush v32, $0xF;
	s1 =	smul.f32 $7.812500000e-03, s13  }
0x4a0: {  	v56 =	vld [tilespmem:s11+$0xCAA0];
	s15 =	smul.f32 s12, s12  }
0x4a1: {  	v18 =	vld [tilespmem:s11+$0xCAC0];
	v53, _, _ =	vpop (xrf2)  }
0x4a2: {  	v22 =	vld [tilespmem:s11+$0xCAE0];
	(v2sf) =	vpush v53, $0xF;
	s1 =	ssub.f32 s1, s15  }
0x4a3: {  	v0 =	vld [tilespmem:s11+$0xCAB0]  }
0x4a4: {  	v20 =	vadd.f32 v37, v2;
	v37 =	vadd.f32 v54, v38;
	v32 =	vld [tilespmem:s11+$0x14AB0];
	s1 =	sadd.f32 $9.999999960e-13, s1  }
0x4a5: {  	v38 =	vld [tilespmem:s11+$0x14AC0];
	v16 =	vadd.f32 v59, v56  }
0x4a6: {  	v3 =	vld [tilespmem:s11+$0xCAD0];
	v56 =	vmul.f32 v20, v20;
	v59 =	vmul.f32 v37, v37;
	v17 =	vmov s1  }
0x4a7: {  	v54 =	vld [tilespmem:s11+$0x14AD0];
	v53 =	vshrl.u32 v17, $0x1;
	v28 =	vmul.f32 $5.000000000e-01, v17  }
0x4a8: {  	v23 =	vld [tilespmem:s11+$0x14AF0];
	v9 =	vadd.f32 v37, v20;
	v5 =	vadd.f32 v59, v56;
	v2 =	vsub.s32 $0x5F3759DF, v53  }
0x4a9: {  	v19 =	vmovc v37;
	v24 =	vadd.f32 v32, v0;
	v0 =	vld [tilespmem:s11+$0x14AE0];
	v32 =	vmul.f32 v16, v16;
	v37 =	vmul.f32 v2, v28  }
0x4aa: {  	v25 =	vld [tilespmem:s11+$0x14A00];
	[tilespmem:$0x1FEC0] =	vst v16;
	v38 =	vadd.f32 v38, v18;
	v16 =	vadd.f32 v16, v9  }
0x4ab: {  	v8 =	vld [tilespmem:s11+$0xCAF0];
	v5 =	vadd.f32 v32, v5;
	v53 =	vmul.f32 v24, v24;
	v7 =	vmul.f32 v2, v37  }
0x4ac: {  	v27 =	vld [tilespmem:s11+$0x14A10];
	v18 =	vmov v24;
	v24 =	vadd.f32 v24, v16;
	v16 =	vadd.f32 v54, v3  }
0x4ad: {  	v1 =	vld [tilespmem:s11+$0xCA00];
	v56 =	vmul.f32 v38, v38;
	v54 =	vadd.f32 v53, v5;
	v59 =	vsub.f32 $1.500000000e+00, v7  }
0x4ae: {  	v30 =	vld [tilespmem:s11+$0x14A30];
	v22 =	vadd.f32 v0, v22;
	v9 =	vadd.f32 v38, v24;
	s18 =	spop (v2sf)  }
0x4af: {  	v3 =	vld [tilespmem:s11+$0xCA10];
	v32 =	vmul.f32 v16, v16;
	v4 =	vadd.f32 v56, v54;
	s21 =	smul.f32 $7.812500000e-03, s18;
	v2 =	vmul.f32 v2, v59  }
0x4b0: {  	v21 =	vmov v20;
	v0 =	vld [tilespmem:s11+$0xCA20];
	v24 =	vadd.f32 v23, v8;
	v37 =	vadd.f32 v16, v9  }
0x4b1: {  	v20 =	vmovc v38;
	v38 =	vmul.f32 v22, v22;
	v7 =	vld [tilespmem:s11+$0x14A20];
	s13 =	spop (v2sf);
	v4 =	vadd.f32 v32, v4;
	s1 =	smul.f32 s21, s21;
	v23 =	vmul.f32 v2, v28  }
0x4b2: {  	v26 =	vadd.f32 v25, v1;
	v8 =	vld [tilespmem:s11+$0xCA30];
	v6 =	vadd.f32 v22, v37;
	s3 =	smul.f32 $7.812500000e-03, s13  }
0x4b3: {  	v31 =	vld [tilespmem:s11+$0xCA40];
	v53 =	vmul.f32 v24, v24;
	v4 =	vadd.f32 v38, v4;
	v54 =	vmul.f32 v23, v2  }
0x4b4: {  	v1 =	vld [tilespmem:s11+$0x14A50];
	v56 =	vadd.f32 v24, v6;
	s1 =	ssub.f32 s3, s1;
	v23 =	vadd.f32 v27, v3  }
0x4b5: {  	v6 =	vld [tilespmem:s11+$0x14A40];
	v4 =	vadd.f32 v53, v4;
	v59 =	vsub.f32 $1.500000000e+00, v54  }
0x4b6: {  	v9 =	vmul.f32 v26, v26;
	(xrf2) =	vadd.scan.msk.f32 $0xffff, v56;
	v25 =	vadd.f32 v7, v0;
	s1 =	sadd.f32 $9.999999960e-13, s1;
	v3 =	vld [tilespmem:s11+$0xCA50];
	v53 =	vmul.f32 v23, v23  }
0x4b7: {  	v27 =	vadd.f32 v30, v8;
	(xrf2) =	vadd.scan.msk.f32 $0xffff, v4;
	v54 =	vadd.f32 v23, v26;
	v0 =	vmul.f32 v59, v2  }
0x4b8: {  	v5 =	vld [tilespmem:s11+$0xCA60];
	v30 =	vmul.f32 v25, v25;
	v32 =	vmov s1;
	v56 =	vadd.f32 v53, v9  }
0x4b9: {  	v2 =	vshrl.u32 v32, $0x1;
	v59 =	vld [tilespmem:s11+$0x14A60];
	v4 =	vadd.f32 v25, v54;
	v9 =	vmul.f32 v0, v28  }
0x4ba: {  	v53 =	vld [tilespmem:s11+$0x14A70];
	v28 =	vadd.f32 v6, v31;
	v7 =	vadd.f32 v30, v56;
	v30 =	vmul.f32 v27, v27  }
0x4bb: {  	v2 =	vsub.s32 $0x5F3759DF, v2;
	v6 =	vld [tilespmem:s11+$0xCA70];
	v31 =	vadd.f32 v1, v3;
	v4 =	vadd.f32 v27, v4  }
0x4bc: {  	v3 =	vmul.f32 $5.000000000e-01, v32;
	v7 =	vadd.f32 v30, v7;
	v56 =	vmul.f32 v28, v28  }
0x4bd: {  	v54 =	vmul.f32 v9, v0;
	v4 =	vadd.f32 v28, v4;
	v9 =	vmul.f32 v31, v31  }
0x4be: {  	v30 =	vadd.f32 v59, v5;
	v59 =	vmul.f32 v2, v3;
	v7 =	vadd.f32 v56, v7  }
0x4bf: {  	v8 =	vsub.f32 $1.500000000e+00, v54;
	v4 =	vadd.f32 v31, v4  }
0x4c0: {  	v32 =	vadd.f32 v53, v6;
	v53, _, _ =	vpop (xrf2);
	v5 =	vmul.f32 v2, v59;
	v54 =	vadd.f32 v9, v7  }
0x4c1: {  	v59 =	vmul.f32 v30, v30;
	(v2sf) =	vpush v53, $0xF;
	v56, _, _ =	vpop (xrf2);
	v4 =	vadd.f32 v30, v4  }
0x4c2: {  	(v2sf) =	vpush v56, $0xF;
	v37 =	vsub.f32 $1.500000000e+00, v5  }
0x4c3: {  	v0 =	vmul.f32 v8, v0;
	v5 =	vmov s12;
	v6 =	vadd.f32 v59, v54  }
0x4c4: {  	v53 =	vsub.f32 v29, v5;
	v4 =	vadd.f32 v32, v4;
	v1 =	vmul.f32 v2, v37  }
0x4c5: {  	v38 =	vmul.f32 v32, v32;
	v43 =	vsub.f32 v43, v5;
	v40 =	vsub.f32 v40, v5  }
0x4c6: {  	v41 =	vsub.f32 v41, v5;
	v42 =	vsub.f32 v42, v5;
	v54 =	vmul.f32 v1, v3  }
0x4c7: {  	v29 =	vmul.f32 v0, v39;
	v44 =	vsub.f32 v44, v5;
	v45 =	vsub.f32 v45, v5  }
0x4c8: {  	v2 =	vmov s21;
	v6 =	vadd.f32 v38, v6;
	v56 =	vmul.f32 v54, v1  }
0x4c9: {  	v59 =	vmul.f32 v0, v12;
	v39 =	vsub.f32 v33, v2;
	v38 =	vsub.f32 v34, v2  }
0x4ca: {  	v7 =	vmul.f32 v29, v53;
	(xrf2) =	vadd.scan.msk.f32 $0xffff, v4;
	v37 =	vsub.f32 v35, v2;
	v4 =	vsub.f32 $1.500000000e+00, v56  }
0x4cb: {  	v36 =	vsub.f32 v36, v2;
	v34 =	vsub.f32 v48, v2;
	v48 =	vmul.f32 v0, v13  }
0x4cc: {  	v29 =	vsub.f32 v49, v2;
	v49 =	vmul.f32 v0, v14;
	(xrf2) =	vadd.scan.msk.f32 $0xffff, v6;
	v1 =	vmul.f32 v4, v1  }
0x4cd: {  	v33 =	vsub.f32 v50, v2;
	v50 =	vmul.f32 v0, v55;
	v8 =	vmul.f32 v59, v43  }
0x4ce: {  	v35 =	vsub.f32 v47, v2;
	v53 =	vmul.f32 v0, v60;
	v3 =	vmul.f32 v1, v3  }
0x4cf: {  	v7 =	vadd.f32 v7, v10;
	v6 =	vmul.f32 v48, v40;
	v2 =	vmul.f32 v49, v41  }
0x4d0: {  	v5 =	vsub.f32 v46, v5;
	v54 =	vmul.f32 v0, v11;
	s15 =	spop (v2sf);
	v3 =	vmul.f32 v3, v1  }
0x4d1: {  	s12 =	simm.s32 $0x200;
	v8 =	vadd.f32 v8, v51;
	v0 =	vmul.f32 v0, v52;
	[tilespmem:s10+$0x1CAF0] =	vst v7;
	v6 =	vadd.f32 v6, v15;
	s13 =	smul.f32 $7.812500000e-03, s15;
	s18 =	spop (v2sf)  }
0x4d2: {  	v43 =	vld [tilespmem:s12+$0xCAB0];
	v56 =	vmul.f32 v53, v44;
	v7 =	vmul.f32 v54, v45;
	s1 =	smul.f32 $7.812500000e-03, s18;
	v3 =	vsub.f32 $1.500000000e+00, v3  }
0x4d3: {  	v2 =	vadd.f32 v2, v57;
	v40 =	vld [tilespmem:s12+$0xCA80];
	v0 =	vmul.f32 v0, v5;
	v4 =	vmul.f32 v50, v42;
	s21 =	smul.f32 s13, s13  }
0x4d4: {  	v41 =	vld [tilespmem:s12+$0x14A80];
	v42 =	vadd.f32 v56, v61;
	v50 =	vadd.f32 v7, v62;
	v47 =	vmul.f32 v3, v1  }
0x4d5: {  	v45 =	vld [tilespmem:s12+$0xCA90];
	[tilespmem:s10+$0x1CA80] =	vst v8;
	v44 =	vadd.f32 v0, v63;
	v46 =	vadd.f32 v4, v58;
	v59, _, _ =	vpop (xrf2);
	s1 =	ssub.f32 s1, s21  }
0x4d6: {  	v48 =	vld [tilespmem:s12+$0x14A90];
	[tilespmem:s10+$0x1CA90] =	vst v6;
	(v2sf) =	vpush v59, $0xF;
	v60, _, _ =	vpop (xrf2);
	v51 =	vmul.f32 v47, v12;
	v57 =	vmul.f32 v47, v13  }
0x4d7: {  	s6 =	simm.s32 $0xC00;
	v17 =	vmovc v16;
	v49 =	vld [tilespmem:s12+$0xCAA0];
	[tilespmem:s10+$0x1CAA0] =	vst v2;
	(v2sf) =	vpush v60, $0xF;
	v58 =	vmul.f32 v47, v14;
	v54 =	vmul.f32 v47, v55;
	s1 =	sadd.f32 $9.999999960e-13, s1  }
.LBB2_13:
0x4d8: {  	v0 =	vld [tilespmem:s12+$0x14AA0]  }
0x4d9: {  	v63 =	vld [tilespmem:$0x1FF40]  }
0x4da: {  	v13 =	vld [tilespmem:$0x1FF50]  }
0x4db: {  	v14 =	vld [tilespmem:$0x1FF60]  }
0x4dc: {  	v9 =	vld [tilespmem:$0x1FF70]  }
0x4dd: {  	[tilespmem:s10+$0x1CAB0] =	vst v46;
	v15 =	vld [tilespmem:$0x1FF80]  }
0x4de: {  	v1 =	vmov s1;
	v4 =	vld [tilespmem:s12+$0x14AB0];
	[tilespmem:s10+$0x1CAC0] =	vst v42  }
0x4df: {  	v5 =	vshrl.u32 v1, $0x1;
	v1 =	vmul.f32 $5.000000000e-01, v1;
	v6 =	vld [tilespmem:s12+$0xCAF0];
	[tilespmem:s10+$0x1CAD0] =	vst v50  }
0x4e0: {  	v7 =	vmul.f32 v51, v39;
	v5 =	vsub.s32 $0x5F3759DF, v5;
	v8 =	vld [tilespmem:s12+$0xCAC0];
	[tilespmem:s10+$0x1CAE0] =	vst v44;
	v44 =	vmul.f32 v54, v36  }
0x4e1: {  	v45 =	vadd.f32 v48, v45;
	v61 =	vmul.f32 v5, v1;
	v2 =	vmul.f32 v47, v63  }
0x4e2: {  	v50 =	vld [tilespmem:s12+$0x14AC0];
	v3 =	vmul.f32 v47, v13;
	v46 =	vmul.f32 v47, v14;
	v7 =	vadd.f32 v7, v15  }
0x4e3: {  	v62 =	vld [tilespmem:s12+$0xCAD0];
	v42 =	vmul.f32 v47, v9;
	v47 =	vadd.f32 v41, v40;
	v41 =	vmul.f32 v57, v38  }
0x4e4: {  	v12 =	vld [tilespmem:s12+$0x14AD0];
	v40 =	vmul.f32 v58, v37;
	v48 =	vadd.f32 v0, v49;
	v11 =	vmul.f32 v5, v61;
	[tilespmem:s10+$0x1CA00] =	vst v7  }
0x4e5: {  	v56 =	vmul.f32 v45, v45;
	v10 =	vadd.f32 v45, v47;
	v55 =	vmul.f32 v47, v47;
	v7 =	vld [tilespmem:s12+$0xCAE0]  }
0x4e6: {  	v49 =	vadd.f32 v4, v43;
	v57 =	vmul.f32 v48, v48;
	v38 =	vsub.f32 $1.500000000e+00, v11;
	v36 =	vld [tilespmem:s12+$0x14AE0]  }
0x4e7: {  	v43 =	vmul.f32 v2, v35;
	v35 =	vld [tilespmem:s12+$0xCA00];
	v37 =	vadd.f32 v48, v10;
	v39 =	vadd.f32 v56, v55  }
0x4e8: {  	v51 =	vmul.f32 v3, v34;
	v50 =	vadd.f32 v50, v8;
	v55 =	vld [tilespmem:s12+$0x14A00];
	s21 =	spop (v2sf);
	v5 =	vmul.f32 v5, v38  }
0x4e9: {  	v2 =	vld [tilespmem:s12+$0x14AF0];
	v60 =	vmul.f32 v49, v49;
	s1 =	smul.f32 $7.812500000e-03, s21;
	v58 =	vadd.f32 v49, v37;
	v59 =	vadd.f32 v57, v39  }
0x4ea: {  	v3 =	vld [tilespmem:s12+$0xCA30];
	v52 =	vadd.f32 v12, v62;
	v12 =	vmul.f32 v50, v50;
	v62 =	vmul.f32 v5, v1  }
0x4eb: {  	v8 =	vld [tilespmem:s12+$0xCA10];
	v54 =	vmov s1;
	v61 =	vadd.f32 v50, v58;
	v37 =	vadd.f32 v60, v59  }
0x4ec: {  	v56 =	vld [tilespmem:s12+$0x14A10];
	s3 =	smul.f32 s1, s1;
	v53 =	vadd.f32 v36, v7;
	s15 =	spop (v2sf);
	v39 =	vsub.f32 v26, v54;
	v4 =	vmul.f32 v62, v5  }
0x4ed: {  	v26 =	vadd.f32 v55, v35;
	v35 =	vld [tilespmem:s12+$0x14A30];
	s15 =	smul.f32 $7.812500000e-03, s15;
	v0 =	vadd.f32 v52, v61  }
0x4ee: {  	v7 =	vld [tilespmem:s12+$0xCA20];
	v60 =	vadd.f32 v12, v37;
	v61 =	vmul.f32 v52, v52;
	v4 =	vsub.f32 $1.500000000e+00, v4  }
0x4ef: {  	v2 =	vadd.f32 v2, v6;
	v37 =	vld [tilespmem:s12+$0x14A20];
	v62 =	vmul.f32 v53, v53;
	s3 =	ssub.f32 s15, s3;
	v0 =	vadd.f32 v53, v0  }
0x4f0: {  	v55 =	vmul.f32 v26, v26;
	v6 =	vadd.f32 v61, v60;
	v4 =	vmul.f32 v4, v5  }
0x4f1: {  	v60 =	vmul.f32 v2, v2;
	v61 =	vld [tilespmem:s12+$0x14A40];
	v5 =	vadd.f32 v56, v8;
	s1 =	sadd.f32 $9.999999960e-13, s3;
	v0 =	vadd.f32 v2, v0  }
0x4f2: {  	v8 =	vld [tilespmem:s12+$0xCA40];
	v6 =	vadd.f32 v62, v6;
	v3 =	vadd.f32 v35, v3;
	v1 =	vmul.f32 v4, v1  }
0x4f3: {  	v34 =	vld [tilespmem:s12+$0x14A50];
	v10 =	vadd.f32 v5, v26;
	v11 =	vmul.f32 v5, v5;
	v12 =	vmov s1  }
0x4f4: {  	v56 =	vld [tilespmem:s12+$0xCA50];
	v7 =	vadd.f32 v37, v7;
	v6 =	vadd.f32 v60, v6;
	v62 =	vshrl.u32 v12, $0x1  }
0x4f5: {  	v35 =	vld [tilespmem:s12+$0xCA60];
	(xrf2) =	vadd.scan.msk.f32 $0xffff, v0;
	v59 =	vmul.f32 $5.000000000e-01, v12;
	v1 =	vmul.f32 v1, v4;
	v36 =	vadd.f32 v11, v55  }
0x4f6: {  	v60 =	vld [tilespmem:s12+$0x14A70];
	v37 =	vadd.f32 v7, v10;
	v12 =	vmul.f32 v7, v7;
	v11 =	vmul.f32 v3, v3;
	(xrf2) =	vadd.scan.msk.f32 $0xffff, v6  }
0x4f7: {  	v0 =	vsub.s32 $0x5F3759DF, v62;
	v6 =	vld [tilespmem:s12+$0x14A60];
	v55 =	vadd.f32 v61, v8;
	v1 =	vsub.f32 $1.500000000e+00, v1  }
0x4f8: {  	v8 =	vld [tilespmem:s12+$0xCA70];
	v58 =	vmul.f32 v0, v59;
	v36 =	vadd.f32 v12, v36;
	v37 =	vadd.f32 v3, v37  }
0x4f9: {  	v12 =	vmul.f32 v55, v55;
	v1 =	vmul.f32 v1, v4;
	v4 =	vadd.f32 v34, v56  }
0x4fa: {  	v56 =	vmov s13;
	v10 =	vadd.f32 v11, v36;
	v61 =	vadd.f32 v55, v37  }
0x4fb: {  	v37 =	vmul.f32 v0, v58;
	v36 =	vsub.f32 v27, v54;
	v38 =	vsub.f32 v24, v56  }
0x4fc: {  	v24 =	vmovc v2;
	v11 =	vmul.f32 v1, v9;
	v2 =	vadd.f32 v6, v35;
	v34 =	vadd.f32 v12, v10  }
0x4fd: {  	v16 =	vld [tilespmem:$0x1FFF0];
	v62 =	vmul.f32 v4, v4;
	v8 =	vadd.f32 v60, v8;
	v6 =	vadd.f32 v4, v61  }
0x4fe: {  	v9 =	vld [tilespmem:$0x1FF00];
	v37 =	vsub.f32 $1.500000000e+00, v37;
	v63 =	vmul.f32 v1, v63;
	v35 =	vsub.f32 v28, v54  }
0x4ff: {  	v10 =	vld [tilespmem:$0x1FF10];
	v28 =	vmul.f32 v46, v29;
	v29 =	vsub.f32 v30, v54;
	v30 =	vsub.f32 v19, v56;
	v12, _, _ =	vpop (xrf2)  }
0x500: {  	v38 =	vmul.f32 v11, v38;
	v34 =	vadd.f32 v62, v34;
	v11 =	vld [tilespmem:$0x1FF20];
	(v2sf) =	vpush v12, $0xF;
	v12, _, _ =	vpop (xrf2)  }
0x501: {  	v61 =	vmul.f32 v2, v2;
	v6 =	vadd.f32 v2, v6;
	(v2sf) =	vpush v12, $0xF;
	v12 =	vld [tilespmem:$0x1FF30]  }
0x502: {  	v0 =	vmul.f32 v0, v37;
	v37 =	vsub.f32 v25, v54;
	v62 =	vadd.f32 v38, v16  }
0x503: {  	v38 =	vmul.f32 v8, v8;
	v34 =	vadd.f32 v61, v34;
	v6 =	vadd.f32 v8, v6  }
0x504: {  	v25 =	vmovc v7;
	v7 =	vsub.f32 v32, v54;
	v58 =	vmul.f32 v1, v9;
	v57 =	vmul.f32 v1, v10  }
0x505: {  	v61 =	vadd.f32 v38, v34;
	(xrf2) =	vadd.scan.msk.f32 $0xffff, v6;
	v38 =	vsub.f32 v23, v54;
	v6 =	vmul.f32 v1, v13  }
0x506: {  	[tilespmem:s11+$0x1CAF0] =	vst v62;
	v34 =	vsub.f32 v31, v54;
	v54 =	vld [tilespmem:$0x1FEC0];
	v60 =	vmul.f32 v1, v11;
	v62 =	vmul.f32 v1, v12  }
0x507: {  	v27 =	vsub.f32 v21, v56;
	v1 =	vmul.f32 v1, v14;
	v14 =	vmul.f32 v0, v59  }
0x508: {  	v19 =	vmovc v45;
	v45 =	vmul.f32 v57, v30;
	v30 =	vsub.f32 v17, v56;
	v17 =	vmov v52;
	v52 =	vld [tilespmem:$0x1FFB0]  }
0x509: {  	v23 =	vmovc v5;
	v57 =	vsub.f32 v22, v56;
	v22 =	vmov v53;
	v53 =	vld [tilespmem:$0x1FFC0];
	v5 =	vmul.f32 v14, v0  }
0x50a: {  	v33 =	vmul.f32 v42, v33;
	v13 =	vld [tilespmem:$0x1FF90]  }
0x50b: {  	v42 =	vmul.f32 v58, v27;
	v31 =	vsub.f32 v54, v56;
	v54 =	vmovc v48;
	v14 =	vld [tilespmem:$0x1FFA0];
	v5 =	vsub.f32 $1.500000000e+00, v5  }
0x50c: {  	(xrf2) =	vadd.scan.msk.f32 $0xffff, v61;
	v61 =	vsub.f32 v18, v56;
	v6 =	vmul.f32 v6, v30;
	[tilespmem:$0x1FEC0] =	vst v54;
	v54 =	vld [tilespmem:$0x1FFD0]  }
0x50d: {  	v30 =	vadd.f32 v44, v52;
	v1 =	vmul.f32 v1, v57;
	v57 =	vld [tilespmem:$0x1FFE0];
	v0 =	vmul.f32 v5, v0  }
0x50e: {  	v27 =	vsub.f32 v20, v56;
	v48 =	vmul.f32 v62, v61;
	v62 =	vadd.f32 v43, v53  }
0x50f: {  	[tilespmem:s10+$0x1CA30] =	vst v30;
	v5 =	vmul.f32 v60, v31;
	v31 =	vadd.f32 v41, v13;
	v61 =	vmul.f32 v0, v59  }
0x510: {  	v18 =	vmov v49;
	v49 =	vmul.f32 v63, v27;
	[tilespmem:s10+$0x1CA40] =	vst v62;
	v58 =	vadd.f32 v40, v14;
	s13 =	spop (v2sf)  }
0x511: {  	v62 =	vadd.f32 v45, v13;
	v56 =	vadd.f32 v51, v54;
	[tilespmem:s10+$0x1CA10] =	vst v31;
	s13 =	smul.f32 $7.812500000e-03, s13;
	s15 =	spop (v2sf);
	v63 =	vmul.f32 v61, v0  }
0x512: {  	s18 =	sshra.s32 s6, $0x2;
	v46 =	vadd.f32 v48, v52;
	[tilespmem:s10+$0x1CA20] =	vst v58;
	v58 =	vadd.f32 v28, v57;
	s1 =	smul.f32 $7.812500000e-03, s15  }
0x513: {  	p0 =	sne.s32 s6, $0x7C00;
	v27 =	vmov v3;
	v60, _, _ =	vpop (xrf2);
	v61 =	vadd.f32 v33, v16;
	v43 =	vld [tilespmem:s18+$0xCAB0];
	[tilespmem:s10+$0x1CA50] =	vst v56;
	s21 =	smul.f32 s13, s13;
	v3 =	vsub.f32 $1.500000000e+00, v63  }
.Ltmp5:
0x514: {  	v21 =	vmovc v47;
	v32 =	vmovc v8;
	v20 =	vmov v50;
	(v2sf) =	vpush v60, $0xF;
	v60 =	vadd.f32 v42, v15;
	v40 =	vld [tilespmem:s18+$0xCA80];
	[tilespmem:s10+$0x1CA60] =	vst v58;
	(pc) =	sbr.rel @p0 .LBB2_13-.Ltmp5, $4  }
0x515: {  	v50 =	vadd.f32 v6, v54;
	v42 =	vadd.f32 v49, v53;
	v41 =	vld [tilespmem:s18+$0x14A80];
	[tilespmem:s10+$0x1CA70] =	vst v61;
	s10 =	smov.u32 s11;
	v47 =	vmul.f32 v3, v0  }
0x516: {  	v30 =	vmov v2;
	v44 =	vadd.f32 v1, v57;
	v59, _, _ =	vpop (xrf2);
	v63 =	vadd.f32 v5, v14;
	s11 =	smov.u32 s12;
	s12 =	smov.u32 s18;
	s1 =	ssub.f32 s1, s21;
	v45 =	vld [tilespmem:s18+$0xCA90];
	[tilespmem:s10+$0x1CA80] =	vst v60  }
0x517: {  	v28 =	vmovc v55;
	(v2sf) =	vpush v59, $0xF;
	v48 =	vld [tilespmem:s12+$0x14A90];
	[tilespmem:s10+$0x1CA90] =	vst v62;
	v51 =	vmul.f32 v47, v9;
	v57 =	vmul.f32 v47, v10  }
0x518: {  	s6 =	sadd.s32 $0x400, s6;
	v31 =	vmovc v4;
	v33 =	vmov v7;
	s1 =	sadd.f32 $9.999999960e-13, s1;
	v49 =	vld [tilespmem:s12+$0xCAA0];
	[tilespmem:s10+$0x1CAA0] =	vst v63;
	v58 =	vmul.f32 v47, v11;
	v54 =	vmul.f32 v47, v12  }
0x519: {  	v60 =	vld [tilespmem:$0x1FF80]  }
0x51a: {  	v0 =	vld [tilespmem:s12+$0x14AA0];
	[tilespmem:s10+$0x1CAB0] =	vst v46  }
0x51b: {  	v1 =	vld [tilespmem:s12+$0x14AB0];
	[tilespmem:s10+$0x1CAC0] =	vst v42  }
0x51c: {  	v4 =	vmul.f32 v51, v39;
	v2 =	vld [tilespmem:s12+$0xCAF0];
	[tilespmem:s10+$0x1CAD0] =	vst v50  }
0x51d: {  	v3 =	vld [tilespmem:s12+$0xCAC0];
	[tilespmem:s10+$0x1CAE0] =	vst v44;
	v44 =	vadd.f32 v41, v40;
	v40 =	vadd.f32 v48, v45  }
0x51e: {  	v5 =	vld [tilespmem:s12+$0x14AC0];
	v4 =	vadd.f32 v4, v60  }
0x51f: {  	v6 =	vld [tilespmem:s12+$0xCAD0];
	v39 =	vadd.f32 v0, v49;
	v7 =	vmul.f32 v44, v44;
	v8 =	vmul.f32 v40, v40  }
0x520: {  	v56 =	vld [tilespmem:s12+$0x14AD0];
	v59 =	vadd.f32 v40, v44;
	[tilespmem:s10+$0x1CA00] =	vst v4  }
0x521: {  	v41 =	vadd.f32 v1, v43;
	v62 =	vadd.f32 v8, v7;
	v63 =	vmul.f32 v39, v39;
	v61 =	vld [tilespmem:s12+$0xCAE0]  }
0x522: {  	v12 =	vadd.f32 v39, v59;
	v13 =	vld [tilespmem:s12+$0x14AE0]  }
0x523: {  	v15 =	vmul.f32 v41, v41;
	v42 =	vadd.f32 v5, v3;
	v14 =	vadd.f32 v63, v62  }
0x524: {  	v16 =	vld [tilespmem:s12+$0x14AF0];
	v46 =	vadd.f32 v41, v12  }
0x525: {  	v43 =	vadd.f32 v56, v6;
	v48 =	vadd.f32 v15, v14;
	v49 =	vmul.f32 v42, v42  }
0x526: {  	v50 =	vadd.f32 v42, v46  }
0x527: {  	v53 =	vld [tilespmem:s12+$0xCA00];
	v51 =	vmul.f32 v43, v43;
	v45 =	vadd.f32 v13, v61;
	v0 =	vadd.f32 v49, v48  }
0x528: {  	v59 =	vld [tilespmem:s12+$0xCA10];
	v52 =	vadd.f32 v43, v50  }
0x529: {  	v7 =	vld [tilespmem:s12+$0xCA20];
	v46 =	vadd.f32 v16, v2;
	v0 =	vadd.f32 v51, v0;
	v55 =	vmul.f32 v45, v45  }
0x52a: {  	v1 =	vld [tilespmem:s12+$0x14A50];
	v3 =	vadd.f32 v45, v52  }
0x52b: {  	v56 =	vld [tilespmem:s12+$0x14A00];
	v14 =	vmul.f32 v46, v46;
	v0 =	vadd.f32 v55, v0  }
0x52c: {  	v15 =	vld [tilespmem:s12+$0x14A10];
	v3 =	vadd.f32 v46, v3  }
0x52d: {  	v63 =	vld [tilespmem:s12+$0x14A30];
	v0 =	vadd.f32 v14, v0  }
0x52e: {  	v16 =	vld [tilespmem:s12+$0x14A20];
	(xrf2) =	vadd.scan.msk.f32 $0xffff, v3  }
0x52f: {  	v61 =	vld [tilespmem:s12+$0xCA30];
	(xrf2) =	vadd.scan.msk.f32 $0xffff, v0  }
0x530: {  	v48 =	vadd.f32 v56, v53;
	v53 =	vld [tilespmem:s12+$0xCA50]  }
0x531: {  	v62 =	vmov s1;
	v13 =	vld [tilespmem:s12+$0xCA40];
	v49 =	vadd.f32 v15, v59  }
0x532: {  	v12 =	vshrl.u32 v62, $0x1;
	v14 =	vld [tilespmem:s12+$0x14A40]  }
0x533: {  	v52 =	vmul.f32 v48, v48;
	v55 =	vadd.f32 v49, v48;
	v50 =	vadd.f32 v16, v7  }
0x534: {  	v56 =	vmul.f32 v49, v49;
	v51 =	vadd.f32 v63, v61;
	v0 =	vmul.f32 $5.000000000e-01, v62  }
0x535: {  	v4 =	vsub.s32 $0x5F3759DF, v12;
	v63 =	vld [tilespmem:s12+$0x14A60];
	v53 =	vadd.f32 v1, v53;
	v61 =	vadd.f32 v50, v55  }
0x536: {  	v3 =	vld [tilespmem:s12+$0xCA60];
	v16 =	vadd.f32 v56, v52;
	v62 =	vmul.f32 v50, v50;
	v15 =	vmul.f32 v4, v0  }
0x537: {  	v2 =	vld [tilespmem:s12+$0xCA70];
	v52 =	vadd.f32 v14, v13;
	v13 =	vadd.f32 v51, v61  }
0x538: {  	s6 =	spop (v2sf);
	v12 =	vadd.f32 v62, v16;
	v16 =	vld [tilespmem:s12+$0x14A70];
	v6 =	vmul.f32 v4, v15;
	v15 =	vmul.f32 v51, v51;
	v14, _, _ =	vpop (xrf2)  }
0x539: {  	s1 =	smul.f32 $7.812500000e-03, s6;
	v7 =	vadd.f32 v52, v13;
	(v2sf) =	vpush v14, $0xF;
	v59, _, _ =	vpop (xrf2)  }
0x53a: {  	v61 =	vmul.f32 v52, v52;
	v5 =	vadd.f32 v15, v12;
	(v2sf) =	vpush v59, $0xF  }
0x53b: {  	s3 =	smul.f32 s1, s1;
	s6 =	spop (v2sf);
	v55 =	vadd.f32 v63, v3;
	v62 =	vadd.f32 v53, v7  }
0x53c: {  	s6 =	smul.f32 $7.812500000e-03, s6;
	v9 =	vmul.f32 v53, v53;
	v6 =	vsub.f32 $1.500000000e+00, v6;
	v5 =	vadd.f32 v61, v5  }
0x53d: {  	v56 =	vadd.f32 v16, v2;
	v10 =	vadd.f32 v55, v62  }
0x53e: {  	s3 =	ssub.f32 s6, s3;
	v13 =	vmul.f32 v55, v55;
	v4 =	vmul.f32 v4, v6;
	v12 =	vadd.f32 v9, v5  }
0x53f: {  	v1 =	vadd.f32 v56, v10  }
0x540: {  	s3 =	sadd.f32 $9.999999960e-13, s3;
	v14 =	vmul.f32 v56, v56;
	v63 =	vmul.f32 v4, v0;
	v3 =	vadd.f32 v13, v12  }
0x541: {  	(xrf2) =	vadd.scan.msk.f32 $0xffff, v1  }
0x542: {  	v62 =	vmov s3;
	v11 =	vmul.f32 v63, v4;
	v15 =	vadd.f32 v14, v3  }
0x543: {  	v5 =	vmul.f32 $5.000000000e-01, v62;
	v12 =	vld [tilespmem:$0x1FF40];
	v63 =	vshrl.u32 v62, $0x1  }
0x544: {  	v59 =	vld [tilespmem:$0x1FF50];
	v6 =	vsub.s32 $0x5F3759DF, v63;
	v2 =	vsub.f32 $1.500000000e+00, v11;
	(xrf2) =	vadd.scan.msk.f32 $0xffff, v15  }
0x545: {  	v9 =	vmul.f32 v6, v5  }
0x546: {  	v8 =	vmul.f32 v54, v36;
	v13 =	vld [tilespmem:$0x1FF60];
	v1 =	vmul.f32 v2, v4  }
0x547: {  	v7 =	vmul.f32 v58, v37;
	v36 =	vmul.f32 v6, v9  }
0x548: {  	v16 =	vmul.f32 v47, v12;
	v0 =	vmul.f32 v1, v0;
	s15 =	spop (v2sf)  }
0x549: {  	v14 =	vld [tilespmem:$0x1FF70];
	v61 =	vmul.f32 v47, v59;
	v4 =	vmul.f32 v57, v38;
	v58 =	vsub.f32 $1.500000000e+00, v36;
	s6 =	smul.f32 $7.812500000e-03, s15;
	s18 =	spop (v2sf)  }
0x54a: {  	v2 =	vmul.f32 v16, v35;
	v0 =	vmul.f32 v0, v1;
	s3 =	smul.f32 $7.812500000e-03, s18  }
0x54b: {  	v16 =	vmul.f32 v47, v13;
	v6 =	vmul.f32 v6, v58;
	v10, _, _ =	vpop (xrf2);
	s21 =	smul.f32 s6, s6  }
0x54c: {  	v3 =	vmul.f32 v61, v34;
	v0 =	vsub.f32 $1.500000000e+00, v0;
	(v2sf) =	vpush v10, $0xF  }
0x54d: {  	v29 =	vmul.f32 v16, v29;
	v16 =	vmul.f32 v6, v5;
	s3 =	ssub.f32 s3, s21  }
0x54e: {  	v35 =	vmov s1;
	v57 =	vmul.f32 v47, v14;
	v0 =	vmul.f32 v0, v1;
	v61, _, _ =	vpop (xrf2)  }
0x54f: {  	v1 =	vmov s13;
	v47 =	vmul.f32 v16, v6;
	(v2sf) =	vpush v61, $0xF;
	s1 =	sadd.f32 $9.999999960e-13, s3  }
0x550: {  	v24 =	vsub.f32 v24, v1  }
0x551: {  	v11 =	vmul.f32 v0, v14;
	v47 =	vsub.f32 $1.500000000e+00, v47;
	v63 =	vmov s1  }
0x552: {  	v54 =	vld [tilespmem:$0x1FF00];
	v26 =	vsub.f32 v26, v35;
	v15 =	vshrl.u32 v63, $0x1;
	v34 =	vmul.f32 $5.000000000e-01, v63  }
0x553: {  	v24 =	vmul.f32 v11, v24;
	v6 =	vmul.f32 v47, v6;
	v11 =	vld [tilespmem:$0x1FF30];
	v37 =	vsub.s32 $0x5F3759DF, v15  }
0x554: {  	v23 =	vsub.f32 v23, v35;
	v33 =	vmul.f32 v57, v33;
	v57 =	vmul.f32 v37, v34  }
0x555: {  	v9 =	vld [tilespmem:$0x1FF10];
	v25 =	vsub.f32 v25, v35;
	v27 =	vsub.f32 v27, v35;
	v5 =	vmul.f32 v6, v5  }
0x556: {  	v28 =	vsub.f32 v28, v35;
	v31 =	vsub.f32 v31, v35;
	v38 =	vmul.f32 v37, v57  }
0x557: {  	v10 =	vsub.f32 v21, v1;
	v62 =	vmul.f32 v0, v54;
	v5 =	vmul.f32 v5, v6  }
0x558: {  	v30 =	vsub.f32 v30, v35;
	v61 =	vmul.f32 v0, v11;
	v15 =	vld [tilespmem:$0x1FEC0];
	v38 =	vsub.f32 $1.500000000e+00, v38  }
0x559: {  	v63 =	vmul.f32 v62, v10;
	v10 =	vld [tilespmem:$0x1FF20];
	v5 =	vsub.f32 $1.500000000e+00, v5;
	v57 =	vsub.f32 v18, v1  }
0x55a: {  	v58 =	vsub.f32 v19, v1;
	v36 =	vmul.f32 v0, v9;
	v37 =	vmul.f32 v37, v38  }
0x55b: {  	v21 =	vsub.f32 v17, v1;
	v5 =	vmul.f32 v5, v6;
	s13 =	spop (v2sf);
	v17 =	vmul.f32 v61, v57;
	v61 =	vld [tilespmem:$0x1FFF0]  }
0x55c: {  	v62 =	vmul.f32 v36, v58;
	v58 =	vsub.f32 v20, v1;
	s1 =	smul.f32 $7.812500000e-03, s13;
	v47 =	vmul.f32 v37, v34  }
0x55d: {  	v18 =	vmul.f32 v5, v9;
	v16 =	vsub.f32 v15, v1;
	v15 =	vld [tilespmem:$0x1FF90];
	v38 =	vmul.f32 v0, v12  }
0x55e: {  	v32 =	vsub.f32 v32, v35;
	v36 =	vmul.f32 v0, v10;
	s15 =	smul.f32 s1, s1;
	s18 =	spop (v2sf);
	v57 =	vmul.f32 v47, v37  }
0x55f: {  	v35 =	vmul.f32 v5, v10;
	v1 =	vsub.f32 v22, v1;
	s13 =	smul.f32 $7.812500000e-03, s18;
	v19 =	vmul.f32 v38, v58;
	v38 =	vld [tilespmem:$0x1FFA0]  }
0x560: {  	v58 =	vmul.f32 v0, v59;
	v22 =	vadd.f32 v24, v61;
	v24 =	vsub.f32 $1.500000000e+00, v57;
	v57 =	vld [tilespmem:$0x1FFC0]  }
0x561: {  	v20 =	vadd.f32 v63, v60;
	v23 =	vmul.f32 v18, v23;
	v0 =	vmul.f32 v0, v13;
	s3 =	ssub.f32 s13, s15;
	v47 =	vld [tilespmem:$0x1FFB0]  }
0x562: {  	v16 =	vmul.f32 v36, v16;
	v4 =	vadd.f32 v4, v15;
	v21 =	vmul.f32 v58, v21;
	v58 =	vld [tilespmem:$0x1FFE0]  }
0x563: {  	v36 =	vmul.f32 v5, v11;
	v33 =	vadd.f32 v33, v61;
	v0 =	vmul.f32 v0, v1;
	s3 =	sadd.f32 $9.999999960e-13, s3;
	[tilespmem:s11+$0x1CAF0] =	vst v22  }
0x564: {  	v22 =	vmul.f32 v5, v12;
	[tilespmem:s10+$0x1CA10] =	vst v4;
	v4 =	vadd.f32 v62, v15;
	v7 =	vadd.f32 v7, v38  }
0x565: {  	v63 =	vmov s3;
	v1 =	vadd.f32 v2, v57;
	v2 =	vmul.f32 v24, v37  }
0x566: {  	v18 =	vshrl.u32 v63, $0x1;
	v8 =	vadd.f32 v8, v47;
	v24 =	vmul.f32 v5, v54  }
0x567: {  	v6 =	vadd.f32 v29, v58;
	v29 =	vsub.s32 $0x5F3759DF, v18;
	v34 =	vmul.f32 v2, v34  }
0x568: {  	[tilespmem:s10+$0x1CA20] =	vst v7;
	v7 =	vadd.f32 v16, v38;
	v24 =	vmul.f32 v24, v26;
	v26 =	vmul.f32 $5.000000000e-01, v63  }
0x569: {  	v17 =	vadd.f32 v17, v47;
	v0 =	vadd.f32 v0, v58;
	v37 =	vld [tilespmem:$0x1FFD0];
	[tilespmem:s10+$0x1CA30] =	vst v8;
	v8 =	vmul.f32 v36, v27  }
0x56a: {  	v27 =	vmov s6;
	v34 =	vmul.f32 v34, v2;
	v63 =	vmul.f32 v29, v26  }
0x56b: {  	v18 =	vmul.f32 v35, v25;
	v19 =	vadd.f32 v19, v57;
	v35 =	vsub.f32 v46, v27  }
0x56c: {  	v46 =	vmov s1;
	v34 =	vsub.f32 $1.500000000e+00, v34;
	v25 =	vmul.f32 v29, v63  }
0x56d: {  	v18 =	vadd.f32 v18, v38;
	[tilespmem:s10+$0x1CA40] =	vst v1;
	v1 =	vmul.f32 v22, v28;
	v22 =	vsub.f32 v48, v46  }
0x56e: {  	[tilespmem:s10+$0x1CA70] =	vst v33;
	v3 =	vadd.f32 v3, v37;
	v2 =	vmul.f32 v34, v2;
	v25 =	vsub.f32 $1.500000000e+00, v25  }
0x56f: {  	[tilespmem:s10+$0x1CA60] =	vst v6;
	v28 =	vsub.f32 v49, v46;
	v33 =	vsub.f32 v52, v46  }
0x570: {  	v8 =	vadd.f32 v8, v47;
	[tilespmem:s10+$0x1CA50] =	vst v3;
	v36 =	vmul.f32 v2, v14;
	v25 =	vmul.f32 v29, v25  }
0x571: {  	v49 =	vadd.f32 v24, v60;
	v1 =	vadd.f32 v1, v57;
	[tilespmem:s11+$0x1CA80] =	vst v20  }
0x572: {  	v48 =	vadd.f32 v21, v37;
	[tilespmem:s11+$0x1CA90] =	vst v4;
	v62 =	vmul.f32 v36, v35;
	v36 =	vmul.f32 v25, v26  }
0x573: {  	v63 =	vmul.f32 v5, v13;
	v34 =	vmul.f32 v5, v59;
	[tilespmem:s11+$0x1CAA0] =	vst v7;
	v7 =	vsub.f32 v56, v46  }
0x574: {  	[tilespmem:s11+$0x1CAB0] =	vst v17;
	v5 =	vmul.f32 v5, v14;
	v56 =	vadd.f32 v23, v15;
	v4 =	vmul.f32 v36, v25  }
0x575: {  	[tilespmem:s11+$0x1CAC0] =	vst v19;
	v3 =	vmul.f32 v34, v31;
	v29 =	vsub.f32 v50, v46;
	v31 =	vsub.f32 v51, v46  }
0x576: {  	[tilespmem:s11+$0x1CAD0] =	vst v48;
	v34 =	vsub.f32 v53, v46;
	v50 =	vmul.f32 v2, v54;
	v4 =	vsub.f32 $1.500000000e+00, v4  }
0x577: {  	[tilespmem:s11+$0x1CAE0] =	vst v0;
	v51 =	vsub.f32 v44, v27;
	v52 =	vmul.f32 v5, v32;
	v6 =	vadd.f32 v62, v61  }
0x578: {  	[tilespmem:s11+$0x1CA00] =	vst v49;
	v53 =	vmul.f32 v2, v9;
	v32 =	vsub.f32 v45, v27;
	v4 =	vmul.f32 v4, v25  }
0x579: {  	v35 =	vsub.f32 v55, v46;
	v46 =	vmul.f32 v63, v30;
	v55 =	vsub.f32 v40, v27;
	[tilespmem:s12+$0x1CAF0] =	vst v6  }
0x57a: {  	v17 =	vmul.f32 v50, v51;
	v63 =	vsub.f32 v41, v27;
	[tilespmem:s11+$0x1CA10] =	vst v56;
	v24 =	vmul.f32 v4, v26  }
0x57b: {  	v30 =	vsub.f32 v43, v27;
	v3 =	vadd.f32 v3, v37;
	v40 =	vmul.f32 v2, v12;
	[tilespmem:s11+$0x1CA20] =	vst v18  }
0x57c: {  	v0 =	vadd.f32 v52, v61;
	v36 =	vmul.f32 v2, v11;
	[tilespmem:s11+$0x1CA30] =	vst v8;
	v20 =	vmul.f32 v24, v4  }
0x57d: {  	v41 =	vmul.f32 v2, v59;
	v5 =	vmul.f32 v53, v55;
	v62 =	vsub.f32 v39, v27;
	[tilespmem:s11+$0x1CA40] =	vst v1  }
0x57e: {  	v16 =	vadd.f32 v46, v58;
	[tilespmem:s11+$0x1CA50] =	vst v3;
	v1 =	vmul.f32 v36, v63;
	v39 =	vsub.f32 $1.500000000e+00, v20  }
0x57f: {  	v17 =	vadd.f32 v17, v60;
	[tilespmem:s11+$0x1CA70] =	vst v0;
	v0 =	vmul.f32 v41, v30;
	v25 =	vmul.f32 v2, v10  }
0x580: {  	[tilespmem:s11+$0x1CA60] =	vst v16;
	v2 =	vmul.f32 v2, v13;
	v1 =	vadd.f32 v1, v47;
	v3 =	vmul.f32 v39, v4  }
0x581: {  	[tilespmem:s12+$0x1CA80] =	vst v17;
	v0 =	vadd.f32 v0, v37;
	v26 =	vsub.f32 v42, v27;
	v6 =	vmul.f32 v25, v62  }
0x582: {  	v42 =	vadd.f32 v5, v15;
	v2 =	vmul.f32 v2, v32;
	[tilespmem:s12+$0x1CAB0] =	vst v1;
	v44 =	vmul.f32 v3, v54  }
0x583: {  	[tilespmem:s12+$0x1CAD0] =	vst v0;
	v43 =	vmul.f32 v40, v26;
	v6 =	vadd.f32 v6, v38;
	v45 =	vmul.f32 v3, v9  }
0x584: {  	[tilespmem:s12+$0x1CA90] =	vst v42;
	v2 =	vadd.f32 v2, v58;
	v48 =	vmul.f32 v3, v10;
	v46 =	vmul.f32 v44, v22  }
0x585: {  	v5 =	vadd.f32 v43, v57;
	[tilespmem:s12+$0x1CAA0] =	vst v6;
	v50 =	vmul.f32 v3, v11;
	v49 =	vmul.f32 v45, v28  }
0x586: {  	[tilespmem:s12+$0x1CAE0] =	vst v2;
	v52 =	vmul.f32 v3, v12;
	v51 =	vmul.f32 v48, v29;
	v1 =	vadd.f32 v46, v60  }
0x587: {  	[tilespmem:s12+$0x1CAC0] =	vst v5;
	v54 =	vmul.f32 v3, v59;
	v53 =	vmul.f32 v50, v31;
	v5 =	vadd.f32 v49, v15  }
0x588: {  	v56 =	vmul.f32 v3, v13;
	v55 =	vmul.f32 v52, v33;
	v0 =	vadd.f32 v51, v38;
	[tilespmem:s12+$0x1CA00] =	vst v1  }
0x589: {  	v3 =	vmul.f32 v3, v14;
	v6 =	vmul.f32 v54, v34;
	v2 =	vadd.f32 v53, v47;
	[tilespmem:s12+$0x1CA10] =	vst v5  }
0x58a: {  	s17 =	sadd.s32 $0x1, s17;
	v4 =	vmul.f32 v56, v35;
	v59 =	vadd.f32 v55, v57;
	[tilespmem:s12+$0x1CA20] =	vst v0  }
0x58b: {  	p0 =	sne.s32 s17, $0x8;
	v60 =	vmul.f32 v3, v7;
	v62 =	vadd.f32 v6, v37;
	[tilespmem:s12+$0x1CA30] =	vst v2  }
.Ltmp6:
0x58c: {  	v63 =	vadd.f32 v4, v58;
	[tilespmem:s12+$0x1CA40] =	vst v59;
	(pc) =	sbr.rel @p0 .LBB2_6-.Ltmp6, $4  }
0x58d: {  	[tilespmem:s12+$0x1CA50] =	vst v62;
	v1 =	vadd.f32 v60, v61  }
0x58e: {  	s21 =	sshll.u32 s14, $0xA;
	[tilespmem:s12+$0x1CA60] =	vst v63  }
0x58f: {  	s1 =	sadd.s32 s21, s16;
	[tilespmem:s12+$0x1CA70] =	vst v1  }
0x590: {  	[hbm4b:s1+s9] =	stream.linear.scatter [tilespmem:s19], [sflag:$0xC], $0x2000, $0x38;
	[tilespmem:$0x1EA00] =	vst v63  }
0x591: {  	s1 =	simm.s32 $0x9  }
0x592: {  	_ =	swait.ge [sflag:s1], $0x2000  }
0x593: {  	[sflag:s1] =	ssyncset.done $0x0  }
0x594: {  	s17 =	simm.s32 $0xA;
	[sflag:s1] =	ssyncadd.s32 $0xFFFFE000  }
0x595: {  	_ =	swait.ge [sflag:s17], $0x2000  }
0x596: {  	[sflag:s17] =	ssyncset.done $0x0  }
0x597: {  	s18 =	simm.s32 $0xB;
	[sflag:s17] =	ssyncadd.s32 $0xFFFFE000  }
0x598: {  	_ =	swait.ge [sflag:s18], $0x2000  }
0x599: {  	[sflag:s18] =	ssyncset.done $0x0  }
0x59a: {  	s3 =	simm.s32 $0xC;
	[sflag:s18] =	ssyncadd.s32 $0xFFFFE000  }
0x59b: {  	_ =	swait.ge [sflag:s3], $0x2000  }
0x59c: {  	s6 =	rddreg [dreg:$0x10]  }
0x59d: {  	s21 =	rddreg [dreg:$0xf];
	s6 =	sadd.s32 $0x1, s6  }
0x59e: {  	p0 =	sne.s32 s6, s21  }
.Ltmp7:
0x59f: {  	_ = 	snop;
	(pc) =	sbr.rel @p0 .LBB2_1-.Ltmp7, $3  }
0x5a0: {  	_ =	sdelay $0x1  }
0x5a1: {  	[sflag:s3] =	ssyncset.done $0x0  }
0x5a2: {  	s11 =	simm.s32 $0xD;
	s12 =	simm.s32 $0x800;
	[sflag:s3] =	ssyncadd.s32 $0xFFFFE000  }
0x5a3: {  	_ =	sfence.sel $0x180000  }
0x5a4: {  	[bflag:$0x0] =	sbarrier.arrive $0xFFFF  }
0x5a5: {  	_ =	strace $0x90000047  }
0x5a6: {  	s0 =	stileid.u32;
	[bflag:$0x2] =	sbarrier.arrive $0xFFFF  }
0x5a7: {  	p0 =	sne.s32 s0, $0x0;
	s0 =	rddreg [dreg:$0x8]  }
0x5a8: {  	s0 =	sadd.s32 @!p0 $0x100000, s0  }
0x5a9: {  	[sflag:s0] =	ssyncadd.tile.s32 @!p0 $0x1;
	_ =	shalt  }
.Lfunc_end2:
_tile_overlayer_lowered:
.L_overlay_start_2:
0x5aa: {  	(tag) =	ssettag $0x2  }
0x5ab: {  	s0 =	rddreg [dreg:$0x0];
	s2 =	stileid.u32  }
0x5ac: {  	s1 =	rddreg [dreg:$0x1];
	p0 =	sne.s32 s2, $0x0  }
0x5ad: {  	s3 =	rddreg [dreg:$0x2];
	[bflag:$0x3] =	sbarrier.arrive $0xFFFF;
	s2 =	simm.s32 @!p0 $0x1C0D  }
0x5ae: {  	[timem:s3], [sflag:s2] =	dma.local @!p0 [hbm:s0], s1  }
0x5af: {  	s0 =	simm.s32 @!p0 $0xD  }
0x5b0: {  	_ =	swait.ge @!p0 [sflag:s0], s1  }
0x5b1: {  	s1 =	ssub.s32 @!p0 $0x0, s1;
	[sflag:s0] =	ssyncset.done @!p0 $0x0  }
0x5b2: {  	[sflag:s0] =	ssyncadd.s32 @!p0 s1  }
0x5b3: {  	[bflag:$0x3] =	sbarrier.arrive $0xFFFF  }
0x5b4: {  	_ =	shalt  }

</sc_bundles>
